<compile_context>
chip_gen: v7x
topology: tpu7x:2x2x1
jax: 0.10.2.dev20260603
libtpu: 0.0.44.dev20260713+nightly
codegen_flags: <defaults>
</compile_context>

<pallas_src>
import functools

import jax
import jax.numpy as jnp
from jax import lax
from jax.experimental import pallas as pl
from jax.experimental.pallas import tpu as pltpu
from jax.experimental.pallas import tpu_sc as plsc

N_NODES = 10000
N_EDGES = 320000
F_IN = 128
HID = 16
OUT = 40

NC = 2
NS = 16
NW = NC * NS
LANES = 16
CHUNK = 128
EPT = N_EDGES // NW
NVEC = EPT // LANES
K = 80
NBUF = 8
NPAD = 10112
RPS = NPAD // NS
NROWS = NPAD // 8
RPF = NROWS // NS


def _repack_to_flat(buf16, buf128):
    @pl.loop(0, RPF)
    def _(r):
        for m in range(8):
            buf128.at[r, pl.ds(16 * m, 16)][...] = buf16.at[8 * r + m][...]


def _repack_from_flat(buf128, buf16):
    @pl.loop(0, RPF)
    def _(r):
        for m in range(8):
            buf16.at[8 * r + m][...] = buf128.at[r, pl.ds(16 * m, 16)][...]


def _repack_idx(idx1d, idx2d):
    @pl.loop(0, NVEC // 8)
    def _(j):
        for m in range(8):
            idx2d.at[j, pl.ds(16 * m, 16)][...] = \
                idx1d.at[pl.ds(16 * (8 * j + m), 16)][...]

    idx2d.at[NVEC // 8, pl.ds(0, 16)][...] = idx1d.at[pl.ds(EPT - 16, 16)][...]
    dummy = jnp.full((16,), N_NODES, jnp.int32)
    for m in range(1, 8):
        idx2d.at[NVEC // 8, pl.ds(16 * m, 16)][...] = dummy

    @pl.loop(NVEC // 8 + 1, K)
    def _(j):
        for m in range(8):
            idx2d.at[j, pl.ds(16 * m, 16)][...] = dummy


def _deg_body(edges_hbm, ones_hbm, zeros_hbm, out_hbm, idx_hbm,
              idx1d_v, sidx_v, didx_v, ones_v, buf16, buf128, ds_sh, dd_sh,
              ssem, dsem, wsem, isem):
    c = lax.axis_index("c")
    s = lax.axis_index("s")
    wid = c * NS + s
    r0 = s * RPS
    f0 = s * RPF
    pltpu.async_copy(edges_hbm.at[0, pl.ds(wid * EPT, EPT)], idx1d_v,
                     isem.at[0])
    pltpu.async_copy(zeros_hbm.at[pl.ds(r0, RPS)], ds_sh.at[pl.ds(r0, RPS)],
                     isem.at[1])
    pltpu.async_copy(zeros_hbm.at[pl.ds(r0, RPS)], dd_sh.at[pl.ds(r0, RPS)],
                     isem.at[2])
    pltpu.async_copy(ones_hbm, ones_v, isem.at[3])
    pltpu.make_async_copy(edges_hbm.at[0, pl.ds(wid * EPT, EPT)], idx1d_v,
                          isem.at[0]).wait()
    _repack_idx(idx1d_v, sidx_v)
    pltpu.async_copy(sidx_v, idx_hbm.at[0, wid], wsem.at[0])
    pltpu.make_async_copy(zeros_hbm.at[pl.ds(r0, RPS)],
                          ds_sh.at[pl.ds(r0, RPS)], isem.at[1]).wait()
    pltpu.make_async_copy(zeros_hbm.at[pl.ds(r0, RPS)],
                          dd_sh.at[pl.ds(r0, RPS)], isem.at[2]).wait()
    pltpu.make_async_copy(ones_hbm, ones_v, isem.at[3]).wait()
    plsc.subcore_barrier()

    @pl.loop(0, K)
    def _(j):
        pltpu.async_copy(ones_v, ds_sh.at[sidx_v.at[j]], ssem, add=True)

    pltpu.sync_copy(edges_hbm.at[1, pl.ds(wid * EPT, EPT)], idx1d_v)
    _repack_idx(idx1d_v, didx_v)
    pltpu.async_copy(didx_v, idx_hbm.at[1, wid], wsem.at[1])

    @pl.loop(0, K)
    def _(j):
        pltpu.async_copy(ones_v, dd_sh.at[didx_v.at[j]], dsem, add=True)

    pltpu.make_async_copy(sidx_v, idx_hbm.at[0, wid], wsem.at[0]).wait()
    pltpu.make_async_copy(didx_v, idx_hbm.at[1, wid], wsem.at[1]).wait()

    @pl.loop(0, K)
    def _(j):
        pltpu.make_async_copy(ones_v, ds_sh.at[sidx_v.at[j]], ssem).wait()
        pltpu.make_async_copy(ones_v, dd_sh.at[didx_v.at[j]], dsem).wait()

    plsc.subcore_barrier()
    pltpu.sync_copy(ds_sh.at[pl.ds(r0, RPS)], buf16)
    _repack_to_flat(buf16, buf128)
    pltpu.sync_copy(buf128, out_hbm.at[c, 0, pl.ds(f0, RPF)])
    pltpu.sync_copy(dd_sh.at[pl.ds(r0, RPS)], buf16)
    _repack_to_flat(buf16, buf128)
    pltpu.sync_copy(buf128, out_hbm.at[c, 1, pl.ds(f0, RPF)])


def _agg_body(h_hbm, idx_hbm, zeros_hbm, out_hbm,
              sidx_v, didx_v, rows_v, buf16, buf128, h_sh, acc_sh,
              gsem, ssem, isem):
    c = lax.axis_index("c")
    s = lax.axis_index("s")
    wid = c * NS + s
    r0 = s * RPS
    f0 = s * RPF
    pltpu.async_copy(h_hbm.at[pl.ds(f0, RPF)], buf128, isem.at[0])
    pltpu.async_copy(zeros_hbm.at[pl.ds(r0, RPS)], acc_sh.at[pl.ds(r0, RPS)],
                     isem.at[1])
    pltpu.async_copy(idx_hbm.at[0, wid], sidx_v, isem.at[2])
    pltpu.async_copy(idx_hbm.at[1, wid], didx_v, isem.at[3])
    pltpu.make_async_copy(h_hbm.at[pl.ds(f0, RPF)], buf128, isem.at[0]).wait()
    _repack_from_flat(buf128, buf16)
    pltpu.sync_copy(buf16, h_sh.at[pl.ds(r0, RPS)])
    pltpu.make_async_copy(zeros_hbm.at[pl.ds(r0, RPS)],
                          acc_sh.at[pl.ds(r0, RPS)], isem.at[1]).wait()
    pltpu.make_async_copy(idx_hbm.at[0, wid], sidx_v, isem.at[2]).wait()
    pltpu.make_async_copy(idx_hbm.at[1, wid], didx_v, isem.at[3]).wait()
    plsc.subcore_barrier()

    for b in range(NBUF):
        pltpu.async_copy(h_sh.at[sidx_v.at[b]], rows_v.at[b], gsem.at[b])

    @pl.loop(0, K // NBUF)
    def _(i):
        j0 = i * NBUF
        for b in range(NBUF):
            pltpu.make_async_copy(
                h_sh.at[sidx_v.at[j0 + b]], rows_v.at[b], gsem.at[b]).wait()
            pltpu.async_copy(
                rows_v.at[b], acc_sh.at[didx_v.at[j0 + b]], ssem.at[b],
                add=True)

        @pl.when(i < K // NBUF - 1)
        def _():
            for b in range(NBUF):
                pltpu.make_async_copy(
                    rows_v.at[b], acc_sh.at[didx_v.at[j0 + b]],
                    ssem.at[b]).wait()
                pltpu.async_copy(
                    h_sh.at[sidx_v.at[j0 + NBUF + b]], rows_v.at[b],
                    gsem.at[b])

    for b in range(NBUF):
        pltpu.make_async_copy(
            rows_v.at[b], acc_sh.at[didx_v.at[K - NBUF + b]], ssem.at[b]).wait()

    plsc.subcore_barrier()
    pltpu.sync_copy(acc_sh.at[pl.ds(r0, RPS)], buf16)
    _repack_to_flat(buf16, buf128)
    pltpu.sync_copy(buf128, out_hbm.at[c, pl.ds(f0, RPF)])


def _tc_mm_body(feat_ref, wk1_ref, out_ref):
    out_ref[...] = jnp.dot(feat_ref[...], wk1_ref[...],
                           preferred_element_type=jnp.float32)


def _tc_scale_body(h_ref, degs_ref, out_ref):
    degs = degs_ref[...]
    norm_src = lax.rsqrt(jnp.maximum(degs[0, 0] + degs[1, 0], 1.0))
    out_ref[...] = h_ref[...] * norm_src


def _tc2_body(aggs_ref, degs_ref, b1_ref, out_ref):
    degs = degs_ref[...]
    norm_src = lax.rsqrt(jnp.maximum(degs[0, 0] + degs[1, 0], 1.0))
    norm_dst = lax.rsqrt(jnp.maximum(degs[0, 1] + degs[1, 1], 1.0))
    aggs = aggs_ref[...]
    agg = aggs[0] + aggs[1]
    out_ref[...] = jnp.maximum(agg * norm_dst + b1_ref[...], 0.0) * norm_src


def _tc3_body(aggs_ref, degs_ref, wk2_ref, b2_ref, out_ref):
    degs = degs_ref[...]
    norm_dst = lax.rsqrt(jnp.maximum(degs[0, 1] + degs[1, 1], 1.0))
    aggs = aggs_ref[...]
    scaled = (aggs[0] + aggs[1]) * norm_dst
    rst = jnp.dot(scaled, wk2_ref[...], preferred_element_type=jnp.float32)
    out_ref[...] = rst + b2_ref[...]


@functools.cache
def _sc_kernels():
    mesh = plsc.VectorSubcoreMesh(core_axis_name="c", subcore_axis_name="s",
                                  num_cores=NC, num_subcores=NS)
    cp = pltpu.CompilerParams(use_tc_tiling_on_sc=False)
    deg = pl.kernel(
        _deg_body,
        out_type=(
            jax.ShapeDtypeStruct((NC, 2, NROWS, 128), jnp.float32),
            jax.ShapeDtypeStruct((2, NW, K, CHUNK), jnp.int32),
        ),
        mesh=mesh,
        scratch_types=[
            pltpu.VMEM((EPT,), jnp.int32),
            pltpu.VMEM((K, CHUNK), jnp.int32),
            pltpu.VMEM((K, CHUNK), jnp.int32),
            pltpu.VMEM((CHUNK, LANES), jnp.float32),
            pltpu.VMEM((RPS, LANES), jnp.float32),
            pltpu.VMEM((RPF, 128), jnp.float32),
            pltpu.VMEM_SHARED((NPAD, LANES), jnp.float32),
            pltpu.VMEM_SHARED((NPAD, LANES), jnp.float32),
            pltpu.SemaphoreType.DMA,
            pltpu.SemaphoreType.DMA,
            pltpu.SemaphoreType.DMA((2,)),
            pltpu.SemaphoreType.DMA((4,)),
        ],
        compiler_params=cp,
    )
    agg = pl.kernel(
        _agg_body,
        out_type=jax.ShapeDtypeStruct((NC, NROWS, 128), jnp.float32),
        mesh=mesh,
        scratch_types=[
            pltpu.VMEM((K, CHUNK), jnp.int32),
            pltpu.VMEM((K, CHUNK), jnp.int32),
            pltpu.VMEM((NBUF, CHUNK, LANES), jnp.float32),
            pltpu.VMEM((RPS, LANES), jnp.float32),
            pltpu.VMEM((RPF, 128), jnp.float32),
            pltpu.VMEM_SHARED((NPAD, LANES), jnp.float32),
            pltpu.VMEM_SHARED((NPAD, LANES), jnp.float32),
            pltpu.SemaphoreType.DMA((NBUF,)),
            pltpu.SemaphoreType.DMA((NBUF,)),
            pltpu.SemaphoreType.DMA((4,)),
        ],
        compiler_params=cp,
    )
    return deg, agg


_tc_mm = pl.pallas_call(
    _tc_mm_body, out_shape=jax.ShapeDtypeStruct((NROWS, 128), jnp.float32))
_tc_scale = pl.pallas_call(
    _tc_scale_body, out_shape=jax.ShapeDtypeStruct((NROWS, 128), jnp.float32))
_tc2 = pl.pallas_call(
    _tc2_body, out_shape=jax.ShapeDtypeStruct((NROWS, 128), jnp.float32))
_tc3 = pl.pallas_call(
    _tc3_body, out_shape=jax.ShapeDtypeStruct((NROWS, 8 * OUT), jnp.float32))


def kernel(features, edge_index, W1, b1, W2, b2):
    feat_flat = jnp.concatenate(
        [features, jnp.zeros((NPAD - N_NODES, F_IN), jnp.float32)]
    ).reshape(NROWS, 8 * F_IN)
    eye8 = jnp.eye(8, dtype=jnp.float32)
    wk1 = jnp.kron(eye8, W1)
    wk2 = jnp.kron(eye8, W2)
    b1t = jnp.tile(b1, 8).reshape(1, 128)
    b2t = jnp.tile(b2, 8).reshape(1, 8 * OUT)
    zeros_rows = jnp.zeros((NPAD, LANES), jnp.float32)
    ones_rows = jnp.ones((CHUNK, LANES), jnp.float32)

    deg_kernel, agg_kernel = _sc_kernels()
    degs, idx2 = deg_kernel(edge_index, ones_rows, zeros_rows)
    h1p = _tc_mm(feat_flat, wk1)
    h1 = _tc_scale(h1p, degs)
    agg1 = agg_kernel(h1, idx2, zeros_rows)
    x2 = _tc2(agg1, degs, b1t)
    agg2 = agg_kernel(x2, idx2, zeros_rows)
    outg = _tc3(agg2, degs, wk2, b2t)
    return outg[:N_NODES // 8].reshape(N_NODES, OUT)

# --- scband reference (transcript-rebuilt; emitter-appended) ---
"""Pipeline reference for scband-net-shadow-27977416966300 (READ-ONLY COPY).

The authoritative reference and input builder live on the scoring server;
editing this copy changes nothing except your own understanding.
"""

import jax, jax.numpy as jnp
import numpy as np

N_NODES = 10000
N_EDGES = 320000
F_IN = 128
HID = 16
OUT = 40


def setup_inputs(seed: int = 0) -> dict:
    key = jax.random.key(seed)
    k1, k2, k3, k4, k5, k6 = jax.random.split(key, 6)
    features = jax.random.normal(k1, (N_NODES, F_IN), dtype=jnp.float32)
    edge_index = jax.random.randint(k2, (2, N_EDGES), 0, N_NODES, dtype=jnp.int32)
    # GraphConv layer 1: feature_number -> 16 (glorot-ish init)
    W1 = jax.random.normal(k3, (F_IN, HID), dtype=jnp.float32) * (1.0 / np.sqrt(F_IN))
    b1 = jnp.zeros((HID,), dtype=jnp.float32)
    # GraphConv layer 2: 16 -> label_number
    W2 = jax.random.normal(k4, (HID, OUT), dtype=jnp.float32) * (1.0 / np.sqrt(HID))
    b2 = jnp.zeros((OUT,), dtype=jnp.float32)
    return {"features": features, "edge_index": edge_index, "W1": W1, "b1": b1, "W2": W2, "b2": b2}


def _gcn_layer(feat, src, dst, W, b, n_nodes):
    # Faithful DGL GraphConv with norm='both':
    # feat <- feat * out_deg^{-1/2}; (matmul before or after aggregation depending on dims);
    # rst <- rst * in_deg^{-1/2}; rst <- rst + bias
    e_ones = jnp.ones((src.shape[0],), dtype=feat.dtype)
    deg_out = jax.ops.segment_sum(e_ones, src, num_segments=n_nodes)
    deg_in = jax.ops.segment_sum(e_ones, dst, num_segments=n_nodes)
    norm_src = jnp.power(jnp.clip(deg_out, 1.0, None), -0.5)
    norm_dst = jnp.power(jnp.clip(deg_in, 1.0, None), -0.5)
    h = feat * norm_src[:, None]
    if W.shape[0] > W.shape[1]:
        # mult W first, then aggregate (cheaper messages)
        h = h @ W
        agg = jax.ops.segment_sum(h[src], dst, num_segments=n_nodes)
        rst = agg * norm_dst[:, None]
    else:
        # aggregate first, then mult W
        agg = jax.ops.segment_sum(h[src], dst, num_segments=n_nodes)
        rst = (agg * norm_dst[:, None]) @ W
    return rst + b


def reference(features, edge_index, W1, b1, W2, b2):
    src = edge_index[0]
    dst = edge_index[1]
    x = _gcn_layer(features, src, dst, W1, b1, N_NODES)
    x = jax.nn.relu(x)
    x = _gcn_layer(x, src, dst, W2, b2, N_NODES)
    return x

if __name__ == "__main__":
    import jax
    _d = setup_inputs()
    print(jax.jit(kernel)(*tuple(_d.values())))

</pallas_src>

<mosaic_0001>
#map = affine_map<(d0, d1) -> (0, 0)>
#map1 = affine_map<(d0, d1) -> (0, 0, 0, 0)>
#map2 = affine_map<(d0, d1) -> (0, 0, 0)>
module attributes {stable_mosaic.version = 14 : i64} {
  func.func @_agg_body(%arg0: i32, %arg1: i32, %arg2: memref<1264x128xf32, #tpu.memory_space<hbm>>, %arg3: memref<2x32x80x128xi32, #tpu.memory_space<hbm>>, %arg4: memref<10112x16xf32, #tpu.memory_space<hbm>>, %arg5: memref<2x1264x128xf32, #tpu.memory_space<hbm>>, %arg6: memref<80x128xi32, #tpu.memory_space<vmem>>, %arg7: memref<80x128xi32, #tpu.memory_space<vmem>>, %arg8: memref<8x128x16xf32, #tpu.memory_space<vmem>>, %arg9: memref<632x16xf32, #tpu.memory_space<vmem>>, %arg10: memref<79x128xf32, #tpu.memory_space<vmem>>, %arg11: memref<10112x16xf32, #tpu.memory_space<vmem_shared>>, %arg12: memref<10112x16xf32, #tpu.memory_space<vmem_shared>>, %arg13: memref<8x!tpu.dma_semaphore, #tpu.memory_space<semaphore_mem>>, %arg14: memref<8x!tpu.dma_semaphore, #tpu.memory_space<semaphore_mem>>, %arg15: memref<4x!tpu.dma_semaphore, #tpu.memory_space<semaphore_mem>>) attributes {dimension_semantics = [#tpu.dimension_semantics<core_parallel>, #tpu.dimension_semantics<subcore_parallel>], iteration_bounds = array<i64: 2, 16>, scalar_prefetch = 0 : i64, scratch_operands = 10 : i64, tpu.core_type = #tpu.core_type<sc_vector_subcore>, window_params = [{transform_indices = #map}, {transform_indices = #map1}, {transform_indices = #map}, {transform_indices = #map2}]} {
    %mul3A = arith.constant 16 : i32
    %mul3A_0 = arith.muli %arg0, %mul3A : i32
    %add3A = arith.addi %mul3A_0, %arg1 : i32
    %mul3A_1 = arith.constant 632 : i32
    %mul3A_2 = arith.muli %arg1, %mul3A_1 : i32
    %mul3A_3 = arith.constant 79 : i32
    %mul3A_4 = arith.muli %arg1, %mul3A_3 : i32
    %dma_start3A = arith.constant 0 : i32
    %dma_start3A_5 = arith.constant 0 : i32
    %dma_start3A_6 = tpu.memref_slice %arg2[%mul3A_4, %dma_start3A_5] : memref<1264x128xf32, #tpu.memory_space<hbm>> -> memref<79x128xf32, #tpu.memory_space<hbm>>
    %dma_start3A_7 = tpu.memref_slice %arg15[%dma_start3A] : memref<4x!tpu.dma_semaphore, #tpu.memory_space<semaphore_mem>> -> memref<1x!tpu.dma_semaphore, #tpu.memory_space<semaphore_mem>>
    %dma_start3A_8 = tpu.memref_squeeze %dma_start3A_7 : memref<1x!tpu.dma_semaphore, #tpu.memory_space<semaphore_mem>> -> memref<!tpu.dma_semaphore, #tpu.memory_space<semaphore_mem>>
    %dma_start3A_9 = arith.constant 0 : i32
    %dma_start3A_10 = tpu.memref_slice %arg2[%mul3A_4, %dma_start3A_9] : memref<1264x128xf32, #tpu.memory_space<hbm>> -> memref<79x128xf32, #tpu.memory_space<hbm>>
    tpu.enqueue_dma source(%dma_start3A_10 : memref<79x128xf32, #tpu.memory_space<hbm>>) target(%arg10 : memref<79x128xf32, #tpu.memory_space<vmem>>) target_semaphore(%dma_start3A_8 : memref<!tpu.dma_semaphore, #tpu.memory_space<semaphore_mem>>)
    %dma_start3A_11 = arith.constant 1 : i32
    %dma_start3A_12 = tpu.memref_slice %arg15[%dma_start3A_11] : memref<4x!tpu.dma_semaphore, #tpu.memory_space<semaphore_mem>> -> memref<1x!tpu.dma_semaphore, #tpu.memory_space<semaphore_mem>>
    %dma_start3A_13 = tpu.memref_squeeze %dma_start3A_12 : memref<1x!tpu.dma_semaphore, #tpu.memory_space<semaphore_mem>> -> memref<!tpu.dma_semaphore, #tpu.memory_space<semaphore_mem>>
    %dma_start3A_14 = arith.constant 0 : i32
    %dma_start3A_15 = tpu.memref_slice %arg12[%mul3A_2, %dma_start3A_14] : memref<10112x16xf32, #tpu.memory_space<vmem_shared>> -> memref<632x16xf32, #tpu.memory_space<vmem_shared>>
    %dma_start3A_16 = arith.constant 0 : i32
    %dma_start3A_17 = tpu.memref_slice %arg4[%mul3A_2, %dma_start3A_16] : memref<10112x16xf32, #tpu.memory_space<hbm>> -> memref<632x16xf32, #tpu.memory_space<hbm>>
    tpu.enqueue_dma source(%dma_start3A_17 : memref<632x16xf32, #tpu.memory_space<hbm>>) target(%dma_start3A_15 : memref<632x16xf32, #tpu.memory_space<vmem_shared>>) target_semaphore(%dma_start3A_13 : memref<!tpu.dma_semaphore, #tpu.memory_space<semaphore_mem>>)
    %dma_start3A_18 = arith.constant 0 : i32
    %dma_start3A_19 = arith.constant 2 : i32
    %dma_start3A_20 = arith.constant 0 : i32
    %dma_start3A_21 = arith.constant 0 : i32
    %dma_start3A_22 = tpu.memref_slice %arg3[%dma_start3A_18, %add3A, %dma_start3A_20, %dma_start3A_21] : memref<2x32x80x128xi32, #tpu.memory_space<hbm>> -> memref<1x1x80x128xi32, #tpu.memory_space<hbm>>
    %dma_start3A_23 = tpu.memref_squeeze %dma_start3A_22 : memref<1x1x80x128xi32, #tpu.memory_space<hbm>> -> memref<80x128xi32, #tpu.memory_space<hbm>>
    %dma_start3A_24 = tpu.memref_slice %arg15[%dma_start3A_19] : memref<4x!tpu.dma_semaphore, #tpu.memory_space<semaphore_mem>> -> memref<1x!tpu.dma_semaphore, #tpu.memory_space<semaphore_mem>>
    %dma_start3A_25 = tpu.memref_squeeze %dma_start3A_24 : memref<1x!tpu.dma_semaphore, #tpu.memory_space<semaphore_mem>> -> memref<!tpu.dma_semaphore, #tpu.memory_space<semaphore_mem>>
    %dma_start3A_26 = arith.constant 0 : i32
    %dma_start3A_27 = arith.constant 0 : i32
    %dma_start3A_28 = tpu.memref_slice %arg3[%dma_start3A_18, %add3A, %dma_start3A_26, %dma_start3A_27] : memref<2x32x80x128xi32, #tpu.memory_space<hbm>> -> memref<1x1x80x128xi32, #tpu.memory_space<hbm>>
    %dma_start3A_29 = tpu.memref_squeeze %dma_start3A_28 : memref<1x1x80x128xi32, #tpu.memory_space<hbm>> -> memref<80x128xi32, #tpu.memory_space<hbm>>
    tpu.enqueue_dma source(%dma_start3A_29 : memref<80x128xi32, #tpu.memory_space<hbm>>) target(%arg6 : memref<80x128xi32, #tpu.memory_space<vmem>>) target_semaphore(%dma_start3A_25 : memref<!tpu.dma_semaphore, #tpu.memory_space<semaphore_mem>>)
    %dma_start3A_30 = arith.constant 1 : i32
    %dma_start3A_31 = arith.constant 3 : i32
    %dma_start3A_32 = arith.constant 0 : i32
    %dma_start3A_33 = arith.constant 0 : i32
    %dma_start3A_34 = tpu.memref_slice %arg3[%dma_start3A_30, %add3A, %dma_start3A_32, %dma_start3A_33] : memref<2x32x80x128xi32, #tpu.memory_space<hbm>> -> memref<1x1x80x128xi32, #tpu.memory_space<hbm>>
    %dma_start3A_35 = tpu.memref_squeeze %dma_start3A_34 : memref<1x1x80x128xi32, #tpu.memory_space<hbm>> -> memref<80x128xi32, #tpu.memory_space<hbm>>
    %dma_start3A_36 = tpu.memref_slice %arg15[%dma_start3A_31] : memref<4x!tpu.dma_semaphore, #tpu.memory_space<semaphore_mem>> -> memref<1x!tpu.dma_semaphore, #tpu.memory_space<semaphore_mem>>
    %dma_start3A_37 = tpu.memref_squeeze %dma_start3A_36 : memref<1x!tpu.dma_semaphore, #tpu.memory_space<semaphore_mem>> -> memref<!tpu.dma_semaphore, #tpu.memory_space<semaphore_mem>>
    %dma_start3A_38 = arith.constant 0 : i32
    %dma_start3A_39 = arith.constant 0 : i32
    %dma_start3A_40 = tpu.memref_slice %arg3[%dma_start3A_30, %add3A, %dma_start3A_38, %dma_start3A_39] : memref<2x32x80x128xi32, #tpu.memory_space<hbm>> -> memref<1x1x80x128xi32, #tpu.memory_space<hbm>>
    %dma_start3A_41 = tpu.memref_squeeze %dma_start3A_40 : memref<1x1x80x128xi32, #tpu.memory_space<hbm>> -> memref<80x128xi32, #tpu.memory_space<hbm>>
    tpu.enqueue_dma source(%dma_start3A_41 : memref<80x128xi32, #tpu.memory_space<hbm>>) target(%arg7 : memref<80x128xi32, #tpu.memory_space<vmem>>) target_semaphore(%dma_start3A_37 : memref<!tpu.dma_semaphore, #tpu.memory_space<semaphore_mem>>)
    %dma_wait3A = arith.constant 0 : i32
    %dma_wait3A_42 = arith.constant 0 : i32
    %dma_wait3A_43 = tpu.memref_slice %arg2[%mul3A_4, %dma_wait3A_42] : memref<1264x128xf32, #tpu.memory_space<hbm>> -> memref<79x128xf32, #tpu.memory_space<hbm>>
    %dma_wait3A_44 = tpu.memref_slice %arg15[%dma_wait3A] : memref<4x!tpu.dma_semaphore, #tpu.memory_space<semaphore_mem>> -> memref<1x!tpu.dma_semaphore, #tpu.memory_space<semaphore_mem>>
    %dma_wait3A_45 = tpu.memref_squeeze %dma_wait3A_44 : memref<1x!tpu.dma_semaphore, #tpu.memory_space<semaphore_mem>> -> memref<!tpu.dma_semaphore, #tpu.memory_space<semaphore_mem>>
    %dma_wait3A_46 = arith.constant 0 : i32
    %dma_wait3A_47 = tpu.memref_slice %arg2[%mul3A_4, %dma_wait3A_46] : memref<1264x128xf32, #tpu.memory_space<hbm>> -> memref<79x128xf32, #tpu.memory_space<hbm>>
    tpu.wait_dma2 semaphore(%dma_wait3A_45 : memref<!tpu.dma_semaphore, #tpu.memory_space<semaphore_mem>>) src(%dma_wait3A_47 : memref<79x128xf32, #tpu.memory_space<hbm>>) dst(%arg10 : memref<79x128xf32, #tpu.memory_space<vmem>>)
    %scan3A = arith.constant 0 : i32
    %scan3A_48 = arith.constant 79 : i32
    %scan3A_49 = arith.addi %scan3A, %scan3A_48 : i32
    %scan3A_50 = arith.constant 1 : i32
    scf.for %scan3A_334 = %scan3A to %scan3A_49 step %scan3A_50  : i32 {
      %mul3A_335 = arith.constant 1 : i32
      %mul3A_336 = arith.muli %scan3A_334, %mul3A_335 : i32
      %add3A_337 = arith.constant 0 : i32
      %add3A_338 = arith.addi %add3A_337, %mul3A_336 : i32
      %get3A = arith.index_cast %add3A_338 : i32 to index
      %get3A_339 = arith.constant 0 : index
      %get3A_340 = tpu.vector_load %arg10[%get3A, %get3A_339] {strides = array<i32>} : memref<79x128xf32, #tpu.memory_space<vmem>>, vector<1x16xf32>,
      %get3A_341 = vector.shape_cast %get3A_340 : vector<1x16xf32> to vector<16xf32>
      %mul3A_342 = arith.constant 8 : i32
      %mul3A_343 = arith.muli %mul3A_342, %add3A_338 : i32
      %add3A_344 = arith.constant 0 : i32
      %add3A_345 = arith.addi %mul3A_343, %add3A_344 : i32
      %swap3A = arith.index_cast %add3A_345 : i32 to index
      %swap3A_346 = arith.constant 0 : index
      %swap3A_347 = tpu.vector_load %arg9[%swap3A, %swap3A_346] {strides = array<i32>} : memref<632x16xf32, #tpu.memory_space<vmem>>, vector<1x16xf32>,
      %swap3A_348 = vector.shape_cast %swap3A_347 : vector<1x16xf32> to vector<16xf32>
      %swap3A_349 = vector.shape_cast %get3A_341 : vector<16xf32> to vector<1x16xf32>
      tpu.vector_store %arg9[%swap3A, %swap3A_346], %swap3A_349 {strides = array<i32>} : memref<632x16xf32, #tpu.memory_space<vmem>>, vector<1x16xf32>,
      %get3A_350 = arith.index_cast %add3A_338 : i32 to index
      %get3A_351 = arith.constant 16 : index
      %get3A_352 = tpu.vector_load %arg10[%get3A_350, %get3A_351] {strides = array<i32>} : memref<79x128xf32, #tpu.memory_space<vmem>>, vector<1x16xf32>,
      %get3A_353 = vector.shape_cast %get3A_352 : vector<1x16xf32> to vector<16xf32>
      %mul3A_354 = arith.constant 8 : i32
      %mul3A_355 = arith.muli %mul3A_354, %add3A_338 : i32
      %add3A_356 = arith.constant 1 : i32
      %add3A_357 = arith.addi %mul3A_355, %add3A_356 : i32
      %swap3A_358 = arith.index_cast %add3A_357 : i32 to index
      %swap3A_359 = arith.constant 0 : index
      %swap3A_360 = tpu.vector_load %arg9[%swap3A_358, %swap3A_359] {strides = array<i32>} : memref<632x16xf32, #tpu.memory_space<vmem>>, vector<1x16xf32>,
      %swap3A_361 = vector.shape_cast %swap3A_360 : vector<1x16xf32> to vector<16xf32>
      %swap3A_362 = vector.shape_cast %get3A_353 : vector<16xf32> to vector<1x16xf32>
      tpu.vector_store %arg9[%swap3A_358, %swap3A_359], %swap3A_362 {strides = array<i32>} : memref<632x16xf32, #tpu.memory_space<vmem>>, vector<1x16xf32>,
      %get3A_363 = arith.index_cast %add3A_338 : i32 to index
      %get3A_364 = arith.constant 32 : index
      %get3A_365 = tpu.vector_load %arg10[%get3A_363, %get3A_364] {strides = array<i32>} : memref<79x128xf32, #tpu.memory_space<vmem>>, vector<1x16xf32>,
      %get3A_366 = vector.shape_cast %get3A_365 : vector<1x16xf32> to vector<16xf32>
      %mul3A_367 = arith.constant 8 : i32
      %mul3A_368 = arith.muli %mul3A_367, %add3A_338 : i32
      %add3A_369 = arith.constant 2 : i32
      %add3A_370 = arith.addi %mul3A_368, %add3A_369 : i32
      %swap3A_371 = arith.index_cast %add3A_370 : i32 to index
      %swap3A_372 = arith.constant 0 : index
      %swap3A_373 = tpu.vector_load %arg9[%swap3A_371, %swap3A_372] {strides = array<i32>} : memref<632x16xf32, #tpu.memory_space<vmem>>, vector<1x16xf32>,
      %swap3A_374 = vector.shape_cast %swap3A_373 : vector<1x16xf32> to vector<16xf32>
      %swap3A_375 = vector.shape_cast %get3A_366 : vector<16xf32> to vector<1x16xf32>
      tpu.vector_store %arg9[%swap3A_371, %swap3A_372], %swap3A_375 {strides = array<i32>} : memref<632x16xf32, #tpu.memory_space<vmem>>, vector<1x16xf32>,
      %get3A_376 = arith.index_cast %add3A_338 : i32 to index
      %get3A_377 = arith.constant 48 : index
      %get3A_378 = tpu.vector_load %arg10[%get3A_376, %get3A_377] {strides = array<i32>} : memref<79x128xf32, #tpu.memory_space<vmem>>, vector<1x16xf32>,
      %get3A_379 = vector.shape_cast %get3A_378 : vector<1x16xf32> to vector<16xf32>
      %mul3A_380 = arith.constant 8 : i32
      %mul3A_381 = arith.muli %mul3A_380, %add3A_338 : i32
      %add3A_382 = arith.constant 3 : i32
      %add3A_383 = arith.addi %mul3A_381, %add3A_382 : i32
      %swap3A_384 = arith.index_cast %add3A_383 : i32 to index
      %swap3A_385 = arith.constant 0 : index
      %swap3A_386 = tpu.vector_load %arg9[%swap3A_384, %swap3A_385] {strides = array<i32>} : memref<632x16xf32, #tpu.memory_space<vmem>>, vector<1x16xf32>,
      %swap3A_387 = vector.shape_cast %swap3A_386 : vector<1x16xf32> to vector<16xf32>
      %swap3A_388 = vector.shape_cast %get3A_379 : vector<16xf32> to vector<1x16xf32>
      tpu.vector_store %arg9[%swap3A_384, %swap3A_385], %swap3A_388 {strides = array<i32>} : memref<632x16xf32, #tpu.memory_space<vmem>>, vector<1x16xf32>,
      %get3A_389 = arith.index_cast %add3A_338 : i32 to index
      %get3A_390 = arith.constant 64 : index
      %get3A_391 = tpu.vector_load %arg10[%get3A_389, %get3A_390] {strides = array<i32>} : memref<79x128xf32, #tpu.memory_space<vmem>>, vector<1x16xf32>,
      %get3A_392 = vector.shape_cast %get3A_391 : vector<1x16xf32> to vector<16xf32>
      %mul3A_393 = arith.constant 8 : i32
      %mul3A_394 = arith.muli %mul3A_393, %add3A_338 : i32
      %add3A_395 = arith.constant 4 : i32
      %add3A_396 = arith.addi %mul3A_394, %add3A_395 : i32
      %swap3A_397 = arith.index_cast %add3A_396 : i32 to index
      %swap3A_398 = arith.constant 0 : index
      %swap3A_399 = tpu.vector_load %arg9[%swap3A_397, %swap3A_398] {strides = array<i32>} : memref<632x16xf32, #tpu.memory_space<vmem>>, vector<1x16xf32>,
      %swap3A_400 = vector.shape_cast %swap3A_399 : vector<1x16xf32> to vector<16xf32>
      %swap3A_401 = vector.shape_cast %get3A_392 : vector<16xf32> to vector<1x16xf32>
      tpu.vector_store %arg9[%swap3A_397, %swap3A_398], %swap3A_401 {strides = array<i32>} : memref<632x16xf32, #tpu.memory_space<vmem>>, vector<1x16xf32>,
      %get3A_402 = arith.index_cast %add3A_338 : i32 to index
      %get3A_403 = arith.constant 80 : index
      %get3A_404 = tpu.vector_load %arg10[%get3A_402, %get3A_403] {strides = array<i32>} : memref<79x128xf32, #tpu.memory_space<vmem>>, vector<1x16xf32>,
      %get3A_405 = vector.shape_cast %get3A_404 : vector<1x16xf32> to vector<16xf32>
      %mul3A_406 = arith.constant 8 : i32
      %mul3A_407 = arith.muli %mul3A_406, %add3A_338 : i32
      %add3A_408 = arith.constant 5 : i32
      %add3A_409 = arith.addi %mul3A_407, %add3A_408 : i32
      %swap3A_410 = arith.index_cast %add3A_409 : i32 to index
      %swap3A_411 = arith.constant 0 : index
      %swap3A_412 = tpu.vector_load %arg9[%swap3A_410, %swap3A_411] {strides = array<i32>} : memref<632x16xf32, #tpu.memory_space<vmem>>, vector<1x16xf32>,
      %swap3A_413 = vector.shape_cast %swap3A_412 : vector<1x16xf32> to vector<16xf32>
      %swap3A_414 = vector.shape_cast %get3A_405 : vector<16xf32> to vector<1x16xf32>
      tpu.vector_store %arg9[%swap3A_410, %swap3A_411], %swap3A_414 {strides = array<i32>} : memref<632x16xf32, #tpu.memory_space<vmem>>, vector<1x16xf32>,
      %get3A_415 = arith.index_cast %add3A_338 : i32 to index
      %get3A_416 = arith.constant 96 : index
      %get3A_417 = tpu.vector_load %arg10[%get3A_415, %get3A_416] {strides = array<i32>} : memref<79x128xf32, #tpu.memory_space<vmem>>, vector<1x16xf32>,
      %get3A_418 = vector.shape_cast %get3A_417 : vector<1x16xf32> to vector<16xf32>
      %mul3A_419 = arith.constant 8 : i32
      %mul3A_420 = arith.muli %mul3A_419, %add3A_338 : i32
      %add3A_421 = arith.constant 6 : i32
      %add3A_422 = arith.addi %mul3A_420, %add3A_421 : i32
      %swap3A_423 = arith.index_cast %add3A_422 : i32 to index
      %swap3A_424 = arith.constant 0 : index
      %swap3A_425 = tpu.vector_load %arg9[%swap3A_423, %swap3A_424] {strides = array<i32>} : memref<632x16xf32, #tpu.memory_space<vmem>>, vector<1x16xf32>,
      %swap3A_426 = vector.shape_cast %swap3A_425 : vector<1x16xf32> to vector<16xf32>
      %swap3A_427 = vector.shape_cast %get3A_418 : vector<16xf32> to vector<1x16xf32>
      tpu.vector_store %arg9[%swap3A_423, %swap3A_424], %swap3A_427 {strides = array<i32>} : memref<632x16xf32, #tpu.memory_space<vmem>>, vector<1x16xf32>,
      %get3A_428 = arith.index_cast %add3A_338 : i32 to index
      %get3A_429 = arith.constant 112 : index
      %get3A_430 = tpu.vector_load %arg10[%get3A_428, %get3A_429] {strides = array<i32>} : memref<79x128xf32, #tpu.memory_space<vmem>>, vector<1x16xf32>,
      %get3A_431 = vector.shape_cast %get3A_430 : vector<1x16xf32> to vector<16xf32>
      %mul3A_432 = arith.constant 8 : i32
      %mul3A_433 = arith.muli %mul3A_432, %add3A_338 : i32
      %add3A_434 = arith.constant 7 : i32
      %add3A_435 = arith.addi %mul3A_433, %add3A_434 : i32
      %swap3A_436 = arith.index_cast %add3A_435 : i32 to index
      %swap3A_437 = arith.constant 0 : index
      %swap3A_438 = tpu.vector_load %arg9[%swap3A_436, %swap3A_437] {strides = array<i32>} : memref<632x16xf32, #tpu.memory_space<vmem>>, vector<1x16xf32>,
      %swap3A_439 = vector.shape_cast %swap3A_438 : vector<1x16xf32> to vector<16xf32>
      %swap3A_440 = vector.shape_cast %get3A_431 : vector<16xf32> to vector<1x16xf32>
      tpu.vector_store %arg9[%swap3A_436, %swap3A_437], %swap3A_440 {strides = array<i32>} : memref<632x16xf32, #tpu.memory_space<vmem>>, vector<1x16xf32>,
    }
    %scan3A_51 = arith.constant 79 : i32
    "tpu.region"() ({
      %run_scoped3A = tpu.sem_alloc : memref<!tpu.dma_semaphore, #tpu.memory_space<semaphore_mem>>
      %dma_start3A_334 = arith.constant 0 : i32
      %dma_start3A_335 = tpu.memref_slice %arg11[%mul3A_2, %dma_start3A_334] : memref<10112x16xf32, #tpu.memory_space<vmem_shared>> -> memref<632x16xf32, #tpu.memory_space<vmem_shared>>
      %dma_start3A_336 = arith.constant 0 : i32
      %dma_start3A_337 = tpu.memref_slice %arg11[%mul3A_2, %dma_start3A_336] : memref<10112x16xf32, #tpu.memory_space<vmem_shared>> -> memref<632x16xf32, #tpu.memory_space<vmem_shared>>
      tpu.enqueue_dma source(%arg9 : memref<632x16xf32, #tpu.memory_space<vmem>>) target(%dma_start3A_337 : memref<632x16xf32, #tpu.memory_space<vmem_shared>>) target_semaphore(%run_scoped3A : memref<!tpu.dma_semaphore, #tpu.memory_space<semaphore_mem>>)
      %dma_wait3A_338 = arith.constant 0 : i32
      %dma_wait3A_339 = tpu.memref_slice %arg11[%mul3A_2, %dma_wait3A_338] : memref<10112x16xf32, #tpu.memory_space<vmem_shared>> -> memref<632x16xf32, #tpu.memory_space<vmem_shared>>
      %dma_wait3A_340 = arith.constant 0 : i32
      %dma_wait3A_341 = tpu.memref_slice %arg11[%mul3A_2, %dma_wait3A_340] : memref<10112x16xf32, #tpu.memory_space<vmem_shared>> -> memref<632x16xf32, #tpu.memory_space<vmem_shared>>
      tpu.wait_dma2 semaphore(%run_scoped3A : memref<!tpu.dma_semaphore, #tpu.memory_space<semaphore_mem>>) src(%arg9 : memref<632x16xf32, #tpu.memory_space<vmem>>) dst(%dma_wait3A_341 : memref<632x16xf32, #tpu.memory_space<vmem_shared>>)
      tpu.yield
    }) : () -> ()
    %dma_wait3A_52 = arith.constant 1 : i32
    %dma_wait3A_53 = tpu.memref_slice %arg15[%dma_wait3A_52] : memref<4x!tpu.dma_semaphore, #tpu.memory_space<semaphore_mem>> -> memref<1x!tpu.dma_semaphore, #tpu.memory_space<semaphore_mem>>
    %dma_wait3A_54 = tpu.memref_squeeze %dma_wait3A_53 : memref<1x!tpu.dma_semaphore, #tpu.memory_space<semaphore_mem>> -> memref<!tpu.dma_semaphore, #tpu.memory_space<semaphore_mem>>
    %dma_wait3A_55 = arith.constant 0 : i32
    %dma_wait3A_56 = tpu.memref_slice %arg12[%mul3A_2, %dma_wait3A_55] : memref<10112x16xf32, #tpu.memory_space<vmem_shared>> -> memref<632x16xf32, #tpu.memory_space<vmem_shared>>
    %dma_wait3A_57 = arith.constant 0 : i32
    %dma_wait3A_58 = tpu.memref_slice %arg4[%mul3A_2, %dma_wait3A_57] : memref<10112x16xf32, #tpu.memory_space<hbm>> -> memref<632x16xf32, #tpu.memory_space<hbm>>
    tpu.wait_dma2 semaphore(%dma_wait3A_54 : memref<!tpu.dma_semaphore, #tpu.memory_space<semaphore_mem>>) src(%dma_wait3A_58 : memref<632x16xf32, #tpu.memory_space<hbm>>) dst(%dma_wait3A_56 : memref<632x16xf32, #tpu.memory_space<vmem_shared>>)
    %dma_wait3A_59 = arith.constant 0 : i32
    %dma_wait3A_60 = arith.constant 2 : i32
    %dma_wait3A_61 = arith.constant 0 : i32
    %dma_wait3A_62 = arith.constant 0 : i32
    %dma_wait3A_63 = tpu.memref_slice %arg3[%dma_wait3A_59, %add3A, %dma_wait3A_61, %dma_wait3A_62] : memref<2x32x80x128xi32, #tpu.memory_space<hbm>> -> memref<1x1x80x128xi32, #tpu.memory_space<hbm>>
    %dma_wait3A_64 = tpu.memref_squeeze %dma_wait3A_63 : memref<1x1x80x128xi32, #tpu.memory_space<hbm>> -> memref<80x128xi32, #tpu.memory_space<hbm>>
    %dma_wait3A_65 = tpu.memref_slice %arg15[%dma_wait3A_60] : memref<4x!tpu.dma_semaphore, #tpu.memory_space<semaphore_mem>> -> memref<1x!tpu.dma_semaphore, #tpu.memory_space<semaphore_mem>>
    %dma_wait3A_66 = tpu.memref_squeeze %dma_wait3A_65 : memref<1x!tpu.dma_semaphore, #tpu.memory_space<semaphore_mem>> -> memref<!tpu.dma_semaphore, #tpu.memory_space<semaphore_mem>>
    %dma_wait3A_67 = arith.constant 0 : i32
    %dma_wait3A_68 = arith.constant 0 : i32
    %dma_wait3A_69 = tpu.memref_slice %arg3[%dma_wait3A_59, %add3A, %dma_wait3A_67, %dma_wait3A_68] : memref<2x32x80x128xi32, #tpu.memory_space<hbm>> -> memref<1x1x80x128xi32, #tpu.memory_space<hbm>>
    %dma_wait3A_70 = tpu.memref_squeeze %dma_wait3A_69 : memref<1x1x80x128xi32, #tpu.memory_space<hbm>> -> memref<80x128xi32, #tpu.memory_space<hbm>>
    tpu.wait_dma2 semaphore(%dma_wait3A_66 : memref<!tpu.dma_semaphore, #tpu.memory_space<semaphore_mem>>) src(%dma_wait3A_70 : memref<80x128xi32, #tpu.memory_space<hbm>>) dst(%arg6 : memref<80x128xi32, #tpu.memory_space<vmem>>)
    %dma_wait3A_71 = arith.constant 1 : i32
    %dma_wait3A_72 = arith.constant 3 : i32
    %dma_wait3A_73 = arith.constant 0 : i32
    %dma_wait3A_74 = arith.constant 0 : i32
    %dma_wait3A_75 = tpu.memref_slice %arg3[%dma_wait3A_71, %add3A, %dma_wait3A_73, %dma_wait3A_74] : memref<2x32x80x128xi32, #tpu.memory_space<hbm>> -> memref<1x1x80x128xi32, #tpu.memory_space<hbm>>
    %dma_wait3A_76 = tpu.memref_squeeze %dma_wait3A_75 : memref<1x1x80x128xi32, #tpu.memory_space<hbm>> -> memref<80x128xi32, #tpu.memory_space<hbm>>
    %dma_wait3A_77 = tpu.memref_slice %arg15[%dma_wait3A_72] : memref<4x!tpu.dma_semaphore, #tpu.memory_space<semaphore_mem>> -> memref<1x!tpu.dma_semaphore, #tpu.memory_space<semaphore_mem>>
    %dma_wait3A_78 = tpu.memref_squeeze %dma_wait3A_77 : memref<1x!tpu.dma_semaphore, #tpu.memory_space<semaphore_mem>> -> memref<!tpu.dma_semaphore, #tpu.memory_space<semaphore_mem>>
    %dma_wait3A_79 = arith.constant 0 : i32
    %dma_wait3A_80 = arith.constant 0 : i32
    %dma_wait3A_81 = tpu.memref_slice %arg3[%dma_wait3A_71, %add3A, %dma_wait3A_79, %dma_wait3A_80] : memref<2x32x80x128xi32, #tpu.memory_space<hbm>> -> memref<1x1x80x128xi32, #tpu.memory_space<hbm>>
    %dma_wait3A_82 = tpu.memref_squeeze %dma_wait3A_81 : memref<1x1x80x128xi32, #tpu.memory_space<hbm>> -> memref<80x128xi32, #tpu.memory_space<hbm>>
    tpu.wait_dma2 semaphore(%dma_wait3A_78 : memref<!tpu.dma_semaphore, #tpu.memory_space<semaphore_mem>>) src(%dma_wait3A_82 : memref<80x128xi32, #tpu.memory_space<hbm>>) dst(%arg7 : memref<80x128xi32, #tpu.memory_space<vmem>>)
    %barrier3A = arith.constant 0 : index
    tpu.barrier barrier_id(%barrier3A)
    %dma_start3A_83 = arith.constant 0 : i32
    %dma_start3A_84 = arith.constant 0 : i32
    %dma_start3A_85 = arith.constant 0 : i32
    %dma_start3A_86 = arith.constant 0 : i32
    %dma_start3A_87 = arith.constant 0 : i32
    %dma_start3A_88 = tpu.memref_slice %arg8[%dma_start3A_84, %dma_start3A_86, %dma_start3A_87] : memref<8x128x16xf32, #tpu.memory_space<vmem>> -> memref<1x128x16xf32, #tpu.memory_space<vmem>>
    %dma_start3A_89 = tpu.memref_squeeze %dma_start3A_88 : memref<1x128x16xf32, #tpu.memory_space<vmem>> -> memref<128x16xf32, #tpu.memory_space<vmem>>
    %dma_start3A_90 = arith.constant 0 : i32
    %dma_start3A_91 = tpu.memref_slice %arg6[%dma_start3A_83, %dma_start3A_90] : memref<80x128xi32, #tpu.memory_space<vmem>> -> memref<1x128xi32, #tpu.memory_space<vmem>>
    %dma_start3A_92 = tpu.memref_squeeze %dma_start3A_91 : memref<1x128xi32, #tpu.memory_space<vmem>> -> memref<128xi32, #tpu.memory_space<vmem>>
    %dma_start3A_93 = arith.constant 0 : i32
    %dma_start3A_94 = arith.constant 0 : i32
    %dma_start3A_95 = tpu.memref_slice %arg11[%dma_start3A_93, %dma_start3A_94] : memref<10112x16xf32, #tpu.memory_space<vmem_shared>> -> memref<10112x16xf32, #tpu.memory_space<vmem_shared>>
    %dma_start3A_96 = tpu.memref_slice %arg13[%dma_start3A_85] : memref<8x!tpu.dma_semaphore, #tpu.memory_space<semaphore_mem>> -> memref<1x!tpu.dma_semaphore, #tpu.memory_space<semaphore_mem>>
    %dma_start3A_97 = tpu.memref_squeeze %dma_start3A_96 : memref<1x!tpu.dma_semaphore, #tpu.memory_space<semaphore_mem>> -> memref<!tpu.dma_semaphore, #tpu.memory_space<semaphore_mem>>
    tpu.enqueue_indirect_dma source(%dma_start3A_95 : memref<10112x16xf32, #tpu.memory_space<vmem_shared>>) target(%dma_start3A_89 : memref<128x16xf32, #tpu.memory_space<vmem>>) offsets(%dma_start3A_92 : memref<128xi32, #tpu.memory_space<vmem>>) semaphore(%dma_start3A_97 : memref<!tpu.dma_semaphore, #tpu.memory_space<semaphore_mem>>)
    %dma_start3A_98 = arith.constant 1 : i32
    %dma_start3A_99 = arith.constant 1 : i32
    %dma_start3A_100 = arith.constant 1 : i32
    %dma_start3A_101 = arith.constant 0 : i32
    %dma_start3A_102 = arith.constant 0 : i32
    %dma_start3A_103 = tpu.memref_slice %arg8[%dma_start3A_99, %dma_start3A_101, %dma_start3A_102] : memref<8x128x16xf32, #tpu.memory_space<vmem>> -> memref<1x128x16xf32, #tpu.memory_space<vmem>>
    %dma_start3A_104 = tpu.memref_squeeze %dma_start3A_103 : memref<1x128x16xf32, #tpu.memory_space<vmem>> -> memref<128x16xf32, #tpu.memory_space<vmem>>
    %dma_start3A_105 = arith.constant 0 : i32
    %dma_start3A_106 = tpu.memref_slice %arg6[%dma_start3A_98, %dma_start3A_105] : memref<80x128xi32, #tpu.memory_space<vmem>> -> memref<1x128xi32, #tpu.memory_space<vmem>>
    %dma_start3A_107 = tpu.memref_squeeze %dma_start3A_106 : memref<1x128xi32, #tpu.memory_space<vmem>> -> memref<128xi32, #tpu.memory_space<vmem>>
    %dma_start3A_108 = arith.constant 0 : i32
    %dma_start3A_109 = arith.constant 0 : i32
    %dma_start3A_110 = tpu.memref_slice %arg11[%dma_start3A_108, %dma_start3A_109] : memref<10112x16xf32, #tpu.memory_space<vmem_shared>> -> memref<10112x16xf32, #tpu.memory_space<vmem_shared>>
    %dma_start3A_111 = tpu.memref_slice %arg13[%dma_start3A_100] : memref<8x!tpu.dma_semaphore, #tpu.memory_space<semaphore_mem>> -> memref<1x!tpu.dma_semaphore, #tpu.memory_space<semaphore_mem>>
    %dma_start3A_112 = tpu.memref_squeeze %dma_start3A_111 : memref<1x!tpu.dma_semaphore, #tpu.memory_space<semaphore_mem>> -> memref<!tpu.dma_semaphore, #tpu.memory_space<semaphore_mem>>
    tpu.enqueue_indirect_dma source(%dma_start3A_110 : memref<10112x16xf32, #tpu.memory_space<vmem_shared>>) target(%dma_start3A_104 : memref<128x16xf32, #tpu.memory_space<vmem>>) offsets(%dma_start3A_107 : memref<128xi32, #tpu.memory_space<vmem>>) semaphore(%dma_start3A_112 : memref<!tpu.dma_semaphore, #tpu.memory_space<semaphore_mem>>)
    %dma_start3A_113 = arith.constant 2 : i32
    %dma_start3A_114 = arith.constant 2 : i32
    %dma_start3A_115 = arith.constant 2 : i32
    %dma_start3A_116 = arith.constant 0 : i32
    %dma_start3A_117 = arith.constant 0 : i32
    %dma_start3A_118 = tpu.memref_slice %arg8[%dma_start3A_114, %dma_start3A_116, %dma_start3A_117] : memref<8x128x16xf32, #tpu.memory_space<vmem>> -> memref<1x128x16xf32, #tpu.memory_space<vmem>>
    %dma_start3A_119 = tpu.memref_squeeze %dma_start3A_118 : memref<1x128x16xf32, #tpu.memory_space<vmem>> -> memref<128x16xf32, #tpu.memory_space<vmem>>
    %dma_start3A_120 = arith.constant 0 : i32
    %dma_start3A_121 = tpu.memref_slice %arg6[%dma_start3A_113, %dma_start3A_120] : memref<80x128xi32, #tpu.memory_space<vmem>> -> memref<1x128xi32, #tpu.memory_space<vmem>>
    %dma_start3A_122 = tpu.memref_squeeze %dma_start3A_121 : memref<1x128xi32, #tpu.memory_space<vmem>> -> memref<128xi32, #tpu.memory_space<vmem>>
    %dma_start3A_123 = arith.constant 0 : i32
    %dma_start3A_124 = arith.constant 0 : i32
    %dma_start3A_125 = tpu.memref_slice %arg11[%dma_start3A_123, %dma_start3A_124] : memref<10112x16xf32, #tpu.memory_space<vmem_shared>> -> memref<10112x16xf32, #tpu.memory_space<vmem_shared>>
    %dma_start3A_126 = tpu.memref_slice %arg13[%dma_start3A_115] : memref<8x!tpu.dma_semaphore, #tpu.memory_space<semaphore_mem>> -> memref<1x!tpu.dma_semaphore, #tpu.memory_space<semaphore_mem>>
    %dma_start3A_127 = tpu.memref_squeeze %dma_start3A_126 : memref<1x!tpu.dma_semaphore, #tpu.memory_space<semaphore_mem>> -> memref<!tpu.dma_semaphore, #tpu.memory_space<semaphore_mem>>
    tpu.enqueue_indirect_dma source(%dma_start3A_125 : memref<10112x16xf32, #tpu.memory_space<vmem_shared>>) target(%dma_start3A_119 : memref<128x16xf32, #tpu.memory_space<vmem>>) offsets(%dma_start3A_122 : memref<128xi32, #tpu.memory_space<vmem>>) semaphore(%dma_start3A_127 : memref<!tpu.dma_semaphore, #tpu.memory_space<semaphore_mem>>)
    %dma_start3A_128 = arith.constant 3 : i32
    %dma_start3A_129 = arith.constant 3 : i32
    %dma_start3A_130 = arith.constant 3 : i32
    %dma_start3A_131 = arith.constant 0 : i32
    %dma_start3A_132 = arith.constant 0 : i32
    %dma_start3A_133 = tpu.memref_slice %arg8[%dma_start3A_129, %dma_start3A_131, %dma_start3A_132] : memref<8x128x16xf32, #tpu.memory_space<vmem>> -> memref<1x128x16xf32, #tpu.memory_space<vmem>>
    %dma_start3A_134 = tpu.memref_squeeze %dma_start3A_133 : memref<1x128x16xf32, #tpu.memory_space<vmem>> -> memref<128x16xf32, #tpu.memory_space<vmem>>
    %dma_start3A_135 = arith.constant 0 : i32
    %dma_start3A_136 = tpu.memref_slice %arg6[%dma_start3A_128, %dma_start3A_135] : memref<80x128xi32, #tpu.memory_space<vmem>> -> memref<1x128xi32, #tpu.memory_space<vmem>>
    %dma_start3A_137 = tpu.memref_squeeze %dma_start3A_136 : memref<1x128xi32, #tpu.memory_space<vmem>> -> memref<128xi32, #tpu.memory_space<vmem>>
    %dma_start3A_138 = arith.constant 0 : i32
    %dma_start3A_139 = arith.constant 0 : i32
    %dma_start3A_140 = tpu.memref_slice %arg11[%dma_start3A_138, %dma_start3A_139] : memref<10112x16xf32, #tpu.memory_space<vmem_shared>> -> memref<10112x16xf32, #tpu.memory_space<vmem_shared>>
    %dma_start3A_141 = tpu.memref_slice %arg13[%dma_start3A_130] : memref<8x!tpu.dma_semaphore, #tpu.memory_space<semaphore_mem>> -> memref<1x!tpu.dma_semaphore, #tpu.memory_space<semaphore_mem>>
    %dma_start3A_142 = tpu.memref_squeeze %dma_start3A_141 : memref<1x!tpu.dma_semaphore, #tpu.memory_space<semaphore_mem>> -> memref<!tpu.dma_semaphore, #tpu.memory_space<semaphore_mem>>
    tpu.enqueue_indirect_dma source(%dma_start3A_140 : memref<10112x16xf32, #tpu.memory_space<vmem_shared>>) target(%dma_start3A_134 : memref<128x16xf32, #tpu.memory_space<vmem>>) offsets(%dma_start3A_137 : memref<128xi32, #tpu.memory_space<vmem>>) semaphore(%dma_start3A_142 : memref<!tpu.dma_semaphore, #tpu.memory_space<semaphore_mem>>)
    %dma_start3A_143 = arith.constant 4 : i32
    %dma_start3A_144 = arith.constant 4 : i32
    %dma_start3A_145 = arith.constant 4 : i32
    %dma_start3A_146 = arith.constant 0 : i32
    %dma_start3A_147 = arith.constant 0 : i32
    %dma_start3A_148 = tpu.memref_slice %arg8[%dma_start3A_144, %dma_start3A_146, %dma_start3A_147] : memref<8x128x16xf32, #tpu.memory_space<vmem>> -> memref<1x128x16xf32, #tpu.memory_space<vmem>>
    %dma_start3A_149 = tpu.memref_squeeze %dma_start3A_148 : memref<1x128x16xf32, #tpu.memory_space<vmem>> -> memref<128x16xf32, #tpu.memory_space<vmem>>
    %dma_start3A_150 = arith.constant 0 : i32
    %dma_start3A_151 = tpu.memref_slice %arg6[%dma_start3A_143, %dma_start3A_150] : memref<80x128xi32, #tpu.memory_space<vmem>> -> memref<1x128xi32, #tpu.memory_space<vmem>>
    %dma_start3A_152 = tpu.memref_squeeze %dma_start3A_151 : memref<1x128xi32, #tpu.memory_space<vmem>> -> memref<128xi32, #tpu.memory_space<vmem>>
    %dma_start3A_153 = arith.constant 0 : i32
    %dma_start3A_154 = arith.constant 0 : i32
    %dma_start3A_155 = tpu.memref_slice %arg11[%dma_start3A_153, %dma_start3A_154] : memref<10112x16xf32, #tpu.memory_space<vmem_shared>> -> memref<10112x16xf32, #tpu.memory_space<vmem_shared>>
    %dma_start3A_156 = tpu.memref_slice %arg13[%dma_start3A_145] : memref<8x!tpu.dma_semaphore, #tpu.memory_space<semaphore_mem>> -> memref<1x!tpu.dma_semaphore, #tpu.memory_space<semaphore_mem>>
    %dma_start3A_157 = tpu.memref_squeeze %dma_start3A_156 : memref<1x!tpu.dma_semaphore, #tpu.memory_space<semaphore_mem>> -> memref<!tpu.dma_semaphore, #tpu.memory_space<semaphore_mem>>
    tpu.enqueue_indirect_dma source(%dma_start3A_155 : memref<10112x16xf32, #tpu.memory_space<vmem_shared>>) target(%dma_start3A_149 : memref<128x16xf32, #tpu.memory_space<vmem>>) offsets(%dma_start3A_152 : memref<128xi32, #tpu.memory_space<vmem>>) semaphore(%dma_start3A_157 : memref<!tpu.dma_semaphore, #tpu.memory_space<semaphore_mem>>)
    %dma_start3A_158 = arith.constant 5 : i32
    %dma_start3A_159 = arith.constant 5 : i32
    %dma_start3A_160 = arith.constant 5 : i32
    %dma_start3A_161 = arith.constant 0 : i32
    %dma_start3A_162 = arith.constant 0 : i32
    %dma_start3A_163 = tpu.memref_slice %arg8[%dma_start3A_159, %dma_start3A_161, %dma_start3A_162] : memref<8x128x16xf32, #tpu.memory_space<vmem>> -> memref<1x128x16xf32, #tpu.memory_space<vmem>>
    %dma_start3A_164 = tpu.memref_squeeze %dma_start3A_163 : memref<1x128x16xf32, #tpu.memory_space<vmem>> -> memref<128x16xf32, #tpu.memory_space<vmem>>
    %dma_start3A_165 = arith.constant 0 : i32
    %dma_start3A_166 = tpu.memref_slice %arg6[%dma_start3A_158, %dma_start3A_165] : memref<80x128xi32, #tpu.memory_space<vmem>> -> memref<1x128xi32, #tpu.memory_space<vmem>>
    %dma_start3A_167 = tpu.memref_squeeze %dma_start3A_166 : memref<1x128xi32, #tpu.memory_space<vmem>> -> memref<128xi32, #tpu.memory_space<vmem>>
    %dma_start3A_168 = arith.constant 0 : i32
    %dma_start3A_169 = arith.constant 0 : i32
    %dma_start3A_170 = tpu.memref_slice %arg11[%dma_start3A_168, %dma_start3A_169] : memref<10112x16xf32, #tpu.memory_space<vmem_shared>> -> memref<10112x16xf32, #tpu.memory_space<vmem_shared>>
    %dma_start3A_171 = tpu.memref_slice %arg13[%dma_start3A_160] : memref<8x!tpu.dma_semaphore, #tpu.memory_space<semaphore_mem>> -> memref<1x!tpu.dma_semaphore, #tpu.memory_space<semaphore_mem>>
    %dma_start3A_172 = tpu.memref_squeeze %dma_start3A_171 : memref<1x!tpu.dma_semaphore, #tpu.memory_space<semaphore_mem>> -> memref<!tpu.dma_semaphore, #tpu.memory_space<semaphore_mem>>
    tpu.enqueue_indirect_dma source(%dma_start3A_170 : memref<10112x16xf32, #tpu.memory_space<vmem_shared>>) target(%dma_start3A_164 : memref<128x16xf32, #tpu.memory_space<vmem>>) offsets(%dma_start3A_167 : memref<128xi32, #tpu.memory_space<vmem>>) semaphore(%dma_start3A_172 : memref<!tpu.dma_semaphore, #tpu.memory_space<semaphore_mem>>)
    %dma_start3A_173 = arith.constant 6 : i32
    %dma_start3A_174 = arith.constant 6 : i32
    %dma_start3A_175 = arith.constant 6 : i32
    %dma_start3A_176 = arith.constant 0 : i32
    %dma_start3A_177 = arith.constant 0 : i32
    %dma_start3A_178 = tpu.memref_slice %arg8[%dma_start3A_174, %dma_start3A_176, %dma_start3A_177] : memref<8x128x16xf32, #tpu.memory_space<vmem>> -> memref<1x128x16xf32, #tpu.memory_space<vmem>>
    %dma_start3A_179 = tpu.memref_squeeze %dma_start3A_178 : memref<1x128x16xf32, #tpu.memory_space<vmem>> -> memref<128x16xf32, #tpu.memory_space<vmem>>
    %dma_start3A_180 = arith.constant 0 : i32
    %dma_start3A_181 = tpu.memref_slice %arg6[%dma_start3A_173, %dma_start3A_180] : memref<80x128xi32, #tpu.memory_space<vmem>> -> memref<1x128xi32, #tpu.memory_space<vmem>>
    %dma_start3A_182 = tpu.memref_squeeze %dma_start3A_181 : memref<1x128xi32, #tpu.memory_space<vmem>> -> memref<128xi32, #tpu.memory_space<vmem>>
    %dma_start3A_183 = arith.constant 0 : i32
    %dma_start3A_184 = arith.constant 0 : i32
    %dma_start3A_185 = tpu.memref_slice %arg11[%dma_start3A_183, %dma_start3A_184] : memref<10112x16xf32, #tpu.memory_space<vmem_shared>> -> memref<10112x16xf32, #tpu.memory_space<vmem_shared>>
    %dma_start3A_186 = tpu.memref_slice %arg13[%dma_start3A_175] : memref<8x!tpu.dma_semaphore, #tpu.memory_space<semaphore_mem>> -> memref<1x!tpu.dma_semaphore, #tpu.memory_space<semaphore_mem>>
    %dma_start3A_187 = tpu.memref_squeeze %dma_start3A_186 : memref<1x!tpu.dma_semaphore, #tpu.memory_space<semaphore_mem>> -> memref<!tpu.dma_semaphore, #tpu.memory_space<semaphore_mem>>
    tpu.enqueue_indirect_dma source(%dma_start3A_185 : memref<10112x16xf32, #tpu.memory_space<vmem_shared>>) target(%dma_start3A_179 : memref<128x16xf32, #tpu.memory_space<vmem>>) offsets(%dma_start3A_182 : memref<128xi32, #tpu.memory_space<vmem>>) semaphore(%dma_start3A_187 : memref<!tpu.dma_semaphore, #tpu.memory_space<semaphore_mem>>)
    %dma_start3A_188 = arith.constant 7 : i32
    %dma_start3A_189 = arith.constant 7 : i32
    %dma_start3A_190 = arith.constant 7 : i32
    %dma_start3A_191 = arith.constant 0 : i32
    %dma_start3A_192 = arith.constant 0 : i32
    %dma_start3A_193 = tpu.memref_slice %arg8[%dma_start3A_189, %dma_start3A_191, %dma_start3A_192] : memref<8x128x16xf32, #tpu.memory_space<vmem>> -> memref<1x128x16xf32, #tpu.memory_space<vmem>>
    %dma_start3A_194 = tpu.memref_squeeze %dma_start3A_193 : memref<1x128x16xf32, #tpu.memory_space<vmem>> -> memref<128x16xf32, #tpu.memory_space<vmem>>
    %dma_start3A_195 = arith.constant 0 : i32
    %dma_start3A_196 = tpu.memref_slice %arg6[%dma_start3A_188, %dma_start3A_195] : memref<80x128xi32, #tpu.memory_space<vmem>> -> memref<1x128xi32, #tpu.memory_space<vmem>>
    %dma_start3A_197 = tpu.memref_squeeze %dma_start3A_196 : memref<1x128xi32, #tpu.memory_space<vmem>> -> memref<128xi32, #tpu.memory_space<vmem>>
    %dma_start3A_198 = arith.constant 0 : i32
    %dma_start3A_199 = arith.constant 0 : i32
    %dma_start3A_200 = tpu.memref_slice %arg11[%dma_start3A_198, %dma_start3A_199] : memref<10112x16xf32, #tpu.memory_space<vmem_shared>> -> memref<10112x16xf32, #tpu.memory_space<vmem_shared>>
    %dma_start3A_201 = tpu.memref_slice %arg13[%dma_start3A_190] : memref<8x!tpu.dma_semaphore, #tpu.memory_space<semaphore_mem>> -> memref<1x!tpu.dma_semaphore, #tpu.memory_space<semaphore_mem>>
    %dma_start3A_202 = tpu.memref_squeeze %dma_start3A_201 : memref<1x!tpu.dma_semaphore, #tpu.memory_space<semaphore_mem>> -> memref<!tpu.dma_semaphore, #tpu.memory_space<semaphore_mem>>
    tpu.enqueue_indirect_dma source(%dma_start3A_200 : memref<10112x16xf32, #tpu.memory_space<vmem_shared>>) target(%dma_start3A_194 : memref<128x16xf32, #tpu.memory_space<vmem>>) offsets(%dma_start3A_197 : memref<128xi32, #tpu.memory_space<vmem>>) semaphore(%dma_start3A_202 : memref<!tpu.dma_semaphore, #tpu.memory_space<semaphore_mem>>)
    %scan3A_203 = arith.constant 0 : i32
    %scan3A_204 = arith.constant 10 : i32
    %scan3A_205 = arith.addi %scan3A_203, %scan3A_204 : i32
    %scan3A_206 = arith.constant 1 : i32
    scf.for %scan3A_334 = %scan3A_203 to %scan3A_205 step %scan3A_206  : i32 {
      %mul3A_335 = arith.constant 1 : i32
      %mul3A_336 = arith.muli %scan3A_334, %mul3A_335 : i32
      %add3A_337 = arith.constant 0 : i32
      %add3A_338 = arith.addi %add3A_337, %mul3A_336 : i32
      %mul3A_339 = arith.constant 8 : i32
      %mul3A_340 = arith.muli %add3A_338, %mul3A_339 : i32
      %add3A_341 = arith.constant 0 : i32
      %add3A_342 = arith.addi %mul3A_340, %add3A_341 : i32
      %dma_wait3A_343 = arith.constant 0 : i32
      %dma_wait3A_344 = arith.constant 0 : i32
      %dma_wait3A_345 = arith.constant 0 : i32
      %dma_wait3A_346 = arith.constant 0 : i32
      %dma_wait3A_347 = tpu.memref_slice %arg8[%dma_wait3A_343, %dma_wait3A_345, %dma_wait3A_346] : memref<8x128x16xf32, #tpu.memory_space<vmem>> -> memref<1x128x16xf32, #tpu.memory_space<vmem>>
      %dma_wait3A_348 = tpu.memref_squeeze %dma_wait3A_347 : memref<1x128x16xf32, #tpu.memory_space<vmem>> -> memref<128x16xf32, #tpu.memory_space<vmem>>
      %dma_wait3A_349 = arith.constant 0 : i32
      %dma_wait3A_350 = tpu.memref_slice %arg6[%add3A_342, %dma_wait3A_349] : memref<80x128xi32, #tpu.memory_space<vmem>> -> memref<1x128xi32, #tpu.memory_space<vmem>>
      %dma_wait3A_351 = tpu.memref_squeeze %dma_wait3A_350 : memref<1x128xi32, #tpu.memory_space<vmem>> -> memref<128xi32, #tpu.memory_space<vmem>>
      %dma_wait3A_352 = arith.constant 0 : i32
      %dma_wait3A_353 = arith.constant 0 : i32
      %dma_wait3A_354 = tpu.memref_slice %arg11[%dma_wait3A_352, %dma_wait3A_353] : memref<10112x16xf32, #tpu.memory_space<vmem_shared>> -> memref<10112x16xf32, #tpu.memory_space<vmem_shared>>
      %dma_wait3A_355 = tpu.memref_slice %arg13[%dma_wait3A_344] : memref<8x!tpu.dma_semaphore, #tpu.memory_space<semaphore_mem>> -> memref<1x!tpu.dma_semaphore, #tpu.memory_space<semaphore_mem>>
      %dma_wait3A_356 = tpu.memref_squeeze %dma_wait3A_355 : memref<1x!tpu.dma_semaphore, #tpu.memory_space<semaphore_mem>> -> memref<!tpu.dma_semaphore, #tpu.memory_space<semaphore_mem>>
      tpu.wait_indirect_dma semaphore(%dma_wait3A_356 : memref<!tpu.dma_semaphore, #tpu.memory_space<semaphore_mem>>) src(%dma_wait3A_354 : memref<10112x16xf32, #tpu.memory_space<vmem_shared>>) dst(%dma_wait3A_348 : memref<128x16xf32, #tpu.memory_space<vmem>>)
      %add3A_357 = arith.constant 0 : i32
      %add3A_358 = arith.addi %mul3A_340, %add3A_357 : i32
      %dma_start3A_359 = arith.constant 0 : i32
      %dma_start3A_360 = arith.constant 0 : i32
      %dma_start3A_361 = arith.constant 0 : i32
      %dma_start3A_362 = arith.constant 0 : i32
      %dma_start3A_363 = tpu.memref_slice %arg8[%dma_start3A_359, %dma_start3A_361, %dma_start3A_362] : memref<8x128x16xf32, #tpu.memory_space<vmem>> -> memref<1x128x16xf32, #tpu.memory_space<vmem>>
      %dma_start3A_364 = tpu.memref_squeeze %dma_start3A_363 : memref<1x128x16xf32, #tpu.memory_space<vmem>> -> memref<128x16xf32, #tpu.memory_space<vmem>>
      %dma_start3A_365 = arith.constant 0 : i32
      %dma_start3A_366 = tpu.memref_slice %arg7[%add3A_358, %dma_start3A_365] : memref<80x128xi32, #tpu.memory_space<vmem>> -> memref<1x128xi32, #tpu.memory_space<vmem>>
      %dma_start3A_367 = tpu.memref_squeeze %dma_start3A_366 : memref<1x128xi32, #tpu.memory_space<vmem>> -> memref<128xi32, #tpu.memory_space<vmem>>
      %dma_start3A_368 = arith.constant 0 : i32
      %dma_start3A_369 = arith.constant 0 : i32
      %dma_start3A_370 = tpu.memref_slice %arg12[%dma_start3A_368, %dma_start3A_369] : memref<10112x16xf32, #tpu.memory_space<vmem_shared>> -> memref<10112x16xf32, #tpu.memory_space<vmem_shared>>
      %dma_start3A_371 = tpu.memref_slice %arg14[%dma_start3A_360] : memref<8x!tpu.dma_semaphore, #tpu.memory_space<semaphore_mem>> -> memref<1x!tpu.dma_semaphore, #tpu.memory_space<semaphore_mem>>
      %dma_start3A_372 = tpu.memref_squeeze %dma_start3A_371 : memref<1x!tpu.dma_semaphore, #tpu.memory_space<semaphore_mem>> -> memref<!tpu.dma_semaphore, #tpu.memory_space<semaphore_mem>>
      tpu.enqueue_indirect_dma source(%dma_start3A_364 : memref<128x16xf32, #tpu.memory_space<vmem>>) target(%dma_start3A_370 : memref<10112x16xf32, #tpu.memory_space<vmem_shared>>) offsets(%dma_start3A_367 : memref<128xi32, #tpu.memory_space<vmem>>) semaphore(%dma_start3A_372 : memref<!tpu.dma_semaphore, #tpu.memory_space<semaphore_mem>>) {add = true}
      %add3A_373 = arith.constant 1 : i32
      %add3A_374 = arith.addi %mul3A_340, %add3A_373 : i32
      %dma_wait3A_375 = arith.constant 1 : i32
      %dma_wait3A_376 = arith.constant 1 : i32
      %dma_wait3A_377 = arith.constant 0 : i32
      %dma_wait3A_378 = arith.constant 0 : i32
      %dma_wait3A_379 = tpu.memref_slice %arg8[%dma_wait3A_375, %dma_wait3A_377, %dma_wait3A_378] : memref<8x128x16xf32, #tpu.memory_space<vmem>> -> memref<1x128x16xf32, #tpu.memory_space<vmem>>
      %dma_wait3A_380 = tpu.memref_squeeze %dma_wait3A_379 : memref<1x128x16xf32, #tpu.memory_space<vmem>> -> memref<128x16xf32, #tpu.memory_space<vmem>>
      %dma_wait3A_381 = arith.constant 0 : i32
      %dma_wait3A_382 = tpu.memref_slice %arg6[%add3A_374, %dma_wait3A_381] : memref<80x128xi32, #tpu.memory_space<vmem>> -> memref<1x128xi32, #tpu.memory_space<vmem>>
      %dma_wait3A_383 = tpu.memref_squeeze %dma_wait3A_382 : memref<1x128xi32, #tpu.memory_space<vmem>> -> memref<128xi32, #tpu.memory_space<vmem>>
      %dma_wait3A_384 = arith.constant 0 : i32
      %dma_wait3A_385 = arith.constant 0 : i32
      %dma_wait3A_386 = tpu.memref_slice %arg11[%dma_wait3A_384, %dma_wait3A_385] : memref<10112x16xf32, #tpu.memory_space<vmem_shared>> -> memref<10112x16xf32, #tpu.memory_space<vmem_shared>>
      %dma_wait3A_387 = tpu.memref_slice %arg13[%dma_wait3A_376] : memref<8x!tpu.dma_semaphore, #tpu.memory_space<semaphore_mem>> -> memref<1x!tpu.dma_semaphore, #tpu.memory_space<semaphore_mem>>
      %dma_wait3A_388 = tpu.memref_squeeze %dma_wait3A_387 : memref<1x!tpu.dma_semaphore, #tpu.memory_space<semaphore_mem>> -> memref<!tpu.dma_semaphore, #tpu.memory_space<semaphore_mem>>
      tpu.wait_indirect_dma semaphore(%dma_wait3A_388 : memref<!tpu.dma_semaphore, #tpu.memory_space<semaphore_mem>>) src(%dma_wait3A_386 : memref<10112x16xf32, #tpu.memory_space<vmem_shared>>) dst(%dma_wait3A_380 : memref<128x16xf32, #tpu.memory_space<vmem>>)
      %add3A_389 = arith.constant 1 : i32
      %add3A_390 = arith.addi %mul3A_340, %add3A_389 : i32
      %dma_start3A_391 = arith.constant 1 : i32
      %dma_start3A_392 = arith.constant 1 : i32
      %dma_start3A_393 = arith.constant 0 : i32
      %dma_start3A_394 = arith.constant 0 : i32
      %dma_start3A_395 = tpu.memref_slice %arg8[%dma_start3A_391, %dma_start3A_393, %dma_start3A_394] : memref<8x128x16xf32, #tpu.memory_space<vmem>> -> memref<1x128x16xf32, #tpu.memory_space<vmem>>
      %dma_start3A_396 = tpu.memref_squeeze %dma_start3A_395 : memref<1x128x16xf32, #tpu.memory_space<vmem>> -> memref<128x16xf32, #tpu.memory_space<vmem>>
      %dma_start3A_397 = arith.constant 0 : i32
      %dma_start3A_398 = tpu.memref_slice %arg7[%add3A_390, %dma_start3A_397] : memref<80x128xi32, #tpu.memory_space<vmem>> -> memref<1x128xi32, #tpu.memory_space<vmem>>
      %dma_start3A_399 = tpu.memref_squeeze %dma_start3A_398 : memref<1x128xi32, #tpu.memory_space<vmem>> -> memref<128xi32, #tpu.memory_space<vmem>>
      %dma_start3A_400 = arith.constant 0 : i32
      %dma_start3A_401 = arith.constant 0 : i32
      %dma_start3A_402 = tpu.memref_slice %arg12[%dma_start3A_400, %dma_start3A_401] : memref<10112x16xf32, #tpu.memory_space<vmem_shared>> -> memref<10112x16xf32, #tpu.memory_space<vmem_shared>>
      %dma_start3A_403 = tpu.memref_slice %arg14[%dma_start3A_392] : memref<8x!tpu.dma_semaphore, #tpu.memory_space<semaphore_mem>> -> memref<1x!tpu.dma_semaphore, #tpu.memory_space<semaphore_mem>>
      %dma_start3A_404 = tpu.memref_squeeze %dma_start3A_403 : memref<1x!tpu.dma_semaphore, #tpu.memory_space<semaphore_mem>> -> memref<!tpu.dma_semaphore, #tpu.memory_space<semaphore_mem>>
      tpu.enqueue_indirect_dma source(%dma_start3A_396 : memref<128x16xf32, #tpu.memory_space<vmem>>) target(%dma_start3A_402 : memref<10112x16xf32, #tpu.memory_space<vmem_shared>>) offsets(%dma_start3A_399 : memref<128xi32, #tpu.memory_space<vmem>>) semaphore(%dma_start3A_404 : memref<!tpu.dma_semaphore, #tpu.memory_space<semaphore_mem>>) {add = true}
      %add3A_405 = arith.constant 2 : i32
      %add3A_406 = arith.addi %mul3A_340, %add3A_405 : i32
      %dma_wait3A_407 = arith.constant 2 : i32
      %dma_wait3A_408 = arith.constant 2 : i32
      %dma_wait3A_409 = arith.constant 0 : i32
      %dma_wait3A_410 = arith.constant 0 : i32
      %dma_wait3A_411 = tpu.memref_slice %arg8[%dma_wait3A_407, %dma_wait3A_409, %dma_wait3A_410] : memref<8x128x16xf32, #tpu.memory_space<vmem>> -> memref<1x128x16xf32, #tpu.memory_space<vmem>>
      %dma_wait3A_412 = tpu.memref_squeeze %dma_wait3A_411 : memref<1x128x16xf32, #tpu.memory_space<vmem>> -> memref<128x16xf32, #tpu.memory_space<vmem>>
      %dma_wait3A_413 = arith.constant 0 : i32
      %dma_wait3A_414 = tpu.memref_slice %arg6[%add3A_406, %dma_wait3A_413] : memref<80x128xi32, #tpu.memory_space<vmem>> -> memref<1x128xi32, #tpu.memory_space<vmem>>
      %dma_wait3A_415 = tpu.memref_squeeze %dma_wait3A_414 : memref<1x128xi32, #tpu.memory_space<vmem>> -> memref<128xi32, #tpu.memory_space<vmem>>
      %dma_wait3A_416 = arith.constant 0 : i32
      %dma_wait3A_417 = arith.constant 0 : i32
      %dma_wait3A_418 = tpu.memref_slice %arg11[%dma_wait3A_416, %dma_wait3A_417] : memref<10112x16xf32, #tpu.memory_space<vmem_shared>> -> memref<10112x16xf32, #tpu.memory_space<vmem_shared>>
      %dma_wait3A_419 = tpu.memref_slice %arg13[%dma_wait3A_408] : memref<8x!tpu.dma_semaphore, #tpu.memory_space<semaphore_mem>> -> memref<1x!tpu.dma_semaphore, #tpu.memory_space<semaphore_mem>>
      %dma_wait3A_420 = tpu.memref_squeeze %dma_wait3A_419 : memref<1x!tpu.dma_semaphore, #tpu.memory_space<semaphore_mem>> -> memref<!tpu.dma_semaphore, #tpu.memory_space<semaphore_mem>>
      tpu.wait_indirect_dma semaphore(%dma_wait3A_420 : memref<!tpu.dma_semaphore, #tpu.memory_space<semaphore_mem>>) src(%dma_wait3A_418 : memref<10112x16xf32, #tpu.memory_space<vmem_shared>>) dst(%dma_wait3A_412 : memref<128x16xf32, #tpu.memory_space<vmem>>)
      %add3A_421 = arith.constant 2 : i32
      %add3A_422 = arith.addi %mul3A_340, %add3A_421 : i32
      %dma_start3A_423 = arith.constant 2 : i32
      %dma_start3A_424 = arith.constant 2 : i32
      %dma_start3A_425 = arith.constant 0 : i32
      %dma_start3A_426 = arith.constant 0 : i32
      %dma_start3A_427 = tpu.memref_slice %arg8[%dma_start3A_423, %dma_start3A_425, %dma_start3A_426] : memref<8x128x16xf32, #tpu.memory_space<vmem>> -> memref<1x128x16xf32, #tpu.memory_space<vmem>>
      %dma_start3A_428 = tpu.memref_squeeze %dma_start3A_427 : memref<1x128x16xf32, #tpu.memory_space<vmem>> -> memref<128x16xf32, #tpu.memory_space<vmem>>
      %dma_start3A_429 = arith.constant 0 : i32
      %dma_start3A_430 = tpu.memref_slice %arg7[%add3A_422, %dma_start3A_429] : memref<80x128xi32, #tpu.memory_space<vmem>> -> memref<1x128xi32, #tpu.memory_space<vmem>>
      %dma_start3A_431 = tpu.memref_squeeze %dma_start3A_430 : memref<1x128xi32, #tpu.memory_space<vmem>> -> memref<128xi32, #tpu.memory_space<vmem>>
      %dma_start3A_432 = arith.constant 0 : i32
      %dma_start3A_433 = arith.constant 0 : i32
      %dma_start3A_434 = tpu.memref_slice %arg12[%dma_start3A_432, %dma_start3A_433] : memref<10112x16xf32, #tpu.memory_space<vmem_shared>> -> memref<10112x16xf32, #tpu.memory_space<vmem_shared>>
      %dma_start3A_435 = tpu.memref_slice %arg14[%dma_start3A_424] : memref<8x!tpu.dma_semaphore, #tpu.memory_space<semaphore_mem>> -> memref<1x!tpu.dma_semaphore, #tpu.memory_space<semaphore_mem>>
      %dma_start3A_436 = tpu.memref_squeeze %dma_start3A_435 : memref<1x!tpu.dma_semaphore, #tpu.memory_space<semaphore_mem>> -> memref<!tpu.dma_semaphore, #tpu.memory_space<semaphore_mem>>
      tpu.enqueue_indirect_dma source(%dma_start3A_428 : memref<128x16xf32, #tpu.memory_space<vmem>>) target(%dma_start3A_434 : memref<10112x16xf32, #tpu.memory_space<vmem_shared>>) offsets(%dma_start3A_431 : memref<128xi32, #tpu.memory_space<vmem>>) semaphore(%dma_start3A_436 : memref<!tpu.dma_semaphore, #tpu.memory_space<semaphore_mem>>) {add = true}
      %add3A_437 = arith.constant 3 : i32
      %add3A_438 = arith.addi %mul3A_340, %add3A_437 : i32
      %dma_wait3A_439 = arith.constant 3 : i32
      %dma_wait3A_440 = arith.constant 3 : i32
      %dma_wait3A_441 = arith.constant 0 : i32
      %dma_wait3A_442 = arith.constant 0 : i32
      %dma_wait3A_443 = tpu.memref_slice %arg8[%dma_wait3A_439, %dma_wait3A_441, %dma_wait3A_442] : memref<8x128x16xf32, #tpu.memory_space<vmem>> -> memref<1x128x16xf32, #tpu.memory_space<vmem>>
      %dma_wait3A_444 = tpu.memref_squeeze %dma_wait3A_443 : memref<1x128x16xf32, #tpu.memory_space<vmem>> -> memref<128x16xf32, #tpu.memory_space<vmem>>
      %dma_wait3A_445 = arith.constant 0 : i32
      %dma_wait3A_446 = tpu.memref_slice %arg6[%add3A_438, %dma_wait3A_445] : memref<80x128xi32, #tpu.memory_space<vmem>> -> memref<1x128xi32, #tpu.memory_space<vmem>>
      %dma_wait3A_447 = tpu.memref_squeeze %dma_wait3A_446 : memref<1x128xi32, #tpu.memory_space<vmem>> -> memref<128xi32, #tpu.memory_space<vmem>>
      %dma_wait3A_448 = arith.constant 0 : i32
      %dma_wait3A_449 = arith.constant 0 : i32
      %dma_wait3A_450 = tpu.memref_slice %arg11[%dma_wait3A_448, %dma_wait3A_449] : memref<10112x16xf32, #tpu.memory_space<vmem_shared>> -> memref<10112x16xf32, #tpu.memory_space<vmem_shared>>
      %dma_wait3A_451 = tpu.memref_slice %arg13[%dma_wait3A_440] : memref<8x!tpu.dma_semaphore, #tpu.memory_space<semaphore_mem>> -> memref<1x!tpu.dma_semaphore, #tpu.memory_space<semaphore_mem>>
      %dma_wait3A_452 = tpu.memref_squeeze %dma_wait3A_451 : memref<1x!tpu.dma_semaphore, #tpu.memory_space<semaphore_mem>> -> memref<!tpu.dma_semaphore, #tpu.memory_space<semaphore_mem>>
      tpu.wait_indirect_dma semaphore(%dma_wait3A_452 : memref<!tpu.dma_semaphore, #tpu.memory_space<semaphore_mem>>) src(%dma_wait3A_450 : memref<10112x16xf32, #tpu.memory_space<vmem_shared>>) dst(%dma_wait3A_444 : memref<128x16xf32, #tpu.memory_space<vmem>>)
      %add3A_453 = arith.constant 3 : i32
      %add3A_454 = arith.addi %mul3A_340, %add3A_453 : i32
      %dma_start3A_455 = arith.constant 3 : i32
      %dma_start3A_456 = arith.constant 3 : i32
      %dma_start3A_457 = arith.constant 0 : i32
      %dma_start3A_458 = arith.constant 0 : i32
      %dma_start3A_459 = tpu.memref_slice %arg8[%dma_start3A_455, %dma_start3A_457, %dma_start3A_458] : memref<8x128x16xf32, #tpu.memory_space<vmem>> -> memref<1x128x16xf32, #tpu.memory_space<vmem>>
      %dma_start3A_460 = tpu.memref_squeeze %dma_start3A_459 : memref<1x128x16xf32, #tpu.memory_space<vmem>> -> memref<128x16xf32, #tpu.memory_space<vmem>>
      %dma_start3A_461 = arith.constant 0 : i32
      %dma_start3A_462 = tpu.memref_slice %arg7[%add3A_454, %dma_start3A_461] : memref<80x128xi32, #tpu.memory_space<vmem>> -> memref<1x128xi32, #tpu.memory_space<vmem>>
      %dma_start3A_463 = tpu.memref_squeeze %dma_start3A_462 : memref<1x128xi32, #tpu.memory_space<vmem>> -> memref<128xi32, #tpu.memory_space<vmem>>
      %dma_start3A_464 = arith.constant 0 : i32
      %dma_start3A_465 = arith.constant 0 : i32
      %dma_start3A_466 = tpu.memref_slice %arg12[%dma_start3A_464, %dma_start3A_465] : memref<10112x16xf32, #tpu.memory_space<vmem_shared>> -> memref<10112x16xf32, #tpu.memory_space<vmem_shared>>
      %dma_start3A_467 = tpu.memref_slice %arg14[%dma_start3A_456] : memref<8x!tpu.dma_semaphore, #tpu.memory_space<semaphore_mem>> -> memref<1x!tpu.dma_semaphore, #tpu.memory_space<semaphore_mem>>
      %dma_start3A_468 = tpu.memref_squeeze %dma_start3A_467 : memref<1x!tpu.dma_semaphore, #tpu.memory_space<semaphore_mem>> -> memref<!tpu.dma_semaphore, #tpu.memory_space<semaphore_mem>>
      tpu.enqueue_indirect_dma source(%dma_start3A_460 : memref<128x16xf32, #tpu.memory_space<vmem>>) target(%dma_start3A_466 : memref<10112x16xf32, #tpu.memory_space<vmem_shared>>) offsets(%dma_start3A_463 : memref<128xi32, #tpu.memory_space<vmem>>) semaphore(%dma_start3A_468 : memref<!tpu.dma_semaphore, #tpu.memory_space<semaphore_mem>>) {add = true}
      %add3A_469 = arith.constant 4 : i32
      %add3A_470 = arith.addi %mul3A_340, %add3A_469 : i32
      %dma_wait3A_471 = arith.constant 4 : i32
      %dma_wait3A_472 = arith.constant 4 : i32
      %dma_wait3A_473 = arith.constant 0 : i32
      %dma_wait3A_474 = arith.constant 0 : i32
      %dma_wait3A_475 = tpu.memref_slice %arg8[%dma_wait3A_471, %dma_wait3A_473, %dma_wait3A_474] : memref<8x128x16xf32, #tpu.memory_space<vmem>> -> memref<1x128x16xf32, #tpu.memory_space<vmem>>
      %dma_wait3A_476 = tpu.memref_squeeze %dma_wait3A_475 : memref<1x128x16xf32, #tpu.memory_space<vmem>> -> memref<128x16xf32, #tpu.memory_space<vmem>>
      %dma_wait3A_477 = arith.constant 0 : i32
      %dma_wait3A_478 = tpu.memref_slice %arg6[%add3A_470, %dma_wait3A_477] : memref<80x128xi32, #tpu.memory_space<vmem>> -> memref<1x128xi32, #tpu.memory_space<vmem>>
      %dma_wait3A_479 = tpu.memref_squeeze %dma_wait3A_478 : memref<1x128xi32, #tpu.memory_space<vmem>> -> memref<128xi32, #tpu.memory_space<vmem>>
      %dma_wait3A_480 = arith.constant 0 : i32
      %dma_wait3A_481 = arith.constant 0 : i32
      %dma_wait3A_482 = tpu.memref_slice %arg11[%dma_wait3A_480, %dma_wait3A_481] : memref<10112x16xf32, #tpu.memory_space<vmem_shared>> -> memref<10112x16xf32, #tpu.memory_space<vmem_shared>>
      %dma_wait3A_483 = tpu.memref_slice %arg13[%dma_wait3A_472] : memref<8x!tpu.dma_semaphore, #tpu.memory_space<semaphore_mem>> -> memref<1x!tpu.dma_semaphore, #tpu.memory_space<semaphore_mem>>
      %dma_wait3A_484 = tpu.memref_squeeze %dma_wait3A_483 : memref<1x!tpu.dma_semaphore, #tpu.memory_space<semaphore_mem>> -> memref<!tpu.dma_semaphore, #tpu.memory_space<semaphore_mem>>
      tpu.wait_indirect_dma semaphore(%dma_wait3A_484 : memref<!tpu.dma_semaphore, #tpu.memory_space<semaphore_mem>>) src(%dma_wait3A_482 : memref<10112x16xf32, #tpu.memory_space<vmem_shared>>) dst(%dma_wait3A_476 : memref<128x16xf32, #tpu.memory_space<vmem>>)
      %add3A_485 = arith.constant 4 : i32
      %add3A_486 = arith.addi %mul3A_340, %add3A_485 : i32
      %dma_start3A_487 = arith.constant 4 : i32
      %dma_start3A_488 = arith.constant 4 : i32
      %dma_start3A_489 = arith.constant 0 : i32
      %dma_start3A_490 = arith.constant 0 : i32
      %dma_start3A_491 = tpu.memref_slice %arg8[%dma_start3A_487, %dma_start3A_489, %dma_start3A_490] : memref<8x128x16xf32, #tpu.memory_space<vmem>> -> memref<1x128x16xf32, #tpu.memory_space<vmem>>
      %dma_start3A_492 = tpu.memref_squeeze %dma_start3A_491 : memref<1x128x16xf32, #tpu.memory_space<vmem>> -> memref<128x16xf32, #tpu.memory_space<vmem>>
      %dma_start3A_493 = arith.constant 0 : i32
      %dma_start3A_494 = tpu.memref_slice %arg7[%add3A_486, %dma_start3A_493] : memref<80x128xi32, #tpu.memory_space<vmem>> -> memref<1x128xi32, #tpu.memory_space<vmem>>
      %dma_start3A_495 = tpu.memref_squeeze %dma_start3A_494 : memref<1x128xi32, #tpu.memory_space<vmem>> -> memref<128xi32, #tpu.memory_space<vmem>>
      %dma_start3A_496 = arith.constant 0 : i32
      %dma_start3A_497 = arith.constant 0 : i32
      %dma_start3A_498 = tpu.memref_slice %arg12[%dma_start3A_496, %dma_start3A_497] : memref<10112x16xf32, #tpu.memory_space<vmem_shared>> -> memref<10112x16xf32, #tpu.memory_space<vmem_shared>>
      %dma_start3A_499 = tpu.memref_slice %arg14[%dma_start3A_488] : memref<8x!tpu.dma_semaphore, #tpu.memory_space<semaphore_mem>> -> memref<1x!tpu.dma_semaphore, #tpu.memory_space<semaphore_mem>>
      %dma_start3A_500 = tpu.memref_squeeze %dma_start3A_499 : memref<1x!tpu.dma_semaphore, #tpu.memory_space<semaphore_mem>> -> memref<!tpu.dma_semaphore, #tpu.memory_space<semaphore_mem>>
      tpu.enqueue_indirect_dma source(%dma_start3A_492 : memref<128x16xf32, #tpu.memory_space<vmem>>) target(%dma_start3A_498 : memref<10112x16xf32, #tpu.memory_space<vmem_shared>>) offsets(%dma_start3A_495 : memref<128xi32, #tpu.memory_space<vmem>>) semaphore(%dma_start3A_500 : memref<!tpu.dma_semaphore, #tpu.memory_space<semaphore_mem>>) {add = true}
      %add3A_501 = arith.constant 5 : i32
      %add3A_502 = arith.addi %mul3A_340, %add3A_501 : i32
      %dma_wait3A_503 = arith.constant 5 : i32
      %dma_wait3A_504 = arith.constant 5 : i32
      %dma_wait3A_505 = arith.constant 0 : i32
      %dma_wait3A_506 = arith.constant 0 : i32
      %dma_wait3A_507 = tpu.memref_slice %arg8[%dma_wait3A_503, %dma_wait3A_505, %dma_wait3A_506] : memref<8x128x16xf32, #tpu.memory_space<vmem>> -> memref<1x128x16xf32, #tpu.memory_space<vmem>>
      %dma_wait3A_508 = tpu.memref_squeeze %dma_wait3A_507 : memref<1x128x16xf32, #tpu.memory_space<vmem>> -> memref<128x16xf32, #tpu.memory_space<vmem>>
      %dma_wait3A_509 = arith.constant 0 : i32
      %dma_wait3A_510 = tpu.memref_slice %arg6[%add3A_502, %dma_wait3A_509] : memref<80x128xi32, #tpu.memory_space<vmem>> -> memref<1x128xi32, #tpu.memory_space<vmem>>
      %dma_wait3A_511 = tpu.memref_squeeze %dma_wait3A_510 : memref<1x128xi32, #tpu.memory_space<vmem>> -> memref<128xi32, #tpu.memory_space<vmem>>
      %dma_wait3A_512 = arith.constant 0 : i32
      %dma_wait3A_513 = arith.constant 0 : i32
      %dma_wait3A_514 = tpu.memref_slice %arg11[%dma_wait3A_512, %dma_wait3A_513] : memref<10112x16xf32, #tpu.memory_space<vmem_shared>> -> memref<10112x16xf32, #tpu.memory_space<vmem_shared>>
      %dma_wait3A_515 = tpu.memref_slice %arg13[%dma_wait3A_504] : memref<8x!tpu.dma_semaphore, #tpu.memory_space<semaphore_mem>> -> memref<1x!tpu.dma_semaphore, #tpu.memory_space<semaphore_mem>>
      %dma_wait3A_516 = tpu.memref_squeeze %dma_wait3A_515 : memref<1x!tpu.dma_semaphore, #tpu.memory_space<semaphore_mem>> -> memref<!tpu.dma_semaphore, #tpu.memory_space<semaphore_mem>>
      tpu.wait_indirect_dma semaphore(%dma_wait3A_516 : memref<!tpu.dma_semaphore, #tpu.memory_space<semaphore_mem>>) src(%dma_wait3A_514 : memref<10112x16xf32, #tpu.memory_space<vmem_shared>>) dst(%dma_wait3A_508 : memref<128x16xf32, #tpu.memory_space<vmem>>)
      %add3A_517 = arith.constant 5 : i32
      %add3A_518 = arith.addi %mul3A_340, %add3A_517 : i32
      %dma_start3A_519 = arith.constant 5 : i32
      %dma_start3A_520 = arith.constant 5 : i32
      %dma_start3A_521 = arith.constant 0 : i32
      %dma_start3A_522 = arith.constant 0 : i32
      %dma_start3A_523 = tpu.memref_slice %arg8[%dma_start3A_519, %dma_start3A_521, %dma_start3A_522] : memref<8x128x16xf32, #tpu.memory_space<vmem>> -> memref<1x128x16xf32, #tpu.memory_space<vmem>>
      %dma_start3A_524 = tpu.memref_squeeze %dma_start3A_523 : memref<1x128x16xf32, #tpu.memory_space<vmem>> -> memref<128x16xf32, #tpu.memory_space<vmem>>
      %dma_start3A_525 = arith.constant 0 : i32
      %dma_start3A_526 = tpu.memref_slice %arg7[%add3A_518, %dma_start3A_525] : memref<80x128xi32, #tpu.memory_space<vmem>> -> memref<1x128xi32, #tpu.memory_space<vmem>>
      %dma_start3A_527 = tpu.memref_squeeze %dma_start3A_526 : memref<1x128xi32, #tpu.memory_space<vmem>> -> memref<128xi32, #tpu.memory_space<vmem>>
      %dma_start3A_528 = arith.constant 0 : i32
      %dma_start3A_529 = arith.constant 0 : i32
      %dma_start3A_530 = tpu.memref_slice %arg12[%dma_start3A_528, %dma_start3A_529] : memref<10112x16xf32, #tpu.memory_space<vmem_shared>> -> memref<10112x16xf32, #tpu.memory_space<vmem_shared>>
      %dma_start3A_531 = tpu.memref_slice %arg14[%dma_start3A_520] : memref<8x!tpu.dma_semaphore, #tpu.memory_space<semaphore_mem>> -> memref<1x!tpu.dma_semaphore, #tpu.memory_space<semaphore_mem>>
      %dma_start3A_532 = tpu.memref_squeeze %dma_start3A_531 : memref<1x!tpu.dma_semaphore, #tpu.memory_space<semaphore_mem>> -> memref<!tpu.dma_semaphore, #tpu.memory_space<semaphore_mem>>
      tpu.enqueue_indirect_dma source(%dma_start3A_524 : memref<128x16xf32, #tpu.memory_space<vmem>>) target(%dma_start3A_530 : memref<10112x16xf32, #tpu.memory_space<vmem_shared>>) offsets(%dma_start3A_527 : memref<128xi32, #tpu.memory_space<vmem>>) semaphore(%dma_start3A_532 : memref<!tpu.dma_semaphore, #tpu.memory_space<semaphore_mem>>) {add = true}
      %add3A_533 = arith.constant 6 : i32
      %add3A_534 = arith.addi %mul3A_340, %add3A_533 : i32
      %dma_wait3A_535 = arith.constant 6 : i32
      %dma_wait3A_536 = arith.constant 6 : i32
      %dma_wait3A_537 = arith.constant 0 : i32
      %dma_wait3A_538 = arith.constant 0 : i32
      %dma_wait3A_539 = tpu.memref_slice %arg8[%dma_wait3A_535, %dma_wait3A_537, %dma_wait3A_538] : memref<8x128x16xf32, #tpu.memory_space<vmem>> -> memref<1x128x16xf32, #tpu.memory_space<vmem>>
      %dma_wait3A_540 = tpu.memref_squeeze %dma_wait3A_539 : memref<1x128x16xf32, #tpu.memory_space<vmem>> -> memref<128x16xf32, #tpu.memory_space<vmem>>
      %dma_wait3A_541 = arith.constant 0 : i32
      %dma_wait3A_542 = tpu.memref_slice %arg6[%add3A_534, %dma_wait3A_541] : memref<80x128xi32, #tpu.memory_space<vmem>> -> memref<1x128xi32, #tpu.memory_space<vmem>>
      %dma_wait3A_543 = tpu.memref_squeeze %dma_wait3A_542 : memref<1x128xi32, #tpu.memory_space<vmem>> -> memref<128xi32, #tpu.memory_space<vmem>>
      %dma_wait3A_544 = arith.constant 0 : i32
      %dma_wait3A_545 = arith.constant 0 : i32
      %dma_wait3A_546 = tpu.memref_slice %arg11[%dma_wait3A_544, %dma_wait3A_545] : memref<10112x16xf32, #tpu.memory_space<vmem_shared>> -> memref<10112x16xf32, #tpu.memory_space<vmem_shared>>
      %dma_wait3A_547 = tpu.memref_slice %arg13[%dma_wait3A_536] : memref<8x!tpu.dma_semaphore, #tpu.memory_space<semaphore_mem>> -> memref<1x!tpu.dma_semaphore, #tpu.memory_space<semaphore_mem>>
      %dma_wait3A_548 = tpu.memref_squeeze %dma_wait3A_547 : memref<1x!tpu.dma_semaphore, #tpu.memory_space<semaphore_mem>> -> memref<!tpu.dma_semaphore, #tpu.memory_space<semaphore_mem>>
      tpu.wait_indirect_dma semaphore(%dma_wait3A_548 : memref<!tpu.dma_semaphore, #tpu.memory_space<semaphore_mem>>) src(%dma_wait3A_546 : memref<10112x16xf32, #tpu.memory_space<vmem_shared>>) dst(%dma_wait3A_540 : memref<128x16xf32, #tpu.memory_space<vmem>>)
      %add3A_549 = arith.constant 6 : i32
      %add3A_550 = arith.addi %mul3A_340, %add3A_549 : i32
      %dma_start3A_551 = arith.constant 6 : i32
      %dma_start3A_552 = arith.constant 6 : i32
      %dma_start3A_553 = arith.constant 0 : i32
      %dma_start3A_554 = arith.constant 0 : i32
      %dma_start3A_555 = tpu.memref_slice %arg8[%dma_start3A_551, %dma_start3A_553, %dma_start3A_554] : memref<8x128x16xf32, #tpu.memory_space<vmem>> -> memref<1x128x16xf32, #tpu.memory_space<vmem>>
      %dma_start3A_556 = tpu.memref_squeeze %dma_start3A_555 : memref<1x128x16xf32, #tpu.memory_space<vmem>> -> memref<128x16xf32, #tpu.memory_space<vmem>>
      %dma_start3A_557 = arith.constant 0 : i32
      %dma_start3A_558 = tpu.memref_slice %arg7[%add3A_550, %dma_start3A_557] : memref<80x128xi32, #tpu.memory_space<vmem>> -> memref<1x128xi32, #tpu.memory_space<vmem>>
      %dma_start3A_559 = tpu.memref_squeeze %dma_start3A_558 : memref<1x128xi32, #tpu.memory_space<vmem>> -> memref<128xi32, #tpu.memory_space<vmem>>
      %dma_start3A_560 = arith.constant 0 : i32
      %dma_start3A_561 = arith.constant 0 : i32
      %dma_start3A_562 = tpu.memref_slice %arg12[%dma_start3A_560, %dma_start3A_561] : memref<10112x16xf32, #tpu.memory_space<vmem_shared>> -> memref<10112x16xf32, #tpu.memory_space<vmem_shared>>
      %dma_start3A_563 = tpu.memref_slice %arg14[%dma_start3A_552] : memref<8x!tpu.dma_semaphore, #tpu.memory_space<semaphore_mem>> -> memref<1x!tpu.dma_semaphore, #tpu.memory_space<semaphore_mem>>
      %dma_start3A_564 = tpu.memref_squeeze %dma_start3A_563 : memref<1x!tpu.dma_semaphore, #tpu.memory_space<semaphore_mem>> -> memref<!tpu.dma_semaphore, #tpu.memory_space<semaphore_mem>>
      tpu.enqueue_indirect_dma source(%dma_start3A_556 : memref<128x16xf32, #tpu.memory_space<vmem>>) target(%dma_start3A_562 : memref<10112x16xf32, #tpu.memory_space<vmem_shared>>) offsets(%dma_start3A_559 : memref<128xi32, #tpu.memory_space<vmem>>) semaphore(%dma_start3A_564 : memref<!tpu.dma_semaphore, #tpu.memory_space<semaphore_mem>>) {add = true}
      %add3A_565 = arith.constant 7 : i32
      %add3A_566 = arith.addi %mul3A_340, %add3A_565 : i32
      %dma_wait3A_567 = arith.constant 7 : i32
      %dma_wait3A_568 = arith.constant 7 : i32
      %dma_wait3A_569 = arith.constant 0 : i32
      %dma_wait3A_570 = arith.constant 0 : i32
      %dma_wait3A_571 = tpu.memref_slice %arg8[%dma_wait3A_567, %dma_wait3A_569, %dma_wait3A_570] : memref<8x128x16xf32, #tpu.memory_space<vmem>> -> memref<1x128x16xf32, #tpu.memory_space<vmem>>
      %dma_wait3A_572 = tpu.memref_squeeze %dma_wait3A_571 : memref<1x128x16xf32, #tpu.memory_space<vmem>> -> memref<128x16xf32, #tpu.memory_space<vmem>>
      %dma_wait3A_573 = arith.constant 0 : i32
      %dma_wait3A_574 = tpu.memref_slice %arg6[%add3A_566, %dma_wait3A_573] : memref<80x128xi32, #tpu.memory_space<vmem>> -> memref<1x128xi32, #tpu.memory_space<vmem>>
      %dma_wait3A_575 = tpu.memref_squeeze %dma_wait3A_574 : memref<1x128xi32, #tpu.memory_space<vmem>> -> memref<128xi32, #tpu.memory_space<vmem>>
      %dma_wait3A_576 = arith.constant 0 : i32
      %dma_wait3A_577 = arith.constant 0 : i32
      %dma_wait3A_578 = tpu.memref_slice %arg11[%dma_wait3A_576, %dma_wait3A_577] : memref<10112x16xf32, #tpu.memory_space<vmem_shared>> -> memref<10112x16xf32, #tpu.memory_space<vmem_shared>>
      %dma_wait3A_579 = tpu.memref_slice %arg13[%dma_wait3A_568] : memref<8x!tpu.dma_semaphore, #tpu.memory_space<semaphore_mem>> -> memref<1x!tpu.dma_semaphore, #tpu.memory_space<semaphore_mem>>
      %dma_wait3A_580 = tpu.memref_squeeze %dma_wait3A_579 : memref<1x!tpu.dma_semaphore, #tpu.memory_space<semaphore_mem>> -> memref<!tpu.dma_semaphore, #tpu.memory_space<semaphore_mem>>
      tpu.wait_indirect_dma semaphore(%dma_wait3A_580 : memref<!tpu.dma_semaphore, #tpu.memory_space<semaphore_mem>>) src(%dma_wait3A_578 : memref<10112x16xf32, #tpu.memory_space<vmem_shared>>) dst(%dma_wait3A_572 : memref<128x16xf32, #tpu.memory_space<vmem>>)
      %add3A_581 = arith.constant 7 : i32
      %add3A_582 = arith.addi %mul3A_340, %add3A_581 : i32
      %dma_start3A_583 = arith.constant 7 : i32
      %dma_start3A_584 = arith.constant 7 : i32
      %dma_start3A_585 = arith.constant 0 : i32
      %dma_start3A_586 = arith.constant 0 : i32
      %dma_start3A_587 = tpu.memref_slice %arg8[%dma_start3A_583, %dma_start3A_585, %dma_start3A_586] : memref<8x128x16xf32, #tpu.memory_space<vmem>> -> memref<1x128x16xf32, #tpu.memory_space<vmem>>
      %dma_start3A_588 = tpu.memref_squeeze %dma_start3A_587 : memref<1x128x16xf32, #tpu.memory_space<vmem>> -> memref<128x16xf32, #tpu.memory_space<vmem>>
      %dma_start3A_589 = arith.constant 0 : i32
      %dma_start3A_590 = tpu.memref_slice %arg7[%add3A_582, %dma_start3A_589] : memref<80x128xi32, #tpu.memory_space<vmem>> -> memref<1x128xi32, #tpu.memory_space<vmem>>
      %dma_start3A_591 = tpu.memref_squeeze %dma_start3A_590 : memref<1x128xi32, #tpu.memory_space<vmem>> -> memref<128xi32, #tpu.memory_space<vmem>>
      %dma_start3A_592 = arith.constant 0 : i32
      %dma_start3A_593 = arith.constant 0 : i32
      %dma_start3A_594 = tpu.memref_slice %arg12[%dma_start3A_592, %dma_start3A_593] : memref<10112x16xf32, #tpu.memory_space<vmem_shared>> -> memref<10112x16xf32, #tpu.memory_space<vmem_shared>>
      %dma_start3A_595 = tpu.memref_slice %arg14[%dma_start3A_584] : memref<8x!tpu.dma_semaphore, #tpu.memory_space<semaphore_mem>> -> memref<1x!tpu.dma_semaphore, #tpu.memory_space<semaphore_mem>>
      %dma_start3A_596 = tpu.memref_squeeze %dma_start3A_595 : memref<1x!tpu.dma_semaphore, #tpu.memory_space<semaphore_mem>> -> memref<!tpu.dma_semaphore, #tpu.memory_space<semaphore_mem>>
      tpu.enqueue_indirect_dma source(%dma_start3A_588 : memref<128x16xf32, #tpu.memory_space<vmem>>) target(%dma_start3A_594 : memref<10112x16xf32, #tpu.memory_space<vmem_shared>>) offsets(%dma_start3A_591 : memref<128xi32, #tpu.memory_space<vmem>>) semaphore(%dma_start3A_596 : memref<!tpu.dma_semaphore, #tpu.memory_space<semaphore_mem>>) {add = true}
      %lt3A = arith.constant 9 : i32
      %lt3A_597 = arith.cmpi slt, %add3A_338, %lt3A : i32
      %convert_element_type3A = arith.extui %lt3A_597 : i1 to i32
      %cond3A = arith.constant 0 : i32
      %cond3A_598 = arith.cmpi ne, %convert_element_type3A, %cond3A : i32
      scf.if %cond3A_598 {
        %add3A_599 = arith.constant 0 : i32
        %add3A_600 = arith.addi %mul3A_340, %add3A_599 : i32
        %dma_wait3A_601 = arith.constant 0 : i32
        %dma_wait3A_602 = arith.constant 0 : i32
        %dma_wait3A_603 = arith.constant 0 : i32
        %dma_wait3A_604 = arith.constant 0 : i32
        %dma_wait3A_605 = tpu.memref_slice %arg8[%dma_wait3A_601, %dma_wait3A_603, %dma_wait3A_604] : memref<8x128x16xf32, #tpu.memory_space<vmem>> -> memref<1x128x16xf32, #tpu.memory_space<vmem>>
        %dma_wait3A_606 = tpu.memref_squeeze %dma_wait3A_605 : memref<1x128x16xf32, #tpu.memory_space<vmem>> -> memref<128x16xf32, #tpu.memory_space<vmem>>
        %dma_wait3A_607 = arith.constant 0 : i32
        %dma_wait3A_608 = tpu.memref_slice %arg7[%add3A_600, %dma_wait3A_607] : memref<80x128xi32, #tpu.memory_space<vmem>> -> memref<1x128xi32, #tpu.memory_space<vmem>>
        %dma_wait3A_609 = tpu.memref_squeeze %dma_wait3A_608 : memref<1x128xi32, #tpu.memory_space<vmem>> -> memref<128xi32, #tpu.memory_space<vmem>>
        %dma_wait3A_610 = arith.constant 0 : i32
        %dma_wait3A_611 = arith.constant 0 : i32
        %dma_wait3A_612 = tpu.memref_slice %arg12[%dma_wait3A_610, %dma_wait3A_611] : memref<10112x16xf32, #tpu.memory_space<vmem_shared>> -> memref<10112x16xf32, #tpu.memory_space<vmem_shared>>
        %dma_wait3A_613 = tpu.memref_slice %arg14[%dma_wait3A_602] : memref<8x!tpu.dma_semaphore, #tpu.memory_space<semaphore_mem>> -> memref<1x!tpu.dma_semaphore, #tpu.memory_space<semaphore_mem>>
        %dma_wait3A_614 = tpu.memref_squeeze %dma_wait3A_613 : memref<1x!tpu.dma_semaphore, #tpu.memory_space<semaphore_mem>> -> memref<!tpu.dma_semaphore, #tpu.memory_space<semaphore_mem>>
        tpu.wait_indirect_dma semaphore(%dma_wait3A_614 : memref<!tpu.dma_semaphore, #tpu.memory_space<semaphore_mem>>) src(%dma_wait3A_606 : memref<128x16xf32, #tpu.memory_space<vmem>>) dst(%dma_wait3A_612 : memref<10112x16xf32, #tpu.memory_space<vmem_shared>>)
        %add3A_615 = arith.constant 8 : i32
        %add3A_616 = arith.addi %mul3A_340, %add3A_615 : i32
        %add3A_617 = arith.constant 0 : i32
        %add3A_618 = arith.addi %add3A_616, %add3A_617 : i32
        %dma_start3A_619 = arith.constant 0 : i32
        %dma_start3A_620 = arith.constant 0 : i32
        %dma_start3A_621 = arith.constant 0 : i32
        %dma_start3A_622 = arith.constant 0 : i32
        %dma_start3A_623 = tpu.memref_slice %arg8[%dma_start3A_619, %dma_start3A_621, %dma_start3A_622] : memref<8x128x16xf32, #tpu.memory_space<vmem>> -> memref<1x128x16xf32, #tpu.memory_space<vmem>>
        %dma_start3A_624 = tpu.memref_squeeze %dma_start3A_623 : memref<1x128x16xf32, #tpu.memory_space<vmem>> -> memref<128x16xf32, #tpu.memory_space<vmem>>
        %dma_start3A_625 = arith.constant 0 : i32
        %dma_start3A_626 = tpu.memref_slice %arg6[%add3A_618, %dma_start3A_625] : memref<80x128xi32, #tpu.memory_space<vmem>> -> memref<1x128xi32, #tpu.memory_space<vmem>>
        %dma_start3A_627 = tpu.memref_squeeze %dma_start3A_626 : memref<1x128xi32, #tpu.memory_space<vmem>> -> memref<128xi32, #tpu.memory_space<vmem>>
        %dma_start3A_628 = arith.constant 0 : i32
        %dma_start3A_629 = arith.constant 0 : i32
        %dma_start3A_630 = tpu.memref_slice %arg11[%dma_start3A_628, %dma_start3A_629] : memref<10112x16xf32, #tpu.memory_space<vmem_shared>> -> memref<10112x16xf32, #tpu.memory_space<vmem_shared>>
        %dma_start3A_631 = tpu.memref_slice %arg13[%dma_start3A_620] : memref<8x!tpu.dma_semaphore, #tpu.memory_space<semaphore_mem>> -> memref<1x!tpu.dma_semaphore, #tpu.memory_space<semaphore_mem>>
        %dma_start3A_632 = tpu.memref_squeeze %dma_start3A_631 : memref<1x!tpu.dma_semaphore, #tpu.memory_space<semaphore_mem>> -> memref<!tpu.dma_semaphore, #tpu.memory_space<semaphore_mem>>
        tpu.enqueue_indirect_dma source(%dma_start3A_630 : memref<10112x16xf32, #tpu.memory_space<vmem_shared>>) target(%dma_start3A_624 : memref<128x16xf32, #tpu.memory_space<vmem>>) offsets(%dma_start3A_627 : memref<128xi32, #tpu.memory_space<vmem>>) semaphore(%dma_start3A_632 : memref<!tpu.dma_semaphore, #tpu.memory_space<semaphore_mem>>)
        %add3A_633 = arith.constant 1 : i32
        %add3A_634 = arith.addi %mul3A_340, %add3A_633 : i32
        %dma_wait3A_635 = arith.constant 1 : i32
        %dma_wait3A_636 = arith.constant 1 : i32
        %dma_wait3A_637 = arith.constant 0 : i32
        %dma_wait3A_638 = arith.constant 0 : i32
        %dma_wait3A_639 = tpu.memref_slice %arg8[%dma_wait3A_635, %dma_wait3A_637, %dma_wait3A_638] : memref<8x128x16xf32, #tpu.memory_space<vmem>> -> memref<1x128x16xf32, #tpu.memory_space<vmem>>
        %dma_wait3A_640 = tpu.memref_squeeze %dma_wait3A_639 : memref<1x128x16xf32, #tpu.memory_space<vmem>> -> memref<128x16xf32, #tpu.memory_space<vmem>>
        %dma_wait3A_641 = arith.constant 0 : i32
        %dma_wait3A_642 = tpu.memref_slice %arg7[%add3A_634, %dma_wait3A_641] : memref<80x128xi32, #tpu.memory_space<vmem>> -> memref<1x128xi32, #tpu.memory_space<vmem>>
        %dma_wait3A_643 = tpu.memref_squeeze %dma_wait3A_642 : memref<1x128xi32, #tpu.memory_space<vmem>> -> memref<128xi32, #tpu.memory_space<vmem>>
        %dma_wait3A_644 = arith.constant 0 : i32
        %dma_wait3A_645 = arith.constant 0 : i32
        %dma_wait3A_646 = tpu.memref_slice %arg12[%dma_wait3A_644, %dma_wait3A_645] : memref<10112x16xf32, #tpu.memory_space<vmem_shared>> -> memref<10112x16xf32, #tpu.memory_space<vmem_shared>>
        %dma_wait3A_647 = tpu.memref_slice %arg14[%dma_wait3A_636] : memref<8x!tpu.dma_semaphore, #tpu.memory_space<semaphore_mem>> -> memref<1x!tpu.dma_semaphore, #tpu.memory_space<semaphore_mem>>
        %dma_wait3A_648 = tpu.memref_squeeze %dma_wait3A_647 : memref<1x!tpu.dma_semaphore, #tpu.memory_space<semaphore_mem>> -> memref<!tpu.dma_semaphore, #tpu.memory_space<semaphore_mem>>
        tpu.wait_indirect_dma semaphore(%dma_wait3A_648 : memref<!tpu.dma_semaphore, #tpu.memory_space<semaphore_mem>>) src(%dma_wait3A_640 : memref<128x16xf32, #tpu.memory_space<vmem>>) dst(%dma_wait3A_646 : memref<10112x16xf32, #tpu.memory_space<vmem_shared>>)
        %add3A_649 = arith.constant 8 : i32
        %add3A_650 = arith.addi %mul3A_340, %add3A_649 : i32
        %add3A_651 = arith.constant 1 : i32
        %add3A_652 = arith.addi %add3A_650, %add3A_651 : i32
        %dma_start3A_653 = arith.constant 1 : i32
        %dma_start3A_654 = arith.constant 1 : i32
        %dma_start3A_655 = arith.constant 0 : i32
        %dma_start3A_656 = arith.constant 0 : i32
        %dma_start3A_657 = tpu.memref_slice %arg8[%dma_start3A_653, %dma_start3A_655, %dma_start3A_656] : memref<8x128x16xf32, #tpu.memory_space<vmem>> -> memref<1x128x16xf32, #tpu.memory_space<vmem>>
        %dma_start3A_658 = tpu.memref_squeeze %dma_start3A_657 : memref<1x128x16xf32, #tpu.memory_space<vmem>> -> memref<128x16xf32, #tpu.memory_space<vmem>>
        %dma_start3A_659 = arith.constant 0 : i32
        %dma_start3A_660 = tpu.memref_slice %arg6[%add3A_652, %dma_start3A_659] : memref<80x128xi32, #tpu.memory_space<vmem>> -> memref<1x128xi32, #tpu.memory_space<vmem>>
        %dma_start3A_661 = tpu.memref_squeeze %dma_start3A_660 : memref<1x128xi32, #tpu.memory_space<vmem>> -> memref<128xi32, #tpu.memory_space<vmem>>
        %dma_start3A_662 = arith.constant 0 : i32
        %dma_start3A_663 = arith.constant 0 : i32
        %dma_start3A_664 = tpu.memref_slice %arg11[%dma_start3A_662, %dma_start3A_663] : memref<10112x16xf32, #tpu.memory_space<vmem_shared>> -> memref<10112x16xf32, #tpu.memory_space<vmem_shared>>
        %dma_start3A_665 = tpu.memref_slice %arg13[%dma_start3A_654] : memref<8x!tpu.dma_semaphore, #tpu.memory_space<semaphore_mem>> -> memref<1x!tpu.dma_semaphore, #tpu.memory_space<semaphore_mem>>
        %dma_start3A_666 = tpu.memref_squeeze %dma_start3A_665 : memref<1x!tpu.dma_semaphore, #tpu.memory_space<semaphore_mem>> -> memref<!tpu.dma_semaphore, #tpu.memory_space<semaphore_mem>>
        tpu.enqueue_indirect_dma source(%dma_start3A_664 : memref<10112x16xf32, #tpu.memory_space<vmem_shared>>) target(%dma_start3A_658 : memref<128x16xf32, #tpu.memory_space<vmem>>) offsets(%dma_start3A_661 : memref<128xi32, #tpu.memory_space<vmem>>) semaphore(%dma_start3A_666 : memref<!tpu.dma_semaphore, #tpu.memory_space<semaphore_mem>>)
        %add3A_667 = arith.constant 2 : i32
        %add3A_668 = arith.addi %mul3A_340, %add3A_667 : i32
        %dma_wait3A_669 = arith.constant 2 : i32
        %dma_wait3A_670 = arith.constant 2 : i32
        %dma_wait3A_671 = arith.constant 0 : i32
        %dma_wait3A_672 = arith.constant 0 : i32
        %dma_wait3A_673 = tpu.memref_slice %arg8[%dma_wait3A_669, %dma_wait3A_671, %dma_wait3A_672] : memref<8x128x16xf32, #tpu.memory_space<vmem>> -> memref<1x128x16xf32, #tpu.memory_space<vmem>>
        %dma_wait3A_674 = tpu.memref_squeeze %dma_wait3A_673 : memref<1x128x16xf32, #tpu.memory_space<vmem>> -> memref<128x16xf32, #tpu.memory_space<vmem>>
        %dma_wait3A_675 = arith.constant 0 : i32
        %dma_wait3A_676 = tpu.memref_slice %arg7[%add3A_668, %dma_wait3A_675] : memref<80x128xi32, #tpu.memory_space<vmem>> -> memref<1x128xi32, #tpu.memory_space<vmem>>
        %dma_wait3A_677 = tpu.memref_squeeze %dma_wait3A_676 : memref<1x128xi32, #tpu.memory_space<vmem>> -> memref<128xi32, #tpu.memory_space<vmem>>
        %dma_wait3A_678 = arith.constant 0 : i32
        %dma_wait3A_679 = arith.constant 0 : i32
        %dma_wait3A_680 = tpu.memref_slice %arg12[%dma_wait3A_678, %dma_wait3A_679] : memref<10112x16xf32, #tpu.memory_space<vmem_shared>> -> memref<10112x16xf32, #tpu.memory_space<vmem_shared>>
        %dma_wait3A_681 = tpu.memref_slice %arg14[%dma_wait3A_670] : memref<8x!tpu.dma_semaphore, #tpu.memory_space<semaphore_mem>> -> memref<1x!tpu.dma_semaphore, #tpu.memory_space<semaphore_mem>>
        %dma_wait3A_682 = tpu.memref_squeeze %dma_wait3A_681 : memref<1x!tpu.dma_semaphore, #tpu.memory_space<semaphore_mem>> -> memref<!tpu.dma_semaphore, #tpu.memory_space<semaphore_mem>>
        tpu.wait_indirect_dma semaphore(%dma_wait3A_682 : memref<!tpu.dma_semaphore, #tpu.memory_space<semaphore_mem>>) src(%dma_wait3A_674 : memref<128x16xf32, #tpu.memory_space<vmem>>) dst(%dma_wait3A_680 : memref<10112x16xf32, #tpu.memory_space<vmem_shared>>)
        %add3A_683 = arith.constant 8 : i32
        %add3A_684 = arith.addi %mul3A_340, %add3A_683 : i32
        %add3A_685 = arith.constant 2 : i32
        %add3A_686 = arith.addi %add3A_684, %add3A_685 : i32
        %dma_start3A_687 = arith.constant 2 : i32
        %dma_start3A_688 = arith.constant 2 : i32
        %dma_start3A_689 = arith.constant 0 : i32
        %dma_start3A_690 = arith.constant 0 : i32
        %dma_start3A_691 = tpu.memref_slice %arg8[%dma_start3A_687, %dma_start3A_689, %dma_start3A_690] : memref<8x128x16xf32, #tpu.memory_space<vmem>> -> memref<1x128x16xf32, #tpu.memory_space<vmem>>
        %dma_start3A_692 = tpu.memref_squeeze %dma_start3A_691 : memref<1x128x16xf32, #tpu.memory_space<vmem>> -> memref<128x16xf32, #tpu.memory_space<vmem>>
        %dma_start3A_693 = arith.constant 0 : i32
        %dma_start3A_694 = tpu.memref_slice %arg6[%add3A_686, %dma_start3A_693] : memref<80x128xi32, #tpu.memory_space<vmem>> -> memref<1x128xi32, #tpu.memory_space<vmem>>
        %dma_start3A_695 = tpu.memref_squeeze %dma_start3A_694 : memref<1x128xi32, #tpu.memory_space<vmem>> -> memref<128xi32, #tpu.memory_space<vmem>>
        %dma_start3A_696 = arith.constant 0 : i32
        %dma_start3A_697 = arith.constant 0 : i32
        %dma_start3A_698 = tpu.memref_slice %arg11[%dma_start3A_696, %dma_start3A_697] : memref<10112x16xf32, #tpu.memory_space<vmem_shared>> -> memref<10112x16xf32, #tpu.memory_space<vmem_shared>>
        %dma_start3A_699 = tpu.memref_slice %arg13[%dma_start3A_688] : memref<8x!tpu.dma_semaphore, #tpu.memory_space<semaphore_mem>> -> memref<1x!tpu.dma_semaphore, #tpu.memory_space<semaphore_mem>>
        %dma_start3A_700 = tpu.memref_squeeze %dma_start3A_699 : memref<1x!tpu.dma_semaphore, #tpu.memory_space<semaphore_mem>> -> memref<!tpu.dma_semaphore, #tpu.memory_space<semaphore_mem>>
        tpu.enqueue_indirect_dma source(%dma_start3A_698 : memref<10112x16xf32, #tpu.memory_space<vmem_shared>>) target(%dma_start3A_692 : memref<128x16xf32, #tpu.memory_space<vmem>>) offsets(%dma_start3A_695 : memref<128xi32, #tpu.memory_space<vmem>>) semaphore(%dma_start3A_700 : memref<!tpu.dma_semaphore, #tpu.memory_space<semaphore_mem>>)
        %add3A_701 = arith.constant 3 : i32
        %add3A_702 = arith.addi %mul3A_340, %add3A_701 : i32
        %dma_wait3A_703 = arith.constant 3 : i32
        %dma_wait3A_704 = arith.constant 3 : i32
        %dma_wait3A_705 = arith.constant 0 : i32
        %dma_wait3A_706 = arith.constant 0 : i32
        %dma_wait3A_707 = tpu.memref_slice %arg8[%dma_wait3A_703, %dma_wait3A_705, %dma_wait3A_706] : memref<8x128x16xf32, #tpu.memory_space<vmem>> -> memref<1x128x16xf32, #tpu.memory_space<vmem>>
        %dma_wait3A_708 = tpu.memref_squeeze %dma_wait3A_707 : memref<1x128x16xf32, #tpu.memory_space<vmem>> -> memref<128x16xf32, #tpu.memory_space<vmem>>
        %dma_wait3A_709 = arith.constant 0 : i32
        %dma_wait3A_710 = tpu.memref_slice %arg7[%add3A_702, %dma_wait3A_709] : memref<80x128xi32, #tpu.memory_space<vmem>> -> memref<1x128xi32, #tpu.memory_space<vmem>>
        %dma_wait3A_711 = tpu.memref_squeeze %dma_wait3A_710 : memref<1x128xi32, #tpu.memory_space<vmem>> -> memref<128xi32, #tpu.memory_space<vmem>>
        %dma_wait3A_712 = arith.constant 0 : i32
        %dma_wait3A_713 = arith.constant 0 : i32
        %dma_wait3A_714 = tpu.memref_slice %arg12[%dma_wait3A_712, %dma_wait3A_713] : memref<10112x16xf32, #tpu.memory_space<vmem_shared>> -> memref<10112x16xf32, #tpu.memory_space<vmem_shared>>
        %dma_wait3A_715 = tpu.memref_slice %arg14[%dma_wait3A_704] : memref<8x!tpu.dma_semaphore, #tpu.memory_space<semaphore_mem>> -> memref<1x!tpu.dma_semaphore, #tpu.memory_space<semaphore_mem>>
        %dma_wait3A_716 = tpu.memref_squeeze %dma_wait3A_715 : memref<1x!tpu.dma_semaphore, #tpu.memory_space<semaphore_mem>> -> memref<!tpu.dma_semaphore, #tpu.memory_space<semaphore_mem>>
        tpu.wait_indirect_dma semaphore(%dma_wait3A_716 : memref<!tpu.dma_semaphore, #tpu.memory_space<semaphore_mem>>) src(%dma_wait3A_708 : memref<128x16xf32, #tpu.memory_space<vmem>>) dst(%dma_wait3A_714 : memref<10112x16xf32, #tpu.memory_space<vmem_shared>>)
        %add3A_717 = arith.constant 8 : i32
        %add3A_718 = arith.addi %mul3A_340, %add3A_717 : i32
        %add3A_719 = arith.constant 3 : i32
        %add3A_720 = arith.addi %add3A_718, %add3A_719 : i32
        %dma_start3A_721 = arith.constant 3 : i32
        %dma_start3A_722 = arith.constant 3 : i32
        %dma_start3A_723 = arith.constant 0 : i32
        %dma_start3A_724 = arith.constant 0 : i32
        %dma_start3A_725 = tpu.memref_slice %arg8[%dma_start3A_721, %dma_start3A_723, %dma_start3A_724] : memref<8x128x16xf32, #tpu.memory_space<vmem>> -> memref<1x128x16xf32, #tpu.memory_space<vmem>>
        %dma_start3A_726 = tpu.memref_squeeze %dma_start3A_725 : memref<1x128x16xf32, #tpu.memory_space<vmem>> -> memref<128x16xf32, #tpu.memory_space<vmem>>
        %dma_start3A_727 = arith.constant 0 : i32
        %dma_start3A_728 = tpu.memref_slice %arg6[%add3A_720, %dma_start3A_727] : memref<80x128xi32, #tpu.memory_space<vmem>> -> memref<1x128xi32, #tpu.memory_space<vmem>>
        %dma_start3A_729 = tpu.memref_squeeze %dma_start3A_728 : memref<1x128xi32, #tpu.memory_space<vmem>> -> memref<128xi32, #tpu.memory_space<vmem>>
        %dma_start3A_730 = arith.constant 0 : i32
        %dma_start3A_731 = arith.constant 0 : i32
        %dma_start3A_732 = tpu.memref_slice %arg11[%dma_start3A_730, %dma_start3A_731] : memref<10112x16xf32, #tpu.memory_space<vmem_shared>> -> memref<10112x16xf32, #tpu.memory_space<vmem_shared>>
        %dma_start3A_733 = tpu.memref_slice %arg13[%dma_start3A_722] : memref<8x!tpu.dma_semaphore, #tpu.memory_space<semaphore_mem>> -> memref<1x!tpu.dma_semaphore, #tpu.memory_space<semaphore_mem>>
        %dma_start3A_734 = tpu.memref_squeeze %dma_start3A_733 : memref<1x!tpu.dma_semaphore, #tpu.memory_space<semaphore_mem>> -> memref<!tpu.dma_semaphore, #tpu.memory_space<semaphore_mem>>
        tpu.enqueue_indirect_dma source(%dma_start3A_732 : memref<10112x16xf32, #tpu.memory_space<vmem_shared>>) target(%dma_start3A_726 : memref<128x16xf32, #tpu.memory_space<vmem>>) offsets(%dma_start3A_729 : memref<128xi32, #tpu.memory_space<vmem>>) semaphore(%dma_start3A_734 : memref<!tpu.dma_semaphore, #tpu.memory_space<semaphore_mem>>)
        %add3A_735 = arith.constant 4 : i32
        %add3A_736 = arith.addi %mul3A_340, %add3A_735 : i32
        %dma_wait3A_737 = arith.constant 4 : i32
        %dma_wait3A_738 = arith.constant 4 : i32
        %dma_wait3A_739 = arith.constant 0 : i32
        %dma_wait3A_740 = arith.constant 0 : i32
        %dma_wait3A_741 = tpu.memref_slice %arg8[%dma_wait3A_737, %dma_wait3A_739, %dma_wait3A_740] : memref<8x128x16xf32, #tpu.memory_space<vmem>> -> memref<1x128x16xf32, #tpu.memory_space<vmem>>
        %dma_wait3A_742 = tpu.memref_squeeze %dma_wait3A_741 : memref<1x128x16xf32, #tpu.memory_space<vmem>> -> memref<128x16xf32, #tpu.memory_space<vmem>>
        %dma_wait3A_743 = arith.constant 0 : i32
        %dma_wait3A_744 = tpu.memref_slice %arg7[%add3A_736, %dma_wait3A_743] : memref<80x128xi32, #tpu.memory_space<vmem>> -> memref<1x128xi32, #tpu.memory_space<vmem>>
        %dma_wait3A_745 = tpu.memref_squeeze %dma_wait3A_744 : memref<1x128xi32, #tpu.memory_space<vmem>> -> memref<128xi32, #tpu.memory_space<vmem>>
        %dma_wait3A_746 = arith.constant 0 : i32
        %dma_wait3A_747 = arith.constant 0 : i32
        %dma_wait3A_748 = tpu.memref_slice %arg12[%dma_wait3A_746, %dma_wait3A_747] : memref<10112x16xf32, #tpu.memory_space<vmem_shared>> -> memref<10112x16xf32, #tpu.memory_space<vmem_shared>>
        %dma_wait3A_749 = tpu.memref_slice %arg14[%dma_wait3A_738] : memref<8x!tpu.dma_semaphore, #tpu.memory_space<semaphore_mem>> -> memref<1x!tpu.dma_semaphore, #tpu.memory_space<semaphore_mem>>
        %dma_wait3A_750 = tpu.memref_squeeze %dma_wait3A_749 : memref<1x!tpu.dma_semaphore, #tpu.memory_space<semaphore_mem>> -> memref<!tpu.dma_semaphore, #tpu.memory_space<semaphore_mem>>
        tpu.wait_indirect_dma semaphore(%dma_wait3A_750 : memref<!tpu.dma_semaphore, #tpu.memory_space<semaphore_mem>>) src(%dma_wait3A_742 : memref<128x16xf32, #tpu.memory_space<vmem>>) dst(%dma_wait3A_748 : memref<10112x16xf32, #tpu.memory_space<vmem_shared>>)
        %add3A_751 = arith.constant 8 : i32
        %add3A_752 = arith.addi %mul3A_340, %add3A_751 : i32
        %add3A_753 = arith.constant 4 : i32
        %add3A_754 = arith.addi %add3A_752, %add3A_753 : i32
        %dma_start3A_755 = arith.constant 4 : i32
        %dma_start3A_756 = arith.constant 4 : i32
        %dma_start3A_757 = arith.constant 0 : i32
        %dma_start3A_758 = arith.constant 0 : i32
        %dma_start3A_759 = tpu.memref_slice %arg8[%dma_start3A_755, %dma_start3A_757, %dma_start3A_758] : memref<8x128x16xf32, #tpu.memory_space<vmem>> -> memref<1x128x16xf32, #tpu.memory_space<vmem>>
        %dma_start3A_760 = tpu.memref_squeeze %dma_start3A_759 : memref<1x128x16xf32, #tpu.memory_space<vmem>> -> memref<128x16xf32, #tpu.memory_space<vmem>>
        %dma_start3A_761 = arith.constant 0 : i32
        %dma_start3A_762 = tpu.memref_slice %arg6[%add3A_754, %dma_start3A_761] : memref<80x128xi32, #tpu.memory_space<vmem>> -> memref<1x128xi32, #tpu.memory_space<vmem>>
        %dma_start3A_763 = tpu.memref_squeeze %dma_start3A_762 : memref<1x128xi32, #tpu.memory_space<vmem>> -> memref<128xi32, #tpu.memory_space<vmem>>
        %dma_start3A_764 = arith.constant 0 : i32
        %dma_start3A_765 = arith.constant 0 : i32
        %dma_start3A_766 = tpu.memref_slice %arg11[%dma_start3A_764, %dma_start3A_765] : memref<10112x16xf32, #tpu.memory_space<vmem_shared>> -> memref<10112x16xf32, #tpu.memory_space<vmem_shared>>
        %dma_start3A_767 = tpu.memref_slice %arg13[%dma_start3A_756] : memref<8x!tpu.dma_semaphore, #tpu.memory_space<semaphore_mem>> -> memref<1x!tpu.dma_semaphore, #tpu.memory_space<semaphore_mem>>
        %dma_start3A_768 = tpu.memref_squeeze %dma_start3A_767 : memref<1x!tpu.dma_semaphore, #tpu.memory_space<semaphore_mem>> -> memref<!tpu.dma_semaphore, #tpu.memory_space<semaphore_mem>>
        tpu.enqueue_indirect_dma source(%dma_start3A_766 : memref<10112x16xf32, #tpu.memory_space<vmem_shared>>) target(%dma_start3A_760 : memref<128x16xf32, #tpu.memory_space<vmem>>) offsets(%dma_start3A_763 : memref<128xi32, #tpu.memory_space<vmem>>) semaphore(%dma_start3A_768 : memref<!tpu.dma_semaphore, #tpu.memory_space<semaphore_mem>>)
        %add3A_769 = arith.constant 5 : i32
        %add3A_770 = arith.addi %mul3A_340, %add3A_769 : i32
        %dma_wait3A_771 = arith.constant 5 : i32
        %dma_wait3A_772 = arith.constant 5 : i32
        %dma_wait3A_773 = arith.constant 0 : i32
        %dma_wait3A_774 = arith.constant 0 : i32
        %dma_wait3A_775 = tpu.memref_slice %arg8[%dma_wait3A_771, %dma_wait3A_773, %dma_wait3A_774] : memref<8x128x16xf32, #tpu.memory_space<vmem>> -> memref<1x128x16xf32, #tpu.memory_space<vmem>>
        %dma_wait3A_776 = tpu.memref_squeeze %dma_wait3A_775 : memref<1x128x16xf32, #tpu.memory_space<vmem>> -> memref<128x16xf32, #tpu.memory_space<vmem>>
        %dma_wait3A_777 = arith.constant 0 : i32
        %dma_wait3A_778 = tpu.memref_slice %arg7[%add3A_770, %dma_wait3A_777] : memref<80x128xi32, #tpu.memory_space<vmem>> -> memref<1x128xi32, #tpu.memory_space<vmem>>
        %dma_wait3A_779 = tpu.memref_squeeze %dma_wait3A_778 : memref<1x128xi32, #tpu.memory_space<vmem>> -> memref<128xi32, #tpu.memory_space<vmem>>
        %dma_wait3A_780 = arith.constant 0 : i32
        %dma_wait3A_781 = arith.constant 0 : i32
        %dma_wait3A_782 = tpu.memref_slice %arg12[%dma_wait3A_780, %dma_wait3A_781] : memref<10112x16xf32, #tpu.memory_space<vmem_shared>> -> memref<10112x16xf32, #tpu.memory_space<vmem_shared>>
        %dma_wait3A_783 = tpu.memref_slice %arg14[%dma_wait3A_772] : memref<8x!tpu.dma_semaphore, #tpu.memory_space<semaphore_mem>> -> memref<1x!tpu.dma_semaphore, #tpu.memory_space<semaphore_mem>>
        %dma_wait3A_784 = tpu.memref_squeeze %dma_wait3A_783 : memref<1x!tpu.dma_semaphore, #tpu.memory_space<semaphore_mem>> -> memref<!tpu.dma_semaphore, #tpu.memory_space<semaphore_mem>>
        tpu.wait_indirect_dma semaphore(%dma_wait3A_784 : memref<!tpu.dma_semaphore, #tpu.memory_space<semaphore_mem>>) src(%dma_wait3A_776 : memref<128x16xf32, #tpu.memory_space<vmem>>) dst(%dma_wait3A_782 : memref<10112x16xf32, #tpu.memory_space<vmem_shared>>)
        %add3A_785 = arith.constant 8 : i32
        %add3A_786 = arith.addi %mul3A_340, %add3A_785 : i32
        %add3A_787 = arith.constant 5 : i32
        %add3A_788 = arith.addi %add3A_786, %add3A_787 : i32
        %dma_start3A_789 = arith.constant 5 : i32
        %dma_start3A_790 = arith.constant 5 : i32
        %dma_start3A_791 = arith.constant 0 : i32
        %dma_start3A_792 = arith.constant 0 : i32
        %dma_start3A_793 = tpu.memref_slice %arg8[%dma_start3A_789, %dma_start3A_791, %dma_start3A_792] : memref<8x128x16xf32, #tpu.memory_space<vmem>> -> memref<1x128x16xf32, #tpu.memory_space<vmem>>
        %dma_start3A_794 = tpu.memref_squeeze %dma_start3A_793 : memref<1x128x16xf32, #tpu.memory_space<vmem>> -> memref<128x16xf32, #tpu.memory_space<vmem>>
        %dma_start3A_795 = arith.constant 0 : i32
        %dma_start3A_796 = tpu.memref_slice %arg6[%add3A_788, %dma_start3A_795] : memref<80x128xi32, #tpu.memory_space<vmem>> -> memref<1x128xi32, #tpu.memory_space<vmem>>
        %dma_start3A_797 = tpu.memref_squeeze %dma_start3A_796 : memref<1x128xi32, #tpu.memory_space<vmem>> -> memref<128xi32, #tpu.memory_space<vmem>>
        %dma_start3A_798 = arith.constant 0 : i32
        %dma_start3A_799 = arith.constant 0 : i32
        %dma_start3A_800 = tpu.memref_slice %arg11[%dma_start3A_798, %dma_start3A_799] : memref<10112x16xf32, #tpu.memory_space<vmem_shared>> -> memref<10112x16xf32, #tpu.memory_space<vmem_shared>>
        %dma_start3A_801 = tpu.memref_slice %arg13[%dma_start3A_790] : memref<8x!tpu.dma_semaphore, #tpu.memory_space<semaphore_mem>> -> memref<1x!tpu.dma_semaphore, #tpu.memory_space<semaphore_mem>>
        %dma_start3A_802 = tpu.memref_squeeze %dma_start3A_801 : memref<1x!tpu.dma_semaphore, #tpu.memory_space<semaphore_mem>> -> memref<!tpu.dma_semaphore, #tpu.memory_space<semaphore_mem>>
        tpu.enqueue_indirect_dma source(%dma_start3A_800 : memref<10112x16xf32, #tpu.memory_space<vmem_shared>>) target(%dma_start3A_794 : memref<128x16xf32, #tpu.memory_space<vmem>>) offsets(%dma_start3A_797 : memref<128xi32, #tpu.memory_space<vmem>>) semaphore(%dma_start3A_802 : memref<!tpu.dma_semaphore, #tpu.memory_space<semaphore_mem>>)
        %add3A_803 = arith.constant 6 : i32
        %add3A_804 = arith.addi %mul3A_340, %add3A_803 : i32
        %dma_wait3A_805 = arith.constant 6 : i32
        %dma_wait3A_806 = arith.constant 6 : i32
        %dma_wait3A_807 = arith.constant 0 : i32
        %dma_wait3A_808 = arith.constant 0 : i32
        %dma_wait3A_809 = tpu.memref_slice %arg8[%dma_wait3A_805, %dma_wait3A_807, %dma_wait3A_808] : memref<8x128x16xf32, #tpu.memory_space<vmem>> -> memref<1x128x16xf32, #tpu.memory_space<vmem>>
        %dma_wait3A_810 = tpu.memref_squeeze %dma_wait3A_809 : memref<1x128x16xf32, #tpu.memory_space<vmem>> -> memref<128x16xf32, #tpu.memory_space<vmem>>
        %dma_wait3A_811 = arith.constant 0 : i32
        %dma_wait3A_812 = tpu.memref_slice %arg7[%add3A_804, %dma_wait3A_811] : memref<80x128xi32, #tpu.memory_space<vmem>> -> memref<1x128xi32, #tpu.memory_space<vmem>>
        %dma_wait3A_813 = tpu.memref_squeeze %dma_wait3A_812 : memref<1x128xi32, #tpu.memory_space<vmem>> -> memref<128xi32, #tpu.memory_space<vmem>>
        %dma_wait3A_814 = arith.constant 0 : i32
        %dma_wait3A_815 = arith.constant 0 : i32
        %dma_wait3A_816 = tpu.memref_slice %arg12[%dma_wait3A_814, %dma_wait3A_815] : memref<10112x16xf32, #tpu.memory_space<vmem_shared>> -> memref<10112x16xf32, #tpu.memory_space<vmem_shared>>
        %dma_wait3A_817 = tpu.memref_slice %arg14[%dma_wait3A_806] : memref<8x!tpu.dma_semaphore, #tpu.memory_space<semaphore_mem>> -> memref<1x!tpu.dma_semaphore, #tpu.memory_space<semaphore_mem>>
        %dma_wait3A_818 = tpu.memref_squeeze %dma_wait3A_817 : memref<1x!tpu.dma_semaphore, #tpu.memory_space<semaphore_mem>> -> memref<!tpu.dma_semaphore, #tpu.memory_space<semaphore_mem>>
        tpu.wait_indirect_dma semaphore(%dma_wait3A_818 : memref<!tpu.dma_semaphore, #tpu.memory_space<semaphore_mem>>) src(%dma_wait3A_810 : memref<128x16xf32, #tpu.memory_space<vmem>>) dst(%dma_wait3A_816 : memref<10112x16xf32, #tpu.memory_space<vmem_shared>>)
        %add3A_819 = arith.constant 8 : i32
        %add3A_820 = arith.addi %mul3A_340, %add3A_819 : i32
        %add3A_821 = arith.constant 6 : i32
        %add3A_822 = arith.addi %add3A_820, %add3A_821 : i32
        %dma_start3A_823 = arith.constant 6 : i32
        %dma_start3A_824 = arith.constant 6 : i32
        %dma_start3A_825 = arith.constant 0 : i32
        %dma_start3A_826 = arith.constant 0 : i32
        %dma_start3A_827 = tpu.memref_slice %arg8[%dma_start3A_823, %dma_start3A_825, %dma_start3A_826] : memref<8x128x16xf32, #tpu.memory_space<vmem>> -> memref<1x128x16xf32, #tpu.memory_space<vmem>>
        %dma_start3A_828 = tpu.memref_squeeze %dma_start3A_827 : memref<1x128x16xf32, #tpu.memory_space<vmem>> -> memref<128x16xf32, #tpu.memory_space<vmem>>
        %dma_start3A_829 = arith.constant 0 : i32
        %dma_start3A_830 = tpu.memref_slice %arg6[%add3A_822, %dma_start3A_829] : memref<80x128xi32, #tpu.memory_space<vmem>> -> memref<1x128xi32, #tpu.memory_space<vmem>>
        %dma_start3A_831 = tpu.memref_squeeze %dma_start3A_830 : memref<1x128xi32, #tpu.memory_space<vmem>> -> memref<128xi32, #tpu.memory_space<vmem>>
        %dma_start3A_832 = arith.constant 0 : i32
        %dma_start3A_833 = arith.constant 0 : i32
        %dma_start3A_834 = tpu.memref_slice %arg11[%dma_start3A_832, %dma_start3A_833] : memref<10112x16xf32, #tpu.memory_space<vmem_shared>> -> memref<10112x16xf32, #tpu.memory_space<vmem_shared>>
        %dma_start3A_835 = tpu.memref_slice %arg13[%dma_start3A_824] : memref<8x!tpu.dma_semaphore, #tpu.memory_space<semaphore_mem>> -> memref<1x!tpu.dma_semaphore, #tpu.memory_space<semaphore_mem>>
        %dma_start3A_836 = tpu.memref_squeeze %dma_start3A_835 : memref<1x!tpu.dma_semaphore, #tpu.memory_space<semaphore_mem>> -> memref<!tpu.dma_semaphore, #tpu.memory_space<semaphore_mem>>
        tpu.enqueue_indirect_dma source(%dma_start3A_834 : memref<10112x16xf32, #tpu.memory_space<vmem_shared>>) target(%dma_start3A_828 : memref<128x16xf32, #tpu.memory_space<vmem>>) offsets(%dma_start3A_831 : memref<128xi32, #tpu.memory_space<vmem>>) semaphore(%dma_start3A_836 : memref<!tpu.dma_semaphore, #tpu.memory_space<semaphore_mem>>)
        %add3A_837 = arith.constant 7 : i32
        %add3A_838 = arith.addi %mul3A_340, %add3A_837 : i32
        %dma_wait3A_839 = arith.constant 7 : i32
        %dma_wait3A_840 = arith.constant 7 : i32
        %dma_wait3A_841 = arith.constant 0 : i32
        %dma_wait3A_842 = arith.constant 0 : i32
        %dma_wait3A_843 = tpu.memref_slice %arg8[%dma_wait3A_839, %dma_wait3A_841, %dma_wait3A_842] : memref<8x128x16xf32, #tpu.memory_space<vmem>> -> memref<1x128x16xf32, #tpu.memory_space<vmem>>
        %dma_wait3A_844 = tpu.memref_squeeze %dma_wait3A_843 : memref<1x128x16xf32, #tpu.memory_space<vmem>> -> memref<128x16xf32, #tpu.memory_space<vmem>>
        %dma_wait3A_845 = arith.constant 0 : i32
        %dma_wait3A_846 = tpu.memref_slice %arg7[%add3A_838, %dma_wait3A_845] : memref<80x128xi32, #tpu.memory_space<vmem>> -> memref<1x128xi32, #tpu.memory_space<vmem>>
        %dma_wait3A_847 = tpu.memref_squeeze %dma_wait3A_846 : memref<1x128xi32, #tpu.memory_space<vmem>> -> memref<128xi32, #tpu.memory_space<vmem>>
        %dma_wait3A_848 = arith.constant 0 : i32
        %dma_wait3A_849 = arith.constant 0 : i32
        %dma_wait3A_850 = tpu.memref_slice %arg12[%dma_wait3A_848, %dma_wait3A_849] : memref<10112x16xf32, #tpu.memory_space<vmem_shared>> -> memref<10112x16xf32, #tpu.memory_space<vmem_shared>>
        %dma_wait3A_851 = tpu.memref_slice %arg14[%dma_wait3A_840] : memref<8x!tpu.dma_semaphore, #tpu.memory_space<semaphore_mem>> -> memref<1x!tpu.dma_semaphore, #tpu.memory_space<semaphore_mem>>
        %dma_wait3A_852 = tpu.memref_squeeze %dma_wait3A_851 : memref<1x!tpu.dma_semaphore, #tpu.memory_space<semaphore_mem>> -> memref<!tpu.dma_semaphore, #tpu.memory_space<semaphore_mem>>
        tpu.wait_indirect_dma semaphore(%dma_wait3A_852 : memref<!tpu.dma_semaphore, #tpu.memory_space<semaphore_mem>>) src(%dma_wait3A_844 : memref<128x16xf32, #tpu.memory_space<vmem>>) dst(%dma_wait3A_850 : memref<10112x16xf32, #tpu.memory_space<vmem_shared>>)
        %add3A_853 = arith.constant 8 : i32
        %add3A_854 = arith.addi %mul3A_340, %add3A_853 : i32
        %add3A_855 = arith.constant 7 : i32
        %add3A_856 = arith.addi %add3A_854, %add3A_855 : i32
        %dma_start3A_857 = arith.constant 7 : i32
        %dma_start3A_858 = arith.constant 7 : i32
        %dma_start3A_859 = arith.constant 0 : i32
        %dma_start3A_860 = arith.constant 0 : i32
        %dma_start3A_861 = tpu.memref_slice %arg8[%dma_start3A_857, %dma_start3A_859, %dma_start3A_860] : memref<8x128x16xf32, #tpu.memory_space<vmem>> -> memref<1x128x16xf32, #tpu.memory_space<vmem>>
        %dma_start3A_862 = tpu.memref_squeeze %dma_start3A_861 : memref<1x128x16xf32, #tpu.memory_space<vmem>> -> memref<128x16xf32, #tpu.memory_space<vmem>>
        %dma_start3A_863 = arith.constant 0 : i32
        %dma_start3A_864 = tpu.memref_slice %arg6[%add3A_856, %dma_start3A_863] : memref<80x128xi32, #tpu.memory_space<vmem>> -> memref<1x128xi32, #tpu.memory_space<vmem>>
        %dma_start3A_865 = tpu.memref_squeeze %dma_start3A_864 : memref<1x128xi32, #tpu.memory_space<vmem>> -> memref<128xi32, #tpu.memory_space<vmem>>
        %dma_start3A_866 = arith.constant 0 : i32
        %dma_start3A_867 = arith.constant 0 : i32
        %dma_start3A_868 = tpu.memref_slice %arg11[%dma_start3A_866, %dma_start3A_867] : memref<10112x16xf32, #tpu.memory_space<vmem_shared>> -> memref<10112x16xf32, #tpu.memory_space<vmem_shared>>
        %dma_start3A_869 = tpu.memref_slice %arg13[%dma_start3A_858] : memref<8x!tpu.dma_semaphore, #tpu.memory_space<semaphore_mem>> -> memref<1x!tpu.dma_semaphore, #tpu.memory_space<semaphore_mem>>
        %dma_start3A_870 = tpu.memref_squeeze %dma_start3A_869 : memref<1x!tpu.dma_semaphore, #tpu.memory_space<semaphore_mem>> -> memref<!tpu.dma_semaphore, #tpu.memory_space<semaphore_mem>>
        tpu.enqueue_indirect_dma source(%dma_start3A_868 : memref<10112x16xf32, #tpu.memory_space<vmem_shared>>) target(%dma_start3A_862 : memref<128x16xf32, #tpu.memory_space<vmem>>) offsets(%dma_start3A_865 : memref<128xi32, #tpu.memory_space<vmem>>) semaphore(%dma_start3A_870 : memref<!tpu.dma_semaphore, #tpu.memory_space<semaphore_mem>>)
      } else {
      }
    }
    %scan3A_207 = arith.constant 10 : i32
    %dma_wait3A_208 = arith.constant 0 : i32
    %dma_wait3A_209 = arith.constant 72 : i32
    %dma_wait3A_210 = arith.constant 0 : i32
    %dma_wait3A_211 = arith.constant 0 : i32
    %dma_wait3A_212 = arith.constant 0 : i32
    %dma_wait3A_213 = tpu.memref_slice %arg8[%dma_wait3A_208, %dma_wait3A_211, %dma_wait3A_212] : memref<8x128x16xf32, #tpu.memory_space<vmem>> -> memref<1x128x16xf32, #tpu.memory_space<vmem>>
    %dma_wait3A_214 = tpu.memref_squeeze %dma_wait3A_213 : memref<1x128x16xf32, #tpu.memory_space<vmem>> -> memref<128x16xf32, #tpu.memory_space<vmem>>
    %dma_wait3A_215 = arith.constant 0 : i32
    %dma_wait3A_216 = tpu.memref_slice %arg7[%dma_wait3A_209, %dma_wait3A_215] : memref<80x128xi32, #tpu.memory_space<vmem>> -> memref<1x128xi32, #tpu.memory_space<vmem>>
    %dma_wait3A_217 = tpu.memref_squeeze %dma_wait3A_216 : memref<1x128xi32, #tpu.memory_space<vmem>> -> memref<128xi32, #tpu.memory_space<vmem>>
    %dma_wait3A_218 = arith.constant 0 : i32
    %dma_wait3A_219 = arith.constant 0 : i32
    %dma_wait3A_220 = tpu.memref_slice %arg12[%dma_wait3A_218, %dma_wait3A_219] : memref<10112x16xf32, #tpu.memory_space<vmem_shared>> -> memref<10112x16xf32, #tpu.memory_space<vmem_shared>>
    %dma_wait3A_221 = tpu.memref_slice %arg14[%dma_wait3A_210] : memref<8x!tpu.dma_semaphore, #tpu.memory_space<semaphore_mem>> -> memref<1x!tpu.dma_semaphore, #tpu.memory_space<semaphore_mem>>
    %dma_wait3A_222 = tpu.memref_squeeze %dma_wait3A_221 : memref<1x!tpu.dma_semaphore, #tpu.memory_space<semaphore_mem>> -> memref<!tpu.dma_semaphore, #tpu.memory_space<semaphore_mem>>
    tpu.wait_indirect_dma semaphore(%dma_wait3A_222 : memref<!tpu.dma_semaphore, #tpu.memory_space<semaphore_mem>>) src(%dma_wait3A_214 : memref<128x16xf32, #tpu.memory_space<vmem>>) dst(%dma_wait3A_220 : memref<10112x16xf32, #tpu.memory_space<vmem_shared>>)
    %dma_wait3A_223 = arith.constant 1 : i32
    %dma_wait3A_224 = arith.constant 73 : i32
    %dma_wait3A_225 = arith.constant 1 : i32
    %dma_wait3A_226 = arith.constant 0 : i32
    %dma_wait3A_227 = arith.constant 0 : i32
    %dma_wait3A_228 = tpu.memref_slice %arg8[%dma_wait3A_223, %dma_wait3A_226, %dma_wait3A_227] : memref<8x128x16xf32, #tpu.memory_space<vmem>> -> memref<1x128x16xf32, #tpu.memory_space<vmem>>
    %dma_wait3A_229 = tpu.memref_squeeze %dma_wait3A_228 : memref<1x128x16xf32, #tpu.memory_space<vmem>> -> memref<128x16xf32, #tpu.memory_space<vmem>>
    %dma_wait3A_230 = arith.constant 0 : i32
    %dma_wait3A_231 = tpu.memref_slice %arg7[%dma_wait3A_224, %dma_wait3A_230] : memref<80x128xi32, #tpu.memory_space<vmem>> -> memref<1x128xi32, #tpu.memory_space<vmem>>
    %dma_wait3A_232 = tpu.memref_squeeze %dma_wait3A_231 : memref<1x128xi32, #tpu.memory_space<vmem>> -> memref<128xi32, #tpu.memory_space<vmem>>
    %dma_wait3A_233 = arith.constant 0 : i32
    %dma_wait3A_234 = arith.constant 0 : i32
    %dma_wait3A_235 = tpu.memref_slice %arg12[%dma_wait3A_233, %dma_wait3A_234] : memref<10112x16xf32, #tpu.memory_space<vmem_shared>> -> memref<10112x16xf32, #tpu.memory_space<vmem_shared>>
    %dma_wait3A_236 = tpu.memref_slice %arg14[%dma_wait3A_225] : memref<8x!tpu.dma_semaphore, #tpu.memory_space<semaphore_mem>> -> memref<1x!tpu.dma_semaphore, #tpu.memory_space<semaphore_mem>>
    %dma_wait3A_237 = tpu.memref_squeeze %dma_wait3A_236 : memref<1x!tpu.dma_semaphore, #tpu.memory_space<semaphore_mem>> -> memref<!tpu.dma_semaphore, #tpu.memory_space<semaphore_mem>>
    tpu.wait_indirect_dma semaphore(%dma_wait3A_237 : memref<!tpu.dma_semaphore, #tpu.memory_space<semaphore_mem>>) src(%dma_wait3A_229 : memref<128x16xf32, #tpu.memory_space<vmem>>) dst(%dma_wait3A_235 : memref<10112x16xf32, #tpu.memory_space<vmem_shared>>)
    %dma_wait3A_238 = arith.constant 2 : i32
    %dma_wait3A_239 = arith.constant 74 : i32
    %dma_wait3A_240 = arith.constant 2 : i32
    %dma_wait3A_241 = arith.constant 0 : i32
    %dma_wait3A_242 = arith.constant 0 : i32
    %dma_wait3A_243 = tpu.memref_slice %arg8[%dma_wait3A_238, %dma_wait3A_241, %dma_wait3A_242] : memref<8x128x16xf32, #tpu.memory_space<vmem>> -> memref<1x128x16xf32, #tpu.memory_space<vmem>>
    %dma_wait3A_244 = tpu.memref_squeeze %dma_wait3A_243 : memref<1x128x16xf32, #tpu.memory_space<vmem>> -> memref<128x16xf32, #tpu.memory_space<vmem>>
    %dma_wait3A_245 = arith.constant 0 : i32
    %dma_wait3A_246 = tpu.memref_slice %arg7[%dma_wait3A_239, %dma_wait3A_245] : memref<80x128xi32, #tpu.memory_space<vmem>> -> memref<1x128xi32, #tpu.memory_space<vmem>>
    %dma_wait3A_247 = tpu.memref_squeeze %dma_wait3A_246 : memref<1x128xi32, #tpu.memory_space<vmem>> -> memref<128xi32, #tpu.memory_space<vmem>>
    %dma_wait3A_248 = arith.constant 0 : i32
    %dma_wait3A_249 = arith.constant 0 : i32
    %dma_wait3A_250 = tpu.memref_slice %arg12[%dma_wait3A_248, %dma_wait3A_249] : memref<10112x16xf32, #tpu.memory_space<vmem_shared>> -> memref<10112x16xf32, #tpu.memory_space<vmem_shared>>
    %dma_wait3A_251 = tpu.memref_slice %arg14[%dma_wait3A_240] : memref<8x!tpu.dma_semaphore, #tpu.memory_space<semaphore_mem>> -> memref<1x!tpu.dma_semaphore, #tpu.memory_space<semaphore_mem>>
    %dma_wait3A_252 = tpu.memref_squeeze %dma_wait3A_251 : memref<1x!tpu.dma_semaphore, #tpu.memory_space<semaphore_mem>> -> memref<!tpu.dma_semaphore, #tpu.memory_space<semaphore_mem>>
    tpu.wait_indirect_dma semaphore(%dma_wait3A_252 : memref<!tpu.dma_semaphore, #tpu.memory_space<semaphore_mem>>) src(%dma_wait3A_244 : memref<128x16xf32, #tpu.memory_space<vmem>>) dst(%dma_wait3A_250 : memref<10112x16xf32, #tpu.memory_space<vmem_shared>>)
    %dma_wait3A_253 = arith.constant 3 : i32
    %dma_wait3A_254 = arith.constant 75 : i32
    %dma_wait3A_255 = arith.constant 3 : i32
    %dma_wait3A_256 = arith.constant 0 : i32
    %dma_wait3A_257 = arith.constant 0 : i32
    %dma_wait3A_258 = tpu.memref_slice %arg8[%dma_wait3A_253, %dma_wait3A_256, %dma_wait3A_257] : memref<8x128x16xf32, #tpu.memory_space<vmem>> -> memref<1x128x16xf32, #tpu.memory_space<vmem>>
    %dma_wait3A_259 = tpu.memref_squeeze %dma_wait3A_258 : memref<1x128x16xf32, #tpu.memory_space<vmem>> -> memref<128x16xf32, #tpu.memory_space<vmem>>
    %dma_wait3A_260 = arith.constant 0 : i32
    %dma_wait3A_261 = tpu.memref_slice %arg7[%dma_wait3A_254, %dma_wait3A_260] : memref<80x128xi32, #tpu.memory_space<vmem>> -> memref<1x128xi32, #tpu.memory_space<vmem>>
    %dma_wait3A_262 = tpu.memref_squeeze %dma_wait3A_261 : memref<1x128xi32, #tpu.memory_space<vmem>> -> memref<128xi32, #tpu.memory_space<vmem>>
    %dma_wait3A_263 = arith.constant 0 : i32
    %dma_wait3A_264 = arith.constant 0 : i32
    %dma_wait3A_265 = tpu.memref_slice %arg12[%dma_wait3A_263, %dma_wait3A_264] : memref<10112x16xf32, #tpu.memory_space<vmem_shared>> -> memref<10112x16xf32, #tpu.memory_space<vmem_shared>>
    %dma_wait3A_266 = tpu.memref_slice %arg14[%dma_wait3A_255] : memref<8x!tpu.dma_semaphore, #tpu.memory_space<semaphore_mem>> -> memref<1x!tpu.dma_semaphore, #tpu.memory_space<semaphore_mem>>
    %dma_wait3A_267 = tpu.memref_squeeze %dma_wait3A_266 : memref<1x!tpu.dma_semaphore, #tpu.memory_space<semaphore_mem>> -> memref<!tpu.dma_semaphore, #tpu.memory_space<semaphore_mem>>
    tpu.wait_indirect_dma semaphore(%dma_wait3A_267 : memref<!tpu.dma_semaphore, #tpu.memory_space<semaphore_mem>>) src(%dma_wait3A_259 : memref<128x16xf32, #tpu.memory_space<vmem>>) dst(%dma_wait3A_265 : memref<10112x16xf32, #tpu.memory_space<vmem_shared>>)
    %dma_wait3A_268 = arith.constant 4 : i32
    %dma_wait3A_269 = arith.constant 76 : i32
    %dma_wait3A_270 = arith.constant 4 : i32
    %dma_wait3A_271 = arith.constant 0 : i32
    %dma_wait3A_272 = arith.constant 0 : i32
    %dma_wait3A_273 = tpu.memref_slice %arg8[%dma_wait3A_268, %dma_wait3A_271, %dma_wait3A_272] : memref<8x128x16xf32, #tpu.memory_space<vmem>> -> memref<1x128x16xf32, #tpu.memory_space<vmem>>
    %dma_wait3A_274 = tpu.memref_squeeze %dma_wait3A_273 : memref<1x128x16xf32, #tpu.memory_space<vmem>> -> memref<128x16xf32, #tpu.memory_space<vmem>>
    %dma_wait3A_275 = arith.constant 0 : i32
    %dma_wait3A_276 = tpu.memref_slice %arg7[%dma_wait3A_269, %dma_wait3A_275] : memref<80x128xi32, #tpu.memory_space<vmem>> -> memref<1x128xi32, #tpu.memory_space<vmem>>
    %dma_wait3A_277 = tpu.memref_squeeze %dma_wait3A_276 : memref<1x128xi32, #tpu.memory_space<vmem>> -> memref<128xi32, #tpu.memory_space<vmem>>
    %dma_wait3A_278 = arith.constant 0 : i32
    %dma_wait3A_279 = arith.constant 0 : i32
    %dma_wait3A_280 = tpu.memref_slice %arg12[%dma_wait3A_278, %dma_wait3A_279] : memref<10112x16xf32, #tpu.memory_space<vmem_shared>> -> memref<10112x16xf32, #tpu.memory_space<vmem_shared>>
    %dma_wait3A_281 = tpu.memref_slice %arg14[%dma_wait3A_270] : memref<8x!tpu.dma_semaphore, #tpu.memory_space<semaphore_mem>> -> memref<1x!tpu.dma_semaphore, #tpu.memory_space<semaphore_mem>>
    %dma_wait3A_282 = tpu.memref_squeeze %dma_wait3A_281 : memref<1x!tpu.dma_semaphore, #tpu.memory_space<semaphore_mem>> -> memref<!tpu.dma_semaphore, #tpu.memory_space<semaphore_mem>>
    tpu.wait_indirect_dma semaphore(%dma_wait3A_282 : memref<!tpu.dma_semaphore, #tpu.memory_space<semaphore_mem>>) src(%dma_wait3A_274 : memref<128x16xf32, #tpu.memory_space<vmem>>) dst(%dma_wait3A_280 : memref<10112x16xf32, #tpu.memory_space<vmem_shared>>)
    %dma_wait3A_283 = arith.constant 5 : i32
    %dma_wait3A_284 = arith.constant 77 : i32
    %dma_wait3A_285 = arith.constant 5 : i32
    %dma_wait3A_286 = arith.constant 0 : i32
    %dma_wait3A_287 = arith.constant 0 : i32
    %dma_wait3A_288 = tpu.memref_slice %arg8[%dma_wait3A_283, %dma_wait3A_286, %dma_wait3A_287] : memref<8x128x16xf32, #tpu.memory_space<vmem>> -> memref<1x128x16xf32, #tpu.memory_space<vmem>>
    %dma_wait3A_289 = tpu.memref_squeeze %dma_wait3A_288 : memref<1x128x16xf32, #tpu.memory_space<vmem>> -> memref<128x16xf32, #tpu.memory_space<vmem>>
    %dma_wait3A_290 = arith.constant 0 : i32
    %dma_wait3A_291 = tpu.memref_slice %arg7[%dma_wait3A_284, %dma_wait3A_290] : memref<80x128xi32, #tpu.memory_space<vmem>> -> memref<1x128xi32, #tpu.memory_space<vmem>>
    %dma_wait3A_292 = tpu.memref_squeeze %dma_wait3A_291 : memref<1x128xi32, #tpu.memory_space<vmem>> -> memref<128xi32, #tpu.memory_space<vmem>>
    %dma_wait3A_293 = arith.constant 0 : i32
    %dma_wait3A_294 = arith.constant 0 : i32
    %dma_wait3A_295 = tpu.memref_slice %arg12[%dma_wait3A_293, %dma_wait3A_294] : memref<10112x16xf32, #tpu.memory_space<vmem_shared>> -> memref<10112x16xf32, #tpu.memory_space<vmem_shared>>
    %dma_wait3A_296 = tpu.memref_slice %arg14[%dma_wait3A_285] : memref<8x!tpu.dma_semaphore, #tpu.memory_space<semaphore_mem>> -> memref<1x!tpu.dma_semaphore, #tpu.memory_space<semaphore_mem>>
    %dma_wait3A_297 = tpu.memref_squeeze %dma_wait3A_296 : memref<1x!tpu.dma_semaphore, #tpu.memory_space<semaphore_mem>> -> memref<!tpu.dma_semaphore, #tpu.memory_space<semaphore_mem>>
    tpu.wait_indirect_dma semaphore(%dma_wait3A_297 : memref<!tpu.dma_semaphore, #tpu.memory_space<semaphore_mem>>) src(%dma_wait3A_289 : memref<128x16xf32, #tpu.memory_space<vmem>>) dst(%dma_wait3A_295 : memref<10112x16xf32, #tpu.memory_space<vmem_shared>>)
    %dma_wait3A_298 = arith.constant 6 : i32
    %dma_wait3A_299 = arith.constant 78 : i32
    %dma_wait3A_300 = arith.constant 6 : i32
    %dma_wait3A_301 = arith.constant 0 : i32
    %dma_wait3A_302 = arith.constant 0 : i32
    %dma_wait3A_303 = tpu.memref_slice %arg8[%dma_wait3A_298, %dma_wait3A_301, %dma_wait3A_302] : memref<8x128x16xf32, #tpu.memory_space<vmem>> -> memref<1x128x16xf32, #tpu.memory_space<vmem>>
    %dma_wait3A_304 = tpu.memref_squeeze %dma_wait3A_303 : memref<1x128x16xf32, #tpu.memory_space<vmem>> -> memref<128x16xf32, #tpu.memory_space<vmem>>
    %dma_wait3A_305 = arith.constant 0 : i32
    %dma_wait3A_306 = tpu.memref_slice %arg7[%dma_wait3A_299, %dma_wait3A_305] : memref<80x128xi32, #tpu.memory_space<vmem>> -> memref<1x128xi32, #tpu.memory_space<vmem>>
    %dma_wait3A_307 = tpu.memref_squeeze %dma_wait3A_306 : memref<1x128xi32, #tpu.memory_space<vmem>> -> memref<128xi32, #tpu.memory_space<vmem>>
    %dma_wait3A_308 = arith.constant 0 : i32
    %dma_wait3A_309 = arith.constant 0 : i32
    %dma_wait3A_310 = tpu.memref_slice %arg12[%dma_wait3A_308, %dma_wait3A_309] : memref<10112x16xf32, #tpu.memory_space<vmem_shared>> -> memref<10112x16xf32, #tpu.memory_space<vmem_shared>>
    %dma_wait3A_311 = tpu.memref_slice %arg14[%dma_wait3A_300] : memref<8x!tpu.dma_semaphore, #tpu.memory_space<semaphore_mem>> -> memref<1x!tpu.dma_semaphore, #tpu.memory_space<semaphore_mem>>
    %dma_wait3A_312 = tpu.memref_squeeze %dma_wait3A_311 : memref<1x!tpu.dma_semaphore, #tpu.memory_space<semaphore_mem>> -> memref<!tpu.dma_semaphore, #tpu.memory_space<semaphore_mem>>
    tpu.wait_indirect_dma semaphore(%dma_wait3A_312 : memref<!tpu.dma_semaphore, #tpu.memory_space<semaphore_mem>>) src(%dma_wait3A_304 : memref<128x16xf32, #tpu.memory_space<vmem>>) dst(%dma_wait3A_310 : memref<10112x16xf32, #tpu.memory_space<vmem_shared>>)
    %dma_wait3A_313 = arith.constant 7 : i32
    %dma_wait3A_314 = arith.constant 79 : i32
    %dma_wait3A_315 = arith.constant 7 : i32
    %dma_wait3A_316 = arith.constant 0 : i32
    %dma_wait3A_317 = arith.constant 0 : i32
    %dma_wait3A_318 = tpu.memref_slice %arg8[%dma_wait3A_313, %dma_wait3A_316, %dma_wait3A_317] : memref<8x128x16xf32, #tpu.memory_space<vmem>> -> memref<1x128x16xf32, #tpu.memory_space<vmem>>
    %dma_wait3A_319 = tpu.memref_squeeze %dma_wait3A_318 : memref<1x128x16xf32, #tpu.memory_space<vmem>> -> memref<128x16xf32, #tpu.memory_space<vmem>>
    %dma_wait3A_320 = arith.constant 0 : i32
    %dma_wait3A_321 = tpu.memref_slice %arg7[%dma_wait3A_314, %dma_wait3A_320] : memref<80x128xi32, #tpu.memory_space<vmem>> -> memref<1x128xi32, #tpu.memory_space<vmem>>
    %dma_wait3A_322 = tpu.memref_squeeze %dma_wait3A_321 : memref<1x128xi32, #tpu.memory_space<vmem>> -> memref<128xi32, #tpu.memory_space<vmem>>
    %dma_wait3A_323 = arith.constant 0 : i32
    %dma_wait3A_324 = arith.constant 0 : i32
    %dma_wait3A_325 = tpu.memref_slice %arg12[%dma_wait3A_323, %dma_wait3A_324] : memref<10112x16xf32, #tpu.memory_space<vmem_shared>> -> memref<10112x16xf32, #tpu.memory_space<vmem_shared>>
    %dma_wait3A_326 = tpu.memref_slice %arg14[%dma_wait3A_315] : memref<8x!tpu.dma_semaphore, #tpu.memory_space<semaphore_mem>> -> memref<1x!tpu.dma_semaphore, #tpu.memory_space<semaphore_mem>>
    %dma_wait3A_327 = tpu.memref_squeeze %dma_wait3A_326 : memref<1x!tpu.dma_semaphore, #tpu.memory_space<semaphore_mem>> -> memref<!tpu.dma_semaphore, #tpu.memory_space<semaphore_mem>>
    tpu.wait_indirect_dma semaphore(%dma_wait3A_327 : memref<!tpu.dma_semaphore, #tpu.memory_space<semaphore_mem>>) src(%dma_wait3A_319 : memref<128x16xf32, #tpu.memory_space<vmem>>) dst(%dma_wait3A_325 : memref<10112x16xf32, #tpu.memory_space<vmem_shared>>)
    %barrier3A_328 = arith.constant 0 : index
    tpu.barrier barrier_id(%barrier3A_328)
    "tpu.region"() ({
      %run_scoped3A = tpu.sem_alloc : memref<!tpu.dma_semaphore, #tpu.memory_space<semaphore_mem>>
      %dma_start3A_334 = arith.constant 0 : i32
      %dma_start3A_335 = tpu.memref_slice %arg12[%mul3A_2, %dma_start3A_334] : memref<10112x16xf32, #tpu.memory_space<vmem_shared>> -> memref<632x16xf32, #tpu.memory_space<vmem_shared>>
      %dma_start3A_336 = arith.constant 0 : i32
      %dma_start3A_337 = tpu.memref_slice %arg12[%mul3A_2, %dma_start3A_336] : memref<10112x16xf32, #tpu.memory_space<vmem_shared>> -> memref<632x16xf32, #tpu.memory_space<vmem_shared>>
      tpu.enqueue_dma source(%dma_start3A_337 : memref<632x16xf32, #tpu.memory_space<vmem_shared>>) target(%arg9 : memref<632x16xf32, #tpu.memory_space<vmem>>) target_semaphore(%run_scoped3A : memref<!tpu.dma_semaphore, #tpu.memory_space<semaphore_mem>>)
      %dma_wait3A_338 = arith.constant 0 : i32
      %dma_wait3A_339 = tpu.memref_slice %arg12[%mul3A_2, %dma_wait3A_338] : memref<10112x16xf32, #tpu.memory_space<vmem_shared>> -> memref<632x16xf32, #tpu.memory_space<vmem_shared>>
      %dma_wait3A_340 = arith.constant 0 : i32
      %dma_wait3A_341 = tpu.memref_slice %arg12[%mul3A_2, %dma_wait3A_340] : memref<10112x16xf32, #tpu.memory_space<vmem_shared>> -> memref<632x16xf32, #tpu.memory_space<vmem_shared>>
      tpu.wait_dma2 semaphore(%run_scoped3A : memref<!tpu.dma_semaphore, #tpu.memory_space<semaphore_mem>>) src(%dma_wait3A_341 : memref<632x16xf32, #tpu.memory_space<vmem_shared>>) dst(%arg9 : memref<632x16xf32, #tpu.memory_space<vmem>>)
      tpu.yield
    }) : () -> ()
    %scan3A_329 = arith.constant 0 : i32
    %scan3A_330 = arith.constant 79 : i32
    %scan3A_331 = arith.addi %scan3A_329, %scan3A_330 : i32
    %scan3A_332 = arith.constant 1 : i32
    scf.for %scan3A_334 = %scan3A_329 to %scan3A_331 step %scan3A_332  : i32 {
      %mul3A_335 = arith.constant 1 : i32
      %mul3A_336 = arith.muli %scan3A_334, %mul3A_335 : i32
      %add3A_337 = arith.constant 0 : i32
      %add3A_338 = arith.addi %add3A_337, %mul3A_336 : i32
      %mul3A_339 = arith.constant 8 : i32
      %mul3A_340 = arith.muli %mul3A_339, %add3A_338 : i32
      %add3A_341 = arith.constant 0 : i32
      %add3A_342 = arith.addi %mul3A_340, %add3A_341 : i32
      %get3A = arith.index_cast %add3A_342 : i32 to index
      %get3A_343 = arith.constant 0 : index
      %get3A_344 = tpu.vector_load %arg9[%get3A, %get3A_343] {strides = array<i32>} : memref<632x16xf32, #tpu.memory_space<vmem>>, vector<1x16xf32>,
      %get3A_345 = vector.shape_cast %get3A_344 : vector<1x16xf32> to vector<16xf32>
      %swap3A = arith.index_cast %add3A_338 : i32 to index
      %swap3A_346 = arith.constant 0 : index
      %swap3A_347 = tpu.vector_load %arg10[%swap3A, %swap3A_346] {strides = array<i32>} : memref<79x128xf32, #tpu.memory_space<vmem>>, vector<1x16xf32>,
      %swap3A_348 = vector.shape_cast %swap3A_347 : vector<1x16xf32> to vector<16xf32>
      %swap3A_349 = vector.shape_cast %get3A_345 : vector<16xf32> to vector<1x16xf32>
      tpu.vector_store %arg10[%swap3A, %swap3A_346], %swap3A_349 {strides = array<i32>} : memref<79x128xf32, #tpu.memory_space<vmem>>, vector<1x16xf32>,
      %mul3A_350 = arith.constant 8 : i32
      %mul3A_351 = arith.muli %mul3A_350, %add3A_338 : i32
      %add3A_352 = arith.constant 1 : i32
      %add3A_353 = arith.addi %mul3A_351, %add3A_352 : i32
      %get3A_354 = arith.index_cast %add3A_353 : i32 to index
      %get3A_355 = arith.constant 0 : index
      %get3A_356 = tpu.vector_load %arg9[%get3A_354, %get3A_355] {strides = array<i32>} : memref<632x16xf32, #tpu.memory_space<vmem>>, vector<1x16xf32>,
      %get3A_357 = vector.shape_cast %get3A_356 : vector<1x16xf32> to vector<16xf32>
      %swap3A_358 = arith.index_cast %add3A_338 : i32 to index
      %swap3A_359 = arith.constant 16 : index
      %swap3A_360 = tpu.vector_load %arg10[%swap3A_358, %swap3A_359] {strides = array<i32>} : memref<79x128xf32, #tpu.memory_space<vmem>>, vector<1x16xf32>,
      %swap3A_361 = vector.shape_cast %swap3A_360 : vector<1x16xf32> to vector<16xf32>
      %swap3A_362 = vector.shape_cast %get3A_357 : vector<16xf32> to vector<1x16xf32>
      tpu.vector_store %arg10[%swap3A_358, %swap3A_359], %swap3A_362 {strides = array<i32>} : memref<79x128xf32, #tpu.memory_space<vmem>>, vector<1x16xf32>,
      %mul3A_363 = arith.constant 8 : i32
      %mul3A_364 = arith.muli %mul3A_363, %add3A_338 : i32
      %add3A_365 = arith.constant 2 : i32
      %add3A_366 = arith.addi %mul3A_364, %add3A_365 : i32
      %get3A_367 = arith.index_cast %add3A_366 : i32 to index
      %get3A_368 = arith.constant 0 : index
      %get3A_369 = tpu.vector_load %arg9[%get3A_367, %get3A_368] {strides = array<i32>} : memref<632x16xf32, #tpu.memory_space<vmem>>, vector<1x16xf32>,
      %get3A_370 = vector.shape_cast %get3A_369 : vector<1x16xf32> to vector<16xf32>
      %swap3A_371 = arith.index_cast %add3A_338 : i32 to index
      %swap3A_372 = arith.constant 32 : index
      %swap3A_373 = tpu.vector_load %arg10[%swap3A_371, %swap3A_372] {strides = array<i32>} : memref<79x128xf32, #tpu.memory_space<vmem>>, vector<1x16xf32>,
      %swap3A_374 = vector.shape_cast %swap3A_373 : vector<1x16xf32> to vector<16xf32>
      %swap3A_375 = vector.shape_cast %get3A_370 : vector<16xf32> to vector<1x16xf32>
      tpu.vector_store %arg10[%swap3A_371, %swap3A_372], %swap3A_375 {strides = array<i32>} : memref<79x128xf32, #tpu.memory_space<vmem>>, vector<1x16xf32>,
      %mul3A_376 = arith.constant 8 : i32
      %mul3A_377 = arith.muli %mul3A_376, %add3A_338 : i32
      %add3A_378 = arith.constant 3 : i32
      %add3A_379 = arith.addi %mul3A_377, %add3A_378 : i32
      %get3A_380 = arith.index_cast %add3A_379 : i32 to index
      %get3A_381 = arith.constant 0 : index
      %get3A_382 = tpu.vector_load %arg9[%get3A_380, %get3A_381] {strides = array<i32>} : memref<632x16xf32, #tpu.memory_space<vmem>>, vector<1x16xf32>,
      %get3A_383 = vector.shape_cast %get3A_382 : vector<1x16xf32> to vector<16xf32>
      %swap3A_384 = arith.index_cast %add3A_338 : i32 to index
      %swap3A_385 = arith.constant 48 : index
      %swap3A_386 = tpu.vector_load %arg10[%swap3A_384, %swap3A_385] {strides = array<i32>} : memref<79x128xf32, #tpu.memory_space<vmem>>, vector<1x16xf32>,
      %swap3A_387 = vector.shape_cast %swap3A_386 : vector<1x16xf32> to vector<16xf32>
      %swap3A_388 = vector.shape_cast %get3A_383 : vector<16xf32> to vector<1x16xf32>
      tpu.vector_store %arg10[%swap3A_384, %swap3A_385], %swap3A_388 {strides = array<i32>} : memref<79x128xf32, #tpu.memory_space<vmem>>, vector<1x16xf32>,
      %mul3A_389 = arith.constant 8 : i32
      %mul3A_390 = arith.muli %mul3A_389, %add3A_338 : i32
      %add3A_391 = arith.constant 4 : i32
      %add3A_392 = arith.addi %mul3A_390, %add3A_391 : i32
      %get3A_393 = arith.index_cast %add3A_392 : i32 to index
      %get3A_394 = arith.constant 0 : index
      %get3A_395 = tpu.vector_load %arg9[%get3A_393, %get3A_394] {strides = array<i32>} : memref<632x16xf32, #tpu.memory_space<vmem>>, vector<1x16xf32>,
      %get3A_396 = vector.shape_cast %get3A_395 : vector<1x16xf32> to vector<16xf32>
      %swap3A_397 = arith.index_cast %add3A_338 : i32 to index
      %swap3A_398 = arith.constant 64 : index
      %swap3A_399 = tpu.vector_load %arg10[%swap3A_397, %swap3A_398] {strides = array<i32>} : memref<79x128xf32, #tpu.memory_space<vmem>>, vector<1x16xf32>,
      %swap3A_400 = vector.shape_cast %swap3A_399 : vector<1x16xf32> to vector<16xf32>
      %swap3A_401 = vector.shape_cast %get3A_396 : vector<16xf32> to vector<1x16xf32>
      tpu.vector_store %arg10[%swap3A_397, %swap3A_398], %swap3A_401 {strides = array<i32>} : memref<79x128xf32, #tpu.memory_space<vmem>>, vector<1x16xf32>,
      %mul3A_402 = arith.constant 8 : i32
      %mul3A_403 = arith.muli %mul3A_402, %add3A_338 : i32
      %add3A_404 = arith.constant 5 : i32
      %add3A_405 = arith.addi %mul3A_403, %add3A_404 : i32
      %get3A_406 = arith.index_cast %add3A_405 : i32 to index
      %get3A_407 = arith.constant 0 : index
      %get3A_408 = tpu.vector_load %arg9[%get3A_406, %get3A_407] {strides = array<i32>} : memref<632x16xf32, #tpu.memory_space<vmem>>, vector<1x16xf32>,
      %get3A_409 = vector.shape_cast %get3A_408 : vector<1x16xf32> to vector<16xf32>
      %swap3A_410 = arith.index_cast %add3A_338 : i32 to index
      %swap3A_411 = arith.constant 80 : index
      %swap3A_412 = tpu.vector_load %arg10[%swap3A_410, %swap3A_411] {strides = array<i32>} : memref<79x128xf32, #tpu.memory_space<vmem>>, vector<1x16xf32>,
      %swap3A_413 = vector.shape_cast %swap3A_412 : vector<1x16xf32> to vector<16xf32>
      %swap3A_414 = vector.shape_cast %get3A_409 : vector<16xf32> to vector<1x16xf32>
      tpu.vector_store %arg10[%swap3A_410, %swap3A_411], %swap3A_414 {strides = array<i32>} : memref<79x128xf32, #tpu.memory_space<vmem>>, vector<1x16xf32>,
      %mul3A_415 = arith.constant 8 : i32
      %mul3A_416 = arith.muli %mul3A_415, %add3A_338 : i32
      %add3A_417 = arith.constant 6 : i32
      %add3A_418 = arith.addi %mul3A_416, %add3A_417 : i32
      %get3A_419 = arith.index_cast %add3A_418 : i32 to index
      %get3A_420 = arith.constant 0 : index
      %get3A_421 = tpu.vector_load %arg9[%get3A_419, %get3A_420] {strides = array<i32>} : memref<632x16xf32, #tpu.memory_space<vmem>>, vector<1x16xf32>,
      %get3A_422 = vector.shape_cast %get3A_421 : vector<1x16xf32> to vector<16xf32>
      %swap3A_423 = arith.index_cast %add3A_338 : i32 to index
      %swap3A_424 = arith.constant 96 : index
      %swap3A_425 = tpu.vector_load %arg10[%swap3A_423, %swap3A_424] {strides = array<i32>} : memref<79x128xf32, #tpu.memory_space<vmem>>, vector<1x16xf32>,
      %swap3A_426 = vector.shape_cast %swap3A_425 : vector<1x16xf32> to vector<16xf32>
      %swap3A_427 = vector.shape_cast %get3A_422 : vector<16xf32> to vector<1x16xf32>
      tpu.vector_store %arg10[%swap3A_423, %swap3A_424], %swap3A_427 {strides = array<i32>} : memref<79x128xf32, #tpu.memory_space<vmem>>, vector<1x16xf32>,
      %mul3A_428 = arith.constant 8 : i32
      %mul3A_429 = arith.muli %mul3A_428, %add3A_338 : i32
      %add3A_430 = arith.constant 7 : i32
      %add3A_431 = arith.addi %mul3A_429, %add3A_430 : i32
      %get3A_432 = arith.index_cast %add3A_431 : i32 to index
      %get3A_433 = arith.constant 0 : index
      %get3A_434 = tpu.vector_load %arg9[%get3A_432, %get3A_433] {strides = array<i32>} : memref<632x16xf32, #tpu.memory_space<vmem>>, vector<1x16xf32>,
      %get3A_435 = vector.shape_cast %get3A_434 : vector<1x16xf32> to vector<16xf32>
      %swap3A_436 = arith.index_cast %add3A_338 : i32 to index
      %swap3A_437 = arith.constant 112 : index
      %swap3A_438 = tpu.vector_load %arg10[%swap3A_436, %swap3A_437] {strides = array<i32>} : memref<79x128xf32, #tpu.memory_space<vmem>>, vector<1x16xf32>,
      %swap3A_439 = vector.shape_cast %swap3A_438 : vector<1x16xf32> to vector<16xf32>
      %swap3A_440 = vector.shape_cast %get3A_435 : vector<16xf32> to vector<1x16xf32>
      tpu.vector_store %arg10[%swap3A_436, %swap3A_437], %swap3A_440 {strides = array<i32>} : memref<79x128xf32, #tpu.memory_space<vmem>>, vector<1x16xf32>,
    }
    %scan3A_333 = arith.constant 79 : i32
    "tpu.region"() ({
      %run_scoped3A = tpu.sem_alloc : memref<!tpu.dma_semaphore, #tpu.memory_space<semaphore_mem>>
      %dma_start3A_334 = arith.constant 0 : i32
      %dma_start3A_335 = tpu.memref_slice %arg5[%arg0, %mul3A_4, %dma_start3A_334] : memref<2x1264x128xf32, #tpu.memory_space<hbm>> -> memref<1x79x128xf32, #tpu.memory_space<hbm>>
      %dma_start3A_336 = tpu.memref_squeeze %dma_start3A_335 : memref<1x79x128xf32, #tpu.memory_space<hbm>> -> memref<79x128xf32, #tpu.memory_space<hbm>>
      %dma_start3A_337 = arith.constant 0 : i32
      %dma_start3A_338 = tpu.memref_slice %arg5[%arg0, %mul3A_4, %dma_start3A_337] : memref<2x1264x128xf32, #tpu.memory_space<hbm>> -> memref<1x79x128xf32, #tpu.memory_space<hbm>>
      %dma_start3A_339 = tpu.memref_squeeze %dma_start3A_338 : memref<1x79x128xf32, #tpu.memory_space<hbm>> -> memref<79x128xf32, #tpu.memory_space<hbm>>
      tpu.enqueue_dma source(%arg10 : memref<79x128xf32, #tpu.memory_space<vmem>>) target(%dma_start3A_339 : memref<79x128xf32, #tpu.memory_space<hbm>>) target_semaphore(%run_scoped3A : memref<!tpu.dma_semaphore, #tpu.memory_space<semaphore_mem>>)
      %dma_wait3A_340 = arith.constant 0 : i32
      %dma_wait3A_341 = tpu.memref_slice %arg5[%arg0, %mul3A_4, %dma_wait3A_340] : memref<2x1264x128xf32, #tpu.memory_space<hbm>> -> memref<1x79x128xf32, #tpu.memory_space<hbm>>
      %dma_wait3A_342 = tpu.memref_squeeze %dma_wait3A_341 : memref<1x79x128xf32, #tpu.memory_space<hbm>> -> memref<79x128xf32, #tpu.memory_space<hbm>>
      %dma_wait3A_343 = arith.constant 0 : i32
      %dma_wait3A_344 = tpu.memref_slice %arg5[%arg0, %mul3A_4, %dma_wait3A_343] : memref<2x1264x128xf32, #tpu.memory_space<hbm>> -> memref<1x79x128xf32, #tpu.memory_space<hbm>>
      %dma_wait3A_345 = tpu.memref_squeeze %dma_wait3A_344 : memref<1x79x128xf32, #tpu.memory_space<hbm>> -> memref<79x128xf32, #tpu.memory_space<hbm>>
      tpu.wait_dma2 semaphore(%run_scoped3A : memref<!tpu.dma_semaphore, #tpu.memory_space<semaphore_mem>>) src(%arg10 : memref<79x128xf32, #tpu.memory_space<vmem>>) dst(%dma_wait3A_345 : memref<79x128xf32, #tpu.memory_space<hbm>>)
      tpu.yield
    }) : () -> ()
    return
  }
}

#map = affine_map<(d0, d1) -> (0, 0)>
#map1 = affine_map<(d0, d1) -> (0, 0, 0, 0)>
module attributes {stable_mosaic.version = 14 : i64} {
  func.func @_deg_body(%arg0: i32, %arg1: i32, %arg2: memref<2x320000xi32, #tpu.memory_space<hbm>>, %arg3: memref<128x16xf32, #tpu.memory_space<hbm>>, %arg4: memref<10112x16xf32, #tpu.memory_space<hbm>>, %arg5: memref<2x2x1264x128xf32, #tpu.memory_space<hbm>>, %arg6: memref<2x32x80x128xi32, #tpu.memory_space<hbm>>, %arg7: memref<10000xi32, #tpu.memory_space<vmem>>, %arg8: memref<80x128xi32, #tpu.memory_space<vmem>>, %arg9: memref<80x128xi32, #tpu.memory_space<vmem>>, %arg10: memref<128x16xf32, #tpu.memory_space<vmem>>, %arg11: memref<632x16xf32, #tpu.memory_space<vmem>>, %arg12: memref<79x128xf32, #tpu.memory_space<vmem>>, %arg13: memref<10112x16xf32, #tpu.memory_space<vmem_shared>>, %arg14: memref<10112x16xf32, #tpu.memory_space<vmem_shared>>, %arg15: memref<!tpu.dma_semaphore, #tpu.memory_space<semaphore_mem>>, %arg16: memref<!tpu.dma_semaphore, #tpu.memory_space<semaphore_mem>>, %arg17: memref<2x!tpu.dma_semaphore, #tpu.memory_space<semaphore_mem>>, %arg18: memref<4x!tpu.dma_semaphore, #tpu.memory_space<semaphore_mem>>) attributes {dimension_semantics = [#tpu.dimension_semantics<core_parallel>, #tpu.dimension_semantics<subcore_parallel>], iteration_bounds = array<i64: 2, 16>, scalar_prefetch = 0 : i64, scratch_operands = 12 : i64, tpu.core_type = #tpu.core_type<sc_vector_subcore>, window_params = [{transform_indices = #map}, {transform_indices = #map}, {transform_indices = #map}, {transform_indices = #map1}, {transform_indices = #map1}]} {
    %mul3A = arith.constant 16 : i32
    %mul3A_0 = arith.muli %arg0, %mul3A : i32
    %add3A = arith.addi %mul3A_0, %arg1 : i32
    %mul3A_1 = arith.constant 632 : i32
    %mul3A_2 = arith.muli %arg1, %mul3A_1 : i32
    %mul3A_3 = arith.constant 79 : i32
    %mul3A_4 = arith.muli %arg1, %mul3A_3 : i32
    %mul3A_5 = arith.constant 10000 : i32
    %mul3A_6 = arith.muli %add3A, %mul3A_5 : i32
    %dma_start3A = arith.constant 0 : i32
    %dma_start3A_7 = arith.constant 0 : i32
    %dma_start3A_8 = tpu.memref_slice %arg2[%dma_start3A, %mul3A_6] : memref<2x320000xi32, #tpu.memory_space<hbm>> -> memref<1x10000xi32, #tpu.memory_space<hbm>>
    %dma_start3A_9 = tpu.memref_squeeze %dma_start3A_8 : memref<1x10000xi32, #tpu.memory_space<hbm>> -> memref<10000xi32, #tpu.memory_space<hbm>>
    %dma_start3A_10 = tpu.memref_slice %arg18[%dma_start3A_7] : memref<4x!tpu.dma_semaphore, #tpu.memory_space<semaphore_mem>> -> memref<1x!tpu.dma_semaphore, #tpu.memory_space<semaphore_mem>>
    %dma_start3A_11 = tpu.memref_squeeze %dma_start3A_10 : memref<1x!tpu.dma_semaphore, #tpu.memory_space<semaphore_mem>> -> memref<!tpu.dma_semaphore, #tpu.memory_space<semaphore_mem>>
    %dma_start3A_12 = tpu.memref_slice %arg2[%dma_start3A, %mul3A_6] : memref<2x320000xi32, #tpu.memory_space<hbm>> -> memref<1x10000xi32, #tpu.memory_space<hbm>>
    %dma_start3A_13 = tpu.memref_squeeze %dma_start3A_12 : memref<1x10000xi32, #tpu.memory_space<hbm>> -> memref<10000xi32, #tpu.memory_space<hbm>>
    tpu.enqueue_dma source(%dma_start3A_13 : memref<10000xi32, #tpu.memory_space<hbm>>) target(%arg7 : memref<10000xi32, #tpu.memory_space<vmem>>) target_semaphore(%dma_start3A_11 : memref<!tpu.dma_semaphore, #tpu.memory_space<semaphore_mem>>)
    %dma_start3A_14 = arith.constant 1 : i32
    %dma_start3A_15 = tpu.memref_slice %arg18[%dma_start3A_14] : memref<4x!tpu.dma_semaphore, #tpu.memory_space<semaphore_mem>> -> memref<1x!tpu.dma_semaphore, #tpu.memory_space<semaphore_mem>>
    %dma_start3A_16 = tpu.memref_squeeze %dma_start3A_15 : memref<1x!tpu.dma_semaphore, #tpu.memory_space<semaphore_mem>> -> memref<!tpu.dma_semaphore, #tpu.memory_space<semaphore_mem>>
    %dma_start3A_17 = arith.constant 0 : i32
    %dma_start3A_18 = tpu.memref_slice %arg13[%mul3A_2, %dma_start3A_17] : memref<10112x16xf32, #tpu.memory_space<vmem_shared>> -> memref<632x16xf32, #tpu.memory_space<vmem_shared>>
    %dma_start3A_19 = arith.constant 0 : i32
    %dma_start3A_20 = tpu.memref_slice %arg4[%mul3A_2, %dma_start3A_19] : memref<10112x16xf32, #tpu.memory_space<hbm>> -> memref<632x16xf32, #tpu.memory_space<hbm>>
    tpu.enqueue_dma source(%dma_start3A_20 : memref<632x16xf32, #tpu.memory_space<hbm>>) target(%dma_start3A_18 : memref<632x16xf32, #tpu.memory_space<vmem_shared>>) target_semaphore(%dma_start3A_16 : memref<!tpu.dma_semaphore, #tpu.memory_space<semaphore_mem>>)
    %dma_start3A_21 = arith.constant 2 : i32
    %dma_start3A_22 = tpu.memref_slice %arg18[%dma_start3A_21] : memref<4x!tpu.dma_semaphore, #tpu.memory_space<semaphore_mem>> -> memref<1x!tpu.dma_semaphore, #tpu.memory_space<semaphore_mem>>
    %dma_start3A_23 = tpu.memref_squeeze %dma_start3A_22 : memref<1x!tpu.dma_semaphore, #tpu.memory_space<semaphore_mem>> -> memref<!tpu.dma_semaphore, #tpu.memory_space<semaphore_mem>>
    %dma_start3A_24 = arith.constant 0 : i32
    %dma_start3A_25 = tpu.memref_slice %arg14[%mul3A_2, %dma_start3A_24] : memref<10112x16xf32, #tpu.memory_space<vmem_shared>> -> memref<632x16xf32, #tpu.memory_space<vmem_shared>>
    %dma_start3A_26 = arith.constant 0 : i32
    %dma_start3A_27 = tpu.memref_slice %arg4[%mul3A_2, %dma_start3A_26] : memref<10112x16xf32, #tpu.memory_space<hbm>> -> memref<632x16xf32, #tpu.memory_space<hbm>>
    tpu.enqueue_dma source(%dma_start3A_27 : memref<632x16xf32, #tpu.memory_space<hbm>>) target(%dma_start3A_25 : memref<632x16xf32, #tpu.memory_space<vmem_shared>>) target_semaphore(%dma_start3A_23 : memref<!tpu.dma_semaphore, #tpu.memory_space<semaphore_mem>>)
    %dma_start3A_28 = arith.constant 3 : i32
    %dma_start3A_29 = tpu.memref_slice %arg18[%dma_start3A_28] : memref<4x!tpu.dma_semaphore, #tpu.memory_space<semaphore_mem>> -> memref<1x!tpu.dma_semaphore, #tpu.memory_space<semaphore_mem>>
    %dma_start3A_30 = tpu.memref_squeeze %dma_start3A_29 : memref<1x!tpu.dma_semaphore, #tpu.memory_space<semaphore_mem>> -> memref<!tpu.dma_semaphore, #tpu.memory_space<semaphore_mem>>
    tpu.enqueue_dma source(%arg3 : memref<128x16xf32, #tpu.memory_space<hbm>>) target(%arg10 : memref<128x16xf32, #tpu.memory_space<vmem>>) target_semaphore(%dma_start3A_30 : memref<!tpu.dma_semaphore, #tpu.memory_space<semaphore_mem>>)
    %mul3A_31 = arith.constant 10000 : i32
    %mul3A_32 = arith.muli %add3A, %mul3A_31 : i32
    %dma_wait3A = arith.constant 0 : i32
    %dma_wait3A_33 = arith.constant 0 : i32
    %dma_wait3A_34 = tpu.memref_slice %arg2[%dma_wait3A, %mul3A_32] : memref<2x320000xi32, #tpu.memory_space<hbm>> -> memref<1x10000xi32, #tpu.memory_space<hbm>>
    %dma_wait3A_35 = tpu.memref_squeeze %dma_wait3A_34 : memref<1x10000xi32, #tpu.memory_space<hbm>> -> memref<10000xi32, #tpu.memory_space<hbm>>
    %dma_wait3A_36 = tpu.memref_slice %arg18[%dma_wait3A_33] : memref<4x!tpu.dma_semaphore, #tpu.memory_space<semaphore_mem>> -> memref<1x!tpu.dma_semaphore, #tpu.memory_space<semaphore_mem>>
    %dma_wait3A_37 = tpu.memref_squeeze %dma_wait3A_36 : memref<1x!tpu.dma_semaphore, #tpu.memory_space<semaphore_mem>> -> memref<!tpu.dma_semaphore, #tpu.memory_space<semaphore_mem>>
    %dma_wait3A_38 = tpu.memref_slice %arg2[%dma_wait3A, %mul3A_32] : memref<2x320000xi32, #tpu.memory_space<hbm>> -> memref<1x10000xi32, #tpu.memory_space<hbm>>
    %dma_wait3A_39 = tpu.memref_squeeze %dma_wait3A_38 : memref<1x10000xi32, #tpu.memory_space<hbm>> -> memref<10000xi32, #tpu.memory_space<hbm>>
    tpu.wait_dma2 semaphore(%dma_wait3A_37 : memref<!tpu.dma_semaphore, #tpu.memory_space<semaphore_mem>>) src(%dma_wait3A_39 : memref<10000xi32, #tpu.memory_space<hbm>>) dst(%arg7 : memref<10000xi32, #tpu.memory_space<vmem>>)
    %scan3A = arith.constant 0 : i32
    %scan3A_40 = arith.constant 78 : i32
    %scan3A_41 = arith.addi %scan3A, %scan3A_40 : i32
    %scan3A_42 = arith.constant 1 : i32
    scf.for %scan3A_339 = %scan3A to %scan3A_41 step %scan3A_42  : i32 {
      %mul3A_340 = arith.constant 1 : i32
      %mul3A_341 = arith.muli %scan3A_339, %mul3A_340 : i32
      %add3A_342 = arith.constant 0 : i32
      %add3A_343 = arith.addi %add3A_342, %mul3A_341 : i32
      %mul3A_344 = arith.constant 8 : i32
      %mul3A_345 = arith.muli %mul3A_344, %add3A_343 : i32
      %add3A_346 = arith.constant 0 : i32
      %add3A_347 = arith.addi %mul3A_345, %add3A_346 : i32
      %mul3A_348 = arith.constant 16 : i32
      %mul3A_349 = arith.muli %mul3A_348, %add3A_347 : i32
      %get3A_350 = arith.index_cast %mul3A_349 : i32 to index
      %get3A_351 = tpu.vector_load %arg7[%get3A_350] {strides = array<i32>} : memref<10000xi32, #tpu.memory_space<vmem>>, vector<16xi32>,
      %get3A_352 = vector.shape_cast %get3A_351 : vector<16xi32> to vector<16xi32>
      %swap3A_353 = arith.index_cast %add3A_343 : i32 to index
      %swap3A_354 = arith.constant 0 : index
      %swap3A_355 = tpu.vector_load %arg8[%swap3A_353, %swap3A_354] {strides = array<i32>} : memref<80x128xi32, #tpu.memory_space<vmem>>, vector<1x16xi32>,
      %swap3A_356 = vector.shape_cast %swap3A_355 : vector<1x16xi32> to vector<16xi32>
      %swap3A_357 = vector.shape_cast %get3A_352 : vector<16xi32> to vector<1x16xi32>
      tpu.vector_store %arg8[%swap3A_353, %swap3A_354], %swap3A_357 {strides = array<i32>} : memref<80x128xi32, #tpu.memory_space<vmem>>, vector<1x16xi32>,
      %mul3A_358 = arith.constant 8 : i32
      %mul3A_359 = arith.muli %mul3A_358, %add3A_343 : i32
      %add3A_360 = arith.constant 1 : i32
      %add3A_361 = arith.addi %mul3A_359, %add3A_360 : i32
      %mul3A_362 = arith.constant 16 : i32
      %mul3A_363 = arith.muli %mul3A_362, %add3A_361 : i32
      %get3A_364 = arith.index_cast %mul3A_363 : i32 to index
      %get3A_365 = tpu.vector_load %arg7[%get3A_364] {strides = array<i32>} : memref<10000xi32, #tpu.memory_space<vmem>>, vector<16xi32>,
      %get3A_366 = vector.shape_cast %get3A_365 : vector<16xi32> to vector<16xi32>
      %swap3A_367 = arith.index_cast %add3A_343 : i32 to index
      %swap3A_368 = arith.constant 16 : index
      %swap3A_369 = tpu.vector_load %arg8[%swap3A_367, %swap3A_368] {strides = array<i32>} : memref<80x128xi32, #tpu.memory_space<vmem>>, vector<1x16xi32>,
      %swap3A_370 = vector.shape_cast %swap3A_369 : vector<1x16xi32> to vector<16xi32>
      %swap3A_371 = vector.shape_cast %get3A_366 : vector<16xi32> to vector<1x16xi32>
      tpu.vector_store %arg8[%swap3A_367, %swap3A_368], %swap3A_371 {strides = array<i32>} : memref<80x128xi32, #tpu.memory_space<vmem>>, vector<1x16xi32>,
      %mul3A_372 = arith.constant 8 : i32
      %mul3A_373 = arith.muli %mul3A_372, %add3A_343 : i32
      %add3A_374 = arith.constant 2 : i32
      %add3A_375 = arith.addi %mul3A_373, %add3A_374 : i32
      %mul3A_376 = arith.constant 16 : i32
      %mul3A_377 = arith.muli %mul3A_376, %add3A_375 : i32
      %get3A_378 = arith.index_cast %mul3A_377 : i32 to index
      %get3A_379 = tpu.vector_load %arg7[%get3A_378] {strides = array<i32>} : memref<10000xi32, #tpu.memory_space<vmem>>, vector<16xi32>,
      %get3A_380 = vector.shape_cast %get3A_379 : vector<16xi32> to vector<16xi32>
      %swap3A_381 = arith.index_cast %add3A_343 : i32 to index
      %swap3A_382 = arith.constant 32 : index
      %swap3A_383 = tpu.vector_load %arg8[%swap3A_381, %swap3A_382] {strides = array<i32>} : memref<80x128xi32, #tpu.memory_space<vmem>>, vector<1x16xi32>,
      %swap3A_384 = vector.shape_cast %swap3A_383 : vector<1x16xi32> to vector<16xi32>
      %swap3A_385 = vector.shape_cast %get3A_380 : vector<16xi32> to vector<1x16xi32>
      tpu.vector_store %arg8[%swap3A_381, %swap3A_382], %swap3A_385 {strides = array<i32>} : memref<80x128xi32, #tpu.memory_space<vmem>>, vector<1x16xi32>,
      %mul3A_386 = arith.constant 8 : i32
      %mul3A_387 = arith.muli %mul3A_386, %add3A_343 : i32
      %add3A_388 = arith.constant 3 : i32
      %add3A_389 = arith.addi %mul3A_387, %add3A_388 : i32
      %mul3A_390 = arith.constant 16 : i32
      %mul3A_391 = arith.muli %mul3A_390, %add3A_389 : i32
      %get3A_392 = arith.index_cast %mul3A_391 : i32 to index
      %get3A_393 = tpu.vector_load %arg7[%get3A_392] {strides = array<i32>} : memref<10000xi32, #tpu.memory_space<vmem>>, vector<16xi32>,
      %get3A_394 = vector.shape_cast %get3A_393 : vector<16xi32> to vector<16xi32>
      %swap3A_395 = arith.index_cast %add3A_343 : i32 to index
      %swap3A_396 = arith.constant 48 : index
      %swap3A_397 = tpu.vector_load %arg8[%swap3A_395, %swap3A_396] {strides = array<i32>} : memref<80x128xi32, #tpu.memory_space<vmem>>, vector<1x16xi32>,
      %swap3A_398 = vector.shape_cast %swap3A_397 : vector<1x16xi32> to vector<16xi32>
      %swap3A_399 = vector.shape_cast %get3A_394 : vector<16xi32> to vector<1x16xi32>
      tpu.vector_store %arg8[%swap3A_395, %swap3A_396], %swap3A_399 {strides = array<i32>} : memref<80x128xi32, #tpu.memory_space<vmem>>, vector<1x16xi32>,
      %mul3A_400 = arith.constant 8 : i32
      %mul3A_401 = arith.muli %mul3A_400, %add3A_343 : i32
      %add3A_402 = arith.constant 4 : i32
      %add3A_403 = arith.addi %mul3A_401, %add3A_402 : i32
      %mul3A_404 = arith.constant 16 : i32
      %mul3A_405 = arith.muli %mul3A_404, %add3A_403 : i32
      %get3A_406 = arith.index_cast %mul3A_405 : i32 to index
      %get3A_407 = tpu.vector_load %arg7[%get3A_406] {strides = array<i32>} : memref<10000xi32, #tpu.memory_space<vmem>>, vector<16xi32>,
      %get3A_408 = vector.shape_cast %get3A_407 : vector<16xi32> to vector<16xi32>
      %swap3A_409 = arith.index_cast %add3A_343 : i32 to index
      %swap3A_410 = arith.constant 64 : index
      %swap3A_411 = tpu.vector_load %arg8[%swap3A_409, %swap3A_410] {strides = array<i32>} : memref<80x128xi32, #tpu.memory_space<vmem>>, vector<1x16xi32>,
      %swap3A_412 = vector.shape_cast %swap3A_411 : vector<1x16xi32> to vector<16xi32>
      %swap3A_413 = vector.shape_cast %get3A_408 : vector<16xi32> to vector<1x16xi32>
      tpu.vector_store %arg8[%swap3A_409, %swap3A_410], %swap3A_413 {strides = array<i32>} : memref<80x128xi32, #tpu.memory_space<vmem>>, vector<1x16xi32>,
      %mul3A_414 = arith.constant 8 : i32
      %mul3A_415 = arith.muli %mul3A_414, %add3A_343 : i32
      %add3A_416 = arith.constant 5 : i32
      %add3A_417 = arith.addi %mul3A_415, %add3A_416 : i32
      %mul3A_418 = arith.constant 16 : i32
      %mul3A_419 = arith.muli %mul3A_418, %add3A_417 : i32
      %get3A_420 = arith.index_cast %mul3A_419 : i32 to index
      %get3A_421 = tpu.vector_load %arg7[%get3A_420] {strides = array<i32>} : memref<10000xi32, #tpu.memory_space<vmem>>, vector<16xi32>,
      %get3A_422 = vector.shape_cast %get3A_421 : vector<16xi32> to vector<16xi32>
      %swap3A_423 = arith.index_cast %add3A_343 : i32 to index
      %swap3A_424 = arith.constant 80 : index
      %swap3A_425 = tpu.vector_load %arg8[%swap3A_423, %swap3A_424] {strides = array<i32>} : memref<80x128xi32, #tpu.memory_space<vmem>>, vector<1x16xi32>,
      %swap3A_426 = vector.shape_cast %swap3A_425 : vector<1x16xi32> to vector<16xi32>
      %swap3A_427 = vector.shape_cast %get3A_422 : vector<16xi32> to vector<1x16xi32>
      tpu.vector_store %arg8[%swap3A_423, %swap3A_424], %swap3A_427 {strides = array<i32>} : memref<80x128xi32, #tpu.memory_space<vmem>>, vector<1x16xi32>,
      %mul3A_428 = arith.constant 8 : i32
      %mul3A_429 = arith.muli %mul3A_428, %add3A_343 : i32
      %add3A_430 = arith.constant 6 : i32
      %add3A_431 = arith.addi %mul3A_429, %add3A_430 : i32
      %mul3A_432 = arith.constant 16 : i32
      %mul3A_433 = arith.muli %mul3A_432, %add3A_431 : i32
      %get3A_434 = arith.index_cast %mul3A_433 : i32 to index
      %get3A_435 = tpu.vector_load %arg7[%get3A_434] {strides = array<i32>} : memref<10000xi32, #tpu.memory_space<vmem>>, vector<16xi32>,
      %get3A_436 = vector.shape_cast %get3A_435 : vector<16xi32> to vector<16xi32>
      %swap3A_437 = arith.index_cast %add3A_343 : i32 to index
      %swap3A_438 = arith.constant 96 : index
      %swap3A_439 = tpu.vector_load %arg8[%swap3A_437, %swap3A_438] {strides = array<i32>} : memref<80x128xi32, #tpu.memory_space<vmem>>, vector<1x16xi32>,
      %swap3A_440 = vector.shape_cast %swap3A_439 : vector<1x16xi32> to vector<16xi32>
      %swap3A_441 = vector.shape_cast %get3A_436 : vector<16xi32> to vector<1x16xi32>
      tpu.vector_store %arg8[%swap3A_437, %swap3A_438], %swap3A_441 {strides = array<i32>} : memref<80x128xi32, #tpu.memory_space<vmem>>, vector<1x16xi32>,
      %mul3A_442 = arith.constant 8 : i32
      %mul3A_443 = arith.muli %mul3A_442, %add3A_343 : i32
      %add3A_444 = arith.constant 7 : i32
      %add3A_445 = arith.addi %mul3A_443, %add3A_444 : i32
      %mul3A_446 = arith.constant 16 : i32
      %mul3A_447 = arith.muli %mul3A_446, %add3A_445 : i32
      %get3A_448 = arith.index_cast %mul3A_447 : i32 to index
      %get3A_449 = tpu.vector_load %arg7[%get3A_448] {strides = array<i32>} : memref<10000xi32, #tpu.memory_space<vmem>>, vector<16xi32>,
      %get3A_450 = vector.shape_cast %get3A_449 : vector<16xi32> to vector<16xi32>
      %swap3A_451 = arith.index_cast %add3A_343 : i32 to index
      %swap3A_452 = arith.constant 112 : index
      %swap3A_453 = tpu.vector_load %arg8[%swap3A_451, %swap3A_452] {strides = array<i32>} : memref<80x128xi32, #tpu.memory_space<vmem>>, vector<1x16xi32>,
      %swap3A_454 = vector.shape_cast %swap3A_453 : vector<1x16xi32> to vector<16xi32>
      %swap3A_455 = vector.shape_cast %get3A_450 : vector<16xi32> to vector<1x16xi32>
      tpu.vector_store %arg8[%swap3A_451, %swap3A_452], %swap3A_455 {strides = array<i32>} : memref<80x128xi32, #tpu.memory_space<vmem>>, vector<1x16xi32>,
    }
    %scan3A_43 = arith.constant 78 : i32
    %get3A = arith.constant 9984 : index
    %get3A_44 = tpu.vector_load %arg7[%get3A] {strides = array<i32>} : memref<10000xi32, #tpu.memory_space<vmem>>, vector<16xi32>,
    %get3A_45 = vector.shape_cast %get3A_44 : vector<16xi32> to vector<16xi32>
    %swap3A = arith.constant 78 : i32
    %swap3A_46 = arith.index_cast %swap3A : i32 to index
    %swap3A_47 = arith.constant 0 : index
    %swap3A_48 = tpu.vector_load %arg8[%swap3A_46, %swap3A_47] {strides = array<i32>} : memref<80x128xi32, #tpu.memory_space<vmem>>, vector<1x16xi32>,
    %swap3A_49 = vector.shape_cast %swap3A_48 : vector<1x16xi32> to vector<16xi32>
    %swap3A_50 = vector.shape_cast %get3A_45 : vector<16xi32> to vector<1x16xi32>
    tpu.vector_store %arg8[%swap3A_46, %swap3A_47], %swap3A_50 {strides = array<i32>} : memref<80x128xi32, #tpu.memory_space<vmem>>, vector<1x16xi32>,
    %broadcast_in_dim3A = arith.constant 10000 : i32
    %broadcast_in_dim3A_51 = vector.broadcast %broadcast_in_dim3A : i32 to vector<16xi32>
    %swap3A_52 = arith.constant 78 : i32
    %swap3A_53 = arith.index_cast %swap3A_52 : i32 to index
    %swap3A_54 = arith.constant 16 : index
    %swap3A_55 = tpu.vector_load %arg8[%swap3A_53, %swap3A_54] {strides = array<i32>} : memref<80x128xi32, #tpu.memory_space<vmem>>, vector<1x16xi32>,
    %swap3A_56 = vector.shape_cast %swap3A_55 : vector<1x16xi32> to vector<16xi32>
    %swap3A_57 = vector.shape_cast %broadcast_in_dim3A_51 : vector<16xi32> to vector<1x16xi32>
    tpu.vector_store %arg8[%swap3A_53, %swap3A_54], %swap3A_57 {strides = array<i32>} : memref<80x128xi32, #tpu.memory_space<vmem>>, vector<1x16xi32>,
    %swap3A_58 = arith.constant 78 : i32
    %swap3A_59 = arith.index_cast %swap3A_58 : i32 to index
    %swap3A_60 = arith.constant 32 : index
    %swap3A_61 = tpu.vector_load %arg8[%swap3A_59, %swap3A_60] {strides = array<i32>} : memref<80x128xi32, #tpu.memory_space<vmem>>, vector<1x16xi32>,
    %swap3A_62 = vector.shape_cast %swap3A_61 : vector<1x16xi32> to vector<16xi32>
    %swap3A_63 = vector.shape_cast %broadcast_in_dim3A_51 : vector<16xi32> to vector<1x16xi32>
    tpu.vector_store %arg8[%swap3A_59, %swap3A_60], %swap3A_63 {strides = array<i32>} : memref<80x128xi32, #tpu.memory_space<vmem>>, vector<1x16xi32>,
    %swap3A_64 = arith.constant 78 : i32
    %swap3A_65 = arith.index_cast %swap3A_64 : i32 to index
    %swap3A_66 = arith.constant 48 : index
    %swap3A_67 = tpu.vector_load %arg8[%swap3A_65, %swap3A_66] {strides = array<i32>} : memref<80x128xi32, #tpu.memory_space<vmem>>, vector<1x16xi32>,
    %swap3A_68 = vector.shape_cast %swap3A_67 : vector<1x16xi32> to vector<16xi32>
    %swap3A_69 = vector.shape_cast %broadcast_in_dim3A_51 : vector<16xi32> to vector<1x16xi32>
    tpu.vector_store %arg8[%swap3A_65, %swap3A_66], %swap3A_69 {strides = array<i32>} : memref<80x128xi32, #tpu.memory_space<vmem>>, vector<1x16xi32>,
    %swap3A_70 = arith.constant 78 : i32
    %swap3A_71 = arith.index_cast %swap3A_70 : i32 to index
    %swap3A_72 = arith.constant 64 : index
    %swap3A_73 = tpu.vector_load %arg8[%swap3A_71, %swap3A_72] {strides = array<i32>} : memref<80x128xi32, #tpu.memory_space<vmem>>, vector<1x16xi32>,
    %swap3A_74 = vector.shape_cast %swap3A_73 : vector<1x16xi32> to vector<16xi32>
    %swap3A_75 = vector.shape_cast %broadcast_in_dim3A_51 : vector<16xi32> to vector<1x16xi32>
    tpu.vector_store %arg8[%swap3A_71, %swap3A_72], %swap3A_75 {strides = array<i32>} : memref<80x128xi32, #tpu.memory_space<vmem>>, vector<1x16xi32>,
    %swap3A_76 = arith.constant 78 : i32
    %swap3A_77 = arith.index_cast %swap3A_76 : i32 to index
    %swap3A_78 = arith.constant 80 : index
    %swap3A_79 = tpu.vector_load %arg8[%swap3A_77, %swap3A_78] {strides = array<i32>} : memref<80x128xi32, #tpu.memory_space<vmem>>, vector<1x16xi32>,
    %swap3A_80 = vector.shape_cast %swap3A_79 : vector<1x16xi32> to vector<16xi32>
    %swap3A_81 = vector.shape_cast %broadcast_in_dim3A_51 : vector<16xi32> to vector<1x16xi32>
    tpu.vector_store %arg8[%swap3A_77, %swap3A_78], %swap3A_81 {strides = array<i32>} : memref<80x128xi32, #tpu.memory_space<vmem>>, vector<1x16xi32>,
    %swap3A_82 = arith.constant 78 : i32
    %swap3A_83 = arith.index_cast %swap3A_82 : i32 to index
    %swap3A_84 = arith.constant 96 : index
    %swap3A_85 = tpu.vector_load %arg8[%swap3A_83, %swap3A_84] {strides = array<i32>} : memref<80x128xi32, #tpu.memory_space<vmem>>, vector<1x16xi32>,
    %swap3A_86 = vector.shape_cast %swap3A_85 : vector<1x16xi32> to vector<16xi32>
    %swap3A_87 = vector.shape_cast %broadcast_in_dim3A_51 : vector<16xi32> to vector<1x16xi32>
    tpu.vector_store %arg8[%swap3A_83, %swap3A_84], %swap3A_87 {strides = array<i32>} : memref<80x128xi32, #tpu.memory_space<vmem>>, vector<1x16xi32>,
    %swap3A_88 = arith.constant 78 : i32
    %swap3A_89 = arith.index_cast %swap3A_88 : i32 to index
    %swap3A_90 = arith.constant 112 : index
    %swap3A_91 = tpu.vector_load %arg8[%swap3A_89, %swap3A_90] {strides = array<i32>} : memref<80x128xi32, #tpu.memory_space<vmem>>, vector<1x16xi32>,
    %swap3A_92 = vector.shape_cast %swap3A_91 : vector<1x16xi32> to vector<16xi32>
    %swap3A_93 = vector.shape_cast %broadcast_in_dim3A_51 : vector<16xi32> to vector<1x16xi32>
    tpu.vector_store %arg8[%swap3A_89, %swap3A_90], %swap3A_93 {strides = array<i32>} : memref<80x128xi32, #tpu.memory_space<vmem>>, vector<1x16xi32>,
    %scan3A_94 = arith.constant 0 : i32
    %mul3A_95 = arith.constant 1 : i32
    %mul3A_96 = arith.muli %scan3A_94, %mul3A_95 : i32
    %add3A_97 = arith.constant 79 : i32
    %add3A_98 = arith.addi %add3A_97, %mul3A_96 : i32
    %swap3A_99 = arith.index_cast %add3A_98 : i32 to index
    %swap3A_100 = arith.constant 0 : index
    %swap3A_101 = tpu.vector_load %arg8[%swap3A_99, %swap3A_100] {strides = array<i32>} : memref<80x128xi32, #tpu.memory_space<vmem>>, vector<1x16xi32>,
    %swap3A_102 = vector.shape_cast %swap3A_101 : vector<1x16xi32> to vector<16xi32>
    %swap3A_103 = vector.shape_cast %broadcast_in_dim3A_51 : vector<16xi32> to vector<1x16xi32>
    tpu.vector_store %arg8[%swap3A_99, %swap3A_100], %swap3A_103 {strides = array<i32>} : memref<80x128xi32, #tpu.memory_space<vmem>>, vector<1x16xi32>,
    %swap3A_104 = arith.index_cast %add3A_98 : i32 to index
    %swap3A_105 = arith.constant 16 : index
    %swap3A_106 = tpu.vector_load %arg8[%swap3A_104, %swap3A_105] {strides = array<i32>} : memref<80x128xi32, #tpu.memory_space<vmem>>, vector<1x16xi32>,
    %swap3A_107 = vector.shape_cast %swap3A_106 : vector<1x16xi32> to vector<16xi32>
    %swap3A_108 = vector.shape_cast %broadcast_in_dim3A_51 : vector<16xi32> to vector<1x16xi32>
    tpu.vector_store %arg8[%swap3A_104, %swap3A_105], %swap3A_108 {strides = array<i32>} : memref<80x128xi32, #tpu.memory_space<vmem>>, vector<1x16xi32>,
    %swap3A_109 = arith.index_cast %add3A_98 : i32 to index
    %swap3A_110 = arith.constant 32 : index
    %swap3A_111 = tpu.vector_load %arg8[%swap3A_109, %swap3A_110] {strides = array<i32>} : memref<80x128xi32, #tpu.memory_space<vmem>>, vector<1x16xi32>,
    %swap3A_112 = vector.shape_cast %swap3A_111 : vector<1x16xi32> to vector<16xi32>
    %swap3A_113 = vector.shape_cast %broadcast_in_dim3A_51 : vector<16xi32> to vector<1x16xi32>
    tpu.vector_store %arg8[%swap3A_109, %swap3A_110], %swap3A_113 {strides = array<i32>} : memref<80x128xi32, #tpu.memory_space<vmem>>, vector<1x16xi32>,
    %swap3A_114 = arith.index_cast %add3A_98 : i32 to index
    %swap3A_115 = arith.constant 48 : index
    %swap3A_116 = tpu.vector_load %arg8[%swap3A_114, %swap3A_115] {strides = array<i32>} : memref<80x128xi32, #tpu.memory_space<vmem>>, vector<1x16xi32>,
    %swap3A_117 = vector.shape_cast %swap3A_116 : vector<1x16xi32> to vector<16xi32>
    %swap3A_118 = vector.shape_cast %broadcast_in_dim3A_51 : vector<16xi32> to vector<1x16xi32>
    tpu.vector_store %arg8[%swap3A_114, %swap3A_115], %swap3A_118 {strides = array<i32>} : memref<80x128xi32, #tpu.memory_space<vmem>>, vector<1x16xi32>,
    %swap3A_119 = arith.index_cast %add3A_98 : i32 to index
    %swap3A_120 = arith.constant 64 : index
    %swap3A_121 = tpu.vector_load %arg8[%swap3A_119, %swap3A_120] {strides = array<i32>} : memref<80x128xi32, #tpu.memory_space<vmem>>, vector<1x16xi32>,
    %swap3A_122 = vector.shape_cast %swap3A_121 : vector<1x16xi32> to vector<16xi32>
    %swap3A_123 = vector.shape_cast %broadcast_in_dim3A_51 : vector<16xi32> to vector<1x16xi32>
    tpu.vector_store %arg8[%swap3A_119, %swap3A_120], %swap3A_123 {strides = array<i32>} : memref<80x128xi32, #tpu.memory_space<vmem>>, vector<1x16xi32>,
    %swap3A_124 = arith.index_cast %add3A_98 : i32 to index
    %swap3A_125 = arith.constant 80 : index
    %swap3A_126 = tpu.vector_load %arg8[%swap3A_124, %swap3A_125] {strides = array<i32>} : memref<80x128xi32, #tpu.memory_space<vmem>>, vector<1x16xi32>,
    %swap3A_127 = vector.shape_cast %swap3A_126 : vector<1x16xi32> to vector<16xi32>
    %swap3A_128 = vector.shape_cast %broadcast_in_dim3A_51 : vector<16xi32> to vector<1x16xi32>
    tpu.vector_store %arg8[%swap3A_124, %swap3A_125], %swap3A_128 {strides = array<i32>} : memref<80x128xi32, #tpu.memory_space<vmem>>, vector<1x16xi32>,
    %swap3A_129 = arith.index_cast %add3A_98 : i32 to index
    %swap3A_130 = arith.constant 96 : index
    %swap3A_131 = tpu.vector_load %arg8[%swap3A_129, %swap3A_130] {strides = array<i32>} : memref<80x128xi32, #tpu.memory_space<vmem>>, vector<1x16xi32>,
    %swap3A_132 = vector.shape_cast %swap3A_131 : vector<1x16xi32> to vector<16xi32>
    %swap3A_133 = vector.shape_cast %broadcast_in_dim3A_51 : vector<16xi32> to vector<1x16xi32>
    tpu.vector_store %arg8[%swap3A_129, %swap3A_130], %swap3A_133 {strides = array<i32>} : memref<80x128xi32, #tpu.memory_space<vmem>>, vector<1x16xi32>,
    %swap3A_134 = arith.index_cast %add3A_98 : i32 to index
    %swap3A_135 = arith.constant 112 : index
    %swap3A_136 = tpu.vector_load %arg8[%swap3A_134, %swap3A_135] {strides = array<i32>} : memref<80x128xi32, #tpu.memory_space<vmem>>, vector<1x16xi32>,
    %swap3A_137 = vector.shape_cast %swap3A_136 : vector<1x16xi32> to vector<16xi32>
    %swap3A_138 = vector.shape_cast %broadcast_in_dim3A_51 : vector<16xi32> to vector<1x16xi32>
    tpu.vector_store %arg8[%swap3A_134, %swap3A_135], %swap3A_138 {strides = array<i32>} : memref<80x128xi32, #tpu.memory_space<vmem>>, vector<1x16xi32>,
    %scan3A_139 = arith.constant 1 : i32
    %dma_start3A_140 = arith.constant 0 : i32
    %dma_start3A_141 = arith.constant 0 : i32
    %dma_start3A_142 = arith.constant 0 : i32
    %dma_start3A_143 = arith.constant 0 : i32
    %dma_start3A_144 = tpu.memref_slice %arg6[%dma_start3A_140, %add3A, %dma_start3A_142, %dma_start3A_143] : memref<2x32x80x128xi32, #tpu.memory_space<hbm>> -> memref<1x1x80x128xi32, #tpu.memory_space<hbm>>
    %dma_start3A_145 = tpu.memref_squeeze %dma_start3A_144 : memref<1x1x80x128xi32, #tpu.memory_space<hbm>> -> memref<80x128xi32, #tpu.memory_space<hbm>>
    %dma_start3A_146 = tpu.memref_slice %arg17[%dma_start3A_141] : memref<2x!tpu.dma_semaphore, #tpu.memory_space<semaphore_mem>> -> memref<1x!tpu.dma_semaphore, #tpu.memory_space<semaphore_mem>>
    %dma_start3A_147 = tpu.memref_squeeze %dma_start3A_146 : memref<1x!tpu.dma_semaphore, #tpu.memory_space<semaphore_mem>> -> memref<!tpu.dma_semaphore, #tpu.memory_space<semaphore_mem>>
    %dma_start3A_148 = arith.constant 0 : i32
    %dma_start3A_149 = arith.constant 0 : i32
    %dma_start3A_150 = tpu.memref_slice %arg6[%dma_start3A_140, %add3A, %dma_start3A_148, %dma_start3A_149] : memref<2x32x80x128xi32, #tpu.memory_space<hbm>> -> memref<1x1x80x128xi32, #tpu.memory_space<hbm>>
    %dma_start3A_151 = tpu.memref_squeeze %dma_start3A_150 : memref<1x1x80x128xi32, #tpu.memory_space<hbm>> -> memref<80x128xi32, #tpu.memory_space<hbm>>
    tpu.enqueue_dma source(%arg8 : memref<80x128xi32, #tpu.memory_space<vmem>>) target(%dma_start3A_151 : memref<80x128xi32, #tpu.memory_space<hbm>>) target_semaphore(%dma_start3A_147 : memref<!tpu.dma_semaphore, #tpu.memory_space<semaphore_mem>>)
    %dma_wait3A_152 = arith.constant 1 : i32
    %dma_wait3A_153 = tpu.memref_slice %arg18[%dma_wait3A_152] : memref<4x!tpu.dma_semaphore, #tpu.memory_space<semaphore_mem>> -> memref<1x!tpu.dma_semaphore, #tpu.memory_space<semaphore_mem>>
    %dma_wait3A_154 = tpu.memref_squeeze %dma_wait3A_153 : memref<1x!tpu.dma_semaphore, #tpu.memory_space<semaphore_mem>> -> memref<!tpu.dma_semaphore, #tpu.memory_space<semaphore_mem>>
    %dma_wait3A_155 = arith.constant 0 : i32
    %dma_wait3A_156 = tpu.memref_slice %arg13[%mul3A_2, %dma_wait3A_155] : memref<10112x16xf32, #tpu.memory_space<vmem_shared>> -> memref<632x16xf32, #tpu.memory_space<vmem_shared>>
    %dma_wait3A_157 = arith.constant 0 : i32
    %dma_wait3A_158 = tpu.memref_slice %arg4[%mul3A_2, %dma_wait3A_157] : memref<10112x16xf32, #tpu.memory_space<hbm>> -> memref<632x16xf32, #tpu.memory_space<hbm>>
    tpu.wait_dma2 semaphore(%dma_wait3A_154 : memref<!tpu.dma_semaphore, #tpu.memory_space<semaphore_mem>>) src(%dma_wait3A_158 : memref<632x16xf32, #tpu.memory_space<hbm>>) dst(%dma_wait3A_156 : memref<632x16xf32, #tpu.memory_space<vmem_shared>>)
    %dma_wait3A_159 = arith.constant 2 : i32
    %dma_wait3A_160 = tpu.memref_slice %arg18[%dma_wait3A_159] : memref<4x!tpu.dma_semaphore, #tpu.memory_space<semaphore_mem>> -> memref<1x!tpu.dma_semaphore, #tpu.memory_space<semaphore_mem>>
    %dma_wait3A_161 = tpu.memref_squeeze %dma_wait3A_160 : memref<1x!tpu.dma_semaphore, #tpu.memory_space<semaphore_mem>> -> memref<!tpu.dma_semaphore, #tpu.memory_space<semaphore_mem>>
    %dma_wait3A_162 = arith.constant 0 : i32
    %dma_wait3A_163 = tpu.memref_slice %arg14[%mul3A_2, %dma_wait3A_162] : memref<10112x16xf32, #tpu.memory_space<vmem_shared>> -> memref<632x16xf32, #tpu.memory_space<vmem_shared>>
    %dma_wait3A_164 = arith.constant 0 : i32
    %dma_wait3A_165 = tpu.memref_slice %arg4[%mul3A_2, %dma_wait3A_164] : memref<10112x16xf32, #tpu.memory_space<hbm>> -> memref<632x16xf32, #tpu.memory_space<hbm>>
    tpu.wait_dma2 semaphore(%dma_wait3A_161 : memref<!tpu.dma_semaphore, #tpu.memory_space<semaphore_mem>>) src(%dma_wait3A_165 : memref<632x16xf32, #tpu.memory_space<hbm>>) dst(%dma_wait3A_163 : memref<632x16xf32, #tpu.memory_space<vmem_shared>>)
    %dma_wait3A_166 = arith.constant 3 : i32
    %dma_wait3A_167 = tpu.memref_slice %arg18[%dma_wait3A_166] : memref<4x!tpu.dma_semaphore, #tpu.memory_space<semaphore_mem>> -> memref<1x!tpu.dma_semaphore, #tpu.memory_space<semaphore_mem>>
    %dma_wait3A_168 = tpu.memref_squeeze %dma_wait3A_167 : memref<1x!tpu.dma_semaphore, #tpu.memory_space<semaphore_mem>> -> memref<!tpu.dma_semaphore, #tpu.memory_space<semaphore_mem>>
    tpu.wait_dma2 semaphore(%dma_wait3A_168 : memref<!tpu.dma_semaphore, #tpu.memory_space<semaphore_mem>>) src(%arg3 : memref<128x16xf32, #tpu.memory_space<hbm>>) dst(%arg10 : memref<128x16xf32, #tpu.memory_space<vmem>>)
    %barrier3A = arith.constant 0 : index
    tpu.barrier barrier_id(%barrier3A)
    %scan3A_169 = arith.constant 0 : i32
    %scan3A_170 = arith.constant 80 : i32
    %scan3A_171 = arith.addi %scan3A_169, %scan3A_170 : i32
    %scan3A_172 = arith.constant 1 : i32
    scf.for %scan3A_339 = %scan3A_169 to %scan3A_171 step %scan3A_172  : i32 {
      %mul3A_340 = arith.constant 1 : i32
      %mul3A_341 = arith.muli %scan3A_339, %mul3A_340 : i32
      %add3A_342 = arith.constant 0 : i32
      %add3A_343 = arith.addi %add3A_342, %mul3A_341 : i32
      %dma_start3A_344 = arith.constant 0 : i32
      %dma_start3A_345 = tpu.memref_slice %arg8[%add3A_343, %dma_start3A_344] : memref<80x128xi32, #tpu.memory_space<vmem>> -> memref<1x128xi32, #tpu.memory_space<vmem>>
      %dma_start3A_346 = tpu.memref_squeeze %dma_start3A_345 : memref<1x128xi32, #tpu.memory_space<vmem>> -> memref<128xi32, #tpu.memory_space<vmem>>
      %dma_start3A_347 = arith.constant 0 : i32
      %dma_start3A_348 = arith.constant 0 : i32
      %dma_start3A_349 = tpu.memref_slice %arg13[%dma_start3A_347, %dma_start3A_348] : memref<10112x16xf32, #tpu.memory_space<vmem_shared>> -> memref<10112x16xf32, #tpu.memory_space<vmem_shared>>
      tpu.enqueue_indirect_dma source(%arg10 : memref<128x16xf32, #tpu.memory_space<vmem>>) target(%dma_start3A_349 : memref<10112x16xf32, #tpu.memory_space<vmem_shared>>) offsets(%dma_start3A_346 : memref<128xi32, #tpu.memory_space<vmem>>) semaphore(%arg15 : memref<!tpu.dma_semaphore, #tpu.memory_space<semaphore_mem>>) {add = true}
    }
    %scan3A_173 = arith.constant 80 : i32
    %mul3A_174 = arith.constant 10000 : i32
    %mul3A_175 = arith.muli %add3A, %mul3A_174 : i32
    %run_scoped3A = arith.constant 1 : i32
    "tpu.region"() ({
      %run_scoped3A_339 = tpu.sem_alloc : memref<!tpu.dma_semaphore, #tpu.memory_space<semaphore_mem>>
      %dma_start3A_340 = tpu.memref_slice %arg2[%run_scoped3A, %mul3A_175] : memref<2x320000xi32, #tpu.memory_space<hbm>> -> memref<1x10000xi32, #tpu.memory_space<hbm>>
      %dma_start3A_341 = tpu.memref_squeeze %dma_start3A_340 : memref<1x10000xi32, #tpu.memory_space<hbm>> -> memref<10000xi32, #tpu.memory_space<hbm>>
      %dma_start3A_342 = tpu.memref_slice %arg2[%run_scoped3A, %mul3A_175] : memref<2x320000xi32, #tpu.memory_space<hbm>> -> memref<1x10000xi32, #tpu.memory_space<hbm>>
      %dma_start3A_343 = tpu.memref_squeeze %dma_start3A_342 : memref<1x10000xi32, #tpu.memory_space<hbm>> -> memref<10000xi32, #tpu.memory_space<hbm>>
      tpu.enqueue_dma source(%dma_start3A_343 : memref<10000xi32, #tpu.memory_space<hbm>>) target(%arg7 : memref<10000xi32, #tpu.memory_space<vmem>>) target_semaphore(%run_scoped3A_339 : memref<!tpu.dma_semaphore, #tpu.memory_space<semaphore_mem>>)
      %dma_wait3A_344 = tpu.memref_slice %arg2[%run_scoped3A, %mul3A_175] : memref<2x320000xi32, #tpu.memory_space<hbm>> -> memref<1x10000xi32, #tpu.memory_space<hbm>>
      %dma_wait3A_345 = tpu.memref_squeeze %dma_wait3A_344 : memref<1x10000xi32, #tpu.memory_space<hbm>> -> memref<10000xi32, #tpu.memory_space<hbm>>
      %dma_wait3A_346 = tpu.memref_slice %arg2[%run_scoped3A, %mul3A_175] : memref<2x320000xi32, #tpu.memory_space<hbm>> -> memref<1x10000xi32, #tpu.memory_space<hbm>>
      %dma_wait3A_347 = tpu.memref_squeeze %dma_wait3A_346 : memref<1x10000xi32, #tpu.memory_space<hbm>> -> memref<10000xi32, #tpu.memory_space<hbm>>
      tpu.wait_dma2 semaphore(%run_scoped3A_339 : memref<!tpu.dma_semaphore, #tpu.memory_space<semaphore_mem>>) src(%dma_wait3A_347 : memref<10000xi32, #tpu.memory_space<hbm>>) dst(%arg7 : memref<10000xi32, #tpu.memory_space<vmem>>)
      tpu.yield
    }) : () -> ()
    %scan3A_176 = arith.constant 0 : i32
    %scan3A_177 = arith.constant 78 : i32
    %scan3A_178 = arith.addi %scan3A_176, %scan3A_177 : i32
    %scan3A_179 = arith.constant 1 : i32
    scf.for %scan3A_339 = %scan3A_176 to %scan3A_178 step %scan3A_179  : i32 {
      %mul3A_340 = arith.constant 1 : i32
      %mul3A_341 = arith.muli %scan3A_339, %mul3A_340 : i32
      %add3A_342 = arith.constant 0 : i32
      %add3A_343 = arith.addi %add3A_342, %mul3A_341 : i32
      %mul3A_344 = arith.constant 8 : i32
      %mul3A_345 = arith.muli %mul3A_344, %add3A_343 : i32
      %add3A_346 = arith.constant 0 : i32
      %add3A_347 = arith.addi %mul3A_345, %add3A_346 : i32
      %mul3A_348 = arith.constant 16 : i32
      %mul3A_349 = arith.muli %mul3A_348, %add3A_347 : i32
      %get3A_350 = arith.index_cast %mul3A_349 : i32 to index
      %get3A_351 = tpu.vector_load %arg7[%get3A_350] {strides = array<i32>} : memref<10000xi32, #tpu.memory_space<vmem>>, vector<16xi32>,
      %get3A_352 = vector.shape_cast %get3A_351 : vector<16xi32> to vector<16xi32>
      %swap3A_353 = arith.index_cast %add3A_343 : i32 to index
      %swap3A_354 = arith.constant 0 : index
      %swap3A_355 = tpu.vector_load %arg9[%swap3A_353, %swap3A_354] {strides = array<i32>} : memref<80x128xi32, #tpu.memory_space<vmem>>, vector<1x16xi32>,
      %swap3A_356 = vector.shape_cast %swap3A_355 : vector<1x16xi32> to vector<16xi32>
      %swap3A_357 = vector.shape_cast %get3A_352 : vector<16xi32> to vector<1x16xi32>
      tpu.vector_store %arg9[%swap3A_353, %swap3A_354], %swap3A_357 {strides = array<i32>} : memref<80x128xi32, #tpu.memory_space<vmem>>, vector<1x16xi32>,
      %mul3A_358 = arith.constant 8 : i32
      %mul3A_359 = arith.muli %mul3A_358, %add3A_343 : i32
      %add3A_360 = arith.constant 1 : i32
      %add3A_361 = arith.addi %mul3A_359, %add3A_360 : i32
      %mul3A_362 = arith.constant 16 : i32
      %mul3A_363 = arith.muli %mul3A_362, %add3A_361 : i32
      %get3A_364 = arith.index_cast %mul3A_363 : i32 to index
      %get3A_365 = tpu.vector_load %arg7[%get3A_364] {strides = array<i32>} : memref<10000xi32, #tpu.memory_space<vmem>>, vector<16xi32>,
      %get3A_366 = vector.shape_cast %get3A_365 : vector<16xi32> to vector<16xi32>
      %swap3A_367 = arith.index_cast %add3A_343 : i32 to index
      %swap3A_368 = arith.constant 16 : index
      %swap3A_369 = tpu.vector_load %arg9[%swap3A_367, %swap3A_368] {strides = array<i32>} : memref<80x128xi32, #tpu.memory_space<vmem>>, vector<1x16xi32>,
      %swap3A_370 = vector.shape_cast %swap3A_369 : vector<1x16xi32> to vector<16xi32>
      %swap3A_371 = vector.shape_cast %get3A_366 : vector<16xi32> to vector<1x16xi32>
      tpu.vector_store %arg9[%swap3A_367, %swap3A_368], %swap3A_371 {strides = array<i32>} : memref<80x128xi32, #tpu.memory_space<vmem>>, vector<1x16xi32>,
      %mul3A_372 = arith.constant 8 : i32
      %mul3A_373 = arith.muli %mul3A_372, %add3A_343 : i32
      %add3A_374 = arith.constant 2 : i32
      %add3A_375 = arith.addi %mul3A_373, %add3A_374 : i32
      %mul3A_376 = arith.constant 16 : i32
      %mul3A_377 = arith.muli %mul3A_376, %add3A_375 : i32
      %get3A_378 = arith.index_cast %mul3A_377 : i32 to index
      %get3A_379 = tpu.vector_load %arg7[%get3A_378] {strides = array<i32>} : memref<10000xi32, #tpu.memory_space<vmem>>, vector<16xi32>,
      %get3A_380 = vector.shape_cast %get3A_379 : vector<16xi32> to vector<16xi32>
      %swap3A_381 = arith.index_cast %add3A_343 : i32 to index
      %swap3A_382 = arith.constant 32 : index
      %swap3A_383 = tpu.vector_load %arg9[%swap3A_381, %swap3A_382] {strides = array<i32>} : memref<80x128xi32, #tpu.memory_space<vmem>>, vector<1x16xi32>,
      %swap3A_384 = vector.shape_cast %swap3A_383 : vector<1x16xi32> to vector<16xi32>
      %swap3A_385 = vector.shape_cast %get3A_380 : vector<16xi32> to vector<1x16xi32>
      tpu.vector_store %arg9[%swap3A_381, %swap3A_382], %swap3A_385 {strides = array<i32>} : memref<80x128xi32, #tpu.memory_space<vmem>>, vector<1x16xi32>,
      %mul3A_386 = arith.constant 8 : i32
      %mul3A_387 = arith.muli %mul3A_386, %add3A_343 : i32
      %add3A_388 = arith.constant 3 : i32
      %add3A_389 = arith.addi %mul3A_387, %add3A_388 : i32
      %mul3A_390 = arith.constant 16 : i32
      %mul3A_391 = arith.muli %mul3A_390, %add3A_389 : i32
      %get3A_392 = arith.index_cast %mul3A_391 : i32 to index
      %get3A_393 = tpu.vector_load %arg7[%get3A_392] {strides = array<i32>} : memref<10000xi32, #tpu.memory_space<vmem>>, vector<16xi32>,
      %get3A_394 = vector.shape_cast %get3A_393 : vector<16xi32> to vector<16xi32>
      %swap3A_395 = arith.index_cast %add3A_343 : i32 to index
      %swap3A_396 = arith.constant 48 : index
      %swap3A_397 = tpu.vector_load %arg9[%swap3A_395, %swap3A_396] {strides = array<i32>} : memref<80x128xi32, #tpu.memory_space<vmem>>, vector<1x16xi32>,
      %swap3A_398 = vector.shape_cast %swap3A_397 : vector<1x16xi32> to vector<16xi32>
      %swap3A_399 = vector.shape_cast %get3A_394 : vector<16xi32> to vector<1x16xi32>
      tpu.vector_store %arg9[%swap3A_395, %swap3A_396], %swap3A_399 {strides = array<i32>} : memref<80x128xi32, #tpu.memory_space<vmem>>, vector<1x16xi32>,
      %mul3A_400 = arith.constant 8 : i32
      %mul3A_401 = arith.muli %mul3A_400, %add3A_343 : i32
      %add3A_402 = arith.constant 4 : i32
      %add3A_403 = arith.addi %mul3A_401, %add3A_402 : i32
      %mul3A_404 = arith.constant 16 : i32
      %mul3A_405 = arith.muli %mul3A_404, %add3A_403 : i32
      %get3A_406 = arith.index_cast %mul3A_405 : i32 to index
      %get3A_407 = tpu.vector_load %arg7[%get3A_406] {strides = array<i32>} : memref<10000xi32, #tpu.memory_space<vmem>>, vector<16xi32>,
      %get3A_408 = vector.shape_cast %get3A_407 : vector<16xi32> to vector<16xi32>
      %swap3A_409 = arith.index_cast %add3A_343 : i32 to index
      %swap3A_410 = arith.constant 64 : index
      %swap3A_411 = tpu.vector_load %arg9[%swap3A_409, %swap3A_410] {strides = array<i32>} : memref<80x128xi32, #tpu.memory_space<vmem>>, vector<1x16xi32>,
      %swap3A_412 = vector.shape_cast %swap3A_411 : vector<1x16xi32> to vector<16xi32>
      %swap3A_413 = vector.shape_cast %get3A_408 : vector<16xi32> to vector<1x16xi32>
      tpu.vector_store %arg9[%swap3A_409, %swap3A_410], %swap3A_413 {strides = array<i32>} : memref<80x128xi32, #tpu.memory_space<vmem>>, vector<1x16xi32>,
      %mul3A_414 = arith.constant 8 : i32
      %mul3A_415 = arith.muli %mul3A_414, %add3A_343 : i32
      %add3A_416 = arith.constant 5 : i32
      %add3A_417 = arith.addi %mul3A_415, %add3A_416 : i32
      %mul3A_418 = arith.constant 16 : i32
      %mul3A_419 = arith.muli %mul3A_418, %add3A_417 : i32
      %get3A_420 = arith.index_cast %mul3A_419 : i32 to index
      %get3A_421 = tpu.vector_load %arg7[%get3A_420] {strides = array<i32>} : memref<10000xi32, #tpu.memory_space<vmem>>, vector<16xi32>,
      %get3A_422 = vector.shape_cast %get3A_421 : vector<16xi32> to vector<16xi32>
      %swap3A_423 = arith.index_cast %add3A_343 : i32 to index
      %swap3A_424 = arith.constant 80 : index
      %swap3A_425 = tpu.vector_load %arg9[%swap3A_423, %swap3A_424] {strides = array<i32>} : memref<80x128xi32, #tpu.memory_space<vmem>>, vector<1x16xi32>,
      %swap3A_426 = vector.shape_cast %swap3A_425 : vector<1x16xi32> to vector<16xi32>
      %swap3A_427 = vector.shape_cast %get3A_422 : vector<16xi32> to vector<1x16xi32>
      tpu.vector_store %arg9[%swap3A_423, %swap3A_424], %swap3A_427 {strides = array<i32>} : memref<80x128xi32, #tpu.memory_space<vmem>>, vector<1x16xi32>,
      %mul3A_428 = arith.constant 8 : i32
      %mul3A_429 = arith.muli %mul3A_428, %add3A_343 : i32
      %add3A_430 = arith.constant 6 : i32
      %add3A_431 = arith.addi %mul3A_429, %add3A_430 : i32
      %mul3A_432 = arith.constant 16 : i32
      %mul3A_433 = arith.muli %mul3A_432, %add3A_431 : i32
      %get3A_434 = arith.index_cast %mul3A_433 : i32 to index
      %get3A_435 = tpu.vector_load %arg7[%get3A_434] {strides = array<i32>} : memref<10000xi32, #tpu.memory_space<vmem>>, vector<16xi32>,
      %get3A_436 = vector.shape_cast %get3A_435 : vector<16xi32> to vector<16xi32>
      %swap3A_437 = arith.index_cast %add3A_343 : i32 to index
      %swap3A_438 = arith.constant 96 : index
      %swap3A_439 = tpu.vector_load %arg9[%swap3A_437, %swap3A_438] {strides = array<i32>} : memref<80x128xi32, #tpu.memory_space<vmem>>, vector<1x16xi32>,
      %swap3A_440 = vector.shape_cast %swap3A_439 : vector<1x16xi32> to vector<16xi32>
      %swap3A_441 = vector.shape_cast %get3A_436 : vector<16xi32> to vector<1x16xi32>
      tpu.vector_store %arg9[%swap3A_437, %swap3A_438], %swap3A_441 {strides = array<i32>} : memref<80x128xi32, #tpu.memory_space<vmem>>, vector<1x16xi32>,
      %mul3A_442 = arith.constant 8 : i32
      %mul3A_443 = arith.muli %mul3A_442, %add3A_343 : i32
      %add3A_444 = arith.constant 7 : i32
      %add3A_445 = arith.addi %mul3A_443, %add3A_444 : i32
      %mul3A_446 = arith.constant 16 : i32
      %mul3A_447 = arith.muli %mul3A_446, %add3A_445 : i32
      %get3A_448 = arith.index_cast %mul3A_447 : i32 to index
      %get3A_449 = tpu.vector_load %arg7[%get3A_448] {strides = array<i32>} : memref<10000xi32, #tpu.memory_space<vmem>>, vector<16xi32>,
      %get3A_450 = vector.shape_cast %get3A_449 : vector<16xi32> to vector<16xi32>
      %swap3A_451 = arith.index_cast %add3A_343 : i32 to index
      %swap3A_452 = arith.constant 112 : index
      %swap3A_453 = tpu.vector_load %arg9[%swap3A_451, %swap3A_452] {strides = array<i32>} : memref<80x128xi32, #tpu.memory_space<vmem>>, vector<1x16xi32>,
      %swap3A_454 = vector.shape_cast %swap3A_453 : vector<1x16xi32> to vector<16xi32>
      %swap3A_455 = vector.shape_cast %get3A_450 : vector<16xi32> to vector<1x16xi32>
      tpu.vector_store %arg9[%swap3A_451, %swap3A_452], %swap3A_455 {strides = array<i32>} : memref<80x128xi32, #tpu.memory_space<vmem>>, vector<1x16xi32>,
    }
    %scan3A_180 = arith.constant 78 : i32
    %get3A_181 = arith.constant 9984 : index
    %get3A_182 = tpu.vector_load %arg7[%get3A_181] {strides = array<i32>} : memref<10000xi32, #tpu.memory_space<vmem>>, vector<16xi32>,
    %get3A_183 = vector.shape_cast %get3A_182 : vector<16xi32> to vector<16xi32>
    %swap3A_184 = arith.constant 78 : i32
    %swap3A_185 = arith.index_cast %swap3A_184 : i32 to index
    %swap3A_186 = arith.constant 0 : index
    %swap3A_187 = tpu.vector_load %arg9[%swap3A_185, %swap3A_186] {strides = array<i32>} : memref<80x128xi32, #tpu.memory_space<vmem>>, vector<1x16xi32>,
    %swap3A_188 = vector.shape_cast %swap3A_187 : vector<1x16xi32> to vector<16xi32>
    %swap3A_189 = vector.shape_cast %get3A_183 : vector<16xi32> to vector<1x16xi32>
    tpu.vector_store %arg9[%swap3A_185, %swap3A_186], %swap3A_189 {strides = array<i32>} : memref<80x128xi32, #tpu.memory_space<vmem>>, vector<1x16xi32>,
    %broadcast_in_dim3A_190 = arith.constant 10000 : i32
    %broadcast_in_dim3A_191 = vector.broadcast %broadcast_in_dim3A_190 : i32 to vector<16xi32>
    %swap3A_192 = arith.constant 78 : i32
    %swap3A_193 = arith.index_cast %swap3A_192 : i32 to index
    %swap3A_194 = arith.constant 16 : index
    %swap3A_195 = tpu.vector_load %arg9[%swap3A_193, %swap3A_194] {strides = array<i32>} : memref<80x128xi32, #tpu.memory_space<vmem>>, vector<1x16xi32>,
    %swap3A_196 = vector.shape_cast %swap3A_195 : vector<1x16xi32> to vector<16xi32>
    %swap3A_197 = vector.shape_cast %broadcast_in_dim3A_191 : vector<16xi32> to vector<1x16xi32>
    tpu.vector_store %arg9[%swap3A_193, %swap3A_194], %swap3A_197 {strides = array<i32>} : memref<80x128xi32, #tpu.memory_space<vmem>>, vector<1x16xi32>,
    %swap3A_198 = arith.constant 78 : i32
    %swap3A_199 = arith.index_cast %swap3A_198 : i32 to index
    %swap3A_200 = arith.constant 32 : index
    %swap3A_201 = tpu.vector_load %arg9[%swap3A_199, %swap3A_200] {strides = array<i32>} : memref<80x128xi32, #tpu.memory_space<vmem>>, vector<1x16xi32>,
    %swap3A_202 = vector.shape_cast %swap3A_201 : vector<1x16xi32> to vector<16xi32>
    %swap3A_203 = vector.shape_cast %broadcast_in_dim3A_191 : vector<16xi32> to vector<1x16xi32>
    tpu.vector_store %arg9[%swap3A_199, %swap3A_200], %swap3A_203 {strides = array<i32>} : memref<80x128xi32, #tpu.memory_space<vmem>>, vector<1x16xi32>,
    %swap3A_204 = arith.constant 78 : i32
    %swap3A_205 = arith.index_cast %swap3A_204 : i32 to index
    %swap3A_206 = arith.constant 48 : index
    %swap3A_207 = tpu.vector_load %arg9[%swap3A_205, %swap3A_206] {strides = array<i32>} : memref<80x128xi32, #tpu.memory_space<vmem>>, vector<1x16xi32>,
    %swap3A_208 = vector.shape_cast %swap3A_207 : vector<1x16xi32> to vector<16xi32>
    %swap3A_209 = vector.shape_cast %broadcast_in_dim3A_191 : vector<16xi32> to vector<1x16xi32>
    tpu.vector_store %arg9[%swap3A_205, %swap3A_206], %swap3A_209 {strides = array<i32>} : memref<80x128xi32, #tpu.memory_space<vmem>>, vector<1x16xi32>,
    %swap3A_210 = arith.constant 78 : i32
    %swap3A_211 = arith.index_cast %swap3A_210 : i32 to index
    %swap3A_212 = arith.constant 64 : index
    %swap3A_213 = tpu.vector_load %arg9[%swap3A_211, %swap3A_212] {strides = array<i32>} : memref<80x128xi32, #tpu.memory_space<vmem>>, vector<1x16xi32>,
    %swap3A_214 = vector.shape_cast %swap3A_213 : vector<1x16xi32> to vector<16xi32>
    %swap3A_215 = vector.shape_cast %broadcast_in_dim3A_191 : vector<16xi32> to vector<1x16xi32>
    tpu.vector_store %arg9[%swap3A_211, %swap3A_212], %swap3A_215 {strides = array<i32>} : memref<80x128xi32, #tpu.memory_space<vmem>>, vector<1x16xi32>,
    %swap3A_216 = arith.constant 78 : i32
    %swap3A_217 = arith.index_cast %swap3A_216 : i32 to index
    %swap3A_218 = arith.constant 80 : index
    %swap3A_219 = tpu.vector_load %arg9[%swap3A_217, %swap3A_218] {strides = array<i32>} : memref<80x128xi32, #tpu.memory_space<vmem>>, vector<1x16xi32>,
    %swap3A_220 = vector.shape_cast %swap3A_219 : vector<1x16xi32> to vector<16xi32>
    %swap3A_221 = vector.shape_cast %broadcast_in_dim3A_191 : vector<16xi32> to vector<1x16xi32>
    tpu.vector_store %arg9[%swap3A_217, %swap3A_218], %swap3A_221 {strides = array<i32>} : memref<80x128xi32, #tpu.memory_space<vmem>>, vector<1x16xi32>,
    %swap3A_222 = arith.constant 78 : i32
    %swap3A_223 = arith.index_cast %swap3A_222 : i32 to index
    %swap3A_224 = arith.constant 96 : index
    %swap3A_225 = tpu.vector_load %arg9[%swap3A_223, %swap3A_224] {strides = array<i32>} : memref<80x128xi32, #tpu.memory_space<vmem>>, vector<1x16xi32>,
    %swap3A_226 = vector.shape_cast %swap3A_225 : vector<1x16xi32> to vector<16xi32>
    %swap3A_227 = vector.shape_cast %broadcast_in_dim3A_191 : vector<16xi32> to vector<1x16xi32>
    tpu.vector_store %arg9[%swap3A_223, %swap3A_224], %swap3A_227 {strides = array<i32>} : memref<80x128xi32, #tpu.memory_space<vmem>>, vector<1x16xi32>,
    %swap3A_228 = arith.constant 78 : i32
    %swap3A_229 = arith.index_cast %swap3A_228 : i32 to index
    %swap3A_230 = arith.constant 112 : index
    %swap3A_231 = tpu.vector_load %arg9[%swap3A_229, %swap3A_230] {strides = array<i32>} : memref<80x128xi32, #tpu.memory_space<vmem>>, vector<1x16xi32>,
    %swap3A_232 = vector.shape_cast %swap3A_231 : vector<1x16xi32> to vector<16xi32>
    %swap3A_233 = vector.shape_cast %broadcast_in_dim3A_191 : vector<16xi32> to vector<1x16xi32>
    tpu.vector_store %arg9[%swap3A_229, %swap3A_230], %swap3A_233 {strides = array<i32>} : memref<80x128xi32, #tpu.memory_space<vmem>>, vector<1x16xi32>,
    %scan3A_234 = arith.constant 0 : i32
    %mul3A_235 = arith.constant 1 : i32
    %mul3A_236 = arith.muli %scan3A_234, %mul3A_235 : i32
    %add3A_237 = arith.constant 79 : i32
    %add3A_238 = arith.addi %add3A_237, %mul3A_236 : i32
    %swap3A_239 = arith.index_cast %add3A_238 : i32 to index
    %swap3A_240 = arith.constant 0 : index
    %swap3A_241 = tpu.vector_load %arg9[%swap3A_239, %swap3A_240] {strides = array<i32>} : memref<80x128xi32, #tpu.memory_space<vmem>>, vector<1x16xi32>,
    %swap3A_242 = vector.shape_cast %swap3A_241 : vector<1x16xi32> to vector<16xi32>
    %swap3A_243 = vector.shape_cast %broadcast_in_dim3A_191 : vector<16xi32> to vector<1x16xi32>
    tpu.vector_store %arg9[%swap3A_239, %swap3A_240], %swap3A_243 {strides = array<i32>} : memref<80x128xi32, #tpu.memory_space<vmem>>, vector<1x16xi32>,
    %swap3A_244 = arith.index_cast %add3A_238 : i32 to index
    %swap3A_245 = arith.constant 16 : index
    %swap3A_246 = tpu.vector_load %arg9[%swap3A_244, %swap3A_245] {strides = array<i32>} : memref<80x128xi32, #tpu.memory_space<vmem>>, vector<1x16xi32>,
    %swap3A_247 = vector.shape_cast %swap3A_246 : vector<1x16xi32> to vector<16xi32>
    %swap3A_248 = vector.shape_cast %broadcast_in_dim3A_191 : vector<16xi32> to vector<1x16xi32>
    tpu.vector_store %arg9[%swap3A_244, %swap3A_245], %swap3A_248 {strides = array<i32>} : memref<80x128xi32, #tpu.memory_space<vmem>>, vector<1x16xi32>,
    %swap3A_249 = arith.index_cast %add3A_238 : i32 to index
    %swap3A_250 = arith.constant 32 : index
    %swap3A_251 = tpu.vector_load %arg9[%swap3A_249, %swap3A_250] {strides = array<i32>} : memref<80x128xi32, #tpu.memory_space<vmem>>, vector<1x16xi32>,
    %swap3A_252 = vector.shape_cast %swap3A_251 : vector<1x16xi32> to vector<16xi32>
    %swap3A_253 = vector.shape_cast %broadcast_in_dim3A_191 : vector<16xi32> to vector<1x16xi32>
    tpu.vector_store %arg9[%swap3A_249, %swap3A_250], %swap3A_253 {strides = array<i32>} : memref<80x128xi32, #tpu.memory_space<vmem>>, vector<1x16xi32>,
    %swap3A_254 = arith.index_cast %add3A_238 : i32 to index
    %swap3A_255 = arith.constant 48 : index
    %swap3A_256 = tpu.vector_load %arg9[%swap3A_254, %swap3A_255] {strides = array<i32>} : memref<80x128xi32, #tpu.memory_space<vmem>>, vector<1x16xi32>,
    %swap3A_257 = vector.shape_cast %swap3A_256 : vector<1x16xi32> to vector<16xi32>
    %swap3A_258 = vector.shape_cast %broadcast_in_dim3A_191 : vector<16xi32> to vector<1x16xi32>
    tpu.vector_store %arg9[%swap3A_254, %swap3A_255], %swap3A_258 {strides = array<i32>} : memref<80x128xi32, #tpu.memory_space<vmem>>, vector<1x16xi32>,
    %swap3A_259 = arith.index_cast %add3A_238 : i32 to index
    %swap3A_260 = arith.constant 64 : index
    %swap3A_261 = tpu.vector_load %arg9[%swap3A_259, %swap3A_260] {strides = array<i32>} : memref<80x128xi32, #tpu.memory_space<vmem>>, vector<1x16xi32>,
    %swap3A_262 = vector.shape_cast %swap3A_261 : vector<1x16xi32> to vector<16xi32>
    %swap3A_263 = vector.shape_cast %broadcast_in_dim3A_191 : vector<16xi32> to vector<1x16xi32>
    tpu.vector_store %arg9[%swap3A_259, %swap3A_260], %swap3A_263 {strides = array<i32>} : memref<80x128xi32, #tpu.memory_space<vmem>>, vector<1x16xi32>,
    %swap3A_264 = arith.index_cast %add3A_238 : i32 to index
    %swap3A_265 = arith.constant 80 : index
    %swap3A_266 = tpu.vector_load %arg9[%swap3A_264, %swap3A_265] {strides = array<i32>} : memref<80x128xi32, #tpu.memory_space<vmem>>, vector<1x16xi32>,
    %swap3A_267 = vector.shape_cast %swap3A_266 : vector<1x16xi32> to vector<16xi32>
    %swap3A_268 = vector.shape_cast %broadcast_in_dim3A_191 : vector<16xi32> to vector<1x16xi32>
    tpu.vector_store %arg9[%swap3A_264, %swap3A_265], %swap3A_268 {strides = array<i32>} : memref<80x128xi32, #tpu.memory_space<vmem>>, vector<1x16xi32>,
    %swap3A_269 = arith.index_cast %add3A_238 : i32 to index
    %swap3A_270 = arith.constant 96 : index
    %swap3A_271 = tpu.vector_load %arg9[%swap3A_269, %swap3A_270] {strides = array<i32>} : memref<80x128xi32, #tpu.memory_space<vmem>>, vector<1x16xi32>,
    %swap3A_272 = vector.shape_cast %swap3A_271 : vector<1x16xi32> to vector<16xi32>
    %swap3A_273 = vector.shape_cast %broadcast_in_dim3A_191 : vector<16xi32> to vector<1x16xi32>
    tpu.vector_store %arg9[%swap3A_269, %swap3A_270], %swap3A_273 {strides = array<i32>} : memref<80x128xi32, #tpu.memory_space<vmem>>, vector<1x16xi32>,
    %swap3A_274 = arith.index_cast %add3A_238 : i32 to index
    %swap3A_275 = arith.constant 112 : index
    %swap3A_276 = tpu.vector_load %arg9[%swap3A_274, %swap3A_275] {strides = array<i32>} : memref<80x128xi32, #tpu.memory_space<vmem>>, vector<1x16xi32>,
    %swap3A_277 = vector.shape_cast %swap3A_276 : vector<1x16xi32> to vector<16xi32>
    %swap3A_278 = vector.shape_cast %broadcast_in_dim3A_191 : vector<16xi32> to vector<1x16xi32>
    tpu.vector_store %arg9[%swap3A_274, %swap3A_275], %swap3A_278 {strides = array<i32>} : memref<80x128xi32, #tpu.memory_space<vmem>>, vector<1x16xi32>,
    %scan3A_279 = arith.constant 1 : i32
    %dma_start3A_280 = arith.constant 1 : i32
    %dma_start3A_281 = arith.constant 1 : i32
    %dma_start3A_282 = arith.constant 0 : i32
    %dma_start3A_283 = arith.constant 0 : i32
    %dma_start3A_284 = tpu.memref_slice %arg6[%dma_start3A_280, %add3A, %dma_start3A_282, %dma_start3A_283] : memref<2x32x80x128xi32, #tpu.memory_space<hbm>> -> memref<1x1x80x128xi32, #tpu.memory_space<hbm>>
    %dma_start3A_285 = tpu.memref_squeeze %dma_start3A_284 : memref<1x1x80x128xi32, #tpu.memory_space<hbm>> -> memref<80x128xi32, #tpu.memory_space<hbm>>
    %dma_start3A_286 = tpu.memref_slice %arg17[%dma_start3A_281] : memref<2x!tpu.dma_semaphore, #tpu.memory_space<semaphore_mem>> -> memref<1x!tpu.dma_semaphore, #tpu.memory_space<semaphore_mem>>
    %dma_start3A_287 = tpu.memref_squeeze %dma_start3A_286 : memref<1x!tpu.dma_semaphore, #tpu.memory_space<semaphore_mem>> -> memref<!tpu.dma_semaphore, #tpu.memory_space<semaphore_mem>>
    %dma_start3A_288 = arith.constant 0 : i32
    %dma_start3A_289 = arith.constant 0 : i32
    %dma_start3A_290 = tpu.memref_slice %arg6[%dma_start3A_280, %add3A, %dma_start3A_288, %dma_start3A_289] : memref<2x32x80x128xi32, #tpu.memory_space<hbm>> -> memref<1x1x80x128xi32, #tpu.memory_space<hbm>>
    %dma_start3A_291 = tpu.memref_squeeze %dma_start3A_290 : memref<1x1x80x128xi32, #tpu.memory_space<hbm>> -> memref<80x128xi32, #tpu.memory_space<hbm>>
    tpu.enqueue_dma source(%arg9 : memref<80x128xi32, #tpu.memory_space<vmem>>) target(%dma_start3A_291 : memref<80x128xi32, #tpu.memory_space<hbm>>) target_semaphore(%dma_start3A_287 : memref<!tpu.dma_semaphore, #tpu.memory_space<semaphore_mem>>)
    %scan3A_292 = arith.constant 0 : i32
    %scan3A_293 = arith.constant 80 : i32
    %scan3A_294 = arith.addi %scan3A_292, %scan3A_293 : i32
    %scan3A_295 = arith.constant 1 : i32
    scf.for %scan3A_339 = %scan3A_292 to %scan3A_294 step %scan3A_295  : i32 {
      %mul3A_340 = arith.constant 1 : i32
      %mul3A_341 = arith.muli %scan3A_339, %mul3A_340 : i32
      %add3A_342 = arith.constant 0 : i32
      %add3A_343 = arith.addi %add3A_342, %mul3A_341 : i32
      %dma_start3A_344 = arith.constant 0 : i32
      %dma_start3A_345 = tpu.memref_slice %arg9[%add3A_343, %dma_start3A_344] : memref<80x128xi32, #tpu.memory_space<vmem>> -> memref<1x128xi32, #tpu.memory_space<vmem>>
      %dma_start3A_346 = tpu.memref_squeeze %dma_start3A_345 : memref<1x128xi32, #tpu.memory_space<vmem>> -> memref<128xi32, #tpu.memory_space<vmem>>
      %dma_start3A_347 = arith.constant 0 : i32
      %dma_start3A_348 = arith.constant 0 : i32
      %dma_start3A_349 = tpu.memref_slice %arg14[%dma_start3A_347, %dma_start3A_348] : memref<10112x16xf32, #tpu.memory_space<vmem_shared>> -> memref<10112x16xf32, #tpu.memory_space<vmem_shared>>
      tpu.enqueue_indirect_dma source(%arg10 : memref<128x16xf32, #tpu.memory_space<vmem>>) target(%dma_start3A_349 : memref<10112x16xf32, #tpu.memory_space<vmem_shared>>) offsets(%dma_start3A_346 : memref<128xi32, #tpu.memory_space<vmem>>) semaphore(%arg16 : memref<!tpu.dma_semaphore, #tpu.memory_space<semaphore_mem>>) {add = true}
    }
    %scan3A_296 = arith.constant 80 : i32
    %dma_wait3A_297 = arith.constant 0 : i32
    %dma_wait3A_298 = arith.constant 0 : i32
    %dma_wait3A_299 = arith.constant 0 : i32
    %dma_wait3A_300 = arith.constant 0 : i32
    %dma_wait3A_301 = tpu.memref_slice %arg6[%dma_wait3A_297, %add3A, %dma_wait3A_299, %dma_wait3A_300] : memref<2x32x80x128xi32, #tpu.memory_space<hbm>> -> memref<1x1x80x128xi32, #tpu.memory_space<hbm>>
    %dma_wait3A_302 = tpu.memref_squeeze %dma_wait3A_301 : memref<1x1x80x128xi32, #tpu.memory_space<hbm>> -> memref<80x128xi32, #tpu.memory_space<hbm>>
    %dma_wait3A_303 = tpu.memref_slice %arg17[%dma_wait3A_298] : memref<2x!tpu.dma_semaphore, #tpu.memory_space<semaphore_mem>> -> memref<1x!tpu.dma_semaphore, #tpu.memory_space<semaphore_mem>>
    %dma_wait3A_304 = tpu.memref_squeeze %dma_wait3A_303 : memref<1x!tpu.dma_semaphore, #tpu.memory_space<semaphore_mem>> -> memref<!tpu.dma_semaphore, #tpu.memory_space<semaphore_mem>>
    %dma_wait3A_305 = arith.constant 0 : i32
    %dma_wait3A_306 = arith.constant 0 : i32
    %dma_wait3A_307 = tpu.memref_slice %arg6[%dma_wait3A_297, %add3A, %dma_wait3A_305, %dma_wait3A_306] : memref<2x32x80x128xi32, #tpu.memory_space<hbm>> -> memref<1x1x80x128xi32, #tpu.memory_space<hbm>>
    %dma_wait3A_308 = tpu.memref_squeeze %dma_wait3A_307 : memref<1x1x80x128xi32, #tpu.memory_space<hbm>> -> memref<80x128xi32, #tpu.memory_space<hbm>>
    tpu.wait_dma2 semaphore(%dma_wait3A_304 : memref<!tpu.dma_semaphore, #tpu.memory_space<semaphore_mem>>) src(%arg8 : memref<80x128xi32, #tpu.memory_space<vmem>>) dst(%dma_wait3A_308 : memref<80x128xi32, #tpu.memory_space<hbm>>)
    %dma_wait3A_309 = arith.constant 1 : i32
    %dma_wait3A_310 = arith.constant 1 : i32
    %dma_wait3A_311 = arith.constant 0 : i32
    %dma_wait3A_312 = arith.constant 0 : i32
    %dma_wait3A_313 = tpu.memref_slice %arg6[%dma_wait3A_309, %add3A, %dma_wait3A_311, %dma_wait3A_312] : memref<2x32x80x128xi32, #tpu.memory_space<hbm>> -> memref<1x1x80x128xi32, #tpu.memory_space<hbm>>
    %dma_wait3A_314 = tpu.memref_squeeze %dma_wait3A_313 : memref<1x1x80x128xi32, #tpu.memory_space<hbm>> -> memref<80x128xi32, #tpu.memory_space<hbm>>
    %dma_wait3A_315 = tpu.memref_slice %arg17[%dma_wait3A_310] : memref<2x!tpu.dma_semaphore, #tpu.memory_space<semaphore_mem>> -> memref<1x!tpu.dma_semaphore, #tpu.memory_space<semaphore_mem>>
    %dma_wait3A_316 = tpu.memref_squeeze %dma_wait3A_315 : memref<1x!tpu.dma_semaphore, #tpu.memory_space<semaphore_mem>> -> memref<!tpu.dma_semaphore, #tpu.memory_space<semaphore_mem>>
    %dma_wait3A_317 = arith.constant 0 : i32
    %dma_wait3A_318 = arith.constant 0 : i32
    %dma_wait3A_319 = tpu.memref_slice %arg6[%dma_wait3A_309, %add3A, %dma_wait3A_317, %dma_wait3A_318] : memref<2x32x80x128xi32, #tpu.memory_space<hbm>> -> memref<1x1x80x128xi32, #tpu.memory_space<hbm>>
    %dma_wait3A_320 = tpu.memref_squeeze %dma_wait3A_319 : memref<1x1x80x128xi32, #tpu.memory_space<hbm>> -> memref<80x128xi32, #tpu.memory_space<hbm>>
    tpu.wait_dma2 semaphore(%dma_wait3A_316 : memref<!tpu.dma_semaphore, #tpu.memory_space<semaphore_mem>>) src(%arg9 : memref<80x128xi32, #tpu.memory_space<vmem>>) dst(%dma_wait3A_320 : memref<80x128xi32, #tpu.memory_space<hbm>>)
    %scan3A_321 = arith.constant 0 : i32
    %scan3A_322 = arith.constant 80 : i32
    %scan3A_323 = arith.addi %scan3A_321, %scan3A_322 : i32
    %scan3A_324 = arith.constant 1 : i32
    scf.for %scan3A_339 = %scan3A_321 to %scan3A_323 step %scan3A_324  : i32 {
      %mul3A_340 = arith.constant 1 : i32
      %mul3A_341 = arith.muli %scan3A_339, %mul3A_340 : i32
      %add3A_342 = arith.constant 0 : i32
      %add3A_343 = arith.addi %add3A_342, %mul3A_341 : i32
      %dma_wait3A_344 = arith.constant 0 : i32
      %dma_wait3A_345 = tpu.memref_slice %arg8[%add3A_343, %dma_wait3A_344] : memref<80x128xi32, #tpu.memory_space<vmem>> -> memref<1x128xi32, #tpu.memory_space<vmem>>
      %dma_wait3A_346 = tpu.memref_squeeze %dma_wait3A_345 : memref<1x128xi32, #tpu.memory_space<vmem>> -> memref<128xi32, #tpu.memory_space<vmem>>
      %dma_wait3A_347 = arith.constant 0 : i32
      %dma_wait3A_348 = arith.constant 0 : i32
      %dma_wait3A_349 = tpu.memref_slice %arg13[%dma_wait3A_347, %dma_wait3A_348] : memref<10112x16xf32, #tpu.memory_space<vmem_shared>> -> memref<10112x16xf32, #tpu.memory_space<vmem_shared>>
      tpu.wait_indirect_dma semaphore(%arg15 : memref<!tpu.dma_semaphore, #tpu.memory_space<semaphore_mem>>) src(%arg10 : memref<128x16xf32, #tpu.memory_space<vmem>>) dst(%dma_wait3A_349 : memref<10112x16xf32, #tpu.memory_space<vmem_shared>>)
      %dma_wait3A_350 = arith.constant 0 : i32
      %dma_wait3A_351 = tpu.memref_slice %arg9[%add3A_343, %dma_wait3A_350] : memref<80x128xi32, #tpu.memory_space<vmem>> -> memref<1x128xi32, #tpu.memory_space<vmem>>
      %dma_wait3A_352 = tpu.memref_squeeze %dma_wait3A_351 : memref<1x128xi32, #tpu.memory_space<vmem>> -> memref<128xi32, #tpu.memory_space<vmem>>
      %dma_wait3A_353 = arith.constant 0 : i32
      %dma_wait3A_354 = arith.constant 0 : i32
      %dma_wait3A_355 = tpu.memref_slice %arg14[%dma_wait3A_353, %dma_wait3A_354] : memref<10112x16xf32, #tpu.memory_space<vmem_shared>> -> memref<10112x16xf32, #tpu.memory_space<vmem_shared>>
      tpu.wait_indirect_dma semaphore(%arg16 : memref<!tpu.dma_semaphore, #tpu.memory_space<semaphore_mem>>) src(%arg10 : memref<128x16xf32, #tpu.memory_space<vmem>>) dst(%dma_wait3A_355 : memref<10112x16xf32, #tpu.memory_space<vmem_shared>>)
    }
    %scan3A_325 = arith.constant 80 : i32
    %barrier3A_326 = arith.constant 0 : index
    tpu.barrier barrier_id(%barrier3A_326)
    "tpu.region"() ({
      %run_scoped3A_339 = tpu.sem_alloc : memref<!tpu.dma_semaphore, #tpu.memory_space<semaphore_mem>>
      %dma_start3A_340 = arith.constant 0 : i32
      %dma_start3A_341 = tpu.memref_slice %arg13[%mul3A_2, %dma_start3A_340] : memref<10112x16xf32, #tpu.memory_space<vmem_shared>> -> memref<632x16xf32, #tpu.memory_space<vmem_shared>>
      %dma_start3A_342 = arith.constant 0 : i32
      %dma_start3A_343 = tpu.memref_slice %arg13[%mul3A_2, %dma_start3A_342] : memref<10112x16xf32, #tpu.memory_space<vmem_shared>> -> memref<632x16xf32, #tpu.memory_space<vmem_shared>>
      tpu.enqueue_dma source(%dma_start3A_343 : memref<632x16xf32, #tpu.memory_space<vmem_shared>>) target(%arg11 : memref<632x16xf32, #tpu.memory_space<vmem>>) target_semaphore(%run_scoped3A_339 : memref<!tpu.dma_semaphore, #tpu.memory_space<semaphore_mem>>)
      %dma_wait3A_344 = arith.constant 0 : i32
      %dma_wait3A_345 = tpu.memref_slice %arg13[%mul3A_2, %dma_wait3A_344] : memref<10112x16xf32, #tpu.memory_space<vmem_shared>> -> memref<632x16xf32, #tpu.memory_space<vmem_shared>>
      %dma_wait3A_346 = arith.constant 0 : i32
      %dma_wait3A_347 = tpu.memref_slice %arg13[%mul3A_2, %dma_wait3A_346] : memref<10112x16xf32, #tpu.memory_space<vmem_shared>> -> memref<632x16xf32, #tpu.memory_space<vmem_shared>>
      tpu.wait_dma2 semaphore(%run_scoped3A_339 : memref<!tpu.dma_semaphore, #tpu.memory_space<semaphore_mem>>) src(%dma_wait3A_347 : memref<632x16xf32, #tpu.memory_space<vmem_shared>>) dst(%arg11 : memref<632x16xf32, #tpu.memory_space<vmem>>)
      tpu.yield
    }) : () -> ()
    %scan3A_327 = arith.constant 0 : i32
    %scan3A_328 = arith.constant 79 : i32
    %scan3A_329 = arith.addi %scan3A_327, %scan3A_328 : i32
    %scan3A_330 = arith.constant 1 : i32
    scf.for %scan3A_339 = %scan3A_327 to %scan3A_329 step %scan3A_330  : i32 {
      %mul3A_340 = arith.constant 1 : i32
      %mul3A_341 = arith.muli %scan3A_339, %mul3A_340 : i32
      %add3A_342 = arith.constant 0 : i32
      %add3A_343 = arith.addi %add3A_342, %mul3A_341 : i32
      %mul3A_344 = arith.constant 8 : i32
      %mul3A_345 = arith.muli %mul3A_344, %add3A_343 : i32
      %add3A_346 = arith.constant 0 : i32
      %add3A_347 = arith.addi %mul3A_345, %add3A_346 : i32
      %get3A_348 = arith.index_cast %add3A_347 : i32 to index
      %get3A_349 = arith.constant 0 : index
      %get3A_350 = tpu.vector_load %arg11[%get3A_348, %get3A_349] {strides = array<i32>} : memref<632x16xf32, #tpu.memory_space<vmem>>, vector<1x16xf32>,
      %get3A_351 = vector.shape_cast %get3A_350 : vector<1x16xf32> to vector<16xf32>
      %swap3A_352 = arith.index_cast %add3A_343 : i32 to index
      %swap3A_353 = arith.constant 0 : index
      %swap3A_354 = tpu.vector_load %arg12[%swap3A_352, %swap3A_353] {strides = array<i32>} : memref<79x128xf32, #tpu.memory_space<vmem>>, vector<1x16xf32>,
      %swap3A_355 = vector.shape_cast %swap3A_354 : vector<1x16xf32> to vector<16xf32>
      %swap3A_356 = vector.shape_cast %get3A_351 : vector<16xf32> to vector<1x16xf32>
      tpu.vector_store %arg12[%swap3A_352, %swap3A_353], %swap3A_356 {strides = array<i32>} : memref<79x128xf32, #tpu.memory_space<vmem>>, vector<1x16xf32>,
      %mul3A_357 = arith.constant 8 : i32
      %mul3A_358 = arith.muli %mul3A_357, %add3A_343 : i32
      %add3A_359 = arith.constant 1 : i32
      %add3A_360 = arith.addi %mul3A_358, %add3A_359 : i32
      %get3A_361 = arith.index_cast %add3A_360 : i32 to index
      %get3A_362 = arith.constant 0 : index
      %get3A_363 = tpu.vector_load %arg11[%get3A_361, %get3A_362] {strides = array<i32>} : memref<632x16xf32, #tpu.memory_space<vmem>>, vector<1x16xf32>,
      %get3A_364 = vector.shape_cast %get3A_363 : vector<1x16xf32> to vector<16xf32>
      %swap3A_365 = arith.index_cast %add3A_343 : i32 to index
      %swap3A_366 = arith.constant 16 : index
      %swap3A_367 = tpu.vector_load %arg12[%swap3A_365, %swap3A_366] {strides = array<i32>} : memref<79x128xf32, #tpu.memory_space<vmem>>, vector<1x16xf32>,
      %swap3A_368 = vector.shape_cast %swap3A_367 : vector<1x16xf32> to vector<16xf32>
      %swap3A_369 = vector.shape_cast %get3A_364 : vector<16xf32> to vector<1x16xf32>
      tpu.vector_store %arg12[%swap3A_365, %swap3A_366], %swap3A_369 {strides = array<i32>} : memref<79x128xf32, #tpu.memory_space<vmem>>, vector<1x16xf32>,
      %mul3A_370 = arith.constant 8 : i32
      %mul3A_371 = arith.muli %mul3A_370, %add3A_343 : i32
      %add3A_372 = arith.constant 2 : i32
      %add3A_373 = arith.addi %mul3A_371, %add3A_372 : i32
      %get3A_374 = arith.index_cast %add3A_373 : i32 to index
      %get3A_375 = arith.constant 0 : index
      %get3A_376 = tpu.vector_load %arg11[%get3A_374, %get3A_375] {strides = array<i32>} : memref<632x16xf32, #tpu.memory_space<vmem>>, vector<1x16xf32>,
      %get3A_377 = vector.shape_cast %get3A_376 : vector<1x16xf32> to vector<16xf32>
      %swap3A_378 = arith.index_cast %add3A_343 : i32 to index
      %swap3A_379 = arith.constant 32 : index
      %swap3A_380 = tpu.vector_load %arg12[%swap3A_378, %swap3A_379] {strides = array<i32>} : memref<79x128xf32, #tpu.memory_space<vmem>>, vector<1x16xf32>,
      %swap3A_381 = vector.shape_cast %swap3A_380 : vector<1x16xf32> to vector<16xf32>
      %swap3A_382 = vector.shape_cast %get3A_377 : vector<16xf32> to vector<1x16xf32>
      tpu.vector_store %arg12[%swap3A_378, %swap3A_379], %swap3A_382 {strides = array<i32>} : memref<79x128xf32, #tpu.memory_space<vmem>>, vector<1x16xf32>,
      %mul3A_383 = arith.constant 8 : i32
      %mul3A_384 = arith.muli %mul3A_383, %add3A_343 : i32
      %add3A_385 = arith.constant 3 : i32
      %add3A_386 = arith.addi %mul3A_384, %add3A_385 : i32
      %get3A_387 = arith.index_cast %add3A_386 : i32 to index
      %get3A_388 = arith.constant 0 : index
      %get3A_389 = tpu.vector_load %arg11[%get3A_387, %get3A_388] {strides = array<i32>} : memref<632x16xf32, #tpu.memory_space<vmem>>, vector<1x16xf32>,
      %get3A_390 = vector.shape_cast %get3A_389 : vector<1x16xf32> to vector<16xf32>
      %swap3A_391 = arith.index_cast %add3A_343 : i32 to index
      %swap3A_392 = arith.constant 48 : index
      %swap3A_393 = tpu.vector_load %arg12[%swap3A_391, %swap3A_392] {strides = array<i32>} : memref<79x128xf32, #tpu.memory_space<vmem>>, vector<1x16xf32>,
      %swap3A_394 = vector.shape_cast %swap3A_393 : vector<1x16xf32> to vector<16xf32>
      %swap3A_395 = vector.shape_cast %get3A_390 : vector<16xf32> to vector<1x16xf32>
      tpu.vector_store %arg12[%swap3A_391, %swap3A_392], %swap3A_395 {strides = array<i32>} : memref<79x128xf32, #tpu.memory_space<vmem>>, vector<1x16xf32>,
      %mul3A_396 = arith.constant 8 : i32
      %mul3A_397 = arith.muli %mul3A_396, %add3A_343 : i32
      %add3A_398 = arith.constant 4 : i32
      %add3A_399 = arith.addi %mul3A_397, %add3A_398 : i32
      %get3A_400 = arith.index_cast %add3A_399 : i32 to index
      %get3A_401 = arith.constant 0 : index
      %get3A_402 = tpu.vector_load %arg11[%get3A_400, %get3A_401] {strides = array<i32>} : memref<632x16xf32, #tpu.memory_space<vmem>>, vector<1x16xf32>,
      %get3A_403 = vector.shape_cast %get3A_402 : vector<1x16xf32> to vector<16xf32>
      %swap3A_404 = arith.index_cast %add3A_343 : i32 to index
      %swap3A_405 = arith.constant 64 : index
      %swap3A_406 = tpu.vector_load %arg12[%swap3A_404, %swap3A_405] {strides = array<i32>} : memref<79x128xf32, #tpu.memory_space<vmem>>, vector<1x16xf32>,
      %swap3A_407 = vector.shape_cast %swap3A_406 : vector<1x16xf32> to vector<16xf32>
      %swap3A_408 = vector.shape_cast %get3A_403 : vector<16xf32> to vector<1x16xf32>
      tpu.vector_store %arg12[%swap3A_404, %swap3A_405], %swap3A_408 {strides = array<i32>} : memref<79x128xf32, #tpu.memory_space<vmem>>, vector<1x16xf32>,
      %mul3A_409 = arith.constant 8 : i32
      %mul3A_410 = arith.muli %mul3A_409, %add3A_343 : i32
      %add3A_411 = arith.constant 5 : i32
      %add3A_412 = arith.addi %mul3A_410, %add3A_411 : i32
      %get3A_413 = arith.index_cast %add3A_412 : i32 to index
      %get3A_414 = arith.constant 0 : index
      %get3A_415 = tpu.vector_load %arg11[%get3A_413, %get3A_414] {strides = array<i32>} : memref<632x16xf32, #tpu.memory_space<vmem>>, vector<1x16xf32>,
      %get3A_416 = vector.shape_cast %get3A_415 : vector<1x16xf32> to vector<16xf32>
      %swap3A_417 = arith.index_cast %add3A_343 : i32 to index
      %swap3A_418 = arith.constant 80 : index
      %swap3A_419 = tpu.vector_load %arg12[%swap3A_417, %swap3A_418] {strides = array<i32>} : memref<79x128xf32, #tpu.memory_space<vmem>>, vector<1x16xf32>,
      %swap3A_420 = vector.shape_cast %swap3A_419 : vector<1x16xf32> to vector<16xf32>
      %swap3A_421 = vector.shape_cast %get3A_416 : vector<16xf32> to vector<1x16xf32>
      tpu.vector_store %arg12[%swap3A_417, %swap3A_418], %swap3A_421 {strides = array<i32>} : memref<79x128xf32, #tpu.memory_space<vmem>>, vector<1x16xf32>,
      %mul3A_422 = arith.constant 8 : i32
      %mul3A_423 = arith.muli %mul3A_422, %add3A_343 : i32
      %add3A_424 = arith.constant 6 : i32
      %add3A_425 = arith.addi %mul3A_423, %add3A_424 : i32
      %get3A_426 = arith.index_cast %add3A_425 : i32 to index
      %get3A_427 = arith.constant 0 : index
      %get3A_428 = tpu.vector_load %arg11[%get3A_426, %get3A_427] {strides = array<i32>} : memref<632x16xf32, #tpu.memory_space<vmem>>, vector<1x16xf32>,
      %get3A_429 = vector.shape_cast %get3A_428 : vector<1x16xf32> to vector<16xf32>
      %swap3A_430 = arith.index_cast %add3A_343 : i32 to index
      %swap3A_431 = arith.constant 96 : index
      %swap3A_432 = tpu.vector_load %arg12[%swap3A_430, %swap3A_431] {strides = array<i32>} : memref<79x128xf32, #tpu.memory_space<vmem>>, vector<1x16xf32>,
      %swap3A_433 = vector.shape_cast %swap3A_432 : vector<1x16xf32> to vector<16xf32>
      %swap3A_434 = vector.shape_cast %get3A_429 : vector<16xf32> to vector<1x16xf32>
      tpu.vector_store %arg12[%swap3A_430, %swap3A_431], %swap3A_434 {strides = array<i32>} : memref<79x128xf32, #tpu.memory_space<vmem>>, vector<1x16xf32>,
      %mul3A_435 = arith.constant 8 : i32
      %mul3A_436 = arith.muli %mul3A_435, %add3A_343 : i32
      %add3A_437 = arith.constant 7 : i32
      %add3A_438 = arith.addi %mul3A_436, %add3A_437 : i32
      %get3A_439 = arith.index_cast %add3A_438 : i32 to index
      %get3A_440 = arith.constant 0 : index
      %get3A_441 = tpu.vector_load %arg11[%get3A_439, %get3A_440] {strides = array<i32>} : memref<632x16xf32, #tpu.memory_space<vmem>>, vector<1x16xf32>,
      %get3A_442 = vector.shape_cast %get3A_441 : vector<1x16xf32> to vector<16xf32>
      %swap3A_443 = arith.index_cast %add3A_343 : i32 to index
      %swap3A_444 = arith.constant 112 : index
      %swap3A_445 = tpu.vector_load %arg12[%swap3A_443, %swap3A_444] {strides = array<i32>} : memref<79x128xf32, #tpu.memory_space<vmem>>, vector<1x16xf32>,
      %swap3A_446 = vector.shape_cast %swap3A_445 : vector<1x16xf32> to vector<16xf32>
      %swap3A_447 = vector.shape_cast %get3A_442 : vector<16xf32> to vector<1x16xf32>
      tpu.vector_store %arg12[%swap3A_443, %swap3A_444], %swap3A_447 {strides = array<i32>} : memref<79x128xf32, #tpu.memory_space<vmem>>, vector<1x16xf32>,
    }
    %scan3A_331 = arith.constant 79 : i32
    %run_scoped3A_332 = arith.constant 0 : i32
    "tpu.region"() ({
      %run_scoped3A_339 = tpu.sem_alloc : memref<!tpu.dma_semaphore, #tpu.memory_space<semaphore_mem>>
      %dma_start3A_340 = arith.constant 0 : i32
      %dma_start3A_341 = tpu.memref_slice %arg5[%arg0, %run_scoped3A_332, %mul3A_4, %dma_start3A_340] : memref<2x2x1264x128xf32, #tpu.memory_space<hbm>> -> memref<1x1x79x128xf32, #tpu.memory_space<hbm>>
      %dma_start3A_342 = tpu.memref_squeeze %dma_start3A_341 : memref<1x1x79x128xf32, #tpu.memory_space<hbm>> -> memref<79x128xf32, #tpu.memory_space<hbm>>
      %dma_start3A_343 = arith.constant 0 : i32
      %dma_start3A_344 = tpu.memref_slice %arg5[%arg0, %run_scoped3A_332, %mul3A_4, %dma_start3A_343] : memref<2x2x1264x128xf32, #tpu.memory_space<hbm>> -> memref<1x1x79x128xf32, #tpu.memory_space<hbm>>
      %dma_start3A_345 = tpu.memref_squeeze %dma_start3A_344 : memref<1x1x79x128xf32, #tpu.memory_space<hbm>> -> memref<79x128xf32, #tpu.memory_space<hbm>>
      tpu.enqueue_dma source(%arg12 : memref<79x128xf32, #tpu.memory_space<vmem>>) target(%dma_start3A_345 : memref<79x128xf32, #tpu.memory_space<hbm>>) target_semaphore(%run_scoped3A_339 : memref<!tpu.dma_semaphore, #tpu.memory_space<semaphore_mem>>)
      %dma_wait3A_346 = arith.constant 0 : i32
      %dma_wait3A_347 = tpu.memref_slice %arg5[%arg0, %run_scoped3A_332, %mul3A_4, %dma_wait3A_346] : memref<2x2x1264x128xf32, #tpu.memory_space<hbm>> -> memref<1x1x79x128xf32, #tpu.memory_space<hbm>>
      %dma_wait3A_348 = tpu.memref_squeeze %dma_wait3A_347 : memref<1x1x79x128xf32, #tpu.memory_space<hbm>> -> memref<79x128xf32, #tpu.memory_space<hbm>>
      %dma_wait3A_349 = arith.constant 0 : i32
      %dma_wait3A_350 = tpu.memref_slice %arg5[%arg0, %run_scoped3A_332, %mul3A_4, %dma_wait3A_349] : memref<2x2x1264x128xf32, #tpu.memory_space<hbm>> -> memref<1x1x79x128xf32, #tpu.memory_space<hbm>>
      %dma_wait3A_351 = tpu.memref_squeeze %dma_wait3A_350 : memref<1x1x79x128xf32, #tpu.memory_space<hbm>> -> memref<79x128xf32, #tpu.memory_space<hbm>>
      tpu.wait_dma2 semaphore(%run_scoped3A_339 : memref<!tpu.dma_semaphore, #tpu.memory_space<semaphore_mem>>) src(%arg12 : memref<79x128xf32, #tpu.memory_space<vmem>>) dst(%dma_wait3A_351 : memref<79x128xf32, #tpu.memory_space<hbm>>)
      tpu.yield
    }) : () -> ()
    "tpu.region"() ({
      %run_scoped3A_339 = tpu.sem_alloc : memref<!tpu.dma_semaphore, #tpu.memory_space<semaphore_mem>>
      %dma_start3A_340 = arith.constant 0 : i32
      %dma_start3A_341 = tpu.memref_slice %arg14[%mul3A_2, %dma_start3A_340] : memref<10112x16xf32, #tpu.memory_space<vmem_shared>> -> memref<632x16xf32, #tpu.memory_space<vmem_shared>>
      %dma_start3A_342 = arith.constant 0 : i32
      %dma_start3A_343 = tpu.memref_slice %arg14[%mul3A_2, %dma_start3A_342] : memref<10112x16xf32, #tpu.memory_space<vmem_shared>> -> memref<632x16xf32, #tpu.memory_space<vmem_shared>>
      tpu.enqueue_dma source(%dma_start3A_343 : memref<632x16xf32, #tpu.memory_space<vmem_shared>>) target(%arg11 : memref<632x16xf32, #tpu.memory_space<vmem>>) target_semaphore(%run_scoped3A_339 : memref<!tpu.dma_semaphore, #tpu.memory_space<semaphore_mem>>)
      %dma_wait3A_344 = arith.constant 0 : i32
      %dma_wait3A_345 = tpu.memref_slice %arg14[%mul3A_2, %dma_wait3A_344] : memref<10112x16xf32, #tpu.memory_space<vmem_shared>> -> memref<632x16xf32, #tpu.memory_space<vmem_shared>>
      %dma_wait3A_346 = arith.constant 0 : i32
      %dma_wait3A_347 = tpu.memref_slice %arg14[%mul3A_2, %dma_wait3A_346] : memref<10112x16xf32, #tpu.memory_space<vmem_shared>> -> memref<632x16xf32, #tpu.memory_space<vmem_shared>>
      tpu.wait_dma2 semaphore(%run_scoped3A_339 : memref<!tpu.dma_semaphore, #tpu.memory_space<semaphore_mem>>) src(%dma_wait3A_347 : memref<632x16xf32, #tpu.memory_space<vmem_shared>>) dst(%arg11 : memref<632x16xf32, #tpu.memory_space<vmem>>)
      tpu.yield
    }) : () -> ()
    %scan3A_333 = arith.constant 0 : i32
    %scan3A_334 = arith.constant 79 : i32
    %scan3A_335 = arith.addi %scan3A_333, %scan3A_334 : i32
    %scan3A_336 = arith.constant 1 : i32
    scf.for %scan3A_339 = %scan3A_333 to %scan3A_335 step %scan3A_336  : i32 {
      %mul3A_340 = arith.constant 1 : i32
      %mul3A_341 = arith.muli %scan3A_339, %mul3A_340 : i32
      %add3A_342 = arith.constant 0 : i32
      %add3A_343 = arith.addi %add3A_342, %mul3A_341 : i32
      %mul3A_344 = arith.constant 8 : i32
      %mul3A_345 = arith.muli %mul3A_344, %add3A_343 : i32
      %add3A_346 = arith.constant 0 : i32
      %add3A_347 = arith.addi %mul3A_345, %add3A_346 : i32
      %get3A_348 = arith.index_cast %add3A_347 : i32 to index
      %get3A_349 = arith.constant 0 : index
      %get3A_350 = tpu.vector_load %arg11[%get3A_348, %get3A_349] {strides = array<i32>} : memref<632x16xf32, #tpu.memory_space<vmem>>, vector<1x16xf32>,
      %get3A_351 = vector.shape_cast %get3A_350 : vector<1x16xf32> to vector<16xf32>
      %swap3A_352 = arith.index_cast %add3A_343 : i32 to index
      %swap3A_353 = arith.constant 0 : index
      %swap3A_354 = tpu.vector_load %arg12[%swap3A_352, %swap3A_353] {strides = array<i32>} : memref<79x128xf32, #tpu.memory_space<vmem>>, vector<1x16xf32>,
      %swap3A_355 = vector.shape_cast %swap3A_354 : vector<1x16xf32> to vector<16xf32>
      %swap3A_356 = vector.shape_cast %get3A_351 : vector<16xf32> to vector<1x16xf32>
      tpu.vector_store %arg12[%swap3A_352, %swap3A_353], %swap3A_356 {strides = array<i32>} : memref<79x128xf32, #tpu.memory_space<vmem>>, vector<1x16xf32>,
      %mul3A_357 = arith.constant 8 : i32
      %mul3A_358 = arith.muli %mul3A_357, %add3A_343 : i32
      %add3A_359 = arith.constant 1 : i32
      %add3A_360 = arith.addi %mul3A_358, %add3A_359 : i32
      %get3A_361 = arith.index_cast %add3A_360 : i32 to index
      %get3A_362 = arith.constant 0 : index
      %get3A_363 = tpu.vector_load %arg11[%get3A_361, %get3A_362] {strides = array<i32>} : memref<632x16xf32, #tpu.memory_space<vmem>>, vector<1x16xf32>,
      %get3A_364 = vector.shape_cast %get3A_363 : vector<1x16xf32> to vector<16xf32>
      %swap3A_365 = arith.index_cast %add3A_343 : i32 to index
      %swap3A_366 = arith.constant 16 : index
      %swap3A_367 = tpu.vector_load %arg12[%swap3A_365, %swap3A_366] {strides = array<i32>} : memref<79x128xf32, #tpu.memory_space<vmem>>, vector<1x16xf32>,
      %swap3A_368 = vector.shape_cast %swap3A_367 : vector<1x16xf32> to vector<16xf32>
      %swap3A_369 = vector.shape_cast %get3A_364 : vector<16xf32> to vector<1x16xf32>
      tpu.vector_store %arg12[%swap3A_365, %swap3A_366], %swap3A_369 {strides = array<i32>} : memref<79x128xf32, #tpu.memory_space<vmem>>, vector<1x16xf32>,
      %mul3A_370 = arith.constant 8 : i32
      %mul3A_371 = arith.muli %mul3A_370, %add3A_343 : i32
      %add3A_372 = arith.constant 2 : i32
      %add3A_373 = arith.addi %mul3A_371, %add3A_372 : i32
      %get3A_374 = arith.index_cast %add3A_373 : i32 to index
      %get3A_375 = arith.constant 0 : index
      %get3A_376 = tpu.vector_load %arg11[%get3A_374, %get3A_375] {strides = array<i32>} : memref<632x16xf32, #tpu.memory_space<vmem>>, vector<1x16xf32>,
      %get3A_377 = vector.shape_cast %get3A_376 : vector<1x16xf32> to vector<16xf32>
      %swap3A_378 = arith.index_cast %add3A_343 : i32 to index
      %swap3A_379 = arith.constant 32 : index
      %swap3A_380 = tpu.vector_load %arg12[%swap3A_378, %swap3A_379] {strides = array<i32>} : memref<79x128xf32, #tpu.memory_space<vmem>>, vector<1x16xf32>,
      %swap3A_381 = vector.shape_cast %swap3A_380 : vector<1x16xf32> to vector<16xf32>
      %swap3A_382 = vector.shape_cast %get3A_377 : vector<16xf32> to vector<1x16xf32>
      tpu.vector_store %arg12[%swap3A_378, %swap3A_379], %swap3A_382 {strides = array<i32>} : memref<79x128xf32, #tpu.memory_space<vmem>>, vector<1x16xf32>,
      %mul3A_383 = arith.constant 8 : i32
      %mul3A_384 = arith.muli %mul3A_383, %add3A_343 : i32
      %add3A_385 = arith.constant 3 : i32
      %add3A_386 = arith.addi %mul3A_384, %add3A_385 : i32
      %get3A_387 = arith.index_cast %add3A_386 : i32 to index
      %get3A_388 = arith.constant 0 : index
      %get3A_389 = tpu.vector_load %arg11[%get3A_387, %get3A_388] {strides = array<i32>} : memref<632x16xf32, #tpu.memory_space<vmem>>, vector<1x16xf32>,
      %get3A_390 = vector.shape_cast %get3A_389 : vector<1x16xf32> to vector<16xf32>
      %swap3A_391 = arith.index_cast %add3A_343 : i32 to index
      %swap3A_392 = arith.constant 48 : index
      %swap3A_393 = tpu.vector_load %arg12[%swap3A_391, %swap3A_392] {strides = array<i32>} : memref<79x128xf32, #tpu.memory_space<vmem>>, vector<1x16xf32>,
      %swap3A_394 = vector.shape_cast %swap3A_393 : vector<1x16xf32> to vector<16xf32>
      %swap3A_395 = vector.shape_cast %get3A_390 : vector<16xf32> to vector<1x16xf32>
      tpu.vector_store %arg12[%swap3A_391, %swap3A_392], %swap3A_395 {strides = array<i32>} : memref<79x128xf32, #tpu.memory_space<vmem>>, vector<1x16xf32>,
      %mul3A_396 = arith.constant 8 : i32
      %mul3A_397 = arith.muli %mul3A_396, %add3A_343 : i32
      %add3A_398 = arith.constant 4 : i32
      %add3A_399 = arith.addi %mul3A_397, %add3A_398 : i32
      %get3A_400 = arith.index_cast %add3A_399 : i32 to index
      %get3A_401 = arith.constant 0 : index
      %get3A_402 = tpu.vector_load %arg11[%get3A_400, %get3A_401] {strides = array<i32>} : memref<632x16xf32, #tpu.memory_space<vmem>>, vector<1x16xf32>,
      %get3A_403 = vector.shape_cast %get3A_402 : vector<1x16xf32> to vector<16xf32>
      %swap3A_404 = arith.index_cast %add3A_343 : i32 to index
      %swap3A_405 = arith.constant 64 : index
      %swap3A_406 = tpu.vector_load %arg12[%swap3A_404, %swap3A_405] {strides = array<i32>} : memref<79x128xf32, #tpu.memory_space<vmem>>, vector<1x16xf32>,
      %swap3A_407 = vector.shape_cast %swap3A_406 : vector<1x16xf32> to vector<16xf32>
      %swap3A_408 = vector.shape_cast %get3A_403 : vector<16xf32> to vector<1x16xf32>
      tpu.vector_store %arg12[%swap3A_404, %swap3A_405], %swap3A_408 {strides = array<i32>} : memref<79x128xf32, #tpu.memory_space<vmem>>, vector<1x16xf32>,
      %mul3A_409 = arith.constant 8 : i32
      %mul3A_410 = arith.muli %mul3A_409, %add3A_343 : i32
      %add3A_411 = arith.constant 5 : i32
      %add3A_412 = arith.addi %mul3A_410, %add3A_411 : i32
      %get3A_413 = arith.index_cast %add3A_412 : i32 to index
      %get3A_414 = arith.constant 0 : index
      %get3A_415 = tpu.vector_load %arg11[%get3A_413, %get3A_414] {strides = array<i32>} : memref<632x16xf32, #tpu.memory_space<vmem>>, vector<1x16xf32>,
      %get3A_416 = vector.shape_cast %get3A_415 : vector<1x16xf32> to vector<16xf32>
      %swap3A_417 = arith.index_cast %add3A_343 : i32 to index
      %swap3A_418 = arith.constant 80 : index
      %swap3A_419 = tpu.vector_load %arg12[%swap3A_417, %swap3A_418] {strides = array<i32>} : memref<79x128xf32, #tpu.memory_space<vmem>>, vector<1x16xf32>,
      %swap3A_420 = vector.shape_cast %swap3A_419 : vector<1x16xf32> to vector<16xf32>
      %swap3A_421 = vector.shape_cast %get3A_416 : vector<16xf32> to vector<1x16xf32>
      tpu.vector_store %arg12[%swap3A_417, %swap3A_418], %swap3A_421 {strides = array<i32>} : memref<79x128xf32, #tpu.memory_space<vmem>>, vector<1x16xf32>,
      %mul3A_422 = arith.constant 8 : i32
      %mul3A_423 = arith.muli %mul3A_422, %add3A_343 : i32
      %add3A_424 = arith.constant 6 : i32
      %add3A_425 = arith.addi %mul3A_423, %add3A_424 : i32
      %get3A_426 = arith.index_cast %add3A_425 : i32 to index
      %get3A_427 = arith.constant 0 : index
      %get3A_428 = tpu.vector_load %arg11[%get3A_426, %get3A_427] {strides = array<i32>} : memref<632x16xf32, #tpu.memory_space<vmem>>, vector<1x16xf32>,
      %get3A_429 = vector.shape_cast %get3A_428 : vector<1x16xf32> to vector<16xf32>
      %swap3A_430 = arith.index_cast %add3A_343 : i32 to index
      %swap3A_431 = arith.constant 96 : index
      %swap3A_432 = tpu.vector_load %arg12[%swap3A_430, %swap3A_431] {strides = array<i32>} : memref<79x128xf32, #tpu.memory_space<vmem>>, vector<1x16xf32>,
      %swap3A_433 = vector.shape_cast %swap3A_432 : vector<1x16xf32> to vector<16xf32>
      %swap3A_434 = vector.shape_cast %get3A_429 : vector<16xf32> to vector<1x16xf32>
      tpu.vector_store %arg12[%swap3A_430, %swap3A_431], %swap3A_434 {strides = array<i32>} : memref<79x128xf32, #tpu.memory_space<vmem>>, vector<1x16xf32>,
      %mul3A_435 = arith.constant 8 : i32
      %mul3A_436 = arith.muli %mul3A_435, %add3A_343 : i32
      %add3A_437 = arith.constant 7 : i32
      %add3A_438 = arith.addi %mul3A_436, %add3A_437 : i32
      %get3A_439 = arith.index_cast %add3A_438 : i32 to index
      %get3A_440 = arith.constant 0 : index
      %get3A_441 = tpu.vector_load %arg11[%get3A_439, %get3A_440] {strides = array<i32>} : memref<632x16xf32, #tpu.memory_space<vmem>>, vector<1x16xf32>,
      %get3A_442 = vector.shape_cast %get3A_441 : vector<1x16xf32> to vector<16xf32>
      %swap3A_443 = arith.index_cast %add3A_343 : i32 to index
      %swap3A_444 = arith.constant 112 : index
      %swap3A_445 = tpu.vector_load %arg12[%swap3A_443, %swap3A_444] {strides = array<i32>} : memref<79x128xf32, #tpu.memory_space<vmem>>, vector<1x16xf32>,
      %swap3A_446 = vector.shape_cast %swap3A_445 : vector<1x16xf32> to vector<16xf32>
      %swap3A_447 = vector.shape_cast %get3A_442 : vector<16xf32> to vector<1x16xf32>
      tpu.vector_store %arg12[%swap3A_443, %swap3A_444], %swap3A_447 {strides = array<i32>} : memref<79x128xf32, #tpu.memory_space<vmem>>, vector<1x16xf32>,
    }
    %scan3A_337 = arith.constant 79 : i32
    %run_scoped3A_338 = arith.constant 1 : i32
    "tpu.region"() ({
      %run_scoped3A_339 = tpu.sem_alloc : memref<!tpu.dma_semaphore, #tpu.memory_space<semaphore_mem>>
      %dma_start3A_340 = arith.constant 0 : i32
      %dma_start3A_341 = tpu.memref_slice %arg5[%arg0, %run_scoped3A_338, %mul3A_4, %dma_start3A_340] : memref<2x2x1264x128xf32, #tpu.memory_space<hbm>> -> memref<1x1x79x128xf32, #tpu.memory_space<hbm>>
      %dma_start3A_342 = tpu.memref_squeeze %dma_start3A_341 : memref<1x1x79x128xf32, #tpu.memory_space<hbm>> -> memref<79x128xf32, #tpu.memory_space<hbm>>
      %dma_start3A_343 = arith.constant 0 : i32
      %dma_start3A_344 = tpu.memref_slice %arg5[%arg0, %run_scoped3A_338, %mul3A_4, %dma_start3A_343] : memref<2x2x1264x128xf32, #tpu.memory_space<hbm>> -> memref<1x1x79x128xf32, #tpu.memory_space<hbm>>
      %dma_start3A_345 = tpu.memref_squeeze %dma_start3A_344 : memref<1x1x79x128xf32, #tpu.memory_space<hbm>> -> memref<79x128xf32, #tpu.memory_space<hbm>>
      tpu.enqueue_dma source(%arg12 : memref<79x128xf32, #tpu.memory_space<vmem>>) target(%dma_start3A_345 : memref<79x128xf32, #tpu.memory_space<hbm>>) target_semaphore(%run_scoped3A_339 : memref<!tpu.dma_semaphore, #tpu.memory_space<semaphore_mem>>)
      %dma_wait3A_346 = arith.constant 0 : i32
      %dma_wait3A_347 = tpu.memref_slice %arg5[%arg0, %run_scoped3A_338, %mul3A_4, %dma_wait3A_346] : memref<2x2x1264x128xf32, #tpu.memory_space<hbm>> -> memref<1x1x79x128xf32, #tpu.memory_space<hbm>>
      %dma_wait3A_348 = tpu.memref_squeeze %dma_wait3A_347 : memref<1x1x79x128xf32, #tpu.memory_space<hbm>> -> memref<79x128xf32, #tpu.memory_space<hbm>>
      %dma_wait3A_349 = arith.constant 0 : i32
      %dma_wait3A_350 = tpu.memref_slice %arg5[%arg0, %run_scoped3A_338, %mul3A_4, %dma_wait3A_349] : memref<2x2x1264x128xf32, #tpu.memory_space<hbm>> -> memref<1x1x79x128xf32, #tpu.memory_space<hbm>>
      %dma_wait3A_351 = tpu.memref_squeeze %dma_wait3A_350 : memref<1x1x79x128xf32, #tpu.memory_space<hbm>> -> memref<79x128xf32, #tpu.memory_space<hbm>>
      tpu.wait_dma2 semaphore(%run_scoped3A_339 : memref<!tpu.dma_semaphore, #tpu.memory_space<semaphore_mem>>) src(%arg12 : memref<79x128xf32, #tpu.memory_space<vmem>>) dst(%dma_wait3A_351 : memref<79x128xf32, #tpu.memory_space<hbm>>)
      tpu.yield
    }) : () -> ()
    return
  }
}

#map = affine_map<(d0, d1) -> (0, 0)>
#map1 = affine_map<(d0, d1) -> (0, 0, 0, 0)>
#map2 = affine_map<(d0, d1) -> (0, 0, 0)>
module attributes {stable_mosaic.version = 14 : i64} {
  func.func @_agg_body(%arg0: i32, %arg1: i32, %arg2: memref<1264x128xf32, #tpu.memory_space<hbm>>, %arg3: memref<2x32x80x128xi32, #tpu.memory_space<hbm>>, %arg4: memref<10112x16xf32, #tpu.memory_space<hbm>>, %arg5: memref<2x1264x128xf32, #tpu.memory_space<hbm>>, %arg6: memref<80x128xi32, #tpu.memory_space<vmem>>, %arg7: memref<80x128xi32, #tpu.memory_space<vmem>>, %arg8: memref<8x128x16xf32, #tpu.memory_space<vmem>>, %arg9: memref<632x16xf32, #tpu.memory_space<vmem>>, %arg10: memref<79x128xf32, #tpu.memory_space<vmem>>, %arg11: memref<10112x16xf32, #tpu.memory_space<vmem_shared>>, %arg12: memref<10112x16xf32, #tpu.memory_space<vmem_shared>>, %arg13: memref<8x!tpu.dma_semaphore, #tpu.memory_space<semaphore_mem>>, %arg14: memref<8x!tpu.dma_semaphore, #tpu.memory_space<semaphore_mem>>, %arg15: memref<4x!tpu.dma_semaphore, #tpu.memory_space<semaphore_mem>>) attributes {dimension_semantics = [#tpu.dimension_semantics<core_parallel>, #tpu.dimension_semantics<subcore_parallel>], iteration_bounds = array<i64: 2, 16>, scalar_prefetch = 0 : i64, scratch_operands = 10 : i64, tpu.core_type = #tpu.core_type<sc_vector_subcore>, window_params = [{transform_indices = #map}, {transform_indices = #map1}, {transform_indices = #map}, {transform_indices = #map2}]} {
    %mul3A = arith.constant 16 : i32
    %mul3A_0 = arith.muli %arg0, %mul3A : i32
    %add3A = arith.addi %mul3A_0, %arg1 : i32
    %mul3A_1 = arith.constant 632 : i32
    %mul3A_2 = arith.muli %arg1, %mul3A_1 : i32
    %mul3A_3 = arith.constant 79 : i32
    %mul3A_4 = arith.muli %arg1, %mul3A_3 : i32
    %dma_start3A = arith.constant 0 : i32
    %dma_start3A_5 = arith.constant 0 : i32
    %dma_start3A_6 = tpu.memref_slice %arg2[%mul3A_4, %dma_start3A_5] : memref<1264x128xf32, #tpu.memory_space<hbm>> -> memref<79x128xf32, #tpu.memory_space<hbm>>
    %dma_start3A_7 = tpu.memref_slice %arg15[%dma_start3A] : memref<4x!tpu.dma_semaphore, #tpu.memory_space<semaphore_mem>> -> memref<1x!tpu.dma_semaphore, #tpu.memory_space<semaphore_mem>>
    %dma_start3A_8 = tpu.memref_squeeze %dma_start3A_7 : memref<1x!tpu.dma_semaphore, #tpu.memory_space<semaphore_mem>> -> memref<!tpu.dma_semaphore, #tpu.memory_space<semaphore_mem>>
    %dma_start3A_9 = arith.constant 0 : i32
    %dma_start3A_10 = tpu.memref_slice %arg2[%mul3A_4, %dma_start3A_9] : memref<1264x128xf32, #tpu.memory_space<hbm>> -> memref<79x128xf32, #tpu.memory_space<hbm>>
    tpu.enqueue_dma source(%dma_start3A_10 : memref<79x128xf32, #tpu.memory_space<hbm>>) target(%arg10 : memref<79x128xf32, #tpu.memory_space<vmem>>) target_semaphore(%dma_start3A_8 : memref<!tpu.dma_semaphore, #tpu.memory_space<semaphore_mem>>)
    %dma_start3A_11 = arith.constant 1 : i32
    %dma_start3A_12 = tpu.memref_slice %arg15[%dma_start3A_11] : memref<4x!tpu.dma_semaphore, #tpu.memory_space<semaphore_mem>> -> memref<1x!tpu.dma_semaphore, #tpu.memory_space<semaphore_mem>>
    %dma_start3A_13 = tpu.memref_squeeze %dma_start3A_12 : memref<1x!tpu.dma_semaphore, #tpu.memory_space<semaphore_mem>> -> memref<!tpu.dma_semaphore, #tpu.memory_space<semaphore_mem>>
    %dma_start3A_14 = arith.constant 0 : i32
    %dma_start3A_15 = tpu.memref_slice %arg12[%mul3A_2, %dma_start3A_14] : memref<10112x16xf32, #tpu.memory_space<vmem_shared>> -> memref<632x16xf32, #tpu.memory_space<vmem_shared>>
    %dma_start3A_16 = arith.constant 0 : i32
    %dma_start3A_17 = tpu.memref_slice %arg4[%mul3A_2, %dma_start3A_16] : memref<10112x16xf32, #tpu.memory_space<hbm>> -> memref<632x16xf32, #tpu.memory_space<hbm>>
    tpu.enqueue_dma source(%dma_start3A_17 : memref<632x16xf32, #tpu.memory_space<hbm>>) target(%dma_start3A_15 : memref<632x16xf32, #tpu.memory_space<vmem_shared>>) target_semaphore(%dma_start3A_13 : memref<!tpu.dma_semaphore, #tpu.memory_space<semaphore_mem>>)
    %dma_start3A_18 = arith.constant 0 : i32
    %dma_start3A_19 = arith.constant 2 : i32
    %dma_start3A_20 = arith.constant 0 : i32
    %dma_start3A_21 = arith.constant 0 : i32
    %dma_start3A_22 = tpu.memref_slice %arg3[%dma_start3A_18, %add3A, %dma_start3A_20, %dma_start3A_21] : memref<2x32x80x128xi32, #tpu.memory_space<hbm>> -> memref<1x1x80x128xi32, #tpu.memory_space<hbm>>
    %dma_start3A_23 = tpu.memref_squeeze %dma_start3A_22 : memref<1x1x80x128xi32, #tpu.memory_space<hbm>> -> memref<80x128xi32, #tpu.memory_space<hbm>>
    %dma_start3A_24 = tpu.memref_slice %arg15[%dma_start3A_19] : memref<4x!tpu.dma_semaphore, #tpu.memory_space<semaphore_mem>> -> memref<1x!tpu.dma_semaphore, #tpu.memory_space<semaphore_mem>>
    %dma_start3A_25 = tpu.memref_squeeze %dma_start3A_24 : memref<1x!tpu.dma_semaphore, #tpu.memory_space<semaphore_mem>> -> memref<!tpu.dma_semaphore, #tpu.memory_space<semaphore_mem>>
    %dma_start3A_26 = arith.constant 0 : i32
    %dma_start3A_27 = arith.constant 0 : i32
    %dma_start3A_28 = tpu.memref_slice %arg3[%dma_start3A_18, %add3A, %dma_start3A_26, %dma_start3A_27] : memref<2x32x80x128xi32, #tpu.memory_space<hbm>> -> memref<1x1x80x128xi32, #tpu.memory_space<hbm>>
    %dma_start3A_29 = tpu.memref_squeeze %dma_start3A_28 : memref<1x1x80x128xi32, #tpu.memory_space<hbm>> -> memref<80x128xi32, #tpu.memory_space<hbm>>
    tpu.enqueue_dma source(%dma_start3A_29 : memref<80x128xi32, #tpu.memory_space<hbm>>) target(%arg6 : memref<80x128xi32, #tpu.memory_space<vmem>>) target_semaphore(%dma_start3A_25 : memref<!tpu.dma_semaphore, #tpu.memory_space<semaphore_mem>>)
    %dma_start3A_30 = arith.constant 1 : i32
    %dma_start3A_31 = arith.constant 3 : i32
    %dma_start3A_32 = arith.constant 0 : i32
    %dma_start3A_33 = arith.constant 0 : i32
    %dma_start3A_34 = tpu.memref_slice %arg3[%dma_start3A_30, %add3A, %dma_start3A_32, %dma_start3A_33] : memref<2x32x80x128xi32, #tpu.memory_space<hbm>> -> memref<1x1x80x128xi32, #tpu.memory_space<hbm>>
    %dma_start3A_35 = tpu.memref_squeeze %dma_start3A_34 : memref<1x1x80x128xi32, #tpu.memory_space<hbm>> -> memref<80x128xi32, #tpu.memory_space<hbm>>
    %dma_start3A_36 = tpu.memref_slice %arg15[%dma_start3A_31] : memref<4x!tpu.dma_semaphore, #tpu.memory_space<semaphore_mem>> -> memref<1x!tpu.dma_semaphore, #tpu.memory_space<semaphore_mem>>
    %dma_start3A_37 = tpu.memref_squeeze %dma_start3A_36 : memref<1x!tpu.dma_semaphore, #tpu.memory_space<semaphore_mem>> -> memref<!tpu.dma_semaphore, #tpu.memory_space<semaphore_mem>>
    %dma_start3A_38 = arith.constant 0 : i32
    %dma_start3A_39 = arith.constant 0 : i32
    %dma_start3A_40 = tpu.memref_slice %arg3[%dma_start3A_30, %add3A, %dma_start3A_38, %dma_start3A_39] : memref<2x32x80x128xi32, #tpu.memory_space<hbm>> -> memref<1x1x80x128xi32, #tpu.memory_space<hbm>>
    %dma_start3A_41 = tpu.memref_squeeze %dma_start3A_40 : memref<1x1x80x128xi32, #tpu.memory_space<hbm>> -> memref<80x128xi32, #tpu.memory_space<hbm>>
    tpu.enqueue_dma source(%dma_start3A_41 : memref<80x128xi32, #tpu.memory_space<hbm>>) target(%arg7 : memref<80x128xi32, #tpu.memory_space<vmem>>) target_semaphore(%dma_start3A_37 : memref<!tpu.dma_semaphore, #tpu.memory_space<semaphore_mem>>)
    %dma_wait3A = arith.constant 0 : i32
    %dma_wait3A_42 = arith.constant 0 : i32
    %dma_wait3A_43 = tpu.memref_slice %arg2[%mul3A_4, %dma_wait3A_42] : memref<1264x128xf32, #tpu.memory_space<hbm>> -> memref<79x128xf32, #tpu.memory_space<hbm>>
    %dma_wait3A_44 = tpu.memref_slice %arg15[%dma_wait3A] : memref<4x!tpu.dma_semaphore, #tpu.memory_space<semaphore_mem>> -> memref<1x!tpu.dma_semaphore, #tpu.memory_space<semaphore_mem>>
    %dma_wait3A_45 = tpu.memref_squeeze %dma_wait3A_44 : memref<1x!tpu.dma_semaphore, #tpu.memory_space<semaphore_mem>> -> memref<!tpu.dma_semaphore, #tpu.memory_space<semaphore_mem>>
    %dma_wait3A_46 = arith.constant 0 : i32
    %dma_wait3A_47 = tpu.memref_slice %arg2[%mul3A_4, %dma_wait3A_46] : memref<1264x128xf32, #tpu.memory_space<hbm>> -> memref<79x128xf32, #tpu.memory_space<hbm>>
    tpu.wait_dma2 semaphore(%dma_wait3A_45 : memref<!tpu.dma_semaphore, #tpu.memory_space<semaphore_mem>>) src(%dma_wait3A_47 : memref<79x128xf32, #tpu.memory_space<hbm>>) dst(%arg10 : memref<79x128xf32, #tpu.memory_space<vmem>>)
    %scan3A = arith.constant 0 : i32
    %scan3A_48 = arith.constant 79 : i32
    %scan3A_49 = arith.addi %scan3A, %scan3A_48 : i32
    %scan3A_50 = arith.constant 1 : i32
    scf.for %scan3A_334 = %scan3A to %scan3A_49 step %scan3A_50  : i32 {
      %mul3A_335 = arith.constant 1 : i32
      %mul3A_336 = arith.muli %scan3A_334, %mul3A_335 : i32
      %add3A_337 = arith.constant 0 : i32
      %add3A_338 = arith.addi %add3A_337, %mul3A_336 : i32
      %get3A = arith.index_cast %add3A_338 : i32 to index
      %get3A_339 = arith.constant 0 : index
      %get3A_340 = tpu.vector_load %arg10[%get3A, %get3A_339] {strides = array<i32>} : memref<79x128xf32, #tpu.memory_space<vmem>>, vector<1x16xf32>,
      %get3A_341 = vector.shape_cast %get3A_340 : vector<1x16xf32> to vector<16xf32>
      %mul3A_342 = arith.constant 8 : i32
      %mul3A_343 = arith.muli %mul3A_342, %add3A_338 : i32
      %add3A_344 = arith.constant 0 : i32
      %add3A_345 = arith.addi %mul3A_343, %add3A_344 : i32
      %swap3A = arith.index_cast %add3A_345 : i32 to index
      %swap3A_346 = arith.constant 0 : index
      %swap3A_347 = tpu.vector_load %arg9[%swap3A, %swap3A_346] {strides = array<i32>} : memref<632x16xf32, #tpu.memory_space<vmem>>, vector<1x16xf32>,
      %swap3A_348 = vector.shape_cast %swap3A_347 : vector<1x16xf32> to vector<16xf32>
      %swap3A_349 = vector.shape_cast %get3A_341 : vector<16xf32> to vector<1x16xf32>
      tpu.vector_store %arg9[%swap3A, %swap3A_346], %swap3A_349 {strides = array<i32>} : memref<632x16xf32, #tpu.memory_space<vmem>>, vector<1x16xf32>,
      %get3A_350 = arith.index_cast %add3A_338 : i32 to index
      %get3A_351 = arith.constant 16 : index
      %get3A_352 = tpu.vector_load %arg10[%get3A_350, %get3A_351] {strides = array<i32>} : memref<79x128xf32, #tpu.memory_space<vmem>>, vector<1x16xf32>,
      %get3A_353 = vector.shape_cast %get3A_352 : vector<1x16xf32> to vector<16xf32>
      %mul3A_354 = arith.constant 8 : i32
      %mul3A_355 = arith.muli %mul3A_354, %add3A_338 : i32
      %add3A_356 = arith.constant 1 : i32
      %add3A_357 = arith.addi %mul3A_355, %add3A_356 : i32
      %swap3A_358 = arith.index_cast %add3A_357 : i32 to index
      %swap3A_359 = arith.constant 0 : index
      %swap3A_360 = tpu.vector_load %arg9[%swap3A_358, %swap3A_359] {strides = array<i32>} : memref<632x16xf32, #tpu.memory_space<vmem>>, vector<1x16xf32>,
      %swap3A_361 = vector.shape_cast %swap3A_360 : vector<1x16xf32> to vector<16xf32>
      %swap3A_362 = vector.shape_cast %get3A_353 : vector<16xf32> to vector<1x16xf32>
      tpu.vector_store %arg9[%swap3A_358, %swap3A_359], %swap3A_362 {strides = array<i32>} : memref<632x16xf32, #tpu.memory_space<vmem>>, vector<1x16xf32>,
      %get3A_363 = arith.index_cast %add3A_338 : i32 to index
      %get3A_364 = arith.constant 32 : index
      %get3A_365 = tpu.vector_load %arg10[%get3A_363, %get3A_364] {strides = array<i32>} : memref<79x128xf32, #tpu.memory_space<vmem>>, vector<1x16xf32>,
      %get3A_366 = vector.shape_cast %get3A_365 : vector<1x16xf32> to vector<16xf32>
      %mul3A_367 = arith.constant 8 : i32
      %mul3A_368 = arith.muli %mul3A_367, %add3A_338 : i32
      %add3A_369 = arith.constant 2 : i32
      %add3A_370 = arith.addi %mul3A_368, %add3A_369 : i32
      %swap3A_371 = arith.index_cast %add3A_370 : i32 to index
      %swap3A_372 = arith.constant 0 : index
      %swap3A_373 = tpu.vector_load %arg9[%swap3A_371, %swap3A_372] {strides = array<i32>} : memref<632x16xf32, #tpu.memory_space<vmem>>, vector<1x16xf32>,
      %swap3A_374 = vector.shape_cast %swap3A_373 : vector<1x16xf32> to vector<16xf32>
      %swap3A_375 = vector.shape_cast %get3A_366 : vector<16xf32> to vector<1x16xf32>
      tpu.vector_store %arg9[%swap3A_371, %swap3A_372], %swap3A_375 {strides = array<i32>} : memref<632x16xf32, #tpu.memory_space<vmem>>, vector<1x16xf32>,
      %get3A_376 = arith.index_cast %add3A_338 : i32 to index
      %get3A_377 = arith.constant 48 : index
      %get3A_378 = tpu.vector_load %arg10[%get3A_376, %get3A_377] {strides = array<i32>} : memref<79x128xf32, #tpu.memory_space<vmem>>, vector<1x16xf32>,
      %get3A_379 = vector.shape_cast %get3A_378 : vector<1x16xf32> to vector<16xf32>
      %mul3A_380 = arith.constant 8 : i32
      %mul3A_381 = arith.muli %mul3A_380, %add3A_338 : i32
      %add3A_382 = arith.constant 3 : i32
      %add3A_383 = arith.addi %mul3A_381, %add3A_382 : i32
      %swap3A_384 = arith.index_cast %add3A_383 : i32 to index
      %swap3A_385 = arith.constant 0 : index
      %swap3A_386 = tpu.vector_load %arg9[%swap3A_384, %swap3A_385] {strides = array<i32>} : memref<632x16xf32, #tpu.memory_space<vmem>>, vector<1x16xf32>,
      %swap3A_387 = vector.shape_cast %swap3A_386 : vector<1x16xf32> to vector<16xf32>
      %swap3A_388 = vector.shape_cast %get3A_379 : vector<16xf32> to vector<1x16xf32>
      tpu.vector_store %arg9[%swap3A_384, %swap3A_385], %swap3A_388 {strides = array<i32>} : memref<632x16xf32, #tpu.memory_space<vmem>>, vector<1x16xf32>,
      %get3A_389 = arith.index_cast %add3A_338 : i32 to index
      %get3A_390 = arith.constant 64 : index
      %get3A_391 = tpu.vector_load %arg10[%get3A_389, %get3A_390] {strides = array<i32>} : memref<79x128xf32, #tpu.memory_space<vmem>>, vector<1x16xf32>,
      %get3A_392 = vector.shape_cast %get3A_391 : vector<1x16xf32> to vector<16xf32>
      %mul3A_393 = arith.constant 8 : i32
      %mul3A_394 = arith.muli %mul3A_393, %add3A_338 : i32
      %add3A_395 = arith.constant 4 : i32
      %add3A_396 = arith.addi %mul3A_394, %add3A_395 : i32
      %swap3A_397 = arith.index_cast %add3A_396 : i32 to index
      %swap3A_398 = arith.constant 0 : index
      %swap3A_399 = tpu.vector_load %arg9[%swap3A_397, %swap3A_398] {strides = array<i32>} : memref<632x16xf32, #tpu.memory_space<vmem>>, vector<1x16xf32>,
      %swap3A_400 = vector.shape_cast %swap3A_399 : vector<1x16xf32> to vector<16xf32>
      %swap3A_401 = vector.shape_cast %get3A_392 : vector<16xf32> to vector<1x16xf32>
      tpu.vector_store %arg9[%swap3A_397, %swap3A_398], %swap3A_401 {strides = array<i32>} : memref<632x16xf32, #tpu.memory_space<vmem>>, vector<1x16xf32>,
      %get3A_402 = arith.index_cast %add3A_338 : i32 to index
      %get3A_403 = arith.constant 80 : index
      %get3A_404 = tpu.vector_load %arg10[%get3A_402, %get3A_403] {strides = array<i32>} : memref<79x128xf32, #tpu.memory_space<vmem>>, vector<1x16xf32>,
      %get3A_405 = vector.shape_cast %get3A_404 : vector<1x16xf32> to vector<16xf32>
      %mul3A_406 = arith.constant 8 : i32
      %mul3A_407 = arith.muli %mul3A_406, %add3A_338 : i32
      %add3A_408 = arith.constant 5 : i32
      %add3A_409 = arith.addi %mul3A_407, %add3A_408 : i32
      %swap3A_410 = arith.index_cast %add3A_409 : i32 to index
      %swap3A_411 = arith.constant 0 : index
      %swap3A_412 = tpu.vector_load %arg9[%swap3A_410, %swap3A_411] {strides = array<i32>} : memref<632x16xf32, #tpu.memory_space<vmem>>, vector<1x16xf32>,
      %swap3A_413 = vector.shape_cast %swap3A_412 : vector<1x16xf32> to vector<16xf32>
      %swap3A_414 = vector.shape_cast %get3A_405 : vector<16xf32> to vector<1x16xf32>
      tpu.vector_store %arg9[%swap3A_410, %swap3A_411], %swap3A_414 {strides = array<i32>} : memref<632x16xf32, #tpu.memory_space<vmem>>, vector<1x16xf32>,
      %get3A_415 = arith.index_cast %add3A_338 : i32 to index
      %get3A_416 = arith.constant 96 : index
      %get3A_417 = tpu.vector_load %arg10[%get3A_415, %get3A_416] {strides = array<i32>} : memref<79x128xf32, #tpu.memory_space<vmem>>, vector<1x16xf32>,
      %get3A_418 = vector.shape_cast %get3A_417 : vector<1x16xf32> to vector<16xf32>
      %mul3A_419 = arith.constant 8 : i32
      %mul3A_420 = arith.muli %mul3A_419, %add3A_338 : i32
      %add3A_421 = arith.constant 6 : i32
      %add3A_422 = arith.addi %mul3A_420, %add3A_421 : i32
      %swap3A_423 = arith.index_cast %add3A_422 : i32 to index
      %swap3A_424 = arith.constant 0 : index
      %swap3A_425 = tpu.vector_load %arg9[%swap3A_423, %swap3A_424] {strides = array<i32>} : memref<632x16xf32, #tpu.memory_space<vmem>>, vector<1x16xf32>,
      %swap3A_426 = vector.shape_cast %swap3A_425 : vector<1x16xf32> to vector<16xf32>
      %swap3A_427 = vector.shape_cast %get3A_418 : vector<16xf32> to vector<1x16xf32>
      tpu.vector_store %arg9[%swap3A_423, %swap3A_424], %swap3A_427 {strides = array<i32>} : memref<632x16xf32, #tpu.memory_space<vmem>>, vector<1x16xf32>,
      %get3A_428 = arith.index_cast %add3A_338 : i32 to index
      %get3A_429 = arith.constant 112 : index
      %get3A_430 = tpu.vector_load %arg10[%get3A_428, %get3A_429] {strides = array<i32>} : memref<79x128xf32, #tpu.memory_space<vmem>>, vector<1x16xf32>,
      %get3A_431 = vector.shape_cast %get3A_430 : vector<1x16xf32> to vector<16xf32>
      %mul3A_432 = arith.constant 8 : i32
      %mul3A_433 = arith.muli %mul3A_432, %add3A_338 : i32
      %add3A_434 = arith.constant 7 : i32
      %add3A_435 = arith.addi %mul3A_433, %add3A_434 : i32
      %swap3A_436 = arith.index_cast %add3A_435 : i32 to index
      %swap3A_437 = arith.constant 0 : index
      %swap3A_438 = tpu.vector_load %arg9[%swap3A_436, %swap3A_437] {strides = array<i32>} : memref<632x16xf32, #tpu.memory_space<vmem>>, vector<1x16xf32>,
      %swap3A_439 = vector.shape_cast %swap3A_438 : vector<1x16xf32> to vector<16xf32>
      %swap3A_440 = vector.shape_cast %get3A_431 : vector<16xf32> to vector<1x16xf32>
      tpu.vector_store %arg9[%swap3A_436, %swap3A_437], %swap3A_440 {strides = array<i32>} : memref<632x16xf32, #tpu.memory_space<vmem>>, vector<1x16xf32>,
    }
    %scan3A_51 = arith.constant 79 : i32
    "tpu.region"() ({
      %run_scoped3A = tpu.sem_alloc : memref<!tpu.dma_semaphore, #tpu.memory_space<semaphore_mem>>
      %dma_start3A_334 = arith.constant 0 : i32
      %dma_start3A_335 = tpu.memref_slice %arg11[%mul3A_2, %dma_start3A_334] : memref<10112x16xf32, #tpu.memory_space<vmem_shared>> -> memref<632x16xf32, #tpu.memory_space<vmem_shared>>
      %dma_start3A_336 = arith.constant 0 : i32
      %dma_start3A_337 = tpu.memref_slice %arg11[%mul3A_2, %dma_start3A_336] : memref<10112x16xf32, #tpu.memory_space<vmem_shared>> -> memref<632x16xf32, #tpu.memory_space<vmem_shared>>
      tpu.enqueue_dma source(%arg9 : memref<632x16xf32, #tpu.memory_space<vmem>>) target(%dma_start3A_337 : memref<632x16xf32, #tpu.memory_space<vmem_shared>>) target_semaphore(%run_scoped3A : memref<!tpu.dma_semaphore, #tpu.memory_space<semaphore_mem>>)
      %dma_wait3A_338 = arith.constant 0 : i32
      %dma_wait3A_339 = tpu.memref_slice %arg11[%mul3A_2, %dma_wait3A_338] : memref<10112x16xf32, #tpu.memory_space<vmem_shared>> -> memref<632x16xf32, #tpu.memory_space<vmem_shared>>
      %dma_wait3A_340 = arith.constant 0 : i32
      %dma_wait3A_341 = tpu.memref_slice %arg11[%mul3A_2, %dma_wait3A_340] : memref<10112x16xf32, #tpu.memory_space<vmem_shared>> -> memref<632x16xf32, #tpu.memory_space<vmem_shared>>
      tpu.wait_dma2 semaphore(%run_scoped3A : memref<!tpu.dma_semaphore, #tpu.memory_space<semaphore_mem>>) src(%arg9 : memref<632x16xf32, #tpu.memory_space<vmem>>) dst(%dma_wait3A_341 : memref<632x16xf32, #tpu.memory_space<vmem_shared>>)
      tpu.yield
    }) : () -> ()
    %dma_wait3A_52 = arith.constant 1 : i32
    %dma_wait3A_53 = tpu.memref_slice %arg15[%dma_wait3A_52] : memref<4x!tpu.dma_semaphore, #tpu.memory_space<semaphore_mem>> -> memref<1x!tpu.dma_semaphore, #tpu.memory_space<semaphore_mem>>
    %dma_wait3A_54 = tpu.memref_squeeze %dma_wait3A_53 : memref<1x!tpu.dma_semaphore, #tpu.memory_space<semaphore_mem>> -> memref<!tpu.dma_semaphore, #tpu.memory_space<semaphore_mem>>
    %dma_wait3A_55 = arith.constant 0 : i32
    %dma_wait3A_56 = tpu.memref_slice %arg12[%mul3A_2, %dma_wait3A_55] : memref<10112x16xf32, #tpu.memory_space<vmem_shared>> -> memref<632x16xf32, #tpu.memory_space<vmem_shared>>
    %dma_wait3A_57 = arith.constant 0 : i32
    %dma_wait3A_58 = tpu.memref_slice %arg4[%mul3A_2, %dma_wait3A_57] : memref<10112x16xf32, #tpu.memory_space<hbm>> -> memref<632x16xf32, #tpu.memory_space<hbm>>
    tpu.wait_dma2 semaphore(%dma_wait3A_54 : memref<!tpu.dma_semaphore, #tpu.memory_space<semaphore_mem>>) src(%dma_wait3A_58 : memref<632x16xf32, #tpu.memory_space<hbm>>) dst(%dma_wait3A_56 : memref<632x16xf32, #tpu.memory_space<vmem_shared>>)
    %dma_wait3A_59 = arith.constant 0 : i32
    %dma_wait3A_60 = arith.constant 2 : i32
    %dma_wait3A_61 = arith.constant 0 : i32
    %dma_wait3A_62 = arith.constant 0 : i32
    %dma_wait3A_63 = tpu.memref_slice %arg3[%dma_wait3A_59, %add3A, %dma_wait3A_61, %dma_wait3A_62] : memref<2x32x80x128xi32, #tpu.memory_space<hbm>> -> memref<1x1x80x128xi32, #tpu.memory_space<hbm>>
    %dma_wait3A_64 = tpu.memref_squeeze %dma_wait3A_63 : memref<1x1x80x128xi32, #tpu.memory_space<hbm>> -> memref<80x128xi32, #tpu.memory_space<hbm>>
    %dma_wait3A_65 = tpu.memref_slice %arg15[%dma_wait3A_60] : memref<4x!tpu.dma_semaphore, #tpu.memory_space<semaphore_mem>> -> memref<1x!tpu.dma_semaphore, #tpu.memory_space<semaphore_mem>>
    %dma_wait3A_66 = tpu.memref_squeeze %dma_wait3A_65 : memref<1x!tpu.dma_semaphore, #tpu.memory_space<semaphore_mem>> -> memref<!tpu.dma_semaphore, #tpu.memory_space<semaphore_mem>>
    %dma_wait3A_67 = arith.constant 0 : i32
    %dma_wait3A_68 = arith.constant 0 : i32
    %dma_wait3A_69 = tpu.memref_slice %arg3[%dma_wait3A_59, %add3A, %dma_wait3A_67, %dma_wait3A_68] : memref<2x32x80x128xi32, #tpu.memory_space<hbm>> -> memref<1x1x80x128xi32, #tpu.memory_space<hbm>>
    %dma_wait3A_70 = tpu.memref_squeeze %dma_wait3A_69 : memref<1x1x80x128xi32, #tpu.memory_space<hbm>> -> memref<80x128xi32, #tpu.memory_space<hbm>>
    tpu.wait_dma2 semaphore(%dma_wait3A_66 : memref<!tpu.dma_semaphore, #tpu.memory_space<semaphore_mem>>) src(%dma_wait3A_70 : memref<80x128xi32, #tpu.memory_space<hbm>>) dst(%arg6 : memref<80x128xi32, #tpu.memory_space<vmem>>)
    %dma_wait3A_71 = arith.constant 1 : i32
    %dma_wait3A_72 = arith.constant 3 : i32
    %dma_wait3A_73 = arith.constant 0 : i32
    %dma_wait3A_74 = arith.constant 0 : i32
    %dma_wait3A_75 = tpu.memref_slice %arg3[%dma_wait3A_71, %add3A, %dma_wait3A_73, %dma_wait3A_74] : memref<2x32x80x128xi32, #tpu.memory_space<hbm>> -> memref<1x1x80x128xi32, #tpu.memory_space<hbm>>
    %dma_wait3A_76 = tpu.memref_squeeze %dma_wait3A_75 : memref<1x1x80x128xi32, #tpu.memory_space<hbm>> -> memref<80x128xi32, #tpu.memory_space<hbm>>
    %dma_wait3A_77 = tpu.memref_slice %arg15[%dma_wait3A_72] : memref<4x!tpu.dma_semaphore, #tpu.memory_space<semaphore_mem>> -> memref<1x!tpu.dma_semaphore, #tpu.memory_space<semaphore_mem>>
    %dma_wait3A_78 = tpu.memref_squeeze %dma_wait3A_77 : memref<1x!tpu.dma_semaphore, #tpu.memory_space<semaphore_mem>> -> memref<!tpu.dma_semaphore, #tpu.memory_space<semaphore_mem>>
    %dma_wait3A_79 = arith.constant 0 : i32
    %dma_wait3A_80 = arith.constant 0 : i32
    %dma_wait3A_81 = tpu.memref_slice %arg3[%dma_wait3A_71, %add3A, %dma_wait3A_79, %dma_wait3A_80] : memref<2x32x80x128xi32, #tpu.memory_space<hbm>> -> memref<1x1x80x128xi32, #tpu.memory_space<hbm>>
    %dma_wait3A_82 = tpu.memref_squeeze %dma_wait3A_81 : memref<1x1x80x128xi32, #tpu.memory_space<hbm>> -> memref<80x128xi32, #tpu.memory_space<hbm>>
    tpu.wait_dma2 semaphore(%dma_wait3A_78 : memref<!tpu.dma_semaphore, #tpu.memory_space<semaphore_mem>>) src(%dma_wait3A_82 : memref<80x128xi32, #tpu.memory_space<hbm>>) dst(%arg7 : memref<80x128xi32, #tpu.memory_space<vmem>>)
    %barrier3A = arith.constant 0 : index
    tpu.barrier barrier_id(%barrier3A)
    %dma_start3A_83 = arith.constant 0 : i32
    %dma_start3A_84 = arith.constant 0 : i32
    %dma_start3A_85 = arith.constant 0 : i32
    %dma_start3A_86 = arith.constant 0 : i32
    %dma_start3A_87 = arith.constant 0 : i32
    %dma_start3A_88 = tpu.memref_slice %arg8[%dma_start3A_84, %dma_start3A_86, %dma_start3A_87] : memref<8x128x16xf32, #tpu.memory_space<vmem>> -> memref<1x128x16xf32, #tpu.memory_space<vmem>>
    %dma_start3A_89 = tpu.memref_squeeze %dma_start3A_88 : memref<1x128x16xf32, #tpu.memory_space<vmem>> -> memref<128x16xf32, #tpu.memory_space<vmem>>
    %dma_start3A_90 = arith.constant 0 : i32
    %dma_start3A_91 = tpu.memref_slice %arg6[%dma_start3A_83, %dma_start3A_90] : memref<80x128xi32, #tpu.memory_space<vmem>> -> memref<1x128xi32, #tpu.memory_space<vmem>>
    %dma_start3A_92 = tpu.memref_squeeze %dma_start3A_91 : memref<1x128xi32, #tpu.memory_space<vmem>> -> memref<128xi32, #tpu.memory_space<vmem>>
    %dma_start3A_93 = arith.constant 0 : i32
    %dma_start3A_94 = arith.constant 0 : i32
    %dma_start3A_95 = tpu.memref_slice %arg11[%dma_start3A_93, %dma_start3A_94] : memref<10112x16xf32, #tpu.memory_space<vmem_shared>> -> memref<10112x16xf32, #tpu.memory_space<vmem_shared>>
    %dma_start3A_96 = tpu.memref_slice %arg13[%dma_start3A_85] : memref<8x!tpu.dma_semaphore, #tpu.memory_space<semaphore_mem>> -> memref<1x!tpu.dma_semaphore, #tpu.memory_space<semaphore_mem>>
    %dma_start3A_97 = tpu.memref_squeeze %dma_start3A_96 : memref<1x!tpu.dma_semaphore, #tpu.memory_space<semaphore_mem>> -> memref<!tpu.dma_semaphore, #tpu.memory_space<semaphore_mem>>
    tpu.enqueue_indirect_dma source(%dma_start3A_95 : memref<10112x16xf32, #tpu.memory_space<vmem_shared>>) target(%dma_start3A_89 : memref<128x16xf32, #tpu.memory_space<vmem>>) offsets(%dma_start3A_92 : memref<128xi32, #tpu.memory_space<vmem>>) semaphore(%dma_start3A_97 : memref<!tpu.dma_semaphore, #tpu.memory_space<semaphore_mem>>)
    %dma_start3A_98 = arith.constant 1 : i32
    %dma_start3A_99 = arith.constant 1 : i32
    %dma_start3A_100 = arith.constant 1 : i32
    %dma_start3A_101 = arith.constant 0 : i32
    %dma_start3A_102 = arith.constant 0 : i32
    %dma_start3A_103 = tpu.memref_slice %arg8[%dma_start3A_99, %dma_start3A_101, %dma_start3A_102] : memref<8x128x16xf32, #tpu.memory_space<vmem>> -> memref<1x128x16xf32, #tpu.memory_space<vmem>>
    %dma_start3A_104 = tpu.memref_squeeze %dma_start3A_103 : memref<1x128x16xf32, #tpu.memory_space<vmem>> -> memref<128x16xf32, #tpu.memory_space<vmem>>
    %dma_start3A_105 = arith.constant 0 : i32
    %dma_start3A_106 = tpu.memref_slice %arg6[%dma_start3A_98, %dma_start3A_105] : memref<80x128xi32, #tpu.memory_space<vmem>> -> memref<1x128xi32, #tpu.memory_space<vmem>>
    %dma_start3A_107 = tpu.memref_squeeze %dma_start3A_106 : memref<1x128xi32, #tpu.memory_space<vmem>> -> memref<128xi32, #tpu.memory_space<vmem>>
    %dma_start3A_108 = arith.constant 0 : i32
    %dma_start3A_109 = arith.constant 0 : i32
    %dma_start3A_110 = tpu.memref_slice %arg11[%dma_start3A_108, %dma_start3A_109] : memref<10112x16xf32, #tpu.memory_space<vmem_shared>> -> memref<10112x16xf32, #tpu.memory_space<vmem_shared>>
    %dma_start3A_111 = tpu.memref_slice %arg13[%dma_start3A_100] : memref<8x!tpu.dma_semaphore, #tpu.memory_space<semaphore_mem>> -> memref<1x!tpu.dma_semaphore, #tpu.memory_space<semaphore_mem>>
    %dma_start3A_112 = tpu.memref_squeeze %dma_start3A_111 : memref<1x!tpu.dma_semaphore, #tpu.memory_space<semaphore_mem>> -> memref<!tpu.dma_semaphore, #tpu.memory_space<semaphore_mem>>
    tpu.enqueue_indirect_dma source(%dma_start3A_110 : memref<10112x16xf32, #tpu.memory_space<vmem_shared>>) target(%dma_start3A_104 : memref<128x16xf32, #tpu.memory_space<vmem>>) offsets(%dma_start3A_107 : memref<128xi32, #tpu.memory_space<vmem>>) semaphore(%dma_start3A_112 : memref<!tpu.dma_semaphore, #tpu.memory_space<semaphore_mem>>)
    %dma_start3A_113 = arith.constant 2 : i32
    %dma_start3A_114 = arith.constant 2 : i32
    %dma_start3A_115 = arith.constant 2 : i32
    %dma_start3A_116 = arith.constant 0 : i32
    %dma_start3A_117 = arith.constant 0 : i32
    %dma_start3A_118 = tpu.memref_slice %arg8[%dma_start3A_114, %dma_start3A_116, %dma_start3A_117] : memref<8x128x16xf32, #tpu.memory_space<vmem>> -> memref<1x128x16xf32, #tpu.memory_space<vmem>>
    %dma_start3A_119 = tpu.memref_squeeze %dma_start3A_118 : memref<1x128x16xf32, #tpu.memory_space<vmem>> -> memref<128x16xf32, #tpu.memory_space<vmem>>
    %dma_start3A_120 = arith.constant 0 : i32
    %dma_start3A_121 = tpu.memref_slice %arg6[%dma_start3A_113, %dma_start3A_120] : memref<80x128xi32, #tpu.memory_space<vmem>> -> memref<1x128xi32, #tpu.memory_space<vmem>>
    %dma_start3A_122 = tpu.memref_squeeze %dma_start3A_121 : memref<1x128xi32, #tpu.memory_space<vmem>> -> memref<128xi32, #tpu.memory_space<vmem>>
    %dma_start3A_123 = arith.constant 0 : i32
    %dma_start3A_124 = arith.constant 0 : i32
    %dma_start3A_125 = tpu.memref_slice %arg11[%dma_start3A_123, %dma_start3A_124] : memref<10112x16xf32, #tpu.memory_space<vmem_shared>> -> memref<10112x16xf32, #tpu.memory_space<vmem_shared>>
    %dma_start3A_126 = tpu.memref_slice %arg13[%dma_start3A_115] : memref<8x!tpu.dma_semaphore, #tpu.memory_space<semaphore_mem>> -> memref<1x!tpu.dma_semaphore, #tpu.memory_space<semaphore_mem>>
    %dma_start3A_127 = tpu.memref_squeeze %dma_start3A_126 : memref<1x!tpu.dma_semaphore, #tpu.memory_space<semaphore_mem>> -> memref<!tpu.dma_semaphore, #tpu.memory_space<semaphore_mem>>
    tpu.enqueue_indirect_dma source(%dma_start3A_125 : memref<10112x16xf32, #tpu.memory_space<vmem_shared>>) target(%dma_start3A_119 : memref<128x16xf32, #tpu.memory_space<vmem>>) offsets(%dma_start3A_122 : memref<128xi32, #tpu.memory_space<vmem>>) semaphore(%dma_start3A_127 : memref<!tpu.dma_semaphore, #tpu.memory_space<semaphore_mem>>)
    %dma_start3A_128 = arith.constant 3 : i32
    %dma_start3A_129 = arith.constant 3 : i32
    %dma_start3A_130 = arith.constant 3 : i32
    %dma_start3A_131 = arith.constant 0 : i32
    %dma_start3A_132 = arith.constant 0 : i32
    %dma_start3A_133 = tpu.memref_slice %arg8[%dma_start3A_129, %dma_start3A_131, %dma_start3A_132] : memref<8x128x16xf32, #tpu.memory_space<vmem>> -> memref<1x128x16xf32, #tpu.memory_space<vmem>>
    %dma_start3A_134 = tpu.memref_squeeze %dma_start3A_133 : memref<1x128x16xf32, #tpu.memory_space<vmem>> -> memref<128x16xf32, #tpu.memory_space<vmem>>
    %dma_start3A_135 = arith.constant 0 : i32
    %dma_start3A_136 = tpu.memref_slice %arg6[%dma_start3A_128, %dma_start3A_135] : memref<80x128xi32, #tpu.memory_space<vmem>> -> memref<1x128xi32, #tpu.memory_space<vmem>>
    %dma_start3A_137 = tpu.memref_squeeze %dma_start3A_136 : memref<1x128xi32, #tpu.memory_space<vmem>> -> memref<128xi32, #tpu.memory_space<vmem>>
    %dma_start3A_138 = arith.constant 0 : i32
    %dma_start3A_139 = arith.constant 0 : i32
    %dma_start3A_140 = tpu.memref_slice %arg11[%dma_start3A_138, %dma_start3A_139] : memref<10112x16xf32, #tpu.memory_space<vmem_shared>> -> memref<10112x16xf32, #tpu.memory_space<vmem_shared>>
    %dma_start3A_141 = tpu.memref_slice %arg13[%dma_start3A_130] : memref<8x!tpu.dma_semaphore, #tpu.memory_space<semaphore_mem>> -> memref<1x!tpu.dma_semaphore, #tpu.memory_space<semaphore_mem>>
    %dma_start3A_142 = tpu.memref_squeeze %dma_start3A_141 : memref<1x!tpu.dma_semaphore, #tpu.memory_space<semaphore_mem>> -> memref<!tpu.dma_semaphore, #tpu.memory_space<semaphore_mem>>
    tpu.enqueue_indirect_dma source(%dma_start3A_140 : memref<10112x16xf32, #tpu.memory_space<vmem_shared>>) target(%dma_start3A_134 : memref<128x16xf32, #tpu.memory_space<vmem>>) offsets(%dma_start3A_137 : memref<128xi32, #tpu.memory_space<vmem>>) semaphore(%dma_start3A_142 : memref<!tpu.dma_semaphore, #tpu.memory_space<semaphore_mem>>)
    %dma_start3A_143 = arith.constant 4 : i32
    %dma_start3A_144 = arith.constant 4 : i32
    %dma_start3A_145 = arith.constant 4 : i32
    %dma_start3A_146 = arith.constant 0 : i32
    %dma_start3A_147 = arith.constant 0 : i32
    %dma_start3A_148 = tpu.memref_slice %arg8[%dma_start3A_144, %dma_start3A_146, %dma_start3A_147] : memref<8x128x16xf32, #tpu.memory_space<vmem>> -> memref<1x128x16xf32, #tpu.memory_space<vmem>>
    %dma_start3A_149 = tpu.memref_squeeze %dma_start3A_148 : memref<1x128x16xf32, #tpu.memory_space<vmem>> -> memref<128x16xf32, #tpu.memory_space<vmem>>
    %dma_start3A_150 = arith.constant 0 : i32
    %dma_start3A_151 = tpu.memref_slice %arg6[%dma_start3A_143, %dma_start3A_150] : memref<80x128xi32, #tpu.memory_space<vmem>> -> memref<1x128xi32, #tpu.memory_space<vmem>>
    %dma_start3A_152 = tpu.memref_squeeze %dma_start3A_151 : memref<1x128xi32, #tpu.memory_space<vmem>> -> memref<128xi32, #tpu.memory_space<vmem>>
    %dma_start3A_153 = arith.constant 0 : i32
    %dma_start3A_154 = arith.constant 0 : i32
    %dma_start3A_155 = tpu.memref_slice %arg11[%dma_start3A_153, %dma_start3A_154] : memref<10112x16xf32, #tpu.memory_space<vmem_shared>> -> memref<10112x16xf32, #tpu.memory_space<vmem_shared>>
    %dma_start3A_156 = tpu.memref_slice %arg13[%dma_start3A_145] : memref<8x!tpu.dma_semaphore, #tpu.memory_space<semaphore_mem>> -> memref<1x!tpu.dma_semaphore, #tpu.memory_space<semaphore_mem>>
    %dma_start3A_157 = tpu.memref_squeeze %dma_start3A_156 : memref<1x!tpu.dma_semaphore, #tpu.memory_space<semaphore_mem>> -> memref<!tpu.dma_semaphore, #tpu.memory_space<semaphore_mem>>
    tpu.enqueue_indirect_dma source(%dma_start3A_155 : memref<10112x16xf32, #tpu.memory_space<vmem_shared>>) target(%dma_start3A_149 : memref<128x16xf32, #tpu.memory_space<vmem>>) offsets(%dma_start3A_152 : memref<128xi32, #tpu.memory_space<vmem>>) semaphore(%dma_start3A_157 : memref<!tpu.dma_semaphore, #tpu.memory_space<semaphore_mem>>)
    %dma_start3A_158 = arith.constant 5 : i32
    %dma_start3A_159 = arith.constant 5 : i32
    %dma_start3A_160 = arith.constant 5 : i32
    %dma_start3A_161 = arith.constant 0 : i32
    %dma_start3A_162 = arith.constant 0 : i32
    %dma_start3A_163 = tpu.memref_slice %arg8[%dma_start3A_159, %dma_start3A_161, %dma_start3A_162] : memref<8x128x16xf32, #tpu.memory_space<vmem>> -> memref<1x128x16xf32, #tpu.memory_space<vmem>>
    %dma_start3A_164 = tpu.memref_squeeze %dma_start3A_163 : memref<1x128x16xf32, #tpu.memory_space<vmem>> -> memref<128x16xf32, #tpu.memory_space<vmem>>
    %dma_start3A_165 = arith.constant 0 : i32
    %dma_start3A_166 = tpu.memref_slice %arg6[%dma_start3A_158, %dma_start3A_165] : memref<80x128xi32, #tpu.memory_space<vmem>> -> memref<1x128xi32, #tpu.memory_space<vmem>>
    %dma_start3A_167 = tpu.memref_squeeze %dma_start3A_166 : memref<1x128xi32, #tpu.memory_space<vmem>> -> memref<128xi32, #tpu.memory_space<vmem>>
    %dma_start3A_168 = arith.constant 0 : i32
    %dma_start3A_169 = arith.constant 0 : i32
    %dma_start3A_170 = tpu.memref_slice %arg11[%dma_start3A_168, %dma_start3A_169] : memref<10112x16xf32, #tpu.memory_space<vmem_shared>> -> memref<10112x16xf32, #tpu.memory_space<vmem_shared>>
    %dma_start3A_171 = tpu.memref_slice %arg13[%dma_start3A_160] : memref<8x!tpu.dma_semaphore, #tpu.memory_space<semaphore_mem>> -> memref<1x!tpu.dma_semaphore, #tpu.memory_space<semaphore_mem>>
    %dma_start3A_172 = tpu.memref_squeeze %dma_start3A_171 : memref<1x!tpu.dma_semaphore, #tpu.memory_space<semaphore_mem>> -> memref<!tpu.dma_semaphore, #tpu.memory_space<semaphore_mem>>
    tpu.enqueue_indirect_dma source(%dma_start3A_170 : memref<10112x16xf32, #tpu.memory_space<vmem_shared>>) target(%dma_start3A_164 : memref<128x16xf32, #tpu.memory_space<vmem>>) offsets(%dma_start3A_167 : memref<128xi32, #tpu.memory_space<vmem>>) semaphore(%dma_start3A_172 : memref<!tpu.dma_semaphore, #tpu.memory_space<semaphore_mem>>)
    %dma_start3A_173 = arith.constant 6 : i32
    %dma_start3A_174 = arith.constant 6 : i32
    %dma_start3A_175 = arith.constant 6 : i32
    %dma_start3A_176 = arith.constant 0 : i32
    %dma_start3A_177 = arith.constant 0 : i32
    %dma_start3A_178 = tpu.memref_slice %arg8[%dma_start3A_174, %dma_start3A_176, %dma_start3A_177] : memref<8x128x16xf32, #tpu.memory_space<vmem>> -> memref<1x128x16xf32, #tpu.memory_space<vmem>>
    %dma_start3A_179 = tpu.memref_squeeze %dma_start3A_178 : memref<1x128x16xf32, #tpu.memory_space<vmem>> -> memref<128x16xf32, #tpu.memory_space<vmem>>
    %dma_start3A_180 = arith.constant 0 : i32
    %dma_start3A_181 = tpu.memref_slice %arg6[%dma_start3A_173, %dma_start3A_180] : memref<80x128xi32, #tpu.memory_space<vmem>> -> memref<1x128xi32, #tpu.memory_space<vmem>>
    %dma_start3A_182 = tpu.memref_squeeze %dma_start3A_181 : memref<1x128xi32, #tpu.memory_space<vmem>> -> memref<128xi32, #tpu.memory_space<vmem>>
    %dma_start3A_183 = arith.constant 0 : i32
    %dma_start3A_184 = arith.constant 0 : i32
    %dma_start3A_185 = tpu.memref_slice %arg11[%dma_start3A_183, %dma_start3A_184] : memref<10112x16xf32, #tpu.memory_space<vmem_shared>> -> memref<10112x16xf32, #tpu.memory_space<vmem_shared>>
    %dma_start3A_186 = tpu.memref_slice %arg13[%dma_start3A_175] : memref<8x!tpu.dma_semaphore, #tpu.memory_space<semaphore_mem>> -> memref<1x!tpu.dma_semaphore, #tpu.memory_space<semaphore_mem>>
    %dma_start3A_187 = tpu.memref_squeeze %dma_start3A_186 : memref<1x!tpu.dma_semaphore, #tpu.memory_space<semaphore_mem>> -> memref<!tpu.dma_semaphore, #tpu.memory_space<semaphore_mem>>
    tpu.enqueue_indirect_dma source(%dma_start3A_185 : memref<10112x16xf32, #tpu.memory_space<vmem_shared>>) target(%dma_start3A_179 : memref<128x16xf32, #tpu.memory_space<vmem>>) offsets(%dma_start3A_182 : memref<128xi32, #tpu.memory_space<vmem>>) semaphore(%dma_start3A_187 : memref<!tpu.dma_semaphore, #tpu.memory_space<semaphore_mem>>)
    %dma_start3A_188 = arith.constant 7 : i32
    %dma_start3A_189 = arith.constant 7 : i32
    %dma_start3A_190 = arith.constant 7 : i32
    %dma_start3A_191 = arith.constant 0 : i32
    %dma_start3A_192 = arith.constant 0 : i32
    %dma_start3A_193 = tpu.memref_slice %arg8[%dma_start3A_189, %dma_start3A_191, %dma_start3A_192] : memref<8x128x16xf32, #tpu.memory_space<vmem>> -> memref<1x128x16xf32, #tpu.memory_space<vmem>>
    %dma_start3A_194 = tpu.memref_squeeze %dma_start3A_193 : memref<1x128x16xf32, #tpu.memory_space<vmem>> -> memref<128x16xf32, #tpu.memory_space<vmem>>
    %dma_start3A_195 = arith.constant 0 : i32
    %dma_start3A_196 = tpu.memref_slice %arg6[%dma_start3A_188, %dma_start3A_195] : memref<80x128xi32, #tpu.memory_space<vmem>> -> memref<1x128xi32, #tpu.memory_space<vmem>>
    %dma_start3A_197 = tpu.memref_squeeze %dma_start3A_196 : memref<1x128xi32, #tpu.memory_space<vmem>> -> memref<128xi32, #tpu.memory_space<vmem>>
    %dma_start3A_198 = arith.constant 0 : i32
    %dma_start3A_199 = arith.constant 0 : i32
    %dma_start3A_200 = tpu.memref_slice %arg11[%dma_start3A_198, %dma_start3A_199] : memref<10112x16xf32, #tpu.memory_space<vmem_shared>> -> memref<10112x16xf32, #tpu.memory_space<vmem_shared>>
    %dma_start3A_201 = tpu.memref_slice %arg13[%dma_start3A_190] : memref<8x!tpu.dma_semaphore, #tpu.memory_space<semaphore_mem>> -> memref<1x!tpu.dma_semaphore, #tpu.memory_space<semaphore_mem>>
    %dma_start3A_202 = tpu.memref_squeeze %dma_start3A_201 : memref<1x!tpu.dma_semaphore, #tpu.memory_space<semaphore_mem>> -> memref<!tpu.dma_semaphore, #tpu.memory_space<semaphore_mem>>
    tpu.enqueue_indirect_dma source(%dma_start3A_200 : memref<10112x16xf32, #tpu.memory_space<vmem_shared>>) target(%dma_start3A_194 : memref<128x16xf32, #tpu.memory_space<vmem>>) offsets(%dma_start3A_197 : memref<128xi32, #tpu.memory_space<vmem>>) semaphore(%dma_start3A_202 : memref<!tpu.dma_semaphore, #tpu.memory_space<semaphore_mem>>)
    %scan3A_203 = arith.constant 0 : i32
    %scan3A_204 = arith.constant 10 : i32
    %scan3A_205 = arith.addi %scan3A_203, %scan3A_204 : i32
    %scan3A_206 = arith.constant 1 : i32
    scf.for %scan3A_334 = %scan3A_203 to %scan3A_205 step %scan3A_206  : i32 {
      %mul3A_335 = arith.constant 1 : i32
      %mul3A_336 = arith.muli %scan3A_334, %mul3A_335 : i32
      %add3A_337 = arith.constant 0 : i32
      %add3A_338 = arith.addi %add3A_337, %mul3A_336 : i32
      %mul3A_339 = arith.constant 8 : i32
      %mul3A_340 = arith.muli %add3A_338, %mul3A_339 : i32
      %add3A_341 = arith.constant 0 : i32
      %add3A_342 = arith.addi %mul3A_340, %add3A_341 : i32
      %dma_wait3A_343 = arith.constant 0 : i32
      %dma_wait3A_344 = arith.constant 0 : i32
      %dma_wait3A_345 = arith.constant 0 : i32
      %dma_wait3A_346 = arith.constant 0 : i32
      %dma_wait3A_347 = tpu.memref_slice %arg8[%dma_wait3A_343, %dma_wait3A_345, %dma_wait3A_346] : memref<8x128x16xf32, #tpu.memory_space<vmem>> -> memref<1x128x16xf32, #tpu.memory_space<vmem>>
      %dma_wait3A_348 = tpu.memref_squeeze %dma_wait3A_347 : memref<1x128x16xf32, #tpu.memory_space<vmem>> -> memref<128x16xf32, #tpu.memory_space<vmem>>
      %dma_wait3A_349 = arith.constant 0 : i32
      %dma_wait3A_350 = tpu.memref_slice %arg6[%add3A_342, %dma_wait3A_349] : memref<80x128xi32, #tpu.memory_space<vmem>> -> memref<1x128xi32, #tpu.memory_space<vmem>>
      %dma_wait3A_351 = tpu.memref_squeeze %dma_wait3A_350 : memref<1x128xi32, #tpu.memory_space<vmem>> -> memref<128xi32, #tpu.memory_space<vmem>>
      %dma_wait3A_352 = arith.constant 0 : i32
      %dma_wait3A_353 = arith.constant 0 : i32
      %dma_wait3A_354 = tpu.memref_slice %arg11[%dma_wait3A_352, %dma_wait3A_353] : memref<10112x16xf32, #tpu.memory_space<vmem_shared>> -> memref<10112x16xf32, #tpu.memory_space<vmem_shared>>
      %dma_wait3A_355 = tpu.memref_slice %arg13[%dma_wait3A_344] : memref<8x!tpu.dma_semaphore, #tpu.memory_space<semaphore_mem>> -> memref<1x!tpu.dma_semaphore, #tpu.memory_space<semaphore_mem>>
      %dma_wait3A_356 = tpu.memref_squeeze %dma_wait3A_355 : memref<1x!tpu.dma_semaphore, #tpu.memory_space<semaphore_mem>> -> memref<!tpu.dma_semaphore, #tpu.memory_space<semaphore_mem>>
      tpu.wait_indirect_dma semaphore(%dma_wait3A_356 : memref<!tpu.dma_semaphore, #tpu.memory_space<semaphore_mem>>) src(%dma_wait3A_354 : memref<10112x16xf32, #tpu.memory_space<vmem_shared>>) dst(%dma_wait3A_348 : memref<128x16xf32, #tpu.memory_space<vmem>>)
      %add3A_357 = arith.constant 0 : i32
      %add3A_358 = arith.addi %mul3A_340, %add3A_357 : i32
      %dma_start3A_359 = arith.constant 0 : i32
      %dma_start3A_360 = arith.constant 0 : i32
      %dma_start3A_361 = arith.constant 0 : i32
      %dma_start3A_362 = arith.constant 0 : i32
      %dma_start3A_363 = tpu.memref_slice %arg8[%dma_start3A_359, %dma_start3A_361, %dma_start3A_362] : memref<8x128x16xf32, #tpu.memory_space<vmem>> -> memref<1x128x16xf32, #tpu.memory_space<vmem>>
      %dma_start3A_364 = tpu.memref_squeeze %dma_start3A_363 : memref<1x128x16xf32, #tpu.memory_space<vmem>> -> memref<128x16xf32, #tpu.memory_space<vmem>>
      %dma_start3A_365 = arith.constant 0 : i32
      %dma_start3A_366 = tpu.memref_slice %arg7[%add3A_358, %dma_start3A_365] : memref<80x128xi32, #tpu.memory_space<vmem>> -> memref<1x128xi32, #tpu.memory_space<vmem>>
      %dma_start3A_367 = tpu.memref_squeeze %dma_start3A_366 : memref<1x128xi32, #tpu.memory_space<vmem>> -> memref<128xi32, #tpu.memory_space<vmem>>
      %dma_start3A_368 = arith.constant 0 : i32
      %dma_start3A_369 = arith.constant 0 : i32
      %dma_start3A_370 = tpu.memref_slice %arg12[%dma_start3A_368, %dma_start3A_369] : memref<10112x16xf32, #tpu.memory_space<vmem_shared>> -> memref<10112x16xf32, #tpu.memory_space<vmem_shared>>
      %dma_start3A_371 = tpu.memref_slice %arg14[%dma_start3A_360] : memref<8x!tpu.dma_semaphore, #tpu.memory_space<semaphore_mem>> -> memref<1x!tpu.dma_semaphore, #tpu.memory_space<semaphore_mem>>
      %dma_start3A_372 = tpu.memref_squeeze %dma_start3A_371 : memref<1x!tpu.dma_semaphore, #tpu.memory_space<semaphore_mem>> -> memref<!tpu.dma_semaphore, #tpu.memory_space<semaphore_mem>>
      tpu.enqueue_indirect_dma source(%dma_start3A_364 : memref<128x16xf32, #tpu.memory_space<vmem>>) target(%dma_start3A_370 : memref<10112x16xf32, #tpu.memory_space<vmem_shared>>) offsets(%dma_start3A_367 : memref<128xi32, #tpu.memory_space<vmem>>) semaphore(%dma_start3A_372 : memref<!tpu.dma_semaphore, #tpu.memory_space<semaphore_mem>>) {add = true}
      %add3A_373 = arith.constant 1 : i32
      %add3A_374 = arith.addi %mul3A_340, %add3A_373 : i32
      %dma_wait3A_375 = arith.constant 1 : i32
      %dma_wait3A_376 = arith.constant 1 : i32
      %dma_wait3A_377 = arith.constant 0 : i32
      %dma_wait3A_378 = arith.constant 0 : i32
      %dma_wait3A_379 = tpu.memref_slice %arg8[%dma_wait3A_375, %dma_wait3A_377, %dma_wait3A_378] : memref<8x128x16xf32, #tpu.memory_space<vmem>> -> memref<1x128x16xf32, #tpu.memory_space<vmem>>
      %dma_wait3A_380 = tpu.memref_squeeze %dma_wait3A_379 : memref<1x128x16xf32, #tpu.memory_space<vmem>> -> memref<128x16xf32, #tpu.memory_space<vmem>>
      %dma_wait3A_381 = arith.constant 0 : i32
      %dma_wait3A_382 = tpu.memref_slice %arg6[%add3A_374, %dma_wait3A_381] : memref<80x128xi32, #tpu.memory_space<vmem>> -> memref<1x128xi32, #tpu.memory_space<vmem>>
      %dma_wait3A_383 = tpu.memref_squeeze %dma_wait3A_382 : memref<1x128xi32, #tpu.memory_space<vmem>> -> memref<128xi32, #tpu.memory_space<vmem>>
      %dma_wait3A_384 = arith.constant 0 : i32
      %dma_wait3A_385 = arith.constant 0 : i32
      %dma_wait3A_386 = tpu.memref_slice %arg11[%dma_wait3A_384, %dma_wait3A_385] : memref<10112x16xf32, #tpu.memory_space<vmem_shared>> -> memref<10112x16xf32, #tpu.memory_space<vmem_shared>>
      %dma_wait3A_387 = tpu.memref_slice %arg13[%dma_wait3A_376] : memref<8x!tpu.dma_semaphore, #tpu.memory_space<semaphore_mem>> -> memref<1x!tpu.dma_semaphore, #tpu.memory_space<semaphore_mem>>
      %dma_wait3A_388 = tpu.memref_squeeze %dma_wait3A_387 : memref<1x!tpu.dma_semaphore, #tpu.memory_space<semaphore_mem>> -> memref<!tpu.dma_semaphore, #tpu.memory_space<semaphore_mem>>
      tpu.wait_indirect_dma semaphore(%dma_wait3A_388 : memref<!tpu.dma_semaphore, #tpu.memory_space<semaphore_mem>>) src(%dma_wait3A_386 : memref<10112x16xf32, #tpu.memory_space<vmem_shared>>) dst(%dma_wait3A_380 : memref<128x16xf32, #tpu.memory_space<vmem>>)
      %add3A_389 = arith.constant 1 : i32
      %add3A_390 = arith.addi %mul3A_340, %add3A_389 : i32
      %dma_start3A_391 = arith.constant 1 : i32
      %dma_start3A_392 = arith.constant 1 : i32
      %dma_start3A_393 = arith.constant 0 : i32
      %dma_start3A_394 = arith.constant 0 : i32
      %dma_start3A_395 = tpu.memref_slice %arg8[%dma_start3A_391, %dma_start3A_393, %dma_start3A_394] : memref<8x128x16xf32, #tpu.memory_space<vmem>> -> memref<1x128x16xf32, #tpu.memory_space<vmem>>
      %dma_start3A_396 = tpu.memref_squeeze %dma_start3A_395 : memref<1x128x16xf32, #tpu.memory_space<vmem>> -> memref<128x16xf32, #tpu.memory_space<vmem>>
      %dma_start3A_397 = arith.constant 0 : i32
      %dma_start3A_398 = tpu.memref_slice %arg7[%add3A_390, %dma_start3A_397] : memref<80x128xi32, #tpu.memory_space<vmem>> -> memref<1x128xi32, #tpu.memory_space<vmem>>
      %dma_start3A_399 = tpu.memref_squeeze %dma_start3A_398 : memref<1x128xi32, #tpu.memory_space<vmem>> -> memref<128xi32, #tpu.memory_space<vmem>>
      %dma_start3A_400 = arith.constant 0 : i32
      %dma_start3A_401 = arith.constant 0 : i32
      %dma_start3A_402 = tpu.memref_slice %arg12[%dma_start3A_400, %dma_start3A_401] : memref<10112x16xf32, #tpu.memory_space<vmem_shared>> -> memref<10112x16xf32, #tpu.memory_space<vmem_shared>>
      %dma_start3A_403 = tpu.memref_slice %arg14[%dma_start3A_392] : memref<8x!tpu.dma_semaphore, #tpu.memory_space<semaphore_mem>> -> memref<1x!tpu.dma_semaphore, #tpu.memory_space<semaphore_mem>>
      %dma_start3A_404 = tpu.memref_squeeze %dma_start3A_403 : memref<1x!tpu.dma_semaphore, #tpu.memory_space<semaphore_mem>> -> memref<!tpu.dma_semaphore, #tpu.memory_space<semaphore_mem>>
      tpu.enqueue_indirect_dma source(%dma_start3A_396 : memref<128x16xf32, #tpu.memory_space<vmem>>) target(%dma_start3A_402 : memref<10112x16xf32, #tpu.memory_space<vmem_shared>>) offsets(%dma_start3A_399 : memref<128xi32, #tpu.memory_space<vmem>>) semaphore(%dma_start3A_404 : memref<!tpu.dma_semaphore, #tpu.memory_space<semaphore_mem>>) {add = true}
      %add3A_405 = arith.constant 2 : i32
      %add3A_406 = arith.addi %mul3A_340, %add3A_405 : i32
      %dma_wait3A_407 = arith.constant 2 : i32
      %dma_wait3A_408 = arith.constant 2 : i32
      %dma_wait3A_409 = arith.constant 0 : i32
      %dma_wait3A_410 = arith.constant 0 : i32
      %dma_wait3A_411 = tpu.memref_slice %arg8[%dma_wait3A_407, %dma_wait3A_409, %dma_wait3A_410] : memref<8x128x16xf32, #tpu.memory_space<vmem>> -> memref<1x128x16xf32, #tpu.memory_space<vmem>>
      %dma_wait3A_412 = tpu.memref_squeeze %dma_wait3A_411 : memref<1x128x16xf32, #tpu.memory_space<vmem>> -> memref<128x16xf32, #tpu.memory_space<vmem>>
      %dma_wait3A_413 = arith.constant 0 : i32
      %dma_wait3A_414 = tpu.memref_slice %arg6[%add3A_406, %dma_wait3A_413] : memref<80x128xi32, #tpu.memory_space<vmem>> -> memref<1x128xi32, #tpu.memory_space<vmem>>
      %dma_wait3A_415 = tpu.memref_squeeze %dma_wait3A_414 : memref<1x128xi32, #tpu.memory_space<vmem>> -> memref<128xi32, #tpu.memory_space<vmem>>
      %dma_wait3A_416 = arith.constant 0 : i32
      %dma_wait3A_417 = arith.constant 0 : i32
      %dma_wait3A_418 = tpu.memref_slice %arg11[%dma_wait3A_416, %dma_wait3A_417] : memref<10112x16xf32, #tpu.memory_space<vmem_shared>> -> memref<10112x16xf32, #tpu.memory_space<vmem_shared>>
      %dma_wait3A_419 = tpu.memref_slice %arg13[%dma_wait3A_408] : memref<8x!tpu.dma_semaphore, #tpu.memory_space<semaphore_mem>> -> memref<1x!tpu.dma_semaphore, #tpu.memory_space<semaphore_mem>>
      %dma_wait3A_420 = tpu.memref_squeeze %dma_wait3A_419 : memref<1x!tpu.dma_semaphore, #tpu.memory_space<semaphore_mem>> -> memref<!tpu.dma_semaphore, #tpu.memory_space<semaphore_mem>>
      tpu.wait_indirect_dma semaphore(%dma_wait3A_420 : memref<!tpu.dma_semaphore, #tpu.memory_space<semaphore_mem>>) src(%dma_wait3A_418 : memref<10112x16xf32, #tpu.memory_space<vmem_shared>>) dst(%dma_wait3A_412 : memref<128x16xf32, #tpu.memory_space<vmem>>)
      %add3A_421 = arith.constant 2 : i32
      %add3A_422 = arith.addi %mul3A_340, %add3A_421 : i32
      %dma_start3A_423 = arith.constant 2 : i32
      %dma_start3A_424 = arith.constant 2 : i32
      %dma_start3A_425 = arith.constant 0 : i32
      %dma_start3A_426 = arith.constant 0 : i32
      %dma_start3A_427 = tpu.memref_slice %arg8[%dma_start3A_423, %dma_start3A_425, %dma_start3A_426] : memref<8x128x16xf32, #tpu.memory_space<vmem>> -> memref<1x128x16xf32, #tpu.memory_space<vmem>>
      %dma_start3A_428 = tpu.memref_squeeze %dma_start3A_427 : memref<1x128x16xf32, #tpu.memory_space<vmem>> -> memref<128x16xf32, #tpu.memory_space<vmem>>
      %dma_start3A_429 = arith.constant 0 : i32
      %dma_start3A_430 = tpu.memref_slice %arg7[%add3A_422, %dma_start3A_429] : memref<80x128xi32, #tpu.memory_space<vmem>> -> memref<1x128xi32, #tpu.memory_space<vmem>>
      %dma_start3A_431 = tpu.memref_squeeze %dma_start3A_430 : memref<1x128xi32, #tpu.memory_space<vmem>> -> memref<128xi32, #tpu.memory_space<vmem>>
      %dma_start3A_432 = arith.constant 0 : i32
      %dma_start3A_433 = arith.constant 0 : i32
      %dma_start3A_434 = tpu.memref_slice %arg12[%dma_start3A_432, %dma_start3A_433] : memref<10112x16xf32, #tpu.memory_space<vmem_shared>> -> memref<10112x16xf32, #tpu.memory_space<vmem_shared>>
      %dma_start3A_435 = tpu.memref_slice %arg14[%dma_start3A_424] : memref<8x!tpu.dma_semaphore, #tpu.memory_space<semaphore_mem>> -> memref<1x!tpu.dma_semaphore, #tpu.memory_space<semaphore_mem>>
      %dma_start3A_436 = tpu.memref_squeeze %dma_start3A_435 : memref<1x!tpu.dma_semaphore, #tpu.memory_space<semaphore_mem>> -> memref<!tpu.dma_semaphore, #tpu.memory_space<semaphore_mem>>
      tpu.enqueue_indirect_dma source(%dma_start3A_428 : memref<128x16xf32, #tpu.memory_space<vmem>>) target(%dma_start3A_434 : memref<10112x16xf32, #tpu.memory_space<vmem_shared>>) offsets(%dma_start3A_431 : memref<128xi32, #tpu.memory_space<vmem>>) semaphore(%dma_start3A_436 : memref<!tpu.dma_semaphore, #tpu.memory_space<semaphore_mem>>) {add = true}
      %add3A_437 = arith.constant 3 : i32
      %add3A_438 = arith.addi %mul3A_340, %add3A_437 : i32
      %dma_wait3A_439 = arith.constant 3 : i32
      %dma_wait3A_440 = arith.constant 3 : i32
      %dma_wait3A_441 = arith.constant 0 : i32
      %dma_wait3A_442 = arith.constant 0 : i32
      %dma_wait3A_443 = tpu.memref_slice %arg8[%dma_wait3A_439, %dma_wait3A_441, %dma_wait3A_442] : memref<8x128x16xf32, #tpu.memory_space<vmem>> -> memref<1x128x16xf32, #tpu.memory_space<vmem>>
      %dma_wait3A_444 = tpu.memref_squeeze %dma_wait3A_443 : memref<1x128x16xf32, #tpu.memory_space<vmem>> -> memref<128x16xf32, #tpu.memory_space<vmem>>
      %dma_wait3A_445 = arith.constant 0 : i32
      %dma_wait3A_446 = tpu.memref_slice %arg6[%add3A_438, %dma_wait3A_445] : memref<80x128xi32, #tpu.memory_space<vmem>> -> memref<1x128xi32, #tpu.memory_space<vmem>>
      %dma_wait3A_447 = tpu.memref_squeeze %dma_wait3A_446 : memref<1x128xi32, #tpu.memory_space<vmem>> -> memref<128xi32, #tpu.memory_space<vmem>>
      %dma_wait3A_448 = arith.constant 0 : i32
      %dma_wait3A_449 = arith.constant 0 : i32
      %dma_wait3A_450 = tpu.memref_slice %arg11[%dma_wait3A_448, %dma_wait3A_449] : memref<10112x16xf32, #tpu.memory_space<vmem_shared>> -> memref<10112x16xf32, #tpu.memory_space<vmem_shared>>
      %dma_wait3A_451 = tpu.memref_slice %arg13[%dma_wait3A_440] : memref<8x!tpu.dma_semaphore, #tpu.memory_space<semaphore_mem>> -> memref<1x!tpu.dma_semaphore, #tpu.memory_space<semaphore_mem>>
      %dma_wait3A_452 = tpu.memref_squeeze %dma_wait3A_451 : memref<1x!tpu.dma_semaphore, #tpu.memory_space<semaphore_mem>> -> memref<!tpu.dma_semaphore, #tpu.memory_space<semaphore_mem>>
      tpu.wait_indirect_dma semaphore(%dma_wait3A_452 : memref<!tpu.dma_semaphore, #tpu.memory_space<semaphore_mem>>) src(%dma_wait3A_450 : memref<10112x16xf32, #tpu.memory_space<vmem_shared>>) dst(%dma_wait3A_444 : memref<128x16xf32, #tpu.memory_space<vmem>>)
      %add3A_453 = arith.constant 3 : i32
      %add3A_454 = arith.addi %mul3A_340, %add3A_453 : i32
      %dma_start3A_455 = arith.constant 3 : i32
      %dma_start3A_456 = arith.constant 3 : i32
      %dma_start3A_457 = arith.constant 0 : i32
      %dma_start3A_458 = arith.constant 0 : i32
      %dma_start3A_459 = tpu.memref_slice %arg8[%dma_start3A_455, %dma_start3A_457, %dma_start3A_458] : memref<8x128x16xf32, #tpu.memory_space<vmem>> -> memref<1x128x16xf32, #tpu.memory_space<vmem>>
      %dma_start3A_460 = tpu.memref_squeeze %dma_start3A_459 : memref<1x128x16xf32, #tpu.memory_space<vmem>> -> memref<128x16xf32, #tpu.memory_space<vmem>>
      %dma_start3A_461 = arith.constant 0 : i32
      %dma_start3A_462 = tpu.memref_slice %arg7[%add3A_454, %dma_start3A_461] : memref<80x128xi32, #tpu.memory_space<vmem>> -> memref<1x128xi32, #tpu.memory_space<vmem>>
      %dma_start3A_463 = tpu.memref_squeeze %dma_start3A_462 : memref<1x128xi32, #tpu.memory_space<vmem>> -> memref<128xi32, #tpu.memory_space<vmem>>
      %dma_start3A_464 = arith.constant 0 : i32
      %dma_start3A_465 = arith.constant 0 : i32
      %dma_start3A_466 = tpu.memref_slice %arg12[%dma_start3A_464, %dma_start3A_465] : memref<10112x16xf32, #tpu.memory_space<vmem_shared>> -> memref<10112x16xf32, #tpu.memory_space<vmem_shared>>
      %dma_start3A_467 = tpu.memref_slice %arg14[%dma_start3A_456] : memref<8x!tpu.dma_semaphore, #tpu.memory_space<semaphore_mem>> -> memref<1x!tpu.dma_semaphore, #tpu.memory_space<semaphore_mem>>
      %dma_start3A_468 = tpu.memref_squeeze %dma_start3A_467 : memref<1x!tpu.dma_semaphore, #tpu.memory_space<semaphore_mem>> -> memref<!tpu.dma_semaphore, #tpu.memory_space<semaphore_mem>>
      tpu.enqueue_indirect_dma source(%dma_start3A_460 : memref<128x16xf32, #tpu.memory_space<vmem>>) target(%dma_start3A_466 : memref<10112x16xf32, #tpu.memory_space<vmem_shared>>) offsets(%dma_start3A_463 : memref<128xi32, #tpu.memory_space<vmem>>) semaphore(%dma_start3A_468 : memref<!tpu.dma_semaphore, #tpu.memory_space<semaphore_mem>>) {add = true}
      %add3A_469 = arith.constant 4 : i32
      %add3A_470 = arith.addi %mul3A_340, %add3A_469 : i32
      %dma_wait3A_471 = arith.constant 4 : i32
      %dma_wait3A_472 = arith.constant 4 : i32
      %dma_wait3A_473 = arith.constant 0 : i32
      %dma_wait3A_474 = arith.constant 0 : i32
      %dma_wait3A_475 = tpu.memref_slice %arg8[%dma_wait3A_471, %dma_wait3A_473, %dma_wait3A_474] : memref<8x128x16xf32, #tpu.memory_space<vmem>> -> memref<1x128x16xf32, #tpu.memory_space<vmem>>
      %dma_wait3A_476 = tpu.memref_squeeze %dma_wait3A_475 : memref<1x128x16xf32, #tpu.memory_space<vmem>> -> memref<128x16xf32, #tpu.memory_space<vmem>>
      %dma_wait3A_477 = arith.constant 0 : i32
      %dma_wait3A_478 = tpu.memref_slice %arg6[%add3A_470, %dma_wait3A_477] : memref<80x128xi32, #tpu.memory_space<vmem>> -> memref<1x128xi32, #tpu.memory_space<vmem>>
      %dma_wait3A_479 = tpu.memref_squeeze %dma_wait3A_478 : memref<1x128xi32, #tpu.memory_space<vmem>> -> memref<128xi32, #tpu.memory_space<vmem>>
      %dma_wait3A_480 = arith.constant 0 : i32
      %dma_wait3A_481 = arith.constant 0 : i32
      %dma_wait3A_482 = tpu.memref_slice %arg11[%dma_wait3A_480, %dma_wait3A_481] : memref<10112x16xf32, #tpu.memory_space<vmem_shared>> -> memref<10112x16xf32, #tpu.memory_space<vmem_shared>>
      %dma_wait3A_483 = tpu.memref_slice %arg13[%dma_wait3A_472] : memref<8x!tpu.dma_semaphore, #tpu.memory_space<semaphore_mem>> -> memref<1x!tpu.dma_semaphore, #tpu.memory_space<semaphore_mem>>
      %dma_wait3A_484 = tpu.memref_squeeze %dma_wait3A_483 : memref<1x!tpu.dma_semaphore, #tpu.memory_space<semaphore_mem>> -> memref<!tpu.dma_semaphore, #tpu.memory_space<semaphore_mem>>
      tpu.wait_indirect_dma semaphore(%dma_wait3A_484 : memref<!tpu.dma_semaphore, #tpu.memory_space<semaphore_mem>>) src(%dma_wait3A_482 : memref<10112x16xf32, #tpu.memory_space<vmem_shared>>) dst(%dma_wait3A_476 : memref<128x16xf32, #tpu.memory_space<vmem>>)
      %add3A_485 = arith.constant 4 : i32
      %add3A_486 = arith.addi %mul3A_340, %add3A_485 : i32
      %dma_start3A_487 = arith.constant 4 : i32
      %dma_start3A_488 = arith.constant 4 : i32
      %dma_start3A_489 = arith.constant 0 : i32
      %dma_start3A_490 = arith.constant 0 : i32
      %dma_start3A_491 = tpu.memref_slice %arg8[%dma_start3A_487, %dma_start3A_489, %dma_start3A_490] : memref<8x128x16xf32, #tpu.memory_space<vmem>> -> memref<1x128x16xf32, #tpu.memory_space<vmem>>
      %dma_start3A_492 = tpu.memref_squeeze %dma_start3A_491 : memref<1x128x16xf32, #tpu.memory_space<vmem>> -> memref<128x16xf32, #tpu.memory_space<vmem>>
      %dma_start3A_493 = arith.constant 0 : i32
      %dma_start3A_494 = tpu.memref_slice %arg7[%add3A_486, %dma_start3A_493] : memref<80x128xi32, #tpu.memory_space<vmem>> -> memref<1x128xi32, #tpu.memory_space<vmem>>
      %dma_start3A_495 = tpu.memref_squeeze %dma_start3A_494 : memref<1x128xi32, #tpu.memory_space<vmem>> -> memref<128xi32, #tpu.memory_space<vmem>>
      %dma_start3A_496 = arith.constant 0 : i32
      %dma_start3A_497 = arith.constant 0 : i32
      %dma_start3A_498 = tpu.memref_slice %arg12[%dma_start3A_496, %dma_start3A_497] : memref<10112x16xf32, #tpu.memory_space<vmem_shared>> -> memref<10112x16xf32, #tpu.memory_space<vmem_shared>>
      %dma_start3A_499 = tpu.memref_slice %arg14[%dma_start3A_488] : memref<8x!tpu.dma_semaphore, #tpu.memory_space<semaphore_mem>> -> memref<1x!tpu.dma_semaphore, #tpu.memory_space<semaphore_mem>>
      %dma_start3A_500 = tpu.memref_squeeze %dma_start3A_499 : memref<1x!tpu.dma_semaphore, #tpu.memory_space<semaphore_mem>> -> memref<!tpu.dma_semaphore, #tpu.memory_space<semaphore_mem>>
      tpu.enqueue_indirect_dma source(%dma_start3A_492 : memref<128x16xf32, #tpu.memory_space<vmem>>) target(%dma_start3A_498 : memref<10112x16xf32, #tpu.memory_space<vmem_shared>>) offsets(%dma_start3A_495 : memref<128xi32, #tpu.memory_space<vmem>>) semaphore(%dma_start3A_500 : memref<!tpu.dma_semaphore, #tpu.memory_space<semaphore_mem>>) {add = true}
      %add3A_501 = arith.constant 5 : i32
      %add3A_502 = arith.addi %mul3A_340, %add3A_501 : i32
      %dma_wait3A_503 = arith.constant 5 : i32
      %dma_wait3A_504 = arith.constant 5 : i32
      %dma_wait3A_505 = arith.constant 0 : i32
      %dma_wait3A_506 = arith.constant 0 : i32
      %dma_wait3A_507 = tpu.memref_slice %arg8[%dma_wait3A_503, %dma_wait3A_505, %dma_wait3A_506] : memref<8x128x16xf32, #tpu.memory_space<vmem>> -> memref<1x128x16xf32, #tpu.memory_space<vmem>>
      %dma_wait3A_508 = tpu.memref_squeeze %dma_wait3A_507 : memref<1x128x16xf32, #tpu.memory_space<vmem>> -> memref<128x16xf32, #tpu.memory_space<vmem>>
      %dma_wait3A_509 = arith.constant 0 : i32
      %dma_wait3A_510 = tpu.memref_slice %arg6[%add3A_502, %dma_wait3A_509] : memref<80x128xi32, #tpu.memory_space<vmem>> -> memref<1x128xi32, #tpu.memory_space<vmem>>
      %dma_wait3A_511 = tpu.memref_squeeze %dma_wait3A_510 : memref<1x128xi32, #tpu.memory_space<vmem>> -> memref<128xi32, #tpu.memory_space<vmem>>
      %dma_wait3A_512 = arith.constant 0 : i32
      %dma_wait3A_513 = arith.constant 0 : i32
      %dma_wait3A_514 = tpu.memref_slice %arg11[%dma_wait3A_512, %dma_wait3A_513] : memref<10112x16xf32, #tpu.memory_space<vmem_shared>> -> memref<10112x16xf32, #tpu.memory_space<vmem_shared>>
      %dma_wait3A_515 = tpu.memref_slice %arg13[%dma_wait3A_504] : memref<8x!tpu.dma_semaphore, #tpu.memory_space<semaphore_mem>> -> memref<1x!tpu.dma_semaphore, #tpu.memory_space<semaphore_mem>>
      %dma_wait3A_516 = tpu.memref_squeeze %dma_wait3A_515 : memref<1x!tpu.dma_semaphore, #tpu.memory_space<semaphore_mem>> -> memref<!tpu.dma_semaphore, #tpu.memory_space<semaphore_mem>>
      tpu.wait_indirect_dma semaphore(%dma_wait3A_516 : memref<!tpu.dma_semaphore, #tpu.memory_space<semaphore_mem>>) src(%dma_wait3A_514 : memref<10112x16xf32, #tpu.memory_space<vmem_shared>>) dst(%dma_wait3A_508 : memref<128x16xf32, #tpu.memory_space<vmem>>)
      %add3A_517 = arith.constant 5 : i32
      %add3A_518 = arith.addi %mul3A_340, %add3A_517 : i32
      %dma_start3A_519 = arith.constant 5 : i32
      %dma_start3A_520 = arith.constant 5 : i32
      %dma_start3A_521 = arith.constant 0 : i32
      %dma_start3A_522 = arith.constant 0 : i32
      %dma_start3A_523 = tpu.memref_slice %arg8[%dma_start3A_519, %dma_start3A_521, %dma_start3A_522] : memref<8x128x16xf32, #tpu.memory_space<vmem>> -> memref<1x128x16xf32, #tpu.memory_space<vmem>>
      %dma_start3A_524 = tpu.memref_squeeze %dma_start3A_523 : memref<1x128x16xf32, #tpu.memory_space<vmem>> -> memref<128x16xf32, #tpu.memory_space<vmem>>
      %dma_start3A_525 = arith.constant 0 : i32
      %dma_start3A_526 = tpu.memref_slice %arg7[%add3A_518, %dma_start3A_525] : memref<80x128xi32, #tpu.memory_space<vmem>> -> memref<1x128xi32, #tpu.memory_space<vmem>>
      %dma_start3A_527 = tpu.memref_squeeze %dma_start3A_526 : memref<1x128xi32, #tpu.memory_space<vmem>> -> memref<128xi32, #tpu.memory_space<vmem>>
      %dma_start3A_528 = arith.constant 0 : i32
      %dma_start3A_529 = arith.constant 0 : i32
      %dma_start3A_530 = tpu.memref_slice %arg12[%dma_start3A_528, %dma_start3A_529] : memref<10112x16xf32, #tpu.memory_space<vmem_shared>> -> memref<10112x16xf32, #tpu.memory_space<vmem_shared>>
      %dma_start3A_531 = tpu.memref_slice %arg14[%dma_start3A_520] : memref<8x!tpu.dma_semaphore, #tpu.memory_space<semaphore_mem>> -> memref<1x!tpu.dma_semaphore, #tpu.memory_space<semaphore_mem>>
      %dma_start3A_532 = tpu.memref_squeeze %dma_start3A_531 : memref<1x!tpu.dma_semaphore, #tpu.memory_space<semaphore_mem>> -> memref<!tpu.dma_semaphore, #tpu.memory_space<semaphore_mem>>
      tpu.enqueue_indirect_dma source(%dma_start3A_524 : memref<128x16xf32, #tpu.memory_space<vmem>>) target(%dma_start3A_530 : memref<10112x16xf32, #tpu.memory_space<vmem_shared>>) offsets(%dma_start3A_527 : memref<128xi32, #tpu.memory_space<vmem>>) semaphore(%dma_start3A_532 : memref<!tpu.dma_semaphore, #tpu.memory_space<semaphore_mem>>) {add = true}
      %add3A_533 = arith.constant 6 : i32
      %add3A_534 = arith.addi %mul3A_340, %add3A_533 : i32
      %dma_wait3A_535 = arith.constant 6 : i32
      %dma_wait3A_536 = arith.constant 6 : i32
      %dma_wait3A_537 = arith.constant 0 : i32
      %dma_wait3A_538 = arith.constant 0 : i32
      %dma_wait3A_539 = tpu.memref_slice %arg8[%dma_wait3A_535, %dma_wait3A_537, %dma_wait3A_538] : memref<8x128x16xf32, #tpu.memory_space<vmem>> -> memref<1x128x16xf32, #tpu.memory_space<vmem>>
      %dma_wait3A_540 = tpu.memref_squeeze %dma_wait3A_539 : memref<1x128x16xf32, #tpu.memory_space<vmem>> -> memref<128x16xf32, #tpu.memory_space<vmem>>
      %dma_wait3A_541 = arith.constant 0 : i32
      %dma_wait3A_542 = tpu.memref_slice %arg6[%add3A_534, %dma_wait3A_541] : memref<80x128xi32, #tpu.memory_space<vmem>> -> memref<1x128xi32, #tpu.memory_space<vmem>>
      %dma_wait3A_543 = tpu.memref_squeeze %dma_wait3A_542 : memref<1x128xi32, #tpu.memory_space<vmem>> -> memref<128xi32, #tpu.memory_space<vmem>>
      %dma_wait3A_544 = arith.constant 0 : i32
      %dma_wait3A_545 = arith.constant 0 : i32
      %dma_wait3A_546 = tpu.memref_slice %arg11[%dma_wait3A_544, %dma_wait3A_545] : memref<10112x16xf32, #tpu.memory_space<vmem_shared>> -> memref<10112x16xf32, #tpu.memory_space<vmem_shared>>
      %dma_wait3A_547 = tpu.memref_slice %arg13[%dma_wait3A_536] : memref<8x!tpu.dma_semaphore, #tpu.memory_space<semaphore_mem>> -> memref<1x!tpu.dma_semaphore, #tpu.memory_space<semaphore_mem>>
      %dma_wait3A_548 = tpu.memref_squeeze %dma_wait3A_547 : memref<1x!tpu.dma_semaphore, #tpu.memory_space<semaphore_mem>> -> memref<!tpu.dma_semaphore, #tpu.memory_space<semaphore_mem>>
      tpu.wait_indirect_dma semaphore(%dma_wait3A_548 : memref<!tpu.dma_semaphore, #tpu.memory_space<semaphore_mem>>) src(%dma_wait3A_546 : memref<10112x16xf32, #tpu.memory_space<vmem_shared>>) dst(%dma_wait3A_540 : memref<128x16xf32, #tpu.memory_space<vmem>>)
      %add3A_549 = arith.constant 6 : i32
      %add3A_550 = arith.addi %mul3A_340, %add3A_549 : i32
      %dma_start3A_551 = arith.constant 6 : i32
      %dma_start3A_552 = arith.constant 6 : i32
      %dma_start3A_553 = arith.constant 0 : i32
      %dma_start3A_554 = arith.constant 0 : i32
      %dma_start3A_555 = tpu.memref_slice %arg8[%dma_start3A_551, %dma_start3A_553, %dma_start3A_554] : memref<8x128x16xf32, #tpu.memory_space<vmem>> -> memref<1x128x16xf32, #tpu.memory_space<vmem>>
      %dma_start3A_556 = tpu.memref_squeeze %dma_start3A_555 : memref<1x128x16xf32, #tpu.memory_space<vmem>> -> memref<128x16xf32, #tpu.memory_space<vmem>>
      %dma_start3A_557 = arith.constant 0 : i32
      %dma_start3A_558 = tpu.memref_slice %arg7[%add3A_550, %dma_start3A_557] : memref<80x128xi32, #tpu.memory_space<vmem>> -> memref<1x128xi32, #tpu.memory_space<vmem>>
      %dma_start3A_559 = tpu.memref_squeeze %dma_start3A_558 : memref<1x128xi32, #tpu.memory_space<vmem>> -> memref<128xi32, #tpu.memory_space<vmem>>
      %dma_start3A_560 = arith.constant 0 : i32
      %dma_start3A_561 = arith.constant 0 : i32
      %dma_start3A_562 = tpu.memref_slice %arg12[%dma_start3A_560, %dma_start3A_561] : memref<10112x16xf32, #tpu.memory_space<vmem_shared>> -> memref<10112x16xf32, #tpu.memory_space<vmem_shared>>
      %dma_start3A_563 = tpu.memref_slice %arg14[%dma_start3A_552] : memref<8x!tpu.dma_semaphore, #tpu.memory_space<semaphore_mem>> -> memref<1x!tpu.dma_semaphore, #tpu.memory_space<semaphore_mem>>
      %dma_start3A_564 = tpu.memref_squeeze %dma_start3A_563 : memref<1x!tpu.dma_semaphore, #tpu.memory_space<semaphore_mem>> -> memref<!tpu.dma_semaphore, #tpu.memory_space<semaphore_mem>>
      tpu.enqueue_indirect_dma source(%dma_start3A_556 : memref<128x16xf32, #tpu.memory_space<vmem>>) target(%dma_start3A_562 : memref<10112x16xf32, #tpu.memory_space<vmem_shared>>) offsets(%dma_start3A_559 : memref<128xi32, #tpu.memory_space<vmem>>) semaphore(%dma_start3A_564 : memref<!tpu.dma_semaphore, #tpu.memory_space<semaphore_mem>>) {add = true}
      %add3A_565 = arith.constant 7 : i32
      %add3A_566 = arith.addi %mul3A_340, %add3A_565 : i32
      %dma_wait3A_567 = arith.constant 7 : i32
      %dma_wait3A_568 = arith.constant 7 : i32
      %dma_wait3A_569 = arith.constant 0 : i32
      %dma_wait3A_570 = arith.constant 0 : i32
      %dma_wait3A_571 = tpu.memref_slice %arg8[%dma_wait3A_567, %dma_wait3A_569, %dma_wait3A_570] : memref<8x128x16xf32, #tpu.memory_space<vmem>> -> memref<1x128x16xf32, #tpu.memory_space<vmem>>
      %dma_wait3A_572 = tpu.memref_squeeze %dma_wait3A_571 : memref<1x128x16xf32, #tpu.memory_space<vmem>> -> memref<128x16xf32, #tpu.memory_space<vmem>>
      %dma_wait3A_573 = arith.constant 0 : i32
      %dma_wait3A_574 = tpu.memref_slice %arg6[%add3A_566, %dma_wait3A_573] : memref<80x128xi32, #tpu.memory_space<vmem>> -> memref<1x128xi32, #tpu.memory_space<vmem>>
      %dma_wait3A_575 = tpu.memref_squeeze %dma_wait3A_574 : memref<1x128xi32, #tpu.memory_space<vmem>> -> memref<128xi32, #tpu.memory_space<vmem>>
      %dma_wait3A_576 = arith.constant 0 : i32
      %dma_wait3A_577 = arith.constant 0 : i32
      %dma_wait3A_578 = tpu.memref_slice %arg11[%dma_wait3A_576, %dma_wait3A_577] : memref<10112x16xf32, #tpu.memory_space<vmem_shared>> -> memref<10112x16xf32, #tpu.memory_space<vmem_shared>>
      %dma_wait3A_579 = tpu.memref_slice %arg13[%dma_wait3A_568] : memref<8x!tpu.dma_semaphore, #tpu.memory_space<semaphore_mem>> -> memref<1x!tpu.dma_semaphore, #tpu.memory_space<semaphore_mem>>
      %dma_wait3A_580 = tpu.memref_squeeze %dma_wait3A_579 : memref<1x!tpu.dma_semaphore, #tpu.memory_space<semaphore_mem>> -> memref<!tpu.dma_semaphore, #tpu.memory_space<semaphore_mem>>
      tpu.wait_indirect_dma semaphore(%dma_wait3A_580 : memref<!tpu.dma_semaphore, #tpu.memory_space<semaphore_mem>>) src(%dma_wait3A_578 : memref<10112x16xf32, #tpu.memory_space<vmem_shared>>) dst(%dma_wait3A_572 : memref<128x16xf32, #tpu.memory_space<vmem>>)
      %add3A_581 = arith.constant 7 : i32
      %add3A_582 = arith.addi %mul3A_340, %add3A_581 : i32
      %dma_start3A_583 = arith.constant 7 : i32
      %dma_start3A_584 = arith.constant 7 : i32
      %dma_start3A_585 = arith.constant 0 : i32
      %dma_start3A_586 = arith.constant 0 : i32
      %dma_start3A_587 = tpu.memref_slice %arg8[%dma_start3A_583, %dma_start3A_585, %dma_start3A_586] : memref<8x128x16xf32, #tpu.memory_space<vmem>> -> memref<1x128x16xf32, #tpu.memory_space<vmem>>
      %dma_start3A_588 = tpu.memref_squeeze %dma_start3A_587 : memref<1x128x16xf32, #tpu.memory_space<vmem>> -> memref<128x16xf32, #tpu.memory_space<vmem>>
      %dma_start3A_589 = arith.constant 0 : i32
      %dma_start3A_590 = tpu.memref_slice %arg7[%add3A_582, %dma_start3A_589] : memref<80x128xi32, #tpu.memory_space<vmem>> -> memref<1x128xi32, #tpu.memory_space<vmem>>
      %dma_start3A_591 = tpu.memref_squeeze %dma_start3A_590 : memref<1x128xi32, #tpu.memory_space<vmem>> -> memref<128xi32, #tpu.memory_space<vmem>>
      %dma_start3A_592 = arith.constant 0 : i32
      %dma_start3A_593 = arith.constant 0 : i32
      %dma_start3A_594 = tpu.memref_slice %arg12[%dma_start3A_592, %dma_start3A_593] : memref<10112x16xf32, #tpu.memory_space<vmem_shared>> -> memref<10112x16xf32, #tpu.memory_space<vmem_shared>>
      %dma_start3A_595 = tpu.memref_slice %arg14[%dma_start3A_584] : memref<8x!tpu.dma_semaphore, #tpu.memory_space<semaphore_mem>> -> memref<1x!tpu.dma_semaphore, #tpu.memory_space<semaphore_mem>>
      %dma_start3A_596 = tpu.memref_squeeze %dma_start3A_595 : memref<1x!tpu.dma_semaphore, #tpu.memory_space<semaphore_mem>> -> memref<!tpu.dma_semaphore, #tpu.memory_space<semaphore_mem>>
      tpu.enqueue_indirect_dma source(%dma_start3A_588 : memref<128x16xf32, #tpu.memory_space<vmem>>) target(%dma_start3A_594 : memref<10112x16xf32, #tpu.memory_space<vmem_shared>>) offsets(%dma_start3A_591 : memref<128xi32, #tpu.memory_space<vmem>>) semaphore(%dma_start3A_596 : memref<!tpu.dma_semaphore, #tpu.memory_space<semaphore_mem>>) {add = true}
      %lt3A = arith.constant 9 : i32
      %lt3A_597 = arith.cmpi slt, %add3A_338, %lt3A : i32
      %convert_element_type3A = arith.extui %lt3A_597 : i1 to i32
      %cond3A = arith.constant 0 : i32
      %cond3A_598 = arith.cmpi ne, %convert_element_type3A, %cond3A : i32
      scf.if %cond3A_598 {
        %add3A_599 = arith.constant 0 : i32
        %add3A_600 = arith.addi %mul3A_340, %add3A_599 : i32
        %dma_wait3A_601 = arith.constant 0 : i32
        %dma_wait3A_602 = arith.constant 0 : i32
        %dma_wait3A_603 = arith.constant 0 : i32
        %dma_wait3A_604 = arith.constant 0 : i32
        %dma_wait3A_605 = tpu.memref_slice %arg8[%dma_wait3A_601, %dma_wait3A_603, %dma_wait3A_604] : memref<8x128x16xf32, #tpu.memory_space<vmem>> -> memref<1x128x16xf32, #tpu.memory_space<vmem>>
        %dma_wait3A_606 = tpu.memref_squeeze %dma_wait3A_605 : memref<1x128x16xf32, #tpu.memory_space<vmem>> -> memref<128x16xf32, #tpu.memory_space<vmem>>
        %dma_wait3A_607 = arith.constant 0 : i32
        %dma_wait3A_608 = tpu.memref_slice %arg7[%add3A_600, %dma_wait3A_607] : memref<80x128xi32, #tpu.memory_space<vmem>> -> memref<1x128xi32, #tpu.memory_space<vmem>>
        %dma_wait3A_609 = tpu.memref_squeeze %dma_wait3A_608 : memref<1x128xi32, #tpu.memory_space<vmem>> -> memref<128xi32, #tpu.memory_space<vmem>>
        %dma_wait3A_610 = arith.constant 0 : i32
        %dma_wait3A_611 = arith.constant 0 : i32
        %dma_wait3A_612 = tpu.memref_slice %arg12[%dma_wait3A_610, %dma_wait3A_611] : memref<10112x16xf32, #tpu.memory_space<vmem_shared>> -> memref<10112x16xf32, #tpu.memory_space<vmem_shared>>
        %dma_wait3A_613 = tpu.memref_slice %arg14[%dma_wait3A_602] : memref<8x!tpu.dma_semaphore, #tpu.memory_space<semaphore_mem>> -> memref<1x!tpu.dma_semaphore, #tpu.memory_space<semaphore_mem>>
        %dma_wait3A_614 = tpu.memref_squeeze %dma_wait3A_613 : memref<1x!tpu.dma_semaphore, #tpu.memory_space<semaphore_mem>> -> memref<!tpu.dma_semaphore, #tpu.memory_space<semaphore_mem>>
        tpu.wait_indirect_dma semaphore(%dma_wait3A_614 : memref<!tpu.dma_semaphore, #tpu.memory_space<semaphore_mem>>) src(%dma_wait3A_606 : memref<128x16xf32, #tpu.memory_space<vmem>>) dst(%dma_wait3A_612 : memref<10112x16xf32, #tpu.memory_space<vmem_shared>>)
        %add3A_615 = arith.constant 8 : i32
        %add3A_616 = arith.addi %mul3A_340, %add3A_615 : i32
        %add3A_617 = arith.constant 0 : i32
        %add3A_618 = arith.addi %add3A_616, %add3A_617 : i32
        %dma_start3A_619 = arith.constant 0 : i32
        %dma_start3A_620 = arith.constant 0 : i32
        %dma_start3A_621 = arith.constant 0 : i32
        %dma_start3A_622 = arith.constant 0 : i32
        %dma_start3A_623 = tpu.memref_slice %arg8[%dma_start3A_619, %dma_start3A_621, %dma_start3A_622] : memref<8x128x16xf32, #tpu.memory_space<vmem>> -> memref<1x128x16xf32, #tpu.memory_space<vmem>>
        %dma_start3A_624 = tpu.memref_squeeze %dma_start3A_623 : memref<1x128x16xf32, #tpu.memory_space<vmem>> -> memref<128x16xf32, #tpu.memory_space<vmem>>
        %dma_start3A_625 = arith.constant 0 : i32
        %dma_start3A_626 = tpu.memref_slice %arg6[%add3A_618, %dma_start3A_625] : memref<80x128xi32, #tpu.memory_space<vmem>> -> memref<1x128xi32, #tpu.memory_space<vmem>>
        %dma_start3A_627 = tpu.memref_squeeze %dma_start3A_626 : memref<1x128xi32, #tpu.memory_space<vmem>> -> memref<128xi32, #tpu.memory_space<vmem>>
        %dma_start3A_628 = arith.constant 0 : i32
        %dma_start3A_629 = arith.constant 0 : i32
        %dma_start3A_630 = tpu.memref_slice %arg11[%dma_start3A_628, %dma_start3A_629] : memref<10112x16xf32, #tpu.memory_space<vmem_shared>> -> memref<10112x16xf32, #tpu.memory_space<vmem_shared>>
        %dma_start3A_631 = tpu.memref_slice %arg13[%dma_start3A_620] : memref<8x!tpu.dma_semaphore, #tpu.memory_space<semaphore_mem>> -> memref<1x!tpu.dma_semaphore, #tpu.memory_space<semaphore_mem>>
        %dma_start3A_632 = tpu.memref_squeeze %dma_start3A_631 : memref<1x!tpu.dma_semaphore, #tpu.memory_space<semaphore_mem>> -> memref<!tpu.dma_semaphore, #tpu.memory_space<semaphore_mem>>
        tpu.enqueue_indirect_dma source(%dma_start3A_630 : memref<10112x16xf32, #tpu.memory_space<vmem_shared>>) target(%dma_start3A_624 : memref<128x16xf32, #tpu.memory_space<vmem>>) offsets(%dma_start3A_627 : memref<128xi32, #tpu.memory_space<vmem>>) semaphore(%dma_start3A_632 : memref<!tpu.dma_semaphore, #tpu.memory_space<semaphore_mem>>)
        %add3A_633 = arith.constant 1 : i32
        %add3A_634 = arith.addi %mul3A_340, %add3A_633 : i32
        %dma_wait3A_635 = arith.constant 1 : i32
        %dma_wait3A_636 = arith.constant 1 : i32
        %dma_wait3A_637 = arith.constant 0 : i32
        %dma_wait3A_638 = arith.constant 0 : i32
        %dma_wait3A_639 = tpu.memref_slice %arg8[%dma_wait3A_635, %dma_wait3A_637, %dma_wait3A_638] : memref<8x128x16xf32, #tpu.memory_space<vmem>> -> memref<1x128x16xf32, #tpu.memory_space<vmem>>
        %dma_wait3A_640 = tpu.memref_squeeze %dma_wait3A_639 : memref<1x128x16xf32, #tpu.memory_space<vmem>> -> memref<128x16xf32, #tpu.memory_space<vmem>>
        %dma_wait3A_641 = arith.constant 0 : i32
        %dma_wait3A_642 = tpu.memref_slice %arg7[%add3A_634, %dma_wait3A_641] : memref<80x128xi32, #tpu.memory_space<vmem>> -> memref<1x128xi32, #tpu.memory_space<vmem>>
        %dma_wait3A_643 = tpu.memref_squeeze %dma_wait3A_642 : memref<1x128xi32, #tpu.memory_space<vmem>> -> memref<128xi32, #tpu.memory_space<vmem>>
        %dma_wait3A_644 = arith.constant 0 : i32
        %dma_wait3A_645 = arith.constant 0 : i32
        %dma_wait3A_646 = tpu.memref_slice %arg12[%dma_wait3A_644, %dma_wait3A_645] : memref<10112x16xf32, #tpu.memory_space<vmem_shared>> -> memref<10112x16xf32, #tpu.memory_space<vmem_shared>>
        %dma_wait3A_647 = tpu.memref_slice %arg14[%dma_wait3A_636] : memref<8x!tpu.dma_semaphore, #tpu.memory_space<semaphore_mem>> -> memref<1x!tpu.dma_semaphore, #tpu.memory_space<semaphore_mem>>
        %dma_wait3A_648 = tpu.memref_squeeze %dma_wait3A_647 : memref<1x!tpu.dma_semaphore, #tpu.memory_space<semaphore_mem>> -> memref<!tpu.dma_semaphore, #tpu.memory_space<semaphore_mem>>
        tpu.wait_indirect_dma semaphore(%dma_wait3A_648 : memref<!tpu.dma_semaphore, #tpu.memory_space<semaphore_mem>>) src(%dma_wait3A_640 : memref<128x16xf32, #tpu.memory_space<vmem>>) dst(%dma_wait3A_646 : memref<10112x16xf32, #tpu.memory_space<vmem_shared>>)
        %add3A_649 = arith.constant 8 : i32
        %add3A_650 = arith.addi %mul3A_340, %add3A_649 : i32
        %add3A_651 = arith.constant 1 : i32
        %add3A_652 = arith.addi %add3A_650, %add3A_651 : i32
        %dma_start3A_653 = arith.constant 1 : i32
        %dma_start3A_654 = arith.constant 1 : i32
        %dma_start3A_655 = arith.constant 0 : i32
        %dma_start3A_656 = arith.constant 0 : i32
        %dma_start3A_657 = tpu.memref_slice %arg8[%dma_start3A_653, %dma_start3A_655, %dma_start3A_656] : memref<8x128x16xf32, #tpu.memory_space<vmem>> -> memref<1x128x16xf32, #tpu.memory_space<vmem>>
        %dma_start3A_658 = tpu.memref_squeeze %dma_start3A_657 : memref<1x128x16xf32, #tpu.memory_space<vmem>> -> memref<128x16xf32, #tpu.memory_space<vmem>>
        %dma_start3A_659 = arith.constant 0 : i32
        %dma_start3A_660 = tpu.memref_slice %arg6[%add3A_652, %dma_start3A_659] : memref<80x128xi32, #tpu.memory_space<vmem>> -> memref<1x128xi32, #tpu.memory_space<vmem>>
        %dma_start3A_661 = tpu.memref_squeeze %dma_start3A_660 : memref<1x128xi32, #tpu.memory_space<vmem>> -> memref<128xi32, #tpu.memory_space<vmem>>
        %dma_start3A_662 = arith.constant 0 : i32
        %dma_start3A_663 = arith.constant 0 : i32
        %dma_start3A_664 = tpu.memref_slice %arg11[%dma_start3A_662, %dma_start3A_663] : memref<10112x16xf32, #tpu.memory_space<vmem_shared>> -> memref<10112x16xf32, #tpu.memory_space<vmem_shared>>
        %dma_start3A_665 = tpu.memref_slice %arg13[%dma_start3A_654] : memref<8x!tpu.dma_semaphore, #tpu.memory_space<semaphore_mem>> -> memref<1x!tpu.dma_semaphore, #tpu.memory_space<semaphore_mem>>
        %dma_start3A_666 = tpu.memref_squeeze %dma_start3A_665 : memref<1x!tpu.dma_semaphore, #tpu.memory_space<semaphore_mem>> -> memref<!tpu.dma_semaphore, #tpu.memory_space<semaphore_mem>>
        tpu.enqueue_indirect_dma source(%dma_start3A_664 : memref<10112x16xf32, #tpu.memory_space<vmem_shared>>) target(%dma_start3A_658 : memref<128x16xf32, #tpu.memory_space<vmem>>) offsets(%dma_start3A_661 : memref<128xi32, #tpu.memory_space<vmem>>) semaphore(%dma_start3A_666 : memref<!tpu.dma_semaphore, #tpu.memory_space<semaphore_mem>>)
        %add3A_667 = arith.constant 2 : i32
        %add3A_668 = arith.addi %mul3A_340, %add3A_667 : i32
        %dma_wait3A_669 = arith.constant 2 : i32
        %dma_wait3A_670 = arith.constant 2 : i32
        %dma_wait3A_671 = arith.constant 0 : i32
        %dma_wait3A_672 = arith.constant 0 : i32
        %dma_wait3A_673 = tpu.memref_slice %arg8[%dma_wait3A_669, %dma_wait3A_671, %dma_wait3A_672] : memref<8x128x16xf32, #tpu.memory_space<vmem>> -> memref<1x128x16xf32, #tpu.memory_space<vmem>>
        %dma_wait3A_674 = tpu.memref_squeeze %dma_wait3A_673 : memref<1x128x16xf32, #tpu.memory_space<vmem>> -> memref<128x16xf32, #tpu.memory_space<vmem>>
        %dma_wait3A_675 = arith.constant 0 : i32
        %dma_wait3A_676 = tpu.memref_slice %arg7[%add3A_668, %dma_wait3A_675] : memref<80x128xi32, #tpu.memory_space<vmem>> -> memref<1x128xi32, #tpu.memory_space<vmem>>
        %dma_wait3A_677 = tpu.memref_squeeze %dma_wait3A_676 : memref<1x128xi32, #tpu.memory_space<vmem>> -> memref<128xi32, #tpu.memory_space<vmem>>
        %dma_wait3A_678 = arith.constant 0 : i32
        %dma_wait3A_679 = arith.constant 0 : i32
        %dma_wait3A_680 = tpu.memref_slice %arg12[%dma_wait3A_678, %dma_wait3A_679] : memref<10112x16xf32, #tpu.memory_space<vmem_shared>> -> memref<10112x16xf32, #tpu.memory_space<vmem_shared>>
        %dma_wait3A_681 = tpu.memref_slice %arg14[%dma_wait3A_670] : memref<8x!tpu.dma_semaphore, #tpu.memory_space<semaphore_mem>> -> memref<1x!tpu.dma_semaphore, #tpu.memory_space<semaphore_mem>>
        %dma_wait3A_682 = tpu.memref_squeeze %dma_wait3A_681 : memref<1x!tpu.dma_semaphore, #tpu.memory_space<semaphore_mem>> -> memref<!tpu.dma_semaphore, #tpu.memory_space<semaphore_mem>>
        tpu.wait_indirect_dma semaphore(%dma_wait3A_682 : memref<!tpu.dma_semaphore, #tpu.memory_space<semaphore_mem>>) src(%dma_wait3A_674 : memref<128x16xf32, #tpu.memory_space<vmem>>) dst(%dma_wait3A_680 : memref<10112x16xf32, #tpu.memory_space<vmem_shared>>)
        %add3A_683 = arith.constant 8 : i32
        %add3A_684 = arith.addi %mul3A_340, %add3A_683 : i32
        %add3A_685 = arith.constant 2 : i32
        %add3A_686 = arith.addi %add3A_684, %add3A_685 : i32
        %dma_start3A_687 = arith.constant 2 : i32
        %dma_start3A_688 = arith.constant 2 : i32
        %dma_start3A_689 = arith.constant 0 : i32
        %dma_start3A_690 = arith.constant 0 : i32
        %dma_start3A_691 = tpu.memref_slice %arg8[%dma_start3A_687, %dma_start3A_689, %dma_start3A_690] : memref<8x128x16xf32, #tpu.memory_space<vmem>> -> memref<1x128x16xf32, #tpu.memory_space<vmem>>
        %dma_start3A_692 = tpu.memref_squeeze %dma_start3A_691 : memref<1x128x16xf32, #tpu.memory_space<vmem>> -> memref<128x16xf32, #tpu.memory_space<vmem>>
        %dma_start3A_693 = arith.constant 0 : i32
        %dma_start3A_694 = tpu.memref_slice %arg6[%add3A_686, %dma_start3A_693] : memref<80x128xi32, #tpu.memory_space<vmem>> -> memref<1x128xi32, #tpu.memory_space<vmem>>
        %dma_start3A_695 = tpu.memref_squeeze %dma_start3A_694 : memref<1x128xi32, #tpu.memory_space<vmem>> -> memref<128xi32, #tpu.memory_space<vmem>>
        %dma_start3A_696 = arith.constant 0 : i32
        %dma_start3A_697 = arith.constant 0 : i32
        %dma_start3A_698 = tpu.memref_slice %arg11[%dma_start3A_696, %dma_start3A_697] : memref<10112x16xf32, #tpu.memory_space<vmem_shared>> -> memref<10112x16xf32, #tpu.memory_space<vmem_shared>>
        %dma_start3A_699 = tpu.memref_slice %arg13[%dma_start3A_688] : memref<8x!tpu.dma_semaphore, #tpu.memory_space<semaphore_mem>> -> memref<1x!tpu.dma_semaphore, #tpu.memory_space<semaphore_mem>>
        %dma_start3A_700 = tpu.memref_squeeze %dma_start3A_699 : memref<1x!tpu.dma_semaphore, #tpu.memory_space<semaphore_mem>> -> memref<!tpu.dma_semaphore, #tpu.memory_space<semaphore_mem>>
        tpu.enqueue_indirect_dma source(%dma_start3A_698 : memref<10112x16xf32, #tpu.memory_space<vmem_shared>>) target(%dma_start3A_692 : memref<128x16xf32, #tpu.memory_space<vmem>>) offsets(%dma_start3A_695 : memref<128xi32, #tpu.memory_space<vmem>>) semaphore(%dma_start3A_700 : memref<!tpu.dma_semaphore, #tpu.memory_space<semaphore_mem>>)
        %add3A_701 = arith.constant 3 : i32
        %add3A_702 = arith.addi %mul3A_340, %add3A_701 : i32
        %dma_wait3A_703 = arith.constant 3 : i32
        %dma_wait3A_704 = arith.constant 3 : i32
        %dma_wait3A_705 = arith.constant 0 : i32
        %dma_wait3A_706 = arith.constant 0 : i32
        %dma_wait3A_707 = tpu.memref_slice %arg8[%dma_wait3A_703, %dma_wait3A_705, %dma_wait3A_706] : memref<8x128x16xf32, #tpu.memory_space<vmem>> -> memref<1x128x16xf32, #tpu.memory_space<vmem>>
        %dma_wait3A_708 = tpu.memref_squeeze %dma_wait3A_707 : memref<1x128x16xf32, #tpu.memory_space<vmem>> -> memref<128x16xf32, #tpu.memory_space<vmem>>
        %dma_wait3A_709 = arith.constant 0 : i32
        %dma_wait3A_710 = tpu.memref_slice %arg7[%add3A_702, %dma_wait3A_709] : memref<80x128xi32, #tpu.memory_space<vmem>> -> memref<1x128xi32, #tpu.memory_space<vmem>>
        %dma_wait3A_711 = tpu.memref_squeeze %dma_wait3A_710 : memref<1x128xi32, #tpu.memory_space<vmem>> -> memref<128xi32, #tpu.memory_space<vmem>>
        %dma_wait3A_712 = arith.constant 0 : i32
        %dma_wait3A_713 = arith.constant 0 : i32
        %dma_wait3A_714 = tpu.memref_slice %arg12[%dma_wait3A_712, %dma_wait3A_713] : memref<10112x16xf32, #tpu.memory_space<vmem_shared>> -> memref<10112x16xf32, #tpu.memory_space<vmem_shared>>
        %dma_wait3A_715 = tpu.memref_slice %arg14[%dma_wait3A_704] : memref<8x!tpu.dma_semaphore, #tpu.memory_space<semaphore_mem>> -> memref<1x!tpu.dma_semaphore, #tpu.memory_space<semaphore_mem>>
        %dma_wait3A_716 = tpu.memref_squeeze %dma_wait3A_715 : memref<1x!tpu.dma_semaphore, #tpu.memory_space<semaphore_mem>> -> memref<!tpu.dma_semaphore, #tpu.memory_space<semaphore_mem>>
        tpu.wait_indirect_dma semaphore(%dma_wait3A_716 : memref<!tpu.dma_semaphore, #tpu.memory_space<semaphore_mem>>) src(%dma_wait3A_708 : memref<128x16xf32, #tpu.memory_space<vmem>>) dst(%dma_wait3A_714 : memref<10112x16xf32, #tpu.memory_space<vmem_shared>>)
        %add3A_717 = arith.constant 8 : i32
        %add3A_718 = arith.addi %mul3A_340, %add3A_717 : i32
        %add3A_719 = arith.constant 3 : i32
        %add3A_720 = arith.addi %add3A_718, %add3A_719 : i32
        %dma_start3A_721 = arith.constant 3 : i32
        %dma_start3A_722 = arith.constant 3 : i32
        %dma_start3A_723 = arith.constant 0 : i32
        %dma_start3A_724 = arith.constant 0 : i32
        %dma_start3A_725 = tpu.memref_slice %arg8[%dma_start3A_721, %dma_start3A_723, %dma_start3A_724] : memref<8x128x16xf32, #tpu.memory_space<vmem>> -> memref<1x128x16xf32, #tpu.memory_space<vmem>>
        %dma_start3A_726 = tpu.memref_squeeze %dma_start3A_725 : memref<1x128x16xf32, #tpu.memory_space<vmem>> -> memref<128x16xf32, #tpu.memory_space<vmem>>
        %dma_start3A_727 = arith.constant 0 : i32
        %dma_start3A_728 = tpu.memref_slice %arg6[%add3A_720, %dma_start3A_727] : memref<80x128xi32, #tpu.memory_space<vmem>> -> memref<1x128xi32, #tpu.memory_space<vmem>>
        %dma_start3A_729 = tpu.memref_squeeze %dma_start3A_728 : memref<1x128xi32, #tpu.memory_space<vmem>> -> memref<128xi32, #tpu.memory_space<vmem>>
        %dma_start3A_730 = arith.constant 0 : i32
        %dma_start3A_731 = arith.constant 0 : i32
        %dma_start3A_732 = tpu.memref_slice %arg11[%dma_start3A_730, %dma_start3A_731] : memref<10112x16xf32, #tpu.memory_space<vmem_shared>> -> memref<10112x16xf32, #tpu.memory_space<vmem_shared>>
        %dma_start3A_733 = tpu.memref_slice %arg13[%dma_start3A_722] : memref<8x!tpu.dma_semaphore, #tpu.memory_space<semaphore_mem>> -> memref<1x!tpu.dma_semaphore, #tpu.memory_space<semaphore_mem>>
        %dma_start3A_734 = tpu.memref_squeeze %dma_start3A_733 : memref<1x!tpu.dma_semaphore, #tpu.memory_space<semaphore_mem>> -> memref<!tpu.dma_semaphore, #tpu.memory_space<semaphore_mem>>
        tpu.enqueue_indirect_dma source(%dma_start3A_732 : memref<10112x16xf32, #tpu.memory_space<vmem_shared>>) target(%dma_start3A_726 : memref<128x16xf32, #tpu.memory_space<vmem>>) offsets(%dma_start3A_729 : memref<128xi32, #tpu.memory_space<vmem>>) semaphore(%dma_start3A_734 : memref<!tpu.dma_semaphore, #tpu.memory_space<semaphore_mem>>)
        %add3A_735 = arith.constant 4 : i32
        %add3A_736 = arith.addi %mul3A_340, %add3A_735 : i32
        %dma_wait3A_737 = arith.constant 4 : i32
        %dma_wait3A_738 = arith.constant 4 : i32
        %dma_wait3A_739 = arith.constant 0 : i32
        %dma_wait3A_740 = arith.constant 0 : i32
        %dma_wait3A_741 = tpu.memref_slice %arg8[%dma_wait3A_737, %dma_wait3A_739, %dma_wait3A_740] : memref<8x128x16xf32, #tpu.memory_space<vmem>> -> memref<1x128x16xf32, #tpu.memory_space<vmem>>
        %dma_wait3A_742 = tpu.memref_squeeze %dma_wait3A_741 : memref<1x128x16xf32, #tpu.memory_space<vmem>> -> memref<128x16xf32, #tpu.memory_space<vmem>>
        %dma_wait3A_743 = arith.constant 0 : i32
        %dma_wait3A_744 = tpu.memref_slice %arg7[%add3A_736, %dma_wait3A_743] : memref<80x128xi32, #tpu.memory_space<vmem>> -> memref<1x128xi32, #tpu.memory_space<vmem>>
        %dma_wait3A_745 = tpu.memref_squeeze %dma_wait3A_744 : memref<1x128xi32, #tpu.memory_space<vmem>> -> memref<128xi32, #tpu.memory_space<vmem>>
        %dma_wait3A_746 = arith.constant 0 : i32
        %dma_wait3A_747 = arith.constant 0 : i32
        %dma_wait3A_748 = tpu.memref_slice %arg12[%dma_wait3A_746, %dma_wait3A_747] : memref<10112x16xf32, #tpu.memory_space<vmem_shared>> -> memref<10112x16xf32, #tpu.memory_space<vmem_shared>>
        %dma_wait3A_749 = tpu.memref_slice %arg14[%dma_wait3A_738] : memref<8x!tpu.dma_semaphore, #tpu.memory_space<semaphore_mem>> -> memref<1x!tpu.dma_semaphore, #tpu.memory_space<semaphore_mem>>
        %dma_wait3A_750 = tpu.memref_squeeze %dma_wait3A_749 : memref<1x!tpu.dma_semaphore, #tpu.memory_space<semaphore_mem>> -> memref<!tpu.dma_semaphore, #tpu.memory_space<semaphore_mem>>
        tpu.wait_indirect_dma semaphore(%dma_wait3A_750 : memref<!tpu.dma_semaphore, #tpu.memory_space<semaphore_mem>>) src(%dma_wait3A_742 : memref<128x16xf32, #tpu.memory_space<vmem>>) dst(%dma_wait3A_748 : memref<10112x16xf32, #tpu.memory_space<vmem_shared>>)
        %add3A_751 = arith.constant 8 : i32
        %add3A_752 = arith.addi %mul3A_340, %add3A_751 : i32
        %add3A_753 = arith.constant 4 : i32
        %add3A_754 = arith.addi %add3A_752, %add3A_753 : i32
        %dma_start3A_755 = arith.constant 4 : i32
        %dma_start3A_756 = arith.constant 4 : i32
        %dma_start3A_757 = arith.constant 0 : i32
        %dma_start3A_758 = arith.constant 0 : i32
        %dma_start3A_759 = tpu.memref_slice %arg8[%dma_start3A_755, %dma_start3A_757, %dma_start3A_758] : memref<8x128x16xf32, #tpu.memory_space<vmem>> -> memref<1x128x16xf32, #tpu.memory_space<vmem>>
        %dma_start3A_760 = tpu.memref_squeeze %dma_start3A_759 : memref<1x128x16xf32, #tpu.memory_space<vmem>> -> memref<128x16xf32, #tpu.memory_space<vmem>>
        %dma_start3A_761 = arith.constant 0 : i32
        %dma_start3A_762 = tpu.memref_slice %arg6[%add3A_754, %dma_start3A_761] : memref<80x128xi32, #tpu.memory_space<vmem>> -> memref<1x128xi32, #tpu.memory_space<vmem>>
        %dma_start3A_763 = tpu.memref_squeeze %dma_start3A_762 : memref<1x128xi32, #tpu.memory_space<vmem>> -> memref<128xi32, #tpu.memory_space<vmem>>
        %dma_start3A_764 = arith.constant 0 : i32
        %dma_start3A_765 = arith.constant 0 : i32
        %dma_start3A_766 = tpu.memref_slice %arg11[%dma_start3A_764, %dma_start3A_765] : memref<10112x16xf32, #tpu.memory_space<vmem_shared>> -> memref<10112x16xf32, #tpu.memory_space<vmem_shared>>
        %dma_start3A_767 = tpu.memref_slice %arg13[%dma_start3A_756] : memref<8x!tpu.dma_semaphore, #tpu.memory_space<semaphore_mem>> -> memref<1x!tpu.dma_semaphore, #tpu.memory_space<semaphore_mem>>
        %dma_start3A_768 = tpu.memref_squeeze %dma_start3A_767 : memref<1x!tpu.dma_semaphore, #tpu.memory_space<semaphore_mem>> -> memref<!tpu.dma_semaphore, #tpu.memory_space<semaphore_mem>>
        tpu.enqueue_indirect_dma source(%dma_start3A_766 : memref<10112x16xf32, #tpu.memory_space<vmem_shared>>) target(%dma_start3A_760 : memref<128x16xf32, #tpu.memory_space<vmem>>) offsets(%dma_start3A_763 : memref<128xi32, #tpu.memory_space<vmem>>) semaphore(%dma_start3A_768 : memref<!tpu.dma_semaphore, #tpu.memory_space<semaphore_mem>>)
        %add3A_769 = arith.constant 5 : i32
        %add3A_770 = arith.addi %mul3A_340, %add3A_769 : i32
        %dma_wait3A_771 = arith.constant 5 : i32
        %dma_wait3A_772 = arith.constant 5 : i32
        %dma_wait3A_773 = arith.constant 0 : i32
        %dma_wait3A_774 = arith.constant 0 : i32
        %dma_wait3A_775 = tpu.memref_slice %arg8[%dma_wait3A_771, %dma_wait3A_773, %dma_wait3A_774] : memref<8x128x16xf32, #tpu.memory_space<vmem>> -> memref<1x128x16xf32, #tpu.memory_space<vmem>>
        %dma_wait3A_776 = tpu.memref_squeeze %dma_wait3A_775 : memref<1x128x16xf32, #tpu.memory_space<vmem>> -> memref<128x16xf32, #tpu.memory_space<vmem>>
        %dma_wait3A_777 = arith.constant 0 : i32
        %dma_wait3A_778 = tpu.memref_slice %arg7[%add3A_770, %dma_wait3A_777] : memref<80x128xi32, #tpu.memory_space<vmem>> -> memref<1x128xi32, #tpu.memory_space<vmem>>
        %dma_wait3A_779 = tpu.memref_squeeze %dma_wait3A_778 : memref<1x128xi32, #tpu.memory_space<vmem>> -> memref<128xi32, #tpu.memory_space<vmem>>
        %dma_wait3A_780 = arith.constant 0 : i32
        %dma_wait3A_781 = arith.constant 0 : i32
        %dma_wait3A_782 = tpu.memref_slice %arg12[%dma_wait3A_780, %dma_wait3A_781] : memref<10112x16xf32, #tpu.memory_space<vmem_shared>> -> memref<10112x16xf32, #tpu.memory_space<vmem_shared>>
        %dma_wait3A_783 = tpu.memref_slice %arg14[%dma_wait3A_772] : memref<8x!tpu.dma_semaphore, #tpu.memory_space<semaphore_mem>> -> memref<1x!tpu.dma_semaphore, #tpu.memory_space<semaphore_mem>>
        %dma_wait3A_784 = tpu.memref_squeeze %dma_wait3A_783 : memref<1x!tpu.dma_semaphore, #tpu.memory_space<semaphore_mem>> -> memref<!tpu.dma_semaphore, #tpu.memory_space<semaphore_mem>>
        tpu.wait_indirect_dma semaphore(%dma_wait3A_784 : memref<!tpu.dma_semaphore, #tpu.memory_space<semaphore_mem>>) src(%dma_wait3A_776 : memref<128x16xf32, #tpu.memory_space<vmem>>) dst(%dma_wait3A_782 : memref<10112x16xf32, #tpu.memory_space<vmem_shared>>)
        %add3A_785 = arith.constant 8 : i32
        %add3A_786 = arith.addi %mul3A_340, %add3A_785 : i32
        %add3A_787 = arith.constant 5 : i32
        %add3A_788 = arith.addi %add3A_786, %add3A_787 : i32
        %dma_start3A_789 = arith.constant 5 : i32
        %dma_start3A_790 = arith.constant 5 : i32
        %dma_start3A_791 = arith.constant 0 : i32
        %dma_start3A_792 = arith.constant 0 : i32
        %dma_start3A_793 = tpu.memref_slice %arg8[%dma_start3A_789, %dma_start3A_791, %dma_start3A_792] : memref<8x128x16xf32, #tpu.memory_space<vmem>> -> memref<1x128x16xf32, #tpu.memory_space<vmem>>
        %dma_start3A_794 = tpu.memref_squeeze %dma_start3A_793 : memref<1x128x16xf32, #tpu.memory_space<vmem>> -> memref<128x16xf32, #tpu.memory_space<vmem>>
        %dma_start3A_795 = arith.constant 0 : i32
        %dma_start3A_796 = tpu.memref_slice %arg6[%add3A_788, %dma_start3A_795] : memref<80x128xi32, #tpu.memory_space<vmem>> -> memref<1x128xi32, #tpu.memory_space<vmem>>
        %dma_start3A_797 = tpu.memref_squeeze %dma_start3A_796 : memref<1x128xi32, #tpu.memory_space<vmem>> -> memref<128xi32, #tpu.memory_space<vmem>>
        %dma_start3A_798 = arith.constant 0 : i32
        %dma_start3A_799 = arith.constant 0 : i32
        %dma_start3A_800 = tpu.memref_slice %arg11[%dma_start3A_798, %dma_start3A_799] : memref<10112x16xf32, #tpu.memory_space<vmem_shared>> -> memref<10112x16xf32, #tpu.memory_space<vmem_shared>>
        %dma_start3A_801 = tpu.memref_slice %arg13[%dma_start3A_790] : memref<8x!tpu.dma_semaphore, #tpu.memory_space<semaphore_mem>> -> memref<1x!tpu.dma_semaphore, #tpu.memory_space<semaphore_mem>>
        %dma_start3A_802 = tpu.memref_squeeze %dma_start3A_801 : memref<1x!tpu.dma_semaphore, #tpu.memory_space<semaphore_mem>> -> memref<!tpu.dma_semaphore, #tpu.memory_space<semaphore_mem>>
        tpu.enqueue_indirect_dma source(%dma_start3A_800 : memref<10112x16xf32, #tpu.memory_space<vmem_shared>>) target(%dma_start3A_794 : memref<128x16xf32, #tpu.memory_space<vmem>>) offsets(%dma_start3A_797 : memref<128xi32, #tpu.memory_space<vmem>>) semaphore(%dma_start3A_802 : memref<!tpu.dma_semaphore, #tpu.memory_space<semaphore_mem>>)
        %add3A_803 = arith.constant 6 : i32
        %add3A_804 = arith.addi %mul3A_340, %add3A_803 : i32
        %dma_wait3A_805 = arith.constant 6 : i32
        %dma_wait3A_806 = arith.constant 6 : i32
        %dma_wait3A_807 = arith.constant 0 : i32
        %dma_wait3A_808 = arith.constant 0 : i32
        %dma_wait3A_809 = tpu.memref_slice %arg8[%dma_wait3A_805, %dma_wait3A_807, %dma_wait3A_808] : memref<8x128x16xf32, #tpu.memory_space<vmem>> -> memref<1x128x16xf32, #tpu.memory_space<vmem>>
        %dma_wait3A_810 = tpu.memref_squeeze %dma_wait3A_809 : memref<1x128x16xf32, #tpu.memory_space<vmem>> -> memref<128x16xf32, #tpu.memory_space<vmem>>
        %dma_wait3A_811 = arith.constant 0 : i32
        %dma_wait3A_812 = tpu.memref_slice %arg7[%add3A_804, %dma_wait3A_811] : memref<80x128xi32, #tpu.memory_space<vmem>> -> memref<1x128xi32, #tpu.memory_space<vmem>>
        %dma_wait3A_813 = tpu.memref_squeeze %dma_wait3A_812 : memref<1x128xi32, #tpu.memory_space<vmem>> -> memref<128xi32, #tpu.memory_space<vmem>>
        %dma_wait3A_814 = arith.constant 0 : i32
        %dma_wait3A_815 = arith.constant 0 : i32
        %dma_wait3A_816 = tpu.memref_slice %arg12[%dma_wait3A_814, %dma_wait3A_815] : memref<10112x16xf32, #tpu.memory_space<vmem_shared>> -> memref<10112x16xf32, #tpu.memory_space<vmem_shared>>
        %dma_wait3A_817 = tpu.memref_slice %arg14[%dma_wait3A_806] : memref<8x!tpu.dma_semaphore, #tpu.memory_space<semaphore_mem>> -> memref<1x!tpu.dma_semaphore, #tpu.memory_space<semaphore_mem>>
        %dma_wait3A_818 = tpu.memref_squeeze %dma_wait3A_817 : memref<1x!tpu.dma_semaphore, #tpu.memory_space<semaphore_mem>> -> memref<!tpu.dma_semaphore, #tpu.memory_space<semaphore_mem>>
        tpu.wait_indirect_dma semaphore(%dma_wait3A_818 : memref<!tpu.dma_semaphore, #tpu.memory_space<semaphore_mem>>) src(%dma_wait3A_810 : memref<128x16xf32, #tpu.memory_space<vmem>>) dst(%dma_wait3A_816 : memref<10112x16xf32, #tpu.memory_space<vmem_shared>>)
        %add3A_819 = arith.constant 8 : i32
        %add3A_820 = arith.addi %mul3A_340, %add3A_819 : i32
        %add3A_821 = arith.constant 6 : i32
        %add3A_822 = arith.addi %add3A_820, %add3A_821 : i32
        %dma_start3A_823 = arith.constant 6 : i32
        %dma_start3A_824 = arith.constant 6 : i32
        %dma_start3A_825 = arith.constant 0 : i32
        %dma_start3A_826 = arith.constant 0 : i32
        %dma_start3A_827 = tpu.memref_slice %arg8[%dma_start3A_823, %dma_start3A_825, %dma_start3A_826] : memref<8x128x16xf32, #tpu.memory_space<vmem>> -> memref<1x128x16xf32, #tpu.memory_space<vmem>>
        %dma_start3A_828 = tpu.memref_squeeze %dma_start3A_827 : memref<1x128x16xf32, #tpu.memory_space<vmem>> -> memref<128x16xf32, #tpu.memory_space<vmem>>
        %dma_start3A_829 = arith.constant 0 : i32
        %dma_start3A_830 = tpu.memref_slice %arg6[%add3A_822, %dma_start3A_829] : memref<80x128xi32, #tpu.memory_space<vmem>> -> memref<1x128xi32, #tpu.memory_space<vmem>>
        %dma_start3A_831 = tpu.memref_squeeze %dma_start3A_830 : memref<1x128xi32, #tpu.memory_space<vmem>> -> memref<128xi32, #tpu.memory_space<vmem>>
        %dma_start3A_832 = arith.constant 0 : i32
        %dma_start3A_833 = arith.constant 0 : i32
        %dma_start3A_834 = tpu.memref_slice %arg11[%dma_start3A_832, %dma_start3A_833] : memref<10112x16xf32, #tpu.memory_space<vmem_shared>> -> memref<10112x16xf32, #tpu.memory_space<vmem_shared>>
        %dma_start3A_835 = tpu.memref_slice %arg13[%dma_start3A_824] : memref<8x!tpu.dma_semaphore, #tpu.memory_space<semaphore_mem>> -> memref<1x!tpu.dma_semaphore, #tpu.memory_space<semaphore_mem>>
        %dma_start3A_836 = tpu.memref_squeeze %dma_start3A_835 : memref<1x!tpu.dma_semaphore, #tpu.memory_space<semaphore_mem>> -> memref<!tpu.dma_semaphore, #tpu.memory_space<semaphore_mem>>
        tpu.enqueue_indirect_dma source(%dma_start3A_834 : memref<10112x16xf32, #tpu.memory_space<vmem_shared>>) target(%dma_start3A_828 : memref<128x16xf32, #tpu.memory_space<vmem>>) offsets(%dma_start3A_831 : memref<128xi32, #tpu.memory_space<vmem>>) semaphore(%dma_start3A_836 : memref<!tpu.dma_semaphore, #tpu.memory_space<semaphore_mem>>)
        %add3A_837 = arith.constant 7 : i32
        %add3A_838 = arith.addi %mul3A_340, %add3A_837 : i32
        %dma_wait3A_839 = arith.constant 7 : i32
        %dma_wait3A_840 = arith.constant 7 : i32
        %dma_wait3A_841 = arith.constant 0 : i32
        %dma_wait3A_842 = arith.constant 0 : i32
        %dma_wait3A_843 = tpu.memref_slice %arg8[%dma_wait3A_839, %dma_wait3A_841, %dma_wait3A_842] : memref<8x128x16xf32, #tpu.memory_space<vmem>> -> memref<1x128x16xf32, #tpu.memory_space<vmem>>
        %dma_wait3A_844 = tpu.memref_squeeze %dma_wait3A_843 : memref<1x128x16xf32, #tpu.memory_space<vmem>> -> memref<128x16xf32, #tpu.memory_space<vmem>>
        %dma_wait3A_845 = arith.constant 0 : i32
        %dma_wait3A_846 = tpu.memref_slice %arg7[%add3A_838, %dma_wait3A_845] : memref<80x128xi32, #tpu.memory_space<vmem>> -> memref<1x128xi32, #tpu.memory_space<vmem>>
        %dma_wait3A_847 = tpu.memref_squeeze %dma_wait3A_846 : memref<1x128xi32, #tpu.memory_space<vmem>> -> memref<128xi32, #tpu.memory_space<vmem>>
        %dma_wait3A_848 = arith.constant 0 : i32
        %dma_wait3A_849 = arith.constant 0 : i32
        %dma_wait3A_850 = tpu.memref_slice %arg12[%dma_wait3A_848, %dma_wait3A_849] : memref<10112x16xf32, #tpu.memory_space<vmem_shared>> -> memref<10112x16xf32, #tpu.memory_space<vmem_shared>>
        %dma_wait3A_851 = tpu.memref_slice %arg14[%dma_wait3A_840] : memref<8x!tpu.dma_semaphore, #tpu.memory_space<semaphore_mem>> -> memref<1x!tpu.dma_semaphore, #tpu.memory_space<semaphore_mem>>
        %dma_wait3A_852 = tpu.memref_squeeze %dma_wait3A_851 : memref<1x!tpu.dma_semaphore, #tpu.memory_space<semaphore_mem>> -> memref<!tpu.dma_semaphore, #tpu.memory_space<semaphore_mem>>
        tpu.wait_indirect_dma semaphore(%dma_wait3A_852 : memref<!tpu.dma_semaphore, #tpu.memory_space<semaphore_mem>>) src(%dma_wait3A_844 : memref<128x16xf32, #tpu.memory_space<vmem>>) dst(%dma_wait3A_850 : memref<10112x16xf32, #tpu.memory_space<vmem_shared>>)
        %add3A_853 = arith.constant 8 : i32
        %add3A_854 = arith.addi %mul3A_340, %add3A_853 : i32
        %add3A_855 = arith.constant 7 : i32
        %add3A_856 = arith.addi %add3A_854, %add3A_855 : i32
        %dma_start3A_857 = arith.constant 7 : i32
        %dma_start3A_858 = arith.constant 7 : i32
        %dma_start3A_859 = arith.constant 0 : i32
        %dma_start3A_860 = arith.constant 0 : i32
        %dma_start3A_861 = tpu.memref_slice %arg8[%dma_start3A_857, %dma_start3A_859, %dma_start3A_860] : memref<8x128x16xf32, #tpu.memory_space<vmem>> -> memref<1x128x16xf32, #tpu.memory_space<vmem>>
        %dma_start3A_862 = tpu.memref_squeeze %dma_start3A_861 : memref<1x128x16xf32, #tpu.memory_space<vmem>> -> memref<128x16xf32, #tpu.memory_space<vmem>>
        %dma_start3A_863 = arith.constant 0 : i32
        %dma_start3A_864 = tpu.memref_slice %arg6[%add3A_856, %dma_start3A_863] : memref<80x128xi32, #tpu.memory_space<vmem>> -> memref<1x128xi32, #tpu.memory_space<vmem>>
        %dma_start3A_865 = tpu.memref_squeeze %dma_start3A_864 : memref<1x128xi32, #tpu.memory_space<vmem>> -> memref<128xi32, #tpu.memory_space<vmem>>
        %dma_start3A_866 = arith.constant 0 : i32
        %dma_start3A_867 = arith.constant 0 : i32
        %dma_start3A_868 = tpu.memref_slice %arg11[%dma_start3A_866, %dma_start3A_867] : memref<10112x16xf32, #tpu.memory_space<vmem_shared>> -> memref<10112x16xf32, #tpu.memory_space<vmem_shared>>
        %dma_start3A_869 = tpu.memref_slice %arg13[%dma_start3A_858] : memref<8x!tpu.dma_semaphore, #tpu.memory_space<semaphore_mem>> -> memref<1x!tpu.dma_semaphore, #tpu.memory_space<semaphore_mem>>
        %dma_start3A_870 = tpu.memref_squeeze %dma_start3A_869 : memref<1x!tpu.dma_semaphore, #tpu.memory_space<semaphore_mem>> -> memref<!tpu.dma_semaphore, #tpu.memory_space<semaphore_mem>>
        tpu.enqueue_indirect_dma source(%dma_start3A_868 : memref<10112x16xf32, #tpu.memory_space<vmem_shared>>) target(%dma_start3A_862 : memref<128x16xf32, #tpu.memory_space<vmem>>) offsets(%dma_start3A_865 : memref<128xi32, #tpu.memory_space<vmem>>) semaphore(%dma_start3A_870 : memref<!tpu.dma_semaphore, #tpu.memory_space<semaphore_mem>>)
      } else {
      }
    }
    %scan3A_207 = arith.constant 10 : i32
    %dma_wait3A_208 = arith.constant 0 : i32
    %dma_wait3A_209 = arith.constant 72 : i32
    %dma_wait3A_210 = arith.constant 0 : i32
    %dma_wait3A_211 = arith.constant 0 : i32
    %dma_wait3A_212 = arith.constant 0 : i32
    %dma_wait3A_213 = tpu.memref_slice %arg8[%dma_wait3A_208, %dma_wait3A_211, %dma_wait3A_212] : memref<8x128x16xf32, #tpu.memory_space<vmem>> -> memref<1x128x16xf32, #tpu.memory_space<vmem>>
    %dma_wait3A_214 = tpu.memref_squeeze %dma_wait3A_213 : memref<1x128x16xf32, #tpu.memory_space<vmem>> -> memref<128x16xf32, #tpu.memory_space<vmem>>
    %dma_wait3A_215 = arith.constant 0 : i32
    %dma_wait3A_216 = tpu.memref_slice %arg7[%dma_wait3A_209, %dma_wait3A_215] : memref<80x128xi32, #tpu.memory_space<vmem>> -> memref<1x128xi32, #tpu.memory_space<vmem>>
    %dma_wait3A_217 = tpu.memref_squeeze %dma_wait3A_216 : memref<1x128xi32, #tpu.memory_space<vmem>> -> memref<128xi32, #tpu.memory_space<vmem>>
    %dma_wait3A_218 = arith.constant 0 : i32
    %dma_wait3A_219 = arith.constant 0 : i32
    %dma_wait3A_220 = tpu.memref_slice %arg12[%dma_wait3A_218, %dma_wait3A_219] : memref<10112x16xf32, #tpu.memory_space<vmem_shared>> -> memref<10112x16xf32, #tpu.memory_space<vmem_shared>>
    %dma_wait3A_221 = tpu.memref_slice %arg14[%dma_wait3A_210] : memref<8x!tpu.dma_semaphore, #tpu.memory_space<semaphore_mem>> -> memref<1x!tpu.dma_semaphore, #tpu.memory_space<semaphore_mem>>
    %dma_wait3A_222 = tpu.memref_squeeze %dma_wait3A_221 : memref<1x!tpu.dma_semaphore, #tpu.memory_space<semaphore_mem>> -> memref<!tpu.dma_semaphore, #tpu.memory_space<semaphore_mem>>
    tpu.wait_indirect_dma semaphore(%dma_wait3A_222 : memref<!tpu.dma_semaphore, #tpu.memory_space<semaphore_mem>>) src(%dma_wait3A_214 : memref<128x16xf32, #tpu.memory_space<vmem>>) dst(%dma_wait3A_220 : memref<10112x16xf32, #tpu.memory_space<vmem_shared>>)
    %dma_wait3A_223 = arith.constant 1 : i32
    %dma_wait3A_224 = arith.constant 73 : i32
    %dma_wait3A_225 = arith.constant 1 : i32
    %dma_wait3A_226 = arith.constant 0 : i32
    %dma_wait3A_227 = arith.constant 0 : i32
    %dma_wait3A_228 = tpu.memref_slice %arg8[%dma_wait3A_223, %dma_wait3A_226, %dma_wait3A_227] : memref<8x128x16xf32, #tpu.memory_space<vmem>> -> memref<1x128x16xf32, #tpu.memory_space<vmem>>
    %dma_wait3A_229 = tpu.memref_squeeze %dma_wait3A_228 : memref<1x128x16xf32, #tpu.memory_space<vmem>> -> memref<128x16xf32, #tpu.memory_space<vmem>>
    %dma_wait3A_230 = arith.constant 0 : i32
    %dma_wait3A_231 = tpu.memref_slice %arg7[%dma_wait3A_224, %dma_wait3A_230] : memref<80x128xi32, #tpu.memory_space<vmem>> -> memref<1x128xi32, #tpu.memory_space<vmem>>
    %dma_wait3A_232 = tpu.memref_squeeze %dma_wait3A_231 : memref<1x128xi32, #tpu.memory_space<vmem>> -> memref<128xi32, #tpu.memory_space<vmem>>
    %dma_wait3A_233 = arith.constant 0 : i32
    %dma_wait3A_234 = arith.constant 0 : i32
    %dma_wait3A_235 = tpu.memref_slice %arg12[%dma_wait3A_233, %dma_wait3A_234] : memref<10112x16xf32, #tpu.memory_space<vmem_shared>> -> memref<10112x16xf32, #tpu.memory_space<vmem_shared>>
    %dma_wait3A_236 = tpu.memref_slice %arg14[%dma_wait3A_225] : memref<8x!tpu.dma_semaphore, #tpu.memory_space<semaphore_mem>> -> memref<1x!tpu.dma_semaphore, #tpu.memory_space<semaphore_mem>>
    %dma_wait3A_237 = tpu.memref_squeeze %dma_wait3A_236 : memref<1x!tpu.dma_semaphore, #tpu.memory_space<semaphore_mem>> -> memref<!tpu.dma_semaphore, #tpu.memory_space<semaphore_mem>>
    tpu.wait_indirect_dma semaphore(%dma_wait3A_237 : memref<!tpu.dma_semaphore, #tpu.memory_space<semaphore_mem>>) src(%dma_wait3A_229 : memref<128x16xf32, #tpu.memory_space<vmem>>) dst(%dma_wait3A_235 : memref<10112x16xf32, #tpu.memory_space<vmem_shared>>)
    %dma_wait3A_238 = arith.constant 2 : i32
    %dma_wait3A_239 = arith.constant 74 : i32
    %dma_wait3A_240 = arith.constant 2 : i32
    %dma_wait3A_241 = arith.constant 0 : i32
    %dma_wait3A_242 = arith.constant 0 : i32
    %dma_wait3A_243 = tpu.memref_slice %arg8[%dma_wait3A_238, %dma_wait3A_241, %dma_wait3A_242] : memref<8x128x16xf32, #tpu.memory_space<vmem>> -> memref<1x128x16xf32, #tpu.memory_space<vmem>>
    %dma_wait3A_244 = tpu.memref_squeeze %dma_wait3A_243 : memref<1x128x16xf32, #tpu.memory_space<vmem>> -> memref<128x16xf32, #tpu.memory_space<vmem>>
    %dma_wait3A_245 = arith.constant 0 : i32
    %dma_wait3A_246 = tpu.memref_slice %arg7[%dma_wait3A_239, %dma_wait3A_245] : memref<80x128xi32, #tpu.memory_space<vmem>> -> memref<1x128xi32, #tpu.memory_space<vmem>>
    %dma_wait3A_247 = tpu.memref_squeeze %dma_wait3A_246 : memref<1x128xi32, #tpu.memory_space<vmem>> -> memref<128xi32, #tpu.memory_space<vmem>>
    %dma_wait3A_248 = arith.constant 0 : i32
    %dma_wait3A_249 = arith.constant 0 : i32
    %dma_wait3A_250 = tpu.memref_slice %arg12[%dma_wait3A_248, %dma_wait3A_249] : memref<10112x16xf32, #tpu.memory_space<vmem_shared>> -> memref<10112x16xf32, #tpu.memory_space<vmem_shared>>
    %dma_wait3A_251 = tpu.memref_slice %arg14[%dma_wait3A_240] : memref<8x!tpu.dma_semaphore, #tpu.memory_space<semaphore_mem>> -> memref<1x!tpu.dma_semaphore, #tpu.memory_space<semaphore_mem>>
    %dma_wait3A_252 = tpu.memref_squeeze %dma_wait3A_251 : memref<1x!tpu.dma_semaphore, #tpu.memory_space<semaphore_mem>> -> memref<!tpu.dma_semaphore, #tpu.memory_space<semaphore_mem>>
    tpu.wait_indirect_dma semaphore(%dma_wait3A_252 : memref<!tpu.dma_semaphore, #tpu.memory_space<semaphore_mem>>) src(%dma_wait3A_244 : memref<128x16xf32, #tpu.memory_space<vmem>>) dst(%dma_wait3A_250 : memref<10112x16xf32, #tpu.memory_space<vmem_shared>>)
    %dma_wait3A_253 = arith.constant 3 : i32
    %dma_wait3A_254 = arith.constant 75 : i32
    %dma_wait3A_255 = arith.constant 3 : i32
    %dma_wait3A_256 = arith.constant 0 : i32
    %dma_wait3A_257 = arith.constant 0 : i32
    %dma_wait3A_258 = tpu.memref_slice %arg8[%dma_wait3A_253, %dma_wait3A_256, %dma_wait3A_257] : memref<8x128x16xf32, #tpu.memory_space<vmem>> -> memref<1x128x16xf32, #tpu.memory_space<vmem>>
    %dma_wait3A_259 = tpu.memref_squeeze %dma_wait3A_258 : memref<1x128x16xf32, #tpu.memory_space<vmem>> -> memref<128x16xf32, #tpu.memory_space<vmem>>
    %dma_wait3A_260 = arith.constant 0 : i32
    %dma_wait3A_261 = tpu.memref_slice %arg7[%dma_wait3A_254, %dma_wait3A_260] : memref<80x128xi32, #tpu.memory_space<vmem>> -> memref<1x128xi32, #tpu.memory_space<vmem>>
    %dma_wait3A_262 = tpu.memref_squeeze %dma_wait3A_261 : memref<1x128xi32, #tpu.memory_space<vmem>> -> memref<128xi32, #tpu.memory_space<vmem>>
    %dma_wait3A_263 = arith.constant 0 : i32
    %dma_wait3A_264 = arith.constant 0 : i32
    %dma_wait3A_265 = tpu.memref_slice %arg12[%dma_wait3A_263, %dma_wait3A_264] : memref<10112x16xf32, #tpu.memory_space<vmem_shared>> -> memref<10112x16xf32, #tpu.memory_space<vmem_shared>>
    %dma_wait3A_266 = tpu.memref_slice %arg14[%dma_wait3A_255] : memref<8x!tpu.dma_semaphore, #tpu.memory_space<semaphore_mem>> -> memref<1x!tpu.dma_semaphore, #tpu.memory_space<semaphore_mem>>
    %dma_wait3A_267 = tpu.memref_squeeze %dma_wait3A_266 : memref<1x!tpu.dma_semaphore, #tpu.memory_space<semaphore_mem>> -> memref<!tpu.dma_semaphore, #tpu.memory_space<semaphore_mem>>
    tpu.wait_indirect_dma semaphore(%dma_wait3A_267 : memref<!tpu.dma_semaphore, #tpu.memory_space<semaphore_mem>>) src(%dma_wait3A_259 : memref<128x16xf32, #tpu.memory_space<vmem>>) dst(%dma_wait3A_265 : memref<10112x16xf32, #tpu.memory_space<vmem_shared>>)
    %dma_wait3A_268 = arith.constant 4 : i32
    %dma_wait3A_269 = arith.constant 76 : i32
    %dma_wait3A_270 = arith.constant 4 : i32
    %dma_wait3A_271 = arith.constant 0 : i32
    %dma_wait3A_272 = arith.constant 0 : i32
    %dma_wait3A_273 = tpu.memref_slice %arg8[%dma_wait3A_268, %dma_wait3A_271, %dma_wait3A_272] : memref<8x128x16xf32, #tpu.memory_space<vmem>> -> memref<1x128x16xf32, #tpu.memory_space<vmem>>
    %dma_wait3A_274 = tpu.memref_squeeze %dma_wait3A_273 : memref<1x128x16xf32, #tpu.memory_space<vmem>> -> memref<128x16xf32, #tpu.memory_space<vmem>>
    %dma_wait3A_275 = arith.constant 0 : i32
    %dma_wait3A_276 = tpu.memref_slice %arg7[%dma_wait3A_269, %dma_wait3A_275] : memref<80x128xi32, #tpu.memory_space<vmem>> -> memref<1x128xi32, #tpu.memory_space<vmem>>
    %dma_wait3A_277 = tpu.memref_squeeze %dma_wait3A_276 : memref<1x128xi32, #tpu.memory_space<vmem>> -> memref<128xi32, #tpu.memory_space<vmem>>
    %dma_wait3A_278 = arith.constant 0 : i32
    %dma_wait3A_279 = arith.constant 0 : i32
    %dma_wait3A_280 = tpu.memref_slice %arg12[%dma_wait3A_278, %dma_wait3A_279] : memref<10112x16xf32, #tpu.memory_space<vmem_shared>> -> memref<10112x16xf32, #tpu.memory_space<vmem_shared>>
    %dma_wait3A_281 = tpu.memref_slice %arg14[%dma_wait3A_270] : memref<8x!tpu.dma_semaphore, #tpu.memory_space<semaphore_mem>> -> memref<1x!tpu.dma_semaphore, #tpu.memory_space<semaphore_mem>>
    %dma_wait3A_282 = tpu.memref_squeeze %dma_wait3A_281 : memref<1x!tpu.dma_semaphore, #tpu.memory_space<semaphore_mem>> -> memref<!tpu.dma_semaphore, #tpu.memory_space<semaphore_mem>>
    tpu.wait_indirect_dma semaphore(%dma_wait3A_282 : memref<!tpu.dma_semaphore, #tpu.memory_space<semaphore_mem>>) src(%dma_wait3A_274 : memref<128x16xf32, #tpu.memory_space<vmem>>) dst(%dma_wait3A_280 : memref<10112x16xf32, #tpu.memory_space<vmem_shared>>)
    %dma_wait3A_283 = arith.constant 5 : i32
    %dma_wait3A_284 = arith.constant 77 : i32
    %dma_wait3A_285 = arith.constant 5 : i32
    %dma_wait3A_286 = arith.constant 0 : i32
    %dma_wait3A_287 = arith.constant 0 : i32
    %dma_wait3A_288 = tpu.memref_slice %arg8[%dma_wait3A_283, %dma_wait3A_286, %dma_wait3A_287] : memref<8x128x16xf32, #tpu.memory_space<vmem>> -> memref<1x128x16xf32, #tpu.memory_space<vmem>>
    %dma_wait3A_289 = tpu.memref_squeeze %dma_wait3A_288 : memref<1x128x16xf32, #tpu.memory_space<vmem>> -> memref<128x16xf32, #tpu.memory_space<vmem>>
    %dma_wait3A_290 = arith.constant 0 : i32
    %dma_wait3A_291 = tpu.memref_slice %arg7[%dma_wait3A_284, %dma_wait3A_290] : memref<80x128xi32, #tpu.memory_space<vmem>> -> memref<1x128xi32, #tpu.memory_space<vmem>>
    %dma_wait3A_292 = tpu.memref_squeeze %dma_wait3A_291 : memref<1x128xi32, #tpu.memory_space<vmem>> -> memref<128xi32, #tpu.memory_space<vmem>>
    %dma_wait3A_293 = arith.constant 0 : i32
    %dma_wait3A_294 = arith.constant 0 : i32
    %dma_wait3A_295 = tpu.memref_slice %arg12[%dma_wait3A_293, %dma_wait3A_294] : memref<10112x16xf32, #tpu.memory_space<vmem_shared>> -> memref<10112x16xf32, #tpu.memory_space<vmem_shared>>
    %dma_wait3A_296 = tpu.memref_slice %arg14[%dma_wait3A_285] : memref<8x!tpu.dma_semaphore, #tpu.memory_space<semaphore_mem>> -> memref<1x!tpu.dma_semaphore, #tpu.memory_space<semaphore_mem>>
    %dma_wait3A_297 = tpu.memref_squeeze %dma_wait3A_296 : memref<1x!tpu.dma_semaphore, #tpu.memory_space<semaphore_mem>> -> memref<!tpu.dma_semaphore, #tpu.memory_space<semaphore_mem>>
    tpu.wait_indirect_dma semaphore(%dma_wait3A_297 : memref<!tpu.dma_semaphore, #tpu.memory_space<semaphore_mem>>) src(%dma_wait3A_289 : memref<128x16xf32, #tpu.memory_space<vmem>>) dst(%dma_wait3A_295 : memref<10112x16xf32, #tpu.memory_space<vmem_shared>>)
    %dma_wait3A_298 = arith.constant 6 : i32
    %dma_wait3A_299 = arith.constant 78 : i32
    %dma_wait3A_300 = arith.constant 6 : i32
    %dma_wait3A_301 = arith.constant 0 : i32
    %dma_wait3A_302 = arith.constant 0 : i32
    %dma_wait3A_303 = tpu.memref_slice %arg8[%dma_wait3A_298, %dma_wait3A_301, %dma_wait3A_302] : memref<8x128x16xf32, #tpu.memory_space<vmem>> -> memref<1x128x16xf32, #tpu.memory_space<vmem>>
    %dma_wait3A_304 = tpu.memref_squeeze %dma_wait3A_303 : memref<1x128x16xf32, #tpu.memory_space<vmem>> -> memref<128x16xf32, #tpu.memory_space<vmem>>
    %dma_wait3A_305 = arith.constant 0 : i32
    %dma_wait3A_306 = tpu.memref_slice %arg7[%dma_wait3A_299, %dma_wait3A_305] : memref<80x128xi32, #tpu.memory_space<vmem>> -> memref<1x128xi32, #tpu.memory_space<vmem>>
    %dma_wait3A_307 = tpu.memref_squeeze %dma_wait3A_306 : memref<1x128xi32, #tpu.memory_space<vmem>> -> memref<128xi32, #tpu.memory_space<vmem>>
    %dma_wait3A_308 = arith.constant 0 : i32
    %dma_wait3A_309 = arith.constant 0 : i32
    %dma_wait3A_310 = tpu.memref_slice %arg12[%dma_wait3A_308, %dma_wait3A_309] : memref<10112x16xf32, #tpu.memory_space<vmem_shared>> -> memref<10112x16xf32, #tpu.memory_space<vmem_shared>>
    %dma_wait3A_311 = tpu.memref_slice %arg14[%dma_wait3A_300] : memref<8x!tpu.dma_semaphore, #tpu.memory_space<semaphore_mem>> -> memref<1x!tpu.dma_semaphore, #tpu.memory_space<semaphore_mem>>
    %dma_wait3A_312 = tpu.memref_squeeze %dma_wait3A_311 : memref<1x!tpu.dma_semaphore, #tpu.memory_space<semaphore_mem>> -> memref<!tpu.dma_semaphore, #tpu.memory_space<semaphore_mem>>
    tpu.wait_indirect_dma semaphore(%dma_wait3A_312 : memref<!tpu.dma_semaphore, #tpu.memory_space<semaphore_mem>>) src(%dma_wait3A_304 : memref<128x16xf32, #tpu.memory_space<vmem>>) dst(%dma_wait3A_310 : memref<10112x16xf32, #tpu.memory_space<vmem_shared>>)
    %dma_wait3A_313 = arith.constant 7 : i32
    %dma_wait3A_314 = arith.constant 79 : i32
    %dma_wait3A_315 = arith.constant 7 : i32
    %dma_wait3A_316 = arith.constant 0 : i32
    %dma_wait3A_317 = arith.constant 0 : i32
    %dma_wait3A_318 = tpu.memref_slice %arg8[%dma_wait3A_313, %dma_wait3A_316, %dma_wait3A_317] : memref<8x128x16xf32, #tpu.memory_space<vmem>> -> memref<1x128x16xf32, #tpu.memory_space<vmem>>
    %dma_wait3A_319 = tpu.memref_squeeze %dma_wait3A_318 : memref<1x128x16xf32, #tpu.memory_space<vmem>> -> memref<128x16xf32, #tpu.memory_space<vmem>>
    %dma_wait3A_320 = arith.constant 0 : i32
    %dma_wait3A_321 = tpu.memref_slice %arg7[%dma_wait3A_314, %dma_wait3A_320] : memref<80x128xi32, #tpu.memory_space<vmem>> -> memref<1x128xi32, #tpu.memory_space<vmem>>
    %dma_wait3A_322 = tpu.memref_squeeze %dma_wait3A_321 : memref<1x128xi32, #tpu.memory_space<vmem>> -> memref<128xi32, #tpu.memory_space<vmem>>
    %dma_wait3A_323 = arith.constant 0 : i32
    %dma_wait3A_324 = arith.constant 0 : i32
    %dma_wait3A_325 = tpu.memref_slice %arg12[%dma_wait3A_323, %dma_wait3A_324] : memref<10112x16xf32, #tpu.memory_space<vmem_shared>> -> memref<10112x16xf32, #tpu.memory_space<vmem_shared>>
    %dma_wait3A_326 = tpu.memref_slice %arg14[%dma_wait3A_315] : memref<8x!tpu.dma_semaphore, #tpu.memory_space<semaphore_mem>> -> memref<1x!tpu.dma_semaphore, #tpu.memory_space<semaphore_mem>>
    %dma_wait3A_327 = tpu.memref_squeeze %dma_wait3A_326 : memref<1x!tpu.dma_semaphore, #tpu.memory_space<semaphore_mem>> -> memref<!tpu.dma_semaphore, #tpu.memory_space<semaphore_mem>>
    tpu.wait_indirect_dma semaphore(%dma_wait3A_327 : memref<!tpu.dma_semaphore, #tpu.memory_space<semaphore_mem>>) src(%dma_wait3A_319 : memref<128x16xf32, #tpu.memory_space<vmem>>) dst(%dma_wait3A_325 : memref<10112x16xf32, #tpu.memory_space<vmem_shared>>)
    %barrier3A_328 = arith.constant 0 : index
    tpu.barrier barrier_id(%barrier3A_328)
    "tpu.region"() ({
      %run_scoped3A = tpu.sem_alloc : memref<!tpu.dma_semaphore, #tpu.memory_space<semaphore_mem>>
      %dma_start3A_334 = arith.constant 0 : i32
      %dma_start3A_335 = tpu.memref_slice %arg12[%mul3A_2, %dma_start3A_334] : memref<10112x16xf32, #tpu.memory_space<vmem_shared>> -> memref<632x16xf32, #tpu.memory_space<vmem_shared>>
      %dma_start3A_336 = arith.constant 0 : i32
      %dma_start3A_337 = tpu.memref_slice %arg12[%mul3A_2, %dma_start3A_336] : memref<10112x16xf32, #tpu.memory_space<vmem_shared>> -> memref<632x16xf32, #tpu.memory_space<vmem_shared>>
      tpu.enqueue_dma source(%dma_start3A_337 : memref<632x16xf32, #tpu.memory_space<vmem_shared>>) target(%arg9 : memref<632x16xf32, #tpu.memory_space<vmem>>) target_semaphore(%run_scoped3A : memref<!tpu.dma_semaphore, #tpu.memory_space<semaphore_mem>>)
      %dma_wait3A_338 = arith.constant 0 : i32
      %dma_wait3A_339 = tpu.memref_slice %arg12[%mul3A_2, %dma_wait3A_338] : memref<10112x16xf32, #tpu.memory_space<vmem_shared>> -> memref<632x16xf32, #tpu.memory_space<vmem_shared>>
      %dma_wait3A_340 = arith.constant 0 : i32
      %dma_wait3A_341 = tpu.memref_slice %arg12[%mul3A_2, %dma_wait3A_340] : memref<10112x16xf32, #tpu.memory_space<vmem_shared>> -> memref<632x16xf32, #tpu.memory_space<vmem_shared>>
      tpu.wait_dma2 semaphore(%run_scoped3A : memref<!tpu.dma_semaphore, #tpu.memory_space<semaphore_mem>>) src(%dma_wait3A_341 : memref<632x16xf32, #tpu.memory_space<vmem_shared>>) dst(%arg9 : memref<632x16xf32, #tpu.memory_space<vmem>>)
      tpu.yield
    }) : () -> ()
    %scan3A_329 = arith.constant 0 : i32
    %scan3A_330 = arith.constant 79 : i32
    %scan3A_331 = arith.addi %scan3A_329, %scan3A_330 : i32
    %scan3A_332 = arith.constant 1 : i32
    scf.for %scan3A_334 = %scan3A_329 to %scan3A_331 step %scan3A_332  : i32 {
      %mul3A_335 = arith.constant 1 : i32
      %mul3A_336 = arith.muli %scan3A_334, %mul3A_335 : i32
      %add3A_337 = arith.constant 0 : i32
      %add3A_338 = arith.addi %add3A_337, %mul3A_336 : i32
      %mul3A_339 = arith.constant 8 : i32
      %mul3A_340 = arith.muli %mul3A_339, %add3A_338 : i32
      %add3A_341 = arith.constant 0 : i32
      %add3A_342 = arith.addi %mul3A_340, %add3A_341 : i32
      %get3A = arith.index_cast %add3A_342 : i32 to index
      %get3A_343 = arith.constant 0 : index
      %get3A_344 = tpu.vector_load %arg9[%get3A, %get3A_343] {strides = array<i32>} : memref<632x16xf32, #tpu.memory_space<vmem>>, vector<1x16xf32>,
      %get3A_345 = vector.shape_cast %get3A_344 : vector<1x16xf32> to vector<16xf32>
      %swap3A = arith.index_cast %add3A_338 : i32 to index
      %swap3A_346 = arith.constant 0 : index
      %swap3A_347 = tpu.vector_load %arg10[%swap3A, %swap3A_346] {strides = array<i32>} : memref<79x128xf32, #tpu.memory_space<vmem>>, vector<1x16xf32>,
      %swap3A_348 = vector.shape_cast %swap3A_347 : vector<1x16xf32> to vector<16xf32>
      %swap3A_349 = vector.shape_cast %get3A_345 : vector<16xf32> to vector<1x16xf32>
      tpu.vector_store %arg10[%swap3A, %swap3A_346], %swap3A_349 {strides = array<i32>} : memref<79x128xf32, #tpu.memory_space<vmem>>, vector<1x16xf32>,
      %mul3A_350 = arith.constant 8 : i32
      %mul3A_351 = arith.muli %mul3A_350, %add3A_338 : i32
      %add3A_352 = arith.constant 1 : i32
      %add3A_353 = arith.addi %mul3A_351, %add3A_352 : i32
      %get3A_354 = arith.index_cast %add3A_353 : i32 to index
      %get3A_355 = arith.constant 0 : index
      %get3A_356 = tpu.vector_load %arg9[%get3A_354, %get3A_355] {strides = array<i32>} : memref<632x16xf32, #tpu.memory_space<vmem>>, vector<1x16xf32>,
      %get3A_357 = vector.shape_cast %get3A_356 : vector<1x16xf32> to vector<16xf32>
      %swap3A_358 = arith.index_cast %add3A_338 : i32 to index
      %swap3A_359 = arith.constant 16 : index
      %swap3A_360 = tpu.vector_load %arg10[%swap3A_358, %swap3A_359] {strides = array<i32>} : memref<79x128xf32, #tpu.memory_space<vmem>>, vector<1x16xf32>,
      %swap3A_361 = vector.shape_cast %swap3A_360 : vector<1x16xf32> to vector<16xf32>
      %swap3A_362 = vector.shape_cast %get3A_357 : vector<16xf32> to vector<1x16xf32>
      tpu.vector_store %arg10[%swap3A_358, %swap3A_359], %swap3A_362 {strides = array<i32>} : memref<79x128xf32, #tpu.memory_space<vmem>>, vector<1x16xf32>,
      %mul3A_363 = arith.constant 8 : i32
      %mul3A_364 = arith.muli %mul3A_363, %add3A_338 : i32
      %add3A_365 = arith.constant 2 : i32
      %add3A_366 = arith.addi %mul3A_364, %add3A_365 : i32
      %get3A_367 = arith.index_cast %add3A_366 : i32 to index
      %get3A_368 = arith.constant 0 : index
      %get3A_369 = tpu.vector_load %arg9[%get3A_367, %get3A_368] {strides = array<i32>} : memref<632x16xf32, #tpu.memory_space<vmem>>, vector<1x16xf32>,
      %get3A_370 = vector.shape_cast %get3A_369 : vector<1x16xf32> to vector<16xf32>
      %swap3A_371 = arith.index_cast %add3A_338 : i32 to index
      %swap3A_372 = arith.constant 32 : index
      %swap3A_373 = tpu.vector_load %arg10[%swap3A_371, %swap3A_372] {strides = array<i32>} : memref<79x128xf32, #tpu.memory_space<vmem>>, vector<1x16xf32>,
      %swap3A_374 = vector.shape_cast %swap3A_373 : vector<1x16xf32> to vector<16xf32>
      %swap3A_375 = vector.shape_cast %get3A_370 : vector<16xf32> to vector<1x16xf32>
      tpu.vector_store %arg10[%swap3A_371, %swap3A_372], %swap3A_375 {strides = array<i32>} : memref<79x128xf32, #tpu.memory_space<vmem>>, vector<1x16xf32>,
      %mul3A_376 = arith.constant 8 : i32
      %mul3A_377 = arith.muli %mul3A_376, %add3A_338 : i32
      %add3A_378 = arith.constant 3 : i32
      %add3A_379 = arith.addi %mul3A_377, %add3A_378 : i32
      %get3A_380 = arith.index_cast %add3A_379 : i32 to index
      %get3A_381 = arith.constant 0 : index
      %get3A_382 = tpu.vector_load %arg9[%get3A_380, %get3A_381] {strides = array<i32>} : memref<632x16xf32, #tpu.memory_space<vmem>>, vector<1x16xf32>,
      %get3A_383 = vector.shape_cast %get3A_382 : vector<1x16xf32> to vector<16xf32>
      %swap3A_384 = arith.index_cast %add3A_338 : i32 to index
      %swap3A_385 = arith.constant 48 : index
      %swap3A_386 = tpu.vector_load %arg10[%swap3A_384, %swap3A_385] {strides = array<i32>} : memref<79x128xf32, #tpu.memory_space<vmem>>, vector<1x16xf32>,
      %swap3A_387 = vector.shape_cast %swap3A_386 : vector<1x16xf32> to vector<16xf32>
      %swap3A_388 = vector.shape_cast %get3A_383 : vector<16xf32> to vector<1x16xf32>
      tpu.vector_store %arg10[%swap3A_384, %swap3A_385], %swap3A_388 {strides = array<i32>} : memref<79x128xf32, #tpu.memory_space<vmem>>, vector<1x16xf32>,
      %mul3A_389 = arith.constant 8 : i32
      %mul3A_390 = arith.muli %mul3A_389, %add3A_338 : i32
      %add3A_391 = arith.constant 4 : i32
      %add3A_392 = arith.addi %mul3A_390, %add3A_391 : i32
      %get3A_393 = arith.index_cast %add3A_392 : i32 to index
      %get3A_394 = arith.constant 0 : index
      %get3A_395 = tpu.vector_load %arg9[%get3A_393, %get3A_394] {strides = array<i32>} : memref<632x16xf32, #tpu.memory_space<vmem>>, vector<1x16xf32>,
      %get3A_396 = vector.shape_cast %get3A_395 : vector<1x16xf32> to vector<16xf32>
      %swap3A_397 = arith.index_cast %add3A_338 : i32 to index
      %swap3A_398 = arith.constant 64 : index
      %swap3A_399 = tpu.vector_load %arg10[%swap3A_397, %swap3A_398] {strides = array<i32>} : memref<79x128xf32, #tpu.memory_space<vmem>>, vector<1x16xf32>,
      %swap3A_400 = vector.shape_cast %swap3A_399 : vector<1x16xf32> to vector<16xf32>
      %swap3A_401 = vector.shape_cast %get3A_396 : vector<16xf32> to vector<1x16xf32>
      tpu.vector_store %arg10[%swap3A_397, %swap3A_398], %swap3A_401 {strides = array<i32>} : memref<79x128xf32, #tpu.memory_space<vmem>>, vector<1x16xf32>,
      %mul3A_402 = arith.constant 8 : i32
      %mul3A_403 = arith.muli %mul3A_402, %add3A_338 : i32
      %add3A_404 = arith.constant 5 : i32
      %add3A_405 = arith.addi %mul3A_403, %add3A_404 : i32
      %get3A_406 = arith.index_cast %add3A_405 : i32 to index
      %get3A_407 = arith.constant 0 : index
      %get3A_408 = tpu.vector_load %arg9[%get3A_406, %get3A_407] {strides = array<i32>} : memref<632x16xf32, #tpu.memory_space<vmem>>, vector<1x16xf32>,
      %get3A_409 = vector.shape_cast %get3A_408 : vector<1x16xf32> to vector<16xf32>
      %swap3A_410 = arith.index_cast %add3A_338 : i32 to index
      %swap3A_411 = arith.constant 80 : index
      %swap3A_412 = tpu.vector_load %arg10[%swap3A_410, %swap3A_411] {strides = array<i32>} : memref<79x128xf32, #tpu.memory_space<vmem>>, vector<1x16xf32>,
      %swap3A_413 = vector.shape_cast %swap3A_412 : vector<1x16xf32> to vector<16xf32>
      %swap3A_414 = vector.shape_cast %get3A_409 : vector<16xf32> to vector<1x16xf32>
      tpu.vector_store %arg10[%swap3A_410, %swap3A_411], %swap3A_414 {strides = array<i32>} : memref<79x128xf32, #tpu.memory_space<vmem>>, vector<1x16xf32>,
      %mul3A_415 = arith.constant 8 : i32
      %mul3A_416 = arith.muli %mul3A_415, %add3A_338 : i32
      %add3A_417 = arith.constant 6 : i32
      %add3A_418 = arith.addi %mul3A_416, %add3A_417 : i32
      %get3A_419 = arith.index_cast %add3A_418 : i32 to index
      %get3A_420 = arith.constant 0 : index
      %get3A_421 = tpu.vector_load %arg9[%get3A_419, %get3A_420] {strides = array<i32>} : memref<632x16xf32, #tpu.memory_space<vmem>>, vector<1x16xf32>,
      %get3A_422 = vector.shape_cast %get3A_421 : vector<1x16xf32> to vector<16xf32>
      %swap3A_423 = arith.index_cast %add3A_338 : i32 to index
      %swap3A_424 = arith.constant 96 : index
      %swap3A_425 = tpu.vector_load %arg10[%swap3A_423, %swap3A_424] {strides = array<i32>} : memref<79x128xf32, #tpu.memory_space<vmem>>, vector<1x16xf32>,
      %swap3A_426 = vector.shape_cast %swap3A_425 : vector<1x16xf32> to vector<16xf32>
      %swap3A_427 = vector.shape_cast %get3A_422 : vector<16xf32> to vector<1x16xf32>
      tpu.vector_store %arg10[%swap3A_423, %swap3A_424], %swap3A_427 {strides = array<i32>} : memref<79x128xf32, #tpu.memory_space<vmem>>, vector<1x16xf32>,
      %mul3A_428 = arith.constant 8 : i32
      %mul3A_429 = arith.muli %mul3A_428, %add3A_338 : i32
      %add3A_430 = arith.constant 7 : i32
      %add3A_431 = arith.addi %mul3A_429, %add3A_430 : i32
      %get3A_432 = arith.index_cast %add3A_431 : i32 to index
      %get3A_433 = arith.constant 0 : index
      %get3A_434 = tpu.vector_load %arg9[%get3A_432, %get3A_433] {strides = array<i32>} : memref<632x16xf32, #tpu.memory_space<vmem>>, vector<1x16xf32>,
      %get3A_435 = vector.shape_cast %get3A_434 : vector<1x16xf32> to vector<16xf32>
      %swap3A_436 = arith.index_cast %add3A_338 : i32 to index
      %swap3A_437 = arith.constant 112 : index
      %swap3A_438 = tpu.vector_load %arg10[%swap3A_436, %swap3A_437] {strides = array<i32>} : memref<79x128xf32, #tpu.memory_space<vmem>>, vector<1x16xf32>,
      %swap3A_439 = vector.shape_cast %swap3A_438 : vector<1x16xf32> to vector<16xf32>
      %swap3A_440 = vector.shape_cast %get3A_435 : vector<16xf32> to vector<1x16xf32>
      tpu.vector_store %arg10[%swap3A_436, %swap3A_437], %swap3A_440 {strides = array<i32>} : memref<79x128xf32, #tpu.memory_space<vmem>>, vector<1x16xf32>,
    }
    %scan3A_333 = arith.constant 79 : i32
    "tpu.region"() ({
      %run_scoped3A = tpu.sem_alloc : memref<!tpu.dma_semaphore, #tpu.memory_space<semaphore_mem>>
      %dma_start3A_334 = arith.constant 0 : i32
      %dma_start3A_335 = tpu.memref_slice %arg5[%arg0, %mul3A_4, %dma_start3A_334] : memref<2x1264x128xf32, #tpu.memory_space<hbm>> -> memref<1x79x128xf32, #tpu.memory_space<hbm>>
      %dma_start3A_336 = tpu.memref_squeeze %dma_start3A_335 : memref<1x79x128xf32, #tpu.memory_space<hbm>> -> memref<79x128xf32, #tpu.memory_space<hbm>>
      %dma_start3A_337 = arith.constant 0 : i32
      %dma_start3A_338 = tpu.memref_slice %arg5[%arg0, %mul3A_4, %dma_start3A_337] : memref<2x1264x128xf32, #tpu.memory_space<hbm>> -> memref<1x79x128xf32, #tpu.memory_space<hbm>>
      %dma_start3A_339 = tpu.memref_squeeze %dma_start3A_338 : memref<1x79x128xf32, #tpu.memory_space<hbm>> -> memref<79x128xf32, #tpu.memory_space<hbm>>
      tpu.enqueue_dma source(%arg10 : memref<79x128xf32, #tpu.memory_space<vmem>>) target(%dma_start3A_339 : memref<79x128xf32, #tpu.memory_space<hbm>>) target_semaphore(%run_scoped3A : memref<!tpu.dma_semaphore, #tpu.memory_space<semaphore_mem>>)
      %dma_wait3A_340 = arith.constant 0 : i32
      %dma_wait3A_341 = tpu.memref_slice %arg5[%arg0, %mul3A_4, %dma_wait3A_340] : memref<2x1264x128xf32, #tpu.memory_space<hbm>> -> memref<1x79x128xf32, #tpu.memory_space<hbm>>
      %dma_wait3A_342 = tpu.memref_squeeze %dma_wait3A_341 : memref<1x79x128xf32, #tpu.memory_space<hbm>> -> memref<79x128xf32, #tpu.memory_space<hbm>>
      %dma_wait3A_343 = arith.constant 0 : i32
      %dma_wait3A_344 = tpu.memref_slice %arg5[%arg0, %mul3A_4, %dma_wait3A_343] : memref<2x1264x128xf32, #tpu.memory_space<hbm>> -> memref<1x79x128xf32, #tpu.memory_space<hbm>>
      %dma_wait3A_345 = tpu.memref_squeeze %dma_wait3A_344 : memref<1x79x128xf32, #tpu.memory_space<hbm>> -> memref<79x128xf32, #tpu.memory_space<hbm>>
      tpu.wait_dma2 semaphore(%run_scoped3A : memref<!tpu.dma_semaphore, #tpu.memory_space<semaphore_mem>>) src(%arg10 : memref<79x128xf32, #tpu.memory_space<vmem>>) dst(%dma_wait3A_345 : memref<79x128xf32, #tpu.memory_space<hbm>>)
      tpu.yield
    }) : () -> ()
    return
  }
}

module attributes {stable_mosaic.version = 14 : i64} {
  func.func @_tc_mm_body(%arg0: memref<1264x1024xf32, #tpu.memory_space<vmem>>, %arg1: memref<1024x128xf32, #tpu.memory_space<vmem>>, %arg2: memref<1264x128xf32, #tpu.memory_space<vmem>>) attributes {dimension_semantics = [], scalar_prefetch = 0 : i64, scratch_operands = 0 : i64, tpu.core_type = #tpu.core_type<tc>} {
    %get3A = arith.constant 0 : index
    %get3A_0 = arith.constant 0 : index
    %get3A_1 = vector.load %arg0[%get3A, %get3A_0] : memref<1264x1024xf32, #tpu.memory_space<vmem>>, vector<1264x1024xf32>
    %get3A_2 = arith.constant 0 : index
    %get3A_3 = arith.constant 0 : index
    %get3A_4 = vector.load %arg1[%get3A_2, %get3A_3] : memref<1024x128xf32, #tpu.memory_space<vmem>>, vector<1024x128xf32>
    %dot_general3A = arith.constant dense<0.000000e+00> : vector<1264x128xf32>
    %dot_general3A_5 = tpu.matmul %get3A_1, %get3A_4, %dot_general3A {dimension_numbers = #tpu.dot_dimension_numbers<[1], [0], [0], [1], [0, 0, 1, 1], [], []>, transpose_lhs_hint = false} : vector<1264x1024xf32>, vector<1024x128xf32>, vector<1264x128xf32> -> vector<1264x128xf32>
    %swap3A = arith.constant 0 : index
    %swap3A_6 = arith.constant 0 : index
    %swap3A_7 = vector.load %arg2[%swap3A, %swap3A_6] : memref<1264x128xf32, #tpu.memory_space<vmem>>, vector<1264x128xf32>
    tpu.vector_store %arg2[%swap3A, %swap3A_6], %dot_general3A_5 {strides = array<i32>} : memref<1264x128xf32, #tpu.memory_space<vmem>>, vector<1264x128xf32>,
    return
  }
}

module attributes {stable_mosaic.version = 14 : i64} {
  func.func @_tc_scale_body(%arg0: memref<1264x128xf32, #tpu.memory_space<vmem>>, %arg1: memref<2x2x1264x128xf32, #tpu.memory_space<vmem>>, %arg2: memref<1264x128xf32, #tpu.memory_space<vmem>>) attributes {dimension_semantics = [], scalar_prefetch = 0 : i64, scratch_operands = 0 : i64, tpu.core_type = #tpu.core_type<tc>} {
    %get3A = arith.constant 0 : index
    %get3A_0 = arith.constant 0 : index
    %get3A_1 = arith.constant 0 : index
    %get3A_2 = arith.constant 0 : index
    %get3A_3 = vector.load %arg1[%get3A, %get3A_0, %get3A_1, %get3A_2] : memref<2x2x1264x128xf32, #tpu.memory_space<vmem>>, vector<2x2x1264x128xf32>
    %slice3A = vector.extract_strided_slice %get3A_3 {offsets = [0, 0, 0, 0], sizes = [1, 1, 1264, 128], strides = [1, 1, 1, 1]} : vector<2x2x1264x128xf32> to vector<1x1x1264x128xf32>
    %squeeze3A = vector.shape_cast %slice3A : vector<1x1x1264x128xf32> to vector<1264x128xf32>
    %slice3A_4 = vector.extract_strided_slice %get3A_3 {offsets = [1, 0, 0, 0], sizes = [1, 1, 1264, 128], strides = [1, 1, 1, 1]} : vector<2x2x1264x128xf32> to vector<1x1x1264x128xf32>
    %squeeze3A_5 = vector.shape_cast %slice3A_4 : vector<1x1x1264x128xf32> to vector<1264x128xf32>
    %add3A = arith.addf %squeeze3A, %squeeze3A_5 : vector<1264x128xf32>
    %max3A = arith.constant 1.000000e+00 : f32
    %max3A_6 = vector.broadcast %max3A : f32 to vector<1264x128xf32>
    %max3A_7 = arith.maximumf %add3A, %max3A_6 : vector<1264x128xf32>
    %rsqrt3A = math.rsqrt %max3A_7 : vector<1264x128xf32>
    %get3A_8 = arith.constant 0 : index
    %get3A_9 = arith.constant 0 : index
    %get3A_10 = vector.load %arg0[%get3A_8, %get3A_9] : memref<1264x128xf32, #tpu.memory_space<vmem>>, vector<1264x128xf32>
    %mul3A = arith.mulf %get3A_10, %rsqrt3A : vector<1264x128xf32>
    %swap3A = arith.constant 0 : index
    %swap3A_11 = arith.constant 0 : index
    %swap3A_12 = vector.load %arg2[%swap3A, %swap3A_11] : memref<1264x128xf32, #tpu.memory_space<vmem>>, vector<1264x128xf32>
    tpu.vector_store %arg2[%swap3A, %swap3A_11], %mul3A {strides = array<i32>} : memref<1264x128xf32, #tpu.memory_space<vmem>>, vector<1264x128xf32>,
    return
  }
}

module attributes {stable_mosaic.version = 14 : i64} {
  func.func @_tc2_body(%arg0: memref<2x1264x128xf32, #tpu.memory_space<vmem>>, %arg1: memref<2x2x1264x128xf32, #tpu.memory_space<vmem>>, %arg2: memref<1x128xf32, #tpu.memory_space<vmem>>, %arg3: memref<1264x128xf32, #tpu.memory_space<vmem>>) attributes {dimension_semantics = [], scalar_prefetch = 0 : i64, scratch_operands = 0 : i64, tpu.core_type = #tpu.core_type<tc>} {
    %get3A = arith.constant 0 : index
    %get3A_0 = arith.constant 0 : index
    %get3A_1 = arith.constant 0 : index
    %get3A_2 = arith.constant 0 : index
    %get3A_3 = vector.load %arg1[%get3A, %get3A_0, %get3A_1, %get3A_2] : memref<2x2x1264x128xf32, #tpu.memory_space<vmem>>, vector<2x2x1264x128xf32>
    %slice3A = vector.extract_strided_slice %get3A_3 {offsets = [0, 0, 0, 0], sizes = [1, 1, 1264, 128], strides = [1, 1, 1, 1]} : vector<2x2x1264x128xf32> to vector<1x1x1264x128xf32>
    %squeeze3A = vector.shape_cast %slice3A : vector<1x1x1264x128xf32> to vector<1264x128xf32>
    %slice3A_4 = vector.extract_strided_slice %get3A_3 {offsets = [1, 0, 0, 0], sizes = [1, 1, 1264, 128], strides = [1, 1, 1, 1]} : vector<2x2x1264x128xf32> to vector<1x1x1264x128xf32>
    %squeeze3A_5 = vector.shape_cast %slice3A_4 : vector<1x1x1264x128xf32> to vector<1264x128xf32>
    %add3A = arith.addf %squeeze3A, %squeeze3A_5 : vector<1264x128xf32>
    %max3A = arith.constant 1.000000e+00 : f32
    %max3A_6 = vector.broadcast %max3A : f32 to vector<1264x128xf32>
    %max3A_7 = arith.maximumf %add3A, %max3A_6 : vector<1264x128xf32>
    %rsqrt3A = math.rsqrt %max3A_7 : vector<1264x128xf32>
    %slice3A_8 = vector.extract_strided_slice %get3A_3 {offsets = [0, 1, 0, 0], sizes = [1, 1, 1264, 128], strides = [1, 1, 1, 1]} : vector<2x2x1264x128xf32> to vector<1x1x1264x128xf32>
    %squeeze3A_9 = vector.shape_cast %slice3A_8 : vector<1x1x1264x128xf32> to vector<1264x128xf32>
    %slice3A_10 = vector.extract_strided_slice %get3A_3 {offsets = [1, 1, 0, 0], sizes = [1, 1, 1264, 128], strides = [1, 1, 1, 1]} : vector<2x2x1264x128xf32> to vector<1x1x1264x128xf32>
    %squeeze3A_11 = vector.shape_cast %slice3A_10 : vector<1x1x1264x128xf32> to vector<1264x128xf32>
    %add3A_12 = arith.addf %squeeze3A_9, %squeeze3A_11 : vector<1264x128xf32>
    %max3A_13 = arith.constant 1.000000e+00 : f32
    %max3A_14 = vector.broadcast %max3A_13 : f32 to vector<1264x128xf32>
    %max3A_15 = arith.maximumf %add3A_12, %max3A_14 : vector<1264x128xf32>
    %rsqrt3A_16 = math.rsqrt %max3A_15 : vector<1264x128xf32>
    %get3A_17 = arith.constant 0 : index
    %get3A_18 = arith.constant 0 : index
    %get3A_19 = arith.constant 0 : index
    %get3A_20 = vector.load %arg0[%get3A_17, %get3A_18, %get3A_19] : memref<2x1264x128xf32, #tpu.memory_space<vmem>>, vector<2x1264x128xf32>
    %slice3A_21 = vector.extract_strided_slice %get3A_20 {offsets = [0, 0, 0], sizes = [1, 1264, 128], strides = [1, 1, 1]} : vector<2x1264x128xf32> to vector<1x1264x128xf32>
    %squeeze3A_22 = vector.shape_cast %slice3A_21 : vector<1x1264x128xf32> to vector<1264x128xf32>
    %slice3A_23 = vector.extract_strided_slice %get3A_20 {offsets = [1, 0, 0], sizes = [1, 1264, 128], strides = [1, 1, 1]} : vector<2x1264x128xf32> to vector<1x1264x128xf32>
    %squeeze3A_24 = vector.shape_cast %slice3A_23 : vector<1x1264x128xf32> to vector<1264x128xf32>
    %add3A_25 = arith.addf %squeeze3A_22, %squeeze3A_24 : vector<1264x128xf32>
    %mul3A = arith.mulf %add3A_25, %rsqrt3A_16 : vector<1264x128xf32>
    %get3A_26 = arith.constant 0 : index
    %get3A_27 = arith.constant 0 : index
    %get3A_28 = vector.load %arg2[%get3A_26, %get3A_27] : memref<1x128xf32, #tpu.memory_space<vmem>>, vector<1x128xf32>
    %add3A_29 = vector.broadcast %get3A_28 : vector<1x128xf32> to vector<1264x128xf32>
    %add3A_30 = arith.addf %mul3A, %add3A_29 : vector<1264x128xf32>
    %max3A_31 = arith.constant 0.000000e+00 : f32
    %max3A_32 = vector.broadcast %max3A_31 : f32 to vector<1264x128xf32>
    %max3A_33 = arith.maximumf %add3A_30, %max3A_32 : vector<1264x128xf32>
    %mul3A_34 = arith.mulf %max3A_33, %rsqrt3A : vector<1264x128xf32>
    %swap3A = arith.constant 0 : index
    %swap3A_35 = arith.constant 0 : index
    %swap3A_36 = vector.load %arg3[%swap3A, %swap3A_35] : memref<1264x128xf32, #tpu.memory_space<vmem>>, vector<1264x128xf32>
    tpu.vector_store %arg3[%swap3A, %swap3A_35], %mul3A_34 {strides = array<i32>} : memref<1264x128xf32, #tpu.memory_space<vmem>>, vector<1264x128xf32>,
    return
  }
}

module attributes {stable_mosaic.version = 14 : i64} {
  func.func @_tc3_body(%arg0: memref<2x1264x128xf32, #tpu.memory_space<vmem>>, %arg1: memref<2x2x1264x128xf32, #tpu.memory_space<vmem>>, %arg2: memref<128x320xf32, #tpu.memory_space<vmem>>, %arg3: memref<1x320xf32, #tpu.memory_space<vmem>>, %arg4: memref<1264x320xf32, #tpu.memory_space<vmem>>) attributes {dimension_semantics = [], scalar_prefetch = 0 : i64, scratch_operands = 0 : i64, tpu.core_type = #tpu.core_type<tc>} {
    %get3A = arith.constant 0 : index
    %get3A_0 = arith.constant 0 : index
    %get3A_1 = arith.constant 0 : index
    %get3A_2 = arith.constant 0 : index
    %get3A_3 = vector.load %arg1[%get3A, %get3A_0, %get3A_1, %get3A_2] : memref<2x2x1264x128xf32, #tpu.memory_space<vmem>>, vector<2x2x1264x128xf32>
    %slice3A = vector.extract_strided_slice %get3A_3 {offsets = [0, 1, 0, 0], sizes = [1, 1, 1264, 128], strides = [1, 1, 1, 1]} : vector<2x2x1264x128xf32> to vector<1x1x1264x128xf32>
    %squeeze3A = vector.shape_cast %slice3A : vector<1x1x1264x128xf32> to vector<1264x128xf32>
    %slice3A_4 = vector.extract_strided_slice %get3A_3 {offsets = [1, 1, 0, 0], sizes = [1, 1, 1264, 128], strides = [1, 1, 1, 1]} : vector<2x2x1264x128xf32> to vector<1x1x1264x128xf32>
    %squeeze3A_5 = vector.shape_cast %slice3A_4 : vector<1x1x1264x128xf32> to vector<1264x128xf32>
    %add3A = arith.addf %squeeze3A, %squeeze3A_5 : vector<1264x128xf32>
    %max3A = arith.constant 1.000000e+00 : f32
    %max3A_6 = vector.broadcast %max3A : f32 to vector<1264x128xf32>
    %max3A_7 = arith.maximumf %add3A, %max3A_6 : vector<1264x128xf32>
    %rsqrt3A = math.rsqrt %max3A_7 : vector<1264x128xf32>
    %get3A_8 = arith.constant 0 : index
    %get3A_9 = arith.constant 0 : index
    %get3A_10 = arith.constant 0 : index
    %get3A_11 = vector.load %arg0[%get3A_8, %get3A_9, %get3A_10] : memref<2x1264x128xf32, #tpu.memory_space<vmem>>, vector<2x1264x128xf32>
    %slice3A_12 = vector.extract_strided_slice %get3A_11 {offsets = [0, 0, 0], sizes = [1, 1264, 128], strides = [1, 1, 1]} : vector<2x1264x128xf32> to vector<1x1264x128xf32>
    %squeeze3A_13 = vector.shape_cast %slice3A_12 : vector<1x1264x128xf32> to vector<1264x128xf32>
    %slice3A_14 = vector.extract_strided_slice %get3A_11 {offsets = [1, 0, 0], sizes = [1, 1264, 128], strides = [1, 1, 1]} : vector<2x1264x128xf32> to vector<1x1264x128xf32>
    %squeeze3A_15 = vector.shape_cast %slice3A_14 : vector<1x1264x128xf32> to vector<1264x128xf32>
    %add3A_16 = arith.addf %squeeze3A_13, %squeeze3A_15 : vector<1264x128xf32>
    %mul3A = arith.mulf %add3A_16, %rsqrt3A : vector<1264x128xf32>
    %get3A_17 = arith.constant 0 : index
    %get3A_18 = arith.constant 0 : index
    %get3A_19 = vector.load %arg2[%get3A_17, %get3A_18] : memref<128x320xf32, #tpu.memory_space<vmem>>, vector<128x320xf32>
    %dot_general3A = arith.constant dense<0.000000e+00> : vector<1264x320xf32>
    %dot_general3A_20 = tpu.matmul %mul3A, %get3A_19, %dot_general3A {dimension_numbers = #tpu.dot_dimension_numbers<[1], [0], [0], [1], [0, 0, 1, 1], [], []>, transpose_lhs_hint = false} : vector<1264x128xf32>, vector<128x320xf32>, vector<1264x320xf32> -> vector<1264x320xf32>
    %get3A_21 = arith.constant 0 : index
    %get3A_22 = arith.constant 0 : index
    %get3A_23 = vector.load %arg3[%get3A_21, %get3A_22] : memref<1x320xf32, #tpu.memory_space<vmem>>, vector<1x320xf32>
    %add3A_24 = vector.broadcast %get3A_23 : vector<1x320xf32> to vector<1264x320xf32>
    %add3A_25 = arith.addf %dot_general3A_20, %add3A_24 : vector<1264x320xf32>
    %swap3A = arith.constant 0 : index
    %swap3A_26 = arith.constant 0 : index
    %swap3A_27 = vector.load %arg4[%swap3A, %swap3A_26] : memref<1264x320xf32, #tpu.memory_space<vmem>>, vector<1264x320xf32>
    tpu.vector_store %arg4[%swap3A, %swap3A_26], %add3A_25 {strides = array<i32>} : memref<1264x320xf32, #tpu.memory_space<vmem>>, vector<1264x320xf32>,
    return
  }
}

</mosaic_0001>

<sc_bundles>
// kernel: kernel.12.cloned.1.call-start
scs
__scs_entry_jumppad:
0x0: {  	(pc) =	sbr.rel $0x88, $3  }
0x1: {  	(tag) =	ssettag $0x0;
	lr =	simm.s32 $0x1  }
0x2: {  	[smem:$0x3F9B] =	sst lr;
	_ =	strace $0xD0000000  }
0x3: {  	_ = 	snop  }
0x4: {  	_ = 	snop  }
0x5: {  	_ = 	snop  }
0x6: {  	_ = 	snop  }
0x7: {  	_ = 	snop  }
__scs_overlays_trampoline_lowered:
0x8: {  	[smem:$0x3FAA] =	sst s0  }
0x9: {  	[smem:$0x3FAB] =	sst s1  }
0xa: {  	[smem:$0x3FAC] =	sst s2  }
0xb: {  	[smem:$0x3FAD] =	sst s3  }
0xc: {  	[smem:$0x3FAE] =	sst s4  }
0xd: {  	[smem:$0x3FAF] =	sst s5  }
0xe: {  	[smem:$0x3FB0] =	sst s6  }
0xf: {  	[smem:$0x3FB1] =	sst s7  }
0x10: {  	[smem:$0x3FB2] =	sst s8  }
0x11: {  	[smem:$0x3FB3] =	sst s9;
	s0 =	simm.s32 @!p0 $0x0  }
0x12: {  	s1 =	sld [smem:$0x3F99];
	s0 =	simm.s32 @p0 $0x1  }
0x13: {  	[smem:$0x3FB4] =	sst s0;
	s0 =	simm.s32 @!p1 $0x0  }
0x14: {  	s2 =	sld [smem:$0x3F98];
	s0 =	simm.s32 @p1 $0x1  }
0x15: {  	[smem:$0x3FB5] =	sst s0;
	s0 =	simm.s32 @!p2 $0x0  }
0x16: {  	s3 =	sld [smem:$0x3FDB];
	s0 =	simm.s32 @p2 $0x1  }
0x17: {  	s4 =	simm.s32 $0x1BF5;
	[smem:$0x3FB7] =	sst s0  }
0x18: {  	s0 =	sld [smem:$0x3F9A];
	_ =	swait.ge [sflag:s4], $0x0  }
0x19: {  	s7 =	sld [smem:$0x3F9B]  }
0x1a: {  	s8 =	sadd.s32 $0xFFFFE003, lr  }
0x1b: {  	s9 =	sadd.s32 $0xFFFFFEF7, lr;
	s5 =	simm.s32 $0xFFFFFFFF;
	p2 =	slt.u32 s8, $0xFFFFF086  }
0x1c: {  	p1 =	slt.u32 s9, $0xF7A;
	s5 =	simm.s32 @!p2 $0x0  }
0x1d: {  	s5 =	simm.s32 @p1 $0x1;
	p0 =	seq.s32 s7, s2  }
0x1e: {  	s7 =	smul.u32 @!p0 $0xF7A, s2;
	p2 =	seq.s32 @!p0 s5, $0x0  }
0x1f: {  	s9 =	smul.u32 $0xF7A, s1;
	s8 =	simm.s32 @!p0 $0x1BF5;
	p2 =	por !p2, p0  }
0x20: {  	[sflag:s8] =	ssyncset.s32 @!p0 $0xFFFFF086;
	s6 =	sadd.s32 @!p0 s3, s7;
	s7 =	simm.s32 @!p0 $0x108  }
0x21: {  	s3 =	sadd.s32 s3, s9;
	s6 =	sadd.s32 @!p0 $0x88, s6;
	s7 =	simm.s32 @p2 $0x1082  }
0x22: {  	[simem:s7], [sflag:s8] =	dma.local @!p0 [hbm:s6], $0xF7A  }
0x23: {  	s9 =	sor.u32 $0xD0000000, s2;
	s6 =	simm.s32 $0x108;
	_ =	swait.ge @!p0 [sflag:s8], $0x0  }
0x24: {  	s3 =	sadd.s32 $0x88, s3;
	s6 =	simm.s32 @!p1 $0x1082;
	[sflag:s4] =	ssyncset.s32 $0xFFFFF086  }
0x25: {  	[simem:s6], [sflag:s4] =	dma.local [hbm:s3], $0xF7A  }
0x26: {  	[smem:$0x3F9B] =	sst s1;
	(tag) =	ssettag s2;
	_ =	strace s9  }
0x27: {  	s1 =	sld [smem:$0x3FAB]  }
0x28: {  	s2 =	sld [smem:$0x3FAC]  }
0x29: {  	s4 =	sld [smem:$0x3FAE]  }
0x2a: {  	p0 =	seq.s32 s5, $0x0;
	s5 =	sld [smem:$0x3FAF]  }
0x2b: {  	s6 =	sld [smem:$0x3FB0]  }
0x2c: {  	s7 =	sld [smem:$0x3FB1]  }
0x2d: {  	s3 =	simm.s32 $0x108;
	s8 =	sld [smem:$0x3FB2]  }
0x2e: {  	s3 =	simm.s32 @!p0 $0x1082;
	s9 =	sld [smem:$0x3FB3]  }
0x2f: {  	lr =	sadd.s32 s0, s3;
	s0 =	sld [smem:$0x3FAA]  }
0x30: {  	s3 =	sld [smem:$0x3FAD]  }
0x31: {  	[smem:$0x3FB6] =	sst s10  }
0x32: {  	s10 =	sld [smem:$0x3FB4];
	_ =	sdelay $0x3  }
0x33: {  	p0 =	seq.s32 s10, $0x1;
	s10 =	sld [smem:$0x3FB6];
	_ =	sdelay $0x3  }
0x34: {  	[smem:$0x3FB6] =	sst s10  }
0x35: {  	s10 =	sld [smem:$0x3FB5];
	_ =	sdelay $0x3  }
0x36: {  	p1 =	seq.s32 s10, $0x1;
	s10 =	sld [smem:$0x3FB6];
	_ =	sdelay $0x3  }
0x37: {  	[smem:$0x3FB6] =	sst s10  }
0x38: {  	s10 =	sld [smem:$0x3FB7]  }
0x39: {  	_ = 	snop;
	(pc) =	sbr.ind lr, $3  }
0x3a: {  	_ = 	snop  }
0x3b: {  	_ = 	snop  }
0x3c: {  	p2 =	seq.s32 s10, $0x1;
	s10 =	sld [smem:$0x3FB6]  }
0x3d: {  	_ =	shalt  }
0x3e: {  	_ =	shalt  }
0x3f: {  	_ =	shalt  }
0x40: {  	_ =	shalt  }
0x41: {  	_ =	shalt  }
0x42: {  	_ =	shalt  }
0x43: {  	_ =	shalt  }
0x44: {  	_ =	shalt  }
0x45: {  	_ =	shalt  }
0x46: {  	_ =	shalt  }
0x47: {  	_ =	shalt  }
0x48: {  	_ =	shalt  }
0x49: {  	_ =	shalt  }
0x4a: {  	_ =	shalt  }
0x4b: {  	_ =	shalt  }
0x4c: {  	_ =	shalt  }
0x4d: {  	_ =	shalt  }
0x4e: {  	_ =	shalt  }
0x4f: {  	_ =	shalt  }
0x50: {  	_ =	shalt  }
0x51: {  	_ =	shalt  }
0x52: {  	_ =	shalt  }
0x53: {  	_ =	shalt  }
0x54: {  	_ =	shalt  }
0x55: {  	_ =	shalt  }
0x56: {  	_ =	shalt  }
0x57: {  	_ =	shalt  }
0x58: {  	_ =	shalt  }
0x59: {  	_ =	shalt  }
0x5a: {  	_ =	shalt  }
0x5b: {  	_ =	shalt  }
0x5c: {  	_ =	shalt  }
0x5d: {  	_ =	shalt  }
0x5e: {  	_ =	shalt  }
0x5f: {  	_ =	shalt  }
0x60: {  	_ =	shalt  }
0x61: {  	_ =	shalt  }
0x62: {  	_ =	shalt  }
0x63: {  	_ =	shalt  }
0x64: {  	_ =	shalt  }
0x65: {  	_ =	shalt  }
0x66: {  	_ =	shalt  }
0x67: {  	_ =	shalt  }
0x68: {  	_ =	shalt  }
0x69: {  	_ =	shalt  }
0x6a: {  	_ =	shalt  }
0x6b: {  	_ =	shalt  }
0x6c: {  	_ =	shalt  }
0x6d: {  	_ =	shalt  }
0x6e: {  	_ =	shalt  }
0x6f: {  	_ =	shalt  }
0x70: {  	_ =	shalt  }
0x71: {  	_ =	shalt  }
0x72: {  	_ =	shalt  }
0x73: {  	_ =	shalt  }
0x74: {  	_ =	shalt  }
0x75: {  	_ =	shalt  }
0x76: {  	_ =	shalt  }
0x77: {  	_ =	shalt  }
0x78: {  	_ =	shalt  }
0x79: {  	_ =	shalt  }
0x7a: {  	_ =	shalt  }
0x7b: {  	_ =	shalt  }
0x7c: {  	_ =	shalt  }
0x7d: {  	_ =	shalt  }
0x7e: {  	_ =	shalt  }
0x7f: {  	_ =	shalt  }
0x80: {  	_ =	shalt  }
0x81: {  	_ =	shalt  }
0x82: {  	_ =	shalt  }
0x83: {  	_ =	shalt  }
0x84: {  	_ =	shalt  }
0x85: {  	_ =	shalt  }
0x86: {  	_ =	shalt  }
0x87: {  	_ =	shalt  }
.Lfunc_end0:
.L_simem_size_0:
called_computation.1_lowered:
.L_overlay_start_0:
0x88: {  	s2 =	sld [smem:$0x3FD9]  }
0x89: {  	s3 =	sld [smem:$0x3FFE];
	_ =	sdelay $0x1  }
0x8a: {  	s1 =	srdreg.scid  }
0x8b: {  	s0 =	sand.u32 $0x1, s1  }
0x8c: {  	s17 =	sshll.u32 s0, $0xA;
	s2 =	sadd.s32 s3, s2  }
0x8d: {  	s2 =	sadd.s32 s2, s17  }
0x8e: {  	[smem:$0x3FC2] =	sst s2  }
0x8f: {  	_ = 	snop  }
0x90: {  	s2 =	sld [smem:$0x3FD0];
	(tm) =	ssettm $0x1  }
0x91: {  	s18 =	sld [smem:$0x3FFB];
	_ =	sdelay $0x3  }
0x92: {  	_ =	strace s18  }
0x93: {  	s3 =	sld [smem:$0x3FFC];
	_ =	sdelay $0x3  }
0x94: {  	_ =	strace s3  }
0x95: {  	s3 =	sld [smem:$0x3FFD];
	_ =	sdelay $0x3  }
0x96: {  	_ =	strace s3  }
0x97: {  	_ =	strace $0x8FFFFFFF  }
0x98: {  	s19 =	sld [smem:$0x3FDB];
	_ =	sdelay $0x1  }
0x99: {  	s4 =	simm.s32 $_scs_section_size  }
0x9a: {  	s5 =	simm.s32 $_size__tile_overlayer_lowered;
	s6 =	simm.s32 $_tile_overlayer_lowered  }
0x9b: {  	s22 =	simm.s32 $0x1BFF;
	s21 =	sshll.u32 s6, $0x1;
	s3 =	sadd.s32 s4, s19  }
0x9c: {  	s7 =	simm.s32 $0x0;
	s20 =	sshll.u32 s5, $0x1;
	s5 =	sadd.s32 s21, s3  }
0x9d: {  	[timem:s7], [sflag:s22] =	dma.local [hbm:s5], s20  }
0x9e: {  	_ =	swait.ge [sflag:s22], s20  }
0x9f: {  	s4 =	ssub.s32 $0x0, s20;
	[sflag:s22] =	ssyncset.done $0x0  }
0xa0: {  	[sflag:s22] =	ssyncadd.s32 s4;
	_ =	sdelay $0x1  }
0xa1: {  	s23 =	simm.s32 $0x1B8B  }
0xa2: {  	_ =	swait.ge [sflag:s23], $0x1  }
0xa3: {  	[sflag:s23] =	ssyncset.done $0x0  }
0xa4: {  	s25 =	simm.s32 $0x1B8E;
	s24 =	sld [smem:$0x3FFE];
	[sflag:s23] =	ssyncadd.s32 $0xFFFFFFFF  }
0xa5: {  	s26 =	simm.s32 $execute0_lowered;
	[smem:$0x3FD2] =	sst s25  }
0xa6: {  	s5 =	sshll.u32 s26, $0x1;
	_ =	strace $0x80000049;
	[dreg:$0x1] =	wrdreg $0xFFFFFFFF  }
0xa7: {  	s28 =	simm.s32 $_size_execute0_lowered;
	s3 =	sadd.s32 s3, s5;
	[dreg:$0x0] =	wrdreg $0x0  }
0xa8: {  	s5 =	sshll.u32 s28, $0x1;
	[dreg:$0x2] =	wrdreg s3  }
0xa9: {  	[dreg:$0x3] =	wrdreg s5  }
0xaa: {  	[dreg:$0x4] =	wrdreg $0xC0  }
0xab: {  	_ =	task [dreg:s7], $0x5FFFF  }
0xac: {  	[dreg:$0x1] =	wrdreg $0xFFFFFFFF  }
0xad: {  	[dreg:$0x0] =	wrdreg $0x60  }
0xae: {  	[dreg:$0x2] =	wrdreg s24  }
0xaf: {  	[dreg:$0x3] =	wrdreg s2  }
0xb0: {  	[dreg:$0x4] =	wrdreg $0x106800  }
0xb1: {  	[dreg:$0x5] =	wrdreg $0xDF000  }
0xb2: {  	[dreg:$0x6] =	wrdreg $0x9  }
0xb3: {  	_ =	task.clear_ibuf [dreg:s7], $0x7FFFF;
	_ =	strace $0x90000049  }
0xb4: {  	s29 =	simm.s32 $0x9;
	_ =	strace $0x8000004B  }
0xb5: {  	_ =	swait.ge [sflag:s29], $0x1  }
0xb6: {  	[sflag:s29] =	ssyncadd.s32 $0xFFFFFFFF  }
0xb7: {  	_ =	strace $0x9000004B  }
0xb8: {  	_ =	sfence  }
0xb9: {  	s30 =	sld [smem:$0x0];
	_ =	sdelay $0x2  }
0xba: {  	s31 =	sshll.u32 s1, $0xD;
	s1 =	sshrl.u32 s1, $0x2  }
0xbb: {  	s3 =	sand.u32 $0x4000, s31;
	s1 =	sadd.s32 s1, s30  }
0xbc: {  	s0 =	sor.u32 s3, s0;
	s1 =	sshll.u32 s1, $0x11  }
0xbd: {  	s0 =	sor.u32 s1, s0  }
0xbe: {  	s0 =	sadd.s32 $0x8F2B, s0  }
0xbf: {  	[sflag:s0] =	ssyncadd.remote.s32 $0x1  }
0xc0: {  	_ =	sfence.sel $0xFFFF  }
0xc1: {  	[dreg:$0x0] =	wrdreg $0xFFFFFFFF;
	(pc) =	sbr.abs _section_cstart, $3  }
0xc2: {  	[dreg:$0x1] =	wrdreg $0xFFFFFFFF  }
0xc3: {  	_ =	task.clear_ibuf [dreg:s7], $0x2FFFF;
	_ =	strace $0x9FFFFFFF  }
0xc4: {  	(tm) =	ssettm $0x7FFFFFFF  }
0xc5: {  	_ =	shalt  }
tec
execute0_lowered:
.L_overlay_start_1:
0x0: {  	(tag) =	ssettag $0x1  }
0x1: {  	s0 =	rddreg [dreg:$0x0]  }
0x2: {  	s4 =	rddreg [dreg:$0x1]  }
0x3: {  	s1 =	srdreg.scid;
	s2 =	rddreg [dreg:$0x2]  }
0x4: {  	s9 =	stileid.u32;
	s3 =	rddreg [dreg:$0x3];
	s19 =	simm.s32 $0x0  }
0x5: {  	s21 =	simm.s32 $0xB780;
	s23 =	simm.s32 $0x80;
	s24 =	simm.s32 $0x5000  }
0x6: {  	s25 =	simm.s32 $0x5800;
	s28 =	simm.s32 $0x6000;
	s30 =	simm.s32 $0x6800  }
0x7: {  	s29 =	simm.s32 $0x8000;
	s26 =	simm.s32 $0x1;
	s31 =	simm.s32 $0x2  }
0x8: {  	s22 =	simm.s32 $0x0;
	s1 =	sand.u32 $0x1, s1;
	[smem:$0x7FF] =	sst s19  }
0x9: {  	s6 =	smul.u32 $0x2780, s9;
	s13 =	sshll.u32 s9, $0x6;
	s5 =	sshll.u32 s1, $0x4  }
0xa: {  	_ =	strace $0x8000004A;
	s8 =	ssub.s32 $0x2, s1;
	s1 =	smul.u32 $0x27800, s1  }
0xb: {  	[dreg:$0xf] =	wrdreg s22;
	s5 =	sor.u32 s9, s5;
	s7 =	sshrl.u32 s6, $0x3  }
0xc: {  	s10 =	sshrl.u32 s8, $0x1;
	s12 =	sadd.s32 s6, s2;
	s17 =	sadd.s32 s6, s3  }
0xd: {  	s9 =	simm.s32 $0x7;
	s5 =	smul.u32 $0x2800, s5;
	[dreg:$0xb] =	wrdreg s17  }
0xe: {  	s15 =	sadd.s32 s6, s1;
	[dreg:$0x6] =	wrdreg s12;
	s20 =	sshrl.u32 s12, $0x3  }
0xf: {  	s1 =	simm.s32 $0x7000;
	s12 =	simm.s32 $0xB;
	s6 =	simm.s32 $0xE  }
0x10: {  	s17 =	simm.s32 $0xF;
	[dreg:$0xe] =	wrdreg s20;
	s5 =	sshrl.u32 s5, $0x3  }
0x11: {  	s20 =	simm.s32 $0x10;
	s5 =	sadd.s32 s5, s0;
	s0 =	sadd.s32 s7, s0  }
0x12: {  	s7 =	ssub.s32 s8, s10;
	s8 =	simm.s32 $0x6;
	s11 =	sadd.s32 $0x2A00, s0  }
0x13: {  	s10 =	simm.s32 $0x8;
	s0 =	sadd.s32 $0x16400, s0;
	[dreg:$0x5] =	wrdreg s11  }
0x14: {  	s14 =	sadd.s32 $0x2F000, s5;
	s16 =	sadd.s32 $0x39000, s5;
	[dreg:$0x7] =	wrdreg s0  }
0x15: {  	s18 =	smax.u32 s7, $0x1;
	s5 =	simm.s32 $0x3;
	[dreg:$0x9] =	wrdreg s14  }
0x16: {  	s7 =	simm.s32 $0x4;
	s0 =	sor.u32 $0x1C12, s13;
	[dreg:$0xa] =	wrdreg s16  }
0x17: {  	[dreg:$0xd] =	wrdreg s18;
	s16 =	simm.s32 $0x7800;
	s14 =	simm.s32 $0x5  }
0x18: {  	s18 =	simm.s32 $0x9;
	[dreg:$0x8] =	wrdreg s0;
	s0 =	sshrl.u32 s15, $0x3  }
0x19: {  	s11 =	simm.s32 $0xA;
	s13 =	simm.s32 $0xC;
	s0 =	sadd.s32 s4, s0  }
0x1a: {  	s15 =	simm.s32 $0xD;
	[dreg:$0xc] =	wrdreg s0;
	s0 =	simm.s32 $0x8800  }
.LBB2_1:
0x1b: {  	s4 =	rddreg [dreg:$0x5]  }
0x1c: {  	s22 =	rddreg [dreg:$0x8]  }
0x1d: {  	[tilespmem:s21], [sflag:$0x11] =	stream.linear.gather [hbm4b:s4+s19], $0x2780, $0x38;
	[tilespmem:$0x12E00] =	vst v63  }
0x1e: {  	s4 =	rddreg [dreg:$0x7]  }
0x1f: {  	s21 =	rddreg [dreg:$0xe]  }
0x20: {  	[spmem:s21], [sflag:s22] =	dma.local [hbm:s4], $0x4F0  }
0x21: {  	s4 =	rddreg [dreg:$0x9]  }
0x22: {  	[tilespmem:s19], [sflag:$0x13] =	stream.linear.gather [hbm4b:s4+s19], $0x2800, $0x38;
	[tilespmem:$0x12E00] =	vst v63  }
0x23: {  	s22 =	simm.s32 $0x2800;
	s21 =	rddreg [dreg:$0xa]  }
0x24: {  	[tilespmem:s22], [sflag:$0x14] =	stream.linear.gather [hbm4b:s21+s19], $0x2800, $0x38;
	[tilespmem:$0x12E00] =	vst v63  }
0x25: {  	s22 =	simm.s32 $0x11  }
0x26: {  	_ =	swait.ge [sflag:s22], $0x2780  }
0x27: {  	[sflag:s22] =	ssyncset.done $0x0  }
0x28: {  	s4 =	simm.s32 $0x0;
	[sflag:s22] =	ssyncadd.s32 $0xFFFFD880  }
0x29: {  	v3 =	vld [tilespmem:s4+$0xB7F0]  }
0x2a: {  	v4 =	vld [tilespmem:s4+$0xB780]  }
0x2b: {  	v5 =	vld [tilespmem:s4+$0xB790]  }
0x2c: {  	v2 =	vld [tilespmem:s4+$0xB7A0]  }
0x2d: {  	v0 =	vld [tilespmem:s4+$0xB7B0]  }
0x2e: {  	v1 =	vld [tilespmem:s4+$0xB7C0];
	[tilespmem:s4+$0x9070] =	vst v3  }
0x2f: {  	[tilespmem:s4+$0x9000] =	vst v4;
	v3 =	vld [tilespmem:s4+$0xB7D0]  }
0x30: {  	s19 =	simm.s32 $0x400;
	s22 =	simm.s32 $0x80;
	[tilespmem:s4+$0x9010] =	vst v5;
	v4 =	vld [tilespmem:s4+$0xB7E0]  }
.LBB2_2:
0x31: {  	p0 =	sne.s32 s19, $0x9C00;
	v5 =	vld [tilespmem:s22+$0xB7F0];
	[tilespmem:s4+$0x9020] =	vst v2  }
0x32: {  	v6 =	vld [tilespmem:s22+$0xB780];
	[tilespmem:s4+$0x9030] =	vst v0  }
0x33: {  	v7 =	vld [tilespmem:s22+$0xB790];
	[tilespmem:s4+$0x9040] =	vst v1  }
.Ltmp0:
0x34: {  	v2 =	vld [tilespmem:s22+$0xB7A0];
	[tilespmem:s4+$0x9050] =	vst v3;
	(pc) =	sbr.rel @p0 .LBB2_2-.Ltmp0, $4  }
0x35: {  	v0 =	vld [tilespmem:s22+$0xB7B0];
	[tilespmem:s4+$0x9060] =	vst v4;
	s4 =	smov.u32 s22  }
0x36: {  	v1 =	vld [tilespmem:s4+$0xB7C0];
	[tilespmem:s4+$0x9070] =	vst v5  }
0x37: {  	[tilespmem:s4+$0x9000] =	vst v6;
	v3 =	vld [tilespmem:s4+$0xB7D0]  }
0x38: {  	s22 =	sshra.s32 s19, $0x2;
	s19 =	sadd.s32 $0x200, s19;
	[tilespmem:s4+$0x9010] =	vst v7;
	v4 =	vld [tilespmem:s4+$0xB7E0]  }
0x39: {  	v5 =	vld [tilespmem:s22+$0xB7F0];
	[tilespmem:s4+$0x9020] =	vst v2  }
0x3a: {  	v2 =	vld [tilespmem:s22+$0xB780];
	[tilespmem:s4+$0x9030] =	vst v0  }
0x3b: {  	v0 =	vld [tilespmem:s22+$0xB790];
	[tilespmem:s4+$0x9040] =	vst v1  }
0x3c: {  	v1 =	vld [tilespmem:s22+$0xB7A0];
	[tilespmem:s4+$0x9050] =	vst v3  }
0x3d: {  	v3 =	vld [tilespmem:s22+$0xB7B0];
	[tilespmem:s4+$0x9060] =	vst v4  }
0x3e: {  	v4 =	vld [tilespmem:s22+$0xB7C0];
	[tilespmem:s22+$0x9070] =	vst v5  }
0x3f: {  	v62 =	vld [tilespmem:s22+$0xB7D0];
	[tilespmem:s22+$0x9000] =	vst v2  }
0x40: {  	v63 =	vld [tilespmem:s22+$0xB7E0];
	[tilespmem:s22+$0x9010] =	vst v0  }
0x41: {  	[tilespmem:s22+$0x9020] =	vst v1  }
0x42: {  	[tilespmem:s22+$0x9030] =	vst v3  }
0x43: {  	[tilespmem:s22+$0x9040] =	vst v4  }
0x44: {  	[tilespmem:s22+$0x9050] =	vst v62  }
0x45: {  	s21 =	simm.s32 $0x9000;
	s19 =	simm.s32 $0x15;
	[tilespmem:s22+$0x9060] =	vst v63;
	s22 =	rddreg [dreg:$0xb]  }
0x46: {  	[spmem:s22] =	stream.linear.scatter [tilespmem:s21], [sflag:$0x15], $0x2780, $0x38;
	[tilespmem:$0x12E00] =	vst v63  }
0x47: {  	_ =	swait.ge [sflag:s19], $0x2780  }
0x48: {  	[sflag:s19] =	ssyncset.done $0x0  }
0x49: {  	s22 =	simm.s32 $0x12;
	[sflag:s19] =	ssyncadd.s32 $0xFFFFD880  }
0x4a: {  	_ =	swait.ge [sflag:s22], $0x4F0  }
0x4b: {  	[sflag:s22] =	ssyncset.done $0x0  }
0x4c: {  	s19 =	simm.s32 $0x13;
	[sflag:s22] =	ssyncadd.s32 $0xFFFFFB10  }
0x4d: {  	_ =	swait.ge [sflag:s19], $0x2800  }
0x4e: {  	[sflag:s19] =	ssyncset.done $0x0  }
0x4f: {  	s22 =	simm.s32 $0x14;
	[sflag:s19] =	ssyncadd.s32 $0xFFFFD800  }
0x50: {  	_ =	swait.ge [sflag:s22], $0x2800  }
0x51: {  	[sflag:s22] =	ssyncset.done $0x0  }
0x52: {  	[sflag:s22] =	ssyncadd.s32 $0xFFFFD800  }
0x53: {  	s19 =	simm.s32 $0x0;
	[bflag:$0x0] =	sbarrier.arrive $0xFFFF  }
0x54: {  	[tilespmem:s24], [sflag:$0x1] =	stream.indirect.gather [spmem:s3], $0x10, s19, s23, $0xb8;
	[tilespmem:$0x12E00] =	vst v63  }
0x55: {  	_ = 	snop  }
0x56: {  	[tilespmem:s25], [sflag:$0x2] =	stream.indirect.gather [spmem:s3], $0x10, s23, s23, $0xb8;
	[tilespmem:$0x12E00] =	vst v63  }
0x57: {  	s22 =	simm.s32 $0x100  }
0x58: {  	[tilespmem:s28], [sflag:$0x3] =	stream.indirect.gather [spmem:s3], $0x10, s22, s23, $0xb8;
	[tilespmem:$0x12E00] =	vst v63  }
0x59: {  	s19 =	simm.s32 $0x180  }
0x5a: {  	[tilespmem:s30], [sflag:$0x4] =	stream.indirect.gather [spmem:s3], $0x10, s19, s23, $0xb8;
	[tilespmem:$0x12E00] =	vst v63  }
0x5b: {  	s22 =	simm.s32 $0x200  }
0x5c: {  	[tilespmem:s1], [sflag:$0x5] =	stream.indirect.gather [spmem:s3], $0x10, s22, s23, $0xb8;
	[tilespmem:$0x12E00] =	vst v63  }
0x5d: {  	s19 =	simm.s32 $0x280  }
0x5e: {  	[tilespmem:s16], [sflag:$0x6] =	stream.indirect.gather [spmem:s3], $0x10, s19, s23, $0xb8;
	[tilespmem:$0x12E00] =	vst v63  }
0x5f: {  	s22 =	simm.s32 $0x300  }
0x60: {  	[tilespmem:s29], [sflag:$0x7] =	stream.indirect.gather [spmem:s3], $0x10, s22, s23, $0xb8;
	[tilespmem:$0x12E00] =	vst v63  }
0x61: {  	s19 =	simm.s32 $0x380  }
0x62: {  	[tilespmem:s0], [sflag:$0x8] =	stream.indirect.gather [spmem:s3], $0x10, s19, s23, $0xb8;
	[tilespmem:$0x12E00] =	vst v63  }
0x63: {  	_ =	swait.ge [sflag:s26], $0x800  }
0x64: {  	[sflag:s26] =	ssyncset.done $0x0  }
0x65: {  	s22 =	simm.s32 $0x2800;
	[sflag:s26] =	ssyncadd.s32 $0xFFFFF800  }
0x66: {  	[spmem:s2] =	stream.indirect.scatter.add.f32 [tilespmem:s24], [sflag:$0x9], $0x10, s22, s23, $0xb8;
	[tilespmem:$0x12E00] =	vst v63  }
0x67: {  	_ =	swait.ge [sflag:s31], $0x800  }
0x68: {  	[sflag:s31] =	ssyncset.done $0x0  }
0x69: {  	s19 =	simm.s32 $0x2880;
	[sflag:s31] =	ssyncadd.s32 $0xFFFFF800  }
0x6a: {  	[spmem:s2] =	stream.indirect.scatter.add.f32 [tilespmem:s25], [sflag:$0xA], $0x10, s19, s23, $0xb8;
	[tilespmem:$0x12E00] =	vst v63  }
0x6b: {  	_ =	swait.ge [sflag:s5], $0x800  }
0x6c: {  	[sflag:s5] =	ssyncset.done $0x0  }
0x6d: {  	s22 =	simm.s32 $0x2900;
	[sflag:s5] =	ssyncadd.s32 $0xFFFFF800  }
0x6e: {  	[spmem:s2] =	stream.indirect.scatter.add.f32 [tilespmem:s28], [sflag:$0xB], $0x10, s22, s23, $0xb8;
	[tilespmem:$0x12E00] =	vst v63  }
0x6f: {  	_ =	swait.ge [sflag:s7], $0x800  }
0x70: {  	[sflag:s7] =	ssyncset.done $0x0  }
0x71: {  	s19 =	simm.s32 $0x2980;
	[sflag:s7] =	ssyncadd.s32 $0xFFFFF800  }
0x72: {  	[spmem:s2] =	stream.indirect.scatter.add.f32 [tilespmem:s30], [sflag:$0xC], $0x10, s19, s23, $0xb8;
	[tilespmem:$0x12E00] =	vst v63  }
0x73: {  	_ =	swait.ge [sflag:s14], $0x800  }
0x74: {  	[sflag:s14] =	ssyncset.done $0x0  }
0x75: {  	s22 =	simm.s32 $0x2A00;
	[sflag:s14] =	ssyncadd.s32 $0xFFFFF800  }
0x76: {  	[spmem:s2] =	stream.indirect.scatter.add.f32 [tilespmem:s1], [sflag:$0xD], $0x10, s22, s23, $0xb8;
	[tilespmem:$0x12E00] =	vst v63  }
0x77: {  	_ =	swait.ge [sflag:s8], $0x800  }
0x78: {  	[sflag:s8] =	ssyncset.done $0x0  }
0x79: {  	s19 =	simm.s32 $0x2A80;
	[sflag:s8] =	ssyncadd.s32 $0xFFFFF800  }
0x7a: {  	[spmem:s2] =	stream.indirect.scatter.add.f32 [tilespmem:s16], [sflag:$0xE], $0x10, s19, s23, $0xb8;
	[tilespmem:$0x12E00] =	vst v63  }
0x7b: {  	_ =	swait.ge [sflag:s9], $0x800  }
0x7c: {  	[sflag:s9] =	ssyncset.done $0x0  }
0x7d: {  	s22 =	simm.s32 $0x2B00;
	[sflag:s9] =	ssyncadd.s32 $0xFFFFF800  }
0x7e: {  	[spmem:s2] =	stream.indirect.scatter.add.f32 [tilespmem:s29], [sflag:$0xF], $0x10, s22, s23, $0xb8;
	[tilespmem:$0x12E00] =	vst v63  }
0x7f: {  	_ =	swait.ge [sflag:s10], $0x800  }
0x80: {  	[sflag:s10] =	ssyncset.done $0x0  }
0x81: {  	s19 =	simm.s32 $0x2B80;
	[sflag:s10] =	ssyncadd.s32 $0xFFFFF800  }
0x82: {  	[spmem:s2] =	stream.indirect.scatter.add.f32 [tilespmem:s0], [sflag:$0x10], $0x10, s19, s23, $0xb8;
	[tilespmem:$0x12E00] =	vst v63  }
0x83: {  	_ =	swait.ge [sflag:s18], $0x800  }
0x84: {  	[sflag:s18] =	ssyncset.done $0x0  }
0x85: {  	s22 =	simm.s32 $0x400;
	[sflag:s18] =	ssyncadd.s32 $0xFFFFF800  }
0x86: {  	[tilespmem:s24], [sflag:$0x1] =	stream.indirect.gather [spmem:s3], $0x10, s22, s23, $0xb8;
	[tilespmem:$0x12E00] =	vst v63  }
0x87: {  	_ =	swait.ge [sflag:s11], $0x800  }
0x88: {  	[sflag:s11] =	ssyncset.done $0x0  }
0x89: {  	s19 =	simm.s32 $0x480;
	[sflag:s11] =	ssyncadd.s32 $0xFFFFF800  }
0x8a: {  	[tilespmem:s25], [sflag:$0x2] =	stream.indirect.gather [spmem:s3], $0x10, s19, s23, $0xb8;
	[tilespmem:$0x12E00] =	vst v63  }
0x8b: {  	_ =	swait.ge [sflag:s12], $0x800  }
0x8c: {  	[sflag:s12] =	ssyncset.done $0x0  }
0x8d: {  	s22 =	simm.s32 $0x500;
	[sflag:s12] =	ssyncadd.s32 $0xFFFFF800  }
0x8e: {  	[tilespmem:s28], [sflag:$0x3] =	stream.indirect.gather [spmem:s3], $0x10, s22, s23, $0xb8;
	[tilespmem:$0x12E00] =	vst v63  }
0x8f: {  	_ =	swait.ge [sflag:s13], $0x800  }
0x90: {  	[sflag:s13] =	ssyncset.done $0x0  }
0x91: {  	s19 =	simm.s32 $0x580;
	[sflag:s13] =	ssyncadd.s32 $0xFFFFF800  }
0x92: {  	[tilespmem:s30], [sflag:$0x4] =	stream.indirect.gather [spmem:s3], $0x10, s19, s23, $0xb8;
	[tilespmem:$0x12E00] =	vst v63  }
0x93: {  	_ =	swait.ge [sflag:s15], $0x800  }
0x94: {  	[sflag:s15] =	ssyncset.done $0x0  }
0x95: {  	s22 =	simm.s32 $0x600;
	[sflag:s15] =	ssyncadd.s32 $0xFFFFF800  }
0x96: {  	[tilespmem:s1], [sflag:$0x5] =	stream.indirect.gather [spmem:s3], $0x10, s22, s23, $0xb8;
	[tilespmem:$0x12E00] =	vst v63  }
0x97: {  	_ =	swait.ge [sflag:s6], $0x800  }
0x98: {  	[sflag:s6] =	ssyncset.done $0x0  }
0x99: {  	s19 =	simm.s32 $0x680;
	[sflag:s6] =	ssyncadd.s32 $0xFFFFF800  }
0x9a: {  	[tilespmem:s16], [sflag:$0x6] =	stream.indirect.gather [spmem:s3], $0x10, s19, s23, $0xb8;
	[tilespmem:$0x12E00] =	vst v63  }
0x9b: {  	_ =	swait.ge [sflag:s17], $0x800  }
0x9c: {  	[sflag:s17] =	ssyncset.done $0x0  }
0x9d: {  	s22 =	simm.s32 $0x700;
	[sflag:s17] =	ssyncadd.s32 $0xFFFFF800  }
0x9e: {  	[tilespmem:s29], [sflag:$0x7] =	stream.indirect.gather [spmem:s3], $0x10, s22, s23, $0xb8;
	[tilespmem:$0x12E00] =	vst v63  }
0x9f: {  	_ =	swait.ge [sflag:s20], $0x800  }
0xa0: {  	[sflag:s20] =	ssyncset.done $0x0  }
0xa1: {  	s4 =	simm.s32 $0x780;
	s22 =	simm.s32 $0x1000;
	[sflag:s20] =	ssyncadd.s32 $0xFFFFF800  }
.LBB2_4:
0xa2: {  	[tilespmem:s0], [sflag:$0x8] =	stream.indirect.gather [spmem:s3], $0x10, s4, s23, $0xb8;
	[tilespmem:$0x12E00] =	vst v63  }
0xa3: {  	s4 =	smov.u32 s22  }
0xa4: {  	p0 =	sne.s32 s22, $0x8000;
	s22 =	sadd.s32 $0x1000, s22;
	_ =	swait.ge [sflag:s26], $0x800  }
0xa5: {  	s4 =	sshra.s32 s4, $0x2;
	[sflag:s26] =	ssyncset.done $0x0  }
0xa6: {  	s19 =	sadd.s32 $0x2800, s4;
	[sflag:s26] =	ssyncadd.s32 $0xFFFFF800  }
0xa7: {  	[spmem:s2] =	stream.indirect.scatter.add.f32 [tilespmem:s24], [sflag:$0x9], $0x10, s19, s23, $0xb8;
	[tilespmem:$0x12E00] =	vst v63  }
0xa8: {  	_ =	swait.ge [sflag:s31], $0x800  }
0xa9: {  	[sflag:s31] =	ssyncset.done $0x0  }
0xaa: {  	s19 =	sadd.s32 $0x2880, s4;
	[sflag:s31] =	ssyncadd.s32 $0xFFFFF800  }
0xab: {  	[spmem:s2] =	stream.indirect.scatter.add.f32 [tilespmem:s25], [sflag:$0xA], $0x10, s19, s23, $0xb8;
	[tilespmem:$0x12E00] =	vst v63  }
0xac: {  	_ =	swait.ge [sflag:s5], $0x800  }
0xad: {  	[sflag:s5] =	ssyncset.done $0x0  }
0xae: {  	s19 =	sadd.s32 $0x2900, s4;
	[sflag:s5] =	ssyncadd.s32 $0xFFFFF800  }
0xaf: {  	[spmem:s2] =	stream.indirect.scatter.add.f32 [tilespmem:s28], [sflag:$0xB], $0x10, s19, s23, $0xb8;
	[tilespmem:$0x12E00] =	vst v63  }
0xb0: {  	_ =	swait.ge [sflag:s7], $0x800  }
0xb1: {  	[sflag:s7] =	ssyncset.done $0x0  }
0xb2: {  	s19 =	sadd.s32 $0x2980, s4;
	[sflag:s7] =	ssyncadd.s32 $0xFFFFF800  }
0xb3: {  	[spmem:s2] =	stream.indirect.scatter.add.f32 [tilespmem:s30], [sflag:$0xC], $0x10, s19, s23, $0xb8;
	[tilespmem:$0x12E00] =	vst v63  }
0xb4: {  	_ =	swait.ge [sflag:s14], $0x800  }
0xb5: {  	[sflag:s14] =	ssyncset.done $0x0  }
0xb6: {  	s19 =	sadd.s32 $0x2A00, s4;
	[sflag:s14] =	ssyncadd.s32 $0xFFFFF800  }
0xb7: {  	[spmem:s2] =	stream.indirect.scatter.add.f32 [tilespmem:s1], [sflag:$0xD], $0x10, s19, s23, $0xb8;
	[tilespmem:$0x12E00] =	vst v63  }
0xb8: {  	_ =	swait.ge [sflag:s8], $0x800  }
0xb9: {  	[sflag:s8] =	ssyncset.done $0x0  }
0xba: {  	s19 =	sadd.s32 $0x2A80, s4;
	[sflag:s8] =	ssyncadd.s32 $0xFFFFF800  }
0xbb: {  	[spmem:s2] =	stream.indirect.scatter.add.f32 [tilespmem:s16], [sflag:$0xE], $0x10, s19, s23, $0xb8;
	[tilespmem:$0x12E00] =	vst v63  }
0xbc: {  	_ =	swait.ge [sflag:s9], $0x800  }
0xbd: {  	[sflag:s9] =	ssyncset.done $0x0  }
0xbe: {  	s19 =	sadd.s32 $0x2B00, s4;
	[sflag:s9] =	ssyncadd.s32 $0xFFFFF800  }
0xbf: {  	[spmem:s2] =	stream.indirect.scatter.add.f32 [tilespmem:s29], [sflag:$0xF], $0x10, s19, s23, $0xb8;
	[tilespmem:$0x12E00] =	vst v63  }
0xc0: {  	_ =	swait.ge [sflag:s10], $0x800  }
0xc1: {  	[sflag:s10] =	ssyncset.done $0x0  }
0xc2: {  	s19 =	sadd.s32 $0x2B80, s4;
	[sflag:s10] =	ssyncadd.s32 $0xFFFFF800  }
0xc3: {  	[spmem:s2] =	stream.indirect.scatter.add.f32 [tilespmem:s0], [sflag:$0x10], $0x10, s19, s23, $0xb8;
	[tilespmem:$0x12E00] =	vst v63  }
0xc4: {  	_ =	swait.ge [sflag:s18], $0x800  }
0xc5: {  	[sflag:s18] =	ssyncset.done $0x0  }
0xc6: {  	s19 =	sadd.s32 $0x400, s4;
	[sflag:s18] =	ssyncadd.s32 $0xFFFFF800  }
0xc7: {  	[tilespmem:s24], [sflag:$0x1] =	stream.indirect.gather [spmem:s3], $0x10, s19, s23, $0xb8;
	[tilespmem:$0x12E00] =	vst v63  }
0xc8: {  	_ =	swait.ge [sflag:s11], $0x800  }
0xc9: {  	[sflag:s11] =	ssyncset.done $0x0  }
0xca: {  	s19 =	sadd.s32 $0x480, s4;
	[sflag:s11] =	ssyncadd.s32 $0xFFFFF800  }
0xcb: {  	[tilespmem:s25], [sflag:$0x2] =	stream.indirect.gather [spmem:s3], $0x10, s19, s23, $0xb8;
	[tilespmem:$0x12E00] =	vst v63  }
0xcc: {  	_ =	swait.ge [sflag:s12], $0x800  }
0xcd: {  	[sflag:s12] =	ssyncset.done $0x0  }
0xce: {  	s19 =	sadd.s32 $0x500, s4;
	[sflag:s12] =	ssyncadd.s32 $0xFFFFF800  }
0xcf: {  	[tilespmem:s28], [sflag:$0x3] =	stream.indirect.gather [spmem:s3], $0x10, s19, s23, $0xb8;
	[tilespmem:$0x12E00] =	vst v63  }
0xd0: {  	_ =	swait.ge [sflag:s13], $0x800  }
0xd1: {  	[sflag:s13] =	ssyncset.done $0x0  }
0xd2: {  	s19 =	sadd.s32 $0x580, s4;
	[sflag:s13] =	ssyncadd.s32 $0xFFFFF800  }
0xd3: {  	[tilespmem:s30], [sflag:$0x4] =	stream.indirect.gather [spmem:s3], $0x10, s19, s23, $0xb8;
	[tilespmem:$0x12E00] =	vst v63  }
0xd4: {  	_ =	swait.ge [sflag:s15], $0x800  }
0xd5: {  	[sflag:s15] =	ssyncset.done $0x0  }
0xd6: {  	s19 =	sadd.s32 $0x600, s4;
	[sflag:s15] =	ssyncadd.s32 $0xFFFFF800  }
0xd7: {  	[tilespmem:s1], [sflag:$0x5] =	stream.indirect.gather [spmem:s3], $0x10, s19, s23, $0xb8;
	[tilespmem:$0x12E00] =	vst v63  }
0xd8: {  	_ =	swait.ge [sflag:s6], $0x800  }
0xd9: {  	[sflag:s6] =	ssyncset.done $0x0  }
0xda: {  	s19 =	sadd.s32 $0x680, s4;
	[sflag:s6] =	ssyncadd.s32 $0xFFFFF800  }
0xdb: {  	[tilespmem:s16], [sflag:$0x6] =	stream.indirect.gather [spmem:s3], $0x10, s19, s23, $0xb8;
	[tilespmem:$0x12E00] =	vst v63  }
0xdc: {  	_ =	swait.ge [sflag:s17], $0x800  }
0xdd: {  	[sflag:s17] =	ssyncset.done $0x0  }
.Ltmp1:
0xde: {  	s19 =	sadd.s32 $0x700, s4;
	[sflag:s17] =	ssyncadd.s32 $0xFFFFF800;
	(pc) =	sbr.rel @p0 .LBB2_4-.Ltmp1, $4  }
0xdf: {  	[tilespmem:s29], [sflag:$0x7] =	stream.indirect.gather [spmem:s3], $0x10, s19, s23, $0xb8;
	[tilespmem:$0x12E00] =	vst v63  }
0xe0: {  	_ =	swait.ge [sflag:s20], $0x800  }
0xe1: {  	[sflag:s20] =	ssyncset.done $0x0  }
0xe2: {  	s4 =	sadd.s32 $0x780, s4;
	[sflag:s20] =	ssyncadd.s32 $0xFFFFF800  }
0xe3: {  	[tilespmem:s0], [sflag:$0x8] =	stream.indirect.gather [spmem:s3], $0x10, s4, s23, $0xb8;
	[tilespmem:$0x12E00] =	vst v63  }
0xe4: {  	_ =	swait.ge [sflag:s26], $0x800  }
0xe5: {  	[sflag:s26] =	ssyncset.done $0x0  }
0xe6: {  	s19 =	simm.s32 $0x4C00;
	[sflag:s26] =	ssyncadd.s32 $0xFFFFF800  }
0xe7: {  	[spmem:s2] =	stream.indirect.scatter.add.f32 [tilespmem:s24], [sflag:$0x9], $0x10, s19, s23, $0xb8;
	[tilespmem:$0x12E00] =	vst v63  }
0xe8: {  	_ =	swait.ge [sflag:s31], $0x800  }
0xe9: {  	[sflag:s31] =	ssyncset.done $0x0  }
0xea: {  	s22 =	simm.s32 $0x4C80;
	[sflag:s31] =	ssyncadd.s32 $0xFFFFF800  }
0xeb: {  	[spmem:s2] =	stream.indirect.scatter.add.f32 [tilespmem:s25], [sflag:$0xA], $0x10, s22, s23, $0xb8;
	[tilespmem:$0x12E00] =	vst v63  }
0xec: {  	_ =	swait.ge [sflag:s5], $0x800  }
0xed: {  	[sflag:s5] =	ssyncset.done $0x0  }
0xee: {  	s19 =	simm.s32 $0x4D00;
	[sflag:s5] =	ssyncadd.s32 $0xFFFFF800  }
0xef: {  	[spmem:s2] =	stream.indirect.scatter.add.f32 [tilespmem:s28], [sflag:$0xB], $0x10, s19, s23, $0xb8;
	[tilespmem:$0x12E00] =	vst v63  }
0xf0: {  	_ =	swait.ge [sflag:s7], $0x800  }
0xf1: {  	[sflag:s7] =	ssyncset.done $0x0  }
0xf2: {  	s22 =	simm.s32 $0x4D80;
	[sflag:s7] =	ssyncadd.s32 $0xFFFFF800  }
0xf3: {  	[spmem:s2] =	stream.indirect.scatter.add.f32 [tilespmem:s30], [sflag:$0xC], $0x10, s22, s23, $0xb8;
	[tilespmem:$0x12E00] =	vst v63  }
0xf4: {  	_ =	swait.ge [sflag:s14], $0x800  }
0xf5: {  	[sflag:s14] =	ssyncset.done $0x0  }
0xf6: {  	s19 =	simm.s32 $0x4E00;
	[sflag:s14] =	ssyncadd.s32 $0xFFFFF800  }
0xf7: {  	[spmem:s2] =	stream.indirect.scatter.add.f32 [tilespmem:s1], [sflag:$0xD], $0x10, s19, s23, $0xb8;
	[tilespmem:$0x12E00] =	vst v63  }
0xf8: {  	_ =	swait.ge [sflag:s8], $0x800  }
0xf9: {  	[sflag:s8] =	ssyncset.done $0x0  }
0xfa: {  	s22 =	simm.s32 $0x4E80;
	[sflag:s8] =	ssyncadd.s32 $0xFFFFF800  }
0xfb: {  	[spmem:s2] =	stream.indirect.scatter.add.f32 [tilespmem:s16], [sflag:$0xE], $0x10, s22, s23, $0xb8;
	[tilespmem:$0x12E00] =	vst v63  }
0xfc: {  	_ =	swait.ge [sflag:s9], $0x800  }
0xfd: {  	[sflag:s9] =	ssyncset.done $0x0  }
0xfe: {  	s19 =	simm.s32 $0x4F00;
	[sflag:s9] =	ssyncadd.s32 $0xFFFFF800  }
0xff: {  	[spmem:s2] =	stream.indirect.scatter.add.f32 [tilespmem:s29], [sflag:$0xF], $0x10, s19, s23, $0xb8;
	[tilespmem:$0x12E00] =	vst v63  }
0x100: {  	_ =	swait.ge [sflag:s10], $0x800  }
0x101: {  	[sflag:s10] =	ssyncset.done $0x0  }
0x102: {  	s22 =	simm.s32 $0x4F80;
	[sflag:s10] =	ssyncadd.s32 $0xFFFFF800  }
0x103: {  	[spmem:s2] =	stream.indirect.scatter.add.f32 [tilespmem:s0], [sflag:$0x10], $0x10, s22, s23, $0xb8;
	[tilespmem:$0x12E00] =	vst v63  }
0x104: {  	_ =	swait.ge [sflag:s18], $0x800  }
0x105: {  	[sflag:s18] =	ssyncset.done $0x0  }
0x106: {  	[sflag:s18] =	ssyncadd.s32 $0xFFFFF800  }
0x107: {  	_ =	swait.ge [sflag:s11], $0x800  }
0x108: {  	[sflag:s11] =	ssyncset.done $0x0  }
0x109: {  	[sflag:s11] =	ssyncadd.s32 $0xFFFFF800  }
0x10a: {  	_ =	swait.ge [sflag:s12], $0x800  }
0x10b: {  	[sflag:s12] =	ssyncset.done $0x0  }
0x10c: {  	[sflag:s12] =	ssyncadd.s32 $0xFFFFF800  }
0x10d: {  	_ =	swait.ge [sflag:s13], $0x800  }
0x10e: {  	[sflag:s13] =	ssyncset.done $0x0  }
0x10f: {  	[sflag:s13] =	ssyncadd.s32 $0xFFFFF800  }
0x110: {  	_ =	swait.ge [sflag:s15], $0x800  }
0x111: {  	[sflag:s15] =	ssyncset.done $0x0  }
0x112: {  	[sflag:s15] =	ssyncadd.s32 $0xFFFFF800  }
0x113: {  	_ =	swait.ge [sflag:s6], $0x800  }
0x114: {  	[sflag:s6] =	ssyncset.done $0x0  }
0x115: {  	[sflag:s6] =	ssyncadd.s32 $0xFFFFF800  }
0x116: {  	_ =	swait.ge [sflag:s17], $0x800  }
0x117: {  	[sflag:s17] =	ssyncset.done $0x0  }
0x118: {  	[sflag:s17] =	ssyncadd.s32 $0xFFFFF800  }
0x119: {  	_ =	swait.ge [sflag:s20], $0x800  }
0x11a: {  	[sflag:s20] =	ssyncset.done $0x0  }
0x11b: {  	[sflag:s20] =	ssyncadd.s32 $0xFFFFF800  }
0x11c: {  	[bflag:$0x0] =	sbarrier.arrive $0xFFFF  }
0x11d: {  	s22 =	simm.s32 $0x15;
	s19 =	rddreg [dreg:$0x6]  }
0x11e: {  	[tilespmem:s21], [sflag:$0x15] =	stream.linear.gather [spmem:s19], $0x2780, $0x38;
	[tilespmem:$0x12E00] =	vst v63  }
0x11f: {  	_ =	swait.ge [sflag:s22], $0x2780  }
0x120: {  	[sflag:s22] =	ssyncset.done $0x0  }
0x121: {  	s4 =	simm.s32 $0x0;
	[sflag:s22] =	ssyncadd.s32 $0xFFFFD880  }
0x122: {  	v3 =	vld [tilespmem:s4+$0x9070]  }
0x123: {  	v4 =	vld [tilespmem:s4+$0x9000]  }
0x124: {  	v5 =	vld [tilespmem:s4+$0x9010]  }
0x125: {  	v2 =	vld [tilespmem:s4+$0x9020]  }
0x126: {  	v0 =	vld [tilespmem:s4+$0x9030]  }
0x127: {  	v1 =	vld [tilespmem:s4+$0x9040];
	[tilespmem:s4+$0xB7F0] =	vst v3  }
0x128: {  	[tilespmem:s4+$0xB780] =	vst v4;
	v3 =	vld [tilespmem:s4+$0x9050]  }
0x129: {  	s19 =	simm.s32 $0x400;
	s22 =	simm.s32 $0x80;
	[tilespmem:s4+$0xB790] =	vst v5;
	v4 =	vld [tilespmem:s4+$0x9060]  }
.LBB2_6:
0x12a: {  	p0 =	sne.s32 s19, $0x9C00;
	v5 =	vld [tilespmem:s22+$0x9070];
	[tilespmem:s4+$0xB7A0] =	vst v2  }
0x12b: {  	v6 =	vld [tilespmem:s22+$0x9000];
	[tilespmem:s4+$0xB7B0] =	vst v0  }
0x12c: {  	v7 =	vld [tilespmem:s22+$0x9010];
	[tilespmem:s4+$0xB7C0] =	vst v1  }
.Ltmp2:
0x12d: {  	v2 =	vld [tilespmem:s22+$0x9020];
	[tilespmem:s4+$0xB7D0] =	vst v3;
	(pc) =	sbr.rel @p0 .LBB2_6-.Ltmp2, $4  }
0x12e: {  	v0 =	vld [tilespmem:s22+$0x9030];
	[tilespmem:s4+$0xB7E0] =	vst v4;
	s4 =	smov.u32 s22  }
0x12f: {  	v1 =	vld [tilespmem:s4+$0x9040];
	[tilespmem:s4+$0xB7F0] =	vst v5  }
0x130: {  	[tilespmem:s4+$0xB780] =	vst v6;
	v3 =	vld [tilespmem:s4+$0x9050]  }
0x131: {  	s22 =	sshra.s32 s19, $0x2;
	s19 =	sadd.s32 $0x200, s19;
	[tilespmem:s4+$0xB790] =	vst v7;
	v4 =	vld [tilespmem:s4+$0x9060]  }
0x132: {  	v5 =	vld [tilespmem:s22+$0x9070];
	[tilespmem:s4+$0xB7A0] =	vst v2  }
0x133: {  	v2 =	vld [tilespmem:s22+$0x9000];
	[tilespmem:s4+$0xB7B0] =	vst v0  }
0x134: {  	v0 =	vld [tilespmem:s22+$0x9010];
	[tilespmem:s4+$0xB7C0] =	vst v1  }
0x135: {  	v1 =	vld [tilespmem:s22+$0x9020];
	[tilespmem:s4+$0xB7D0] =	vst v3  }
0x136: {  	v3 =	vld [tilespmem:s22+$0x9030];
	[tilespmem:s4+$0xB7E0] =	vst v4  }
0x137: {  	v4 =	vld [tilespmem:s22+$0x9040];
	[tilespmem:s22+$0xB7F0] =	vst v5  }
0x138: {  	v62 =	vld [tilespmem:s22+$0x9050];
	[tilespmem:s22+$0xB780] =	vst v2  }
0x139: {  	v63 =	vld [tilespmem:s22+$0x9060];
	[tilespmem:s22+$0xB790] =	vst v0  }
0x13a: {  	[tilespmem:s22+$0xB7A0] =	vst v1  }
0x13b: {  	[tilespmem:s22+$0xB7B0] =	vst v3  }
0x13c: {  	[tilespmem:s22+$0xB7C0] =	vst v4  }
0x13d: {  	[tilespmem:s22+$0xB7D0] =	vst v62  }
0x13e: {  	s19 =	simm.s32 $0x0;
	s21 =	simm.s32 $0xB780;
	[tilespmem:s22+$0xB7E0] =	vst v63;
	s22 =	rddreg [dreg:$0xc]  }
0x13f: {  	[hbm4b:s22+s19] =	stream.linear.scatter [tilespmem:s21], [sflag:$0x15], $0x2780, $0x38;
	[tilespmem:$0x12E00] =	vst v63  }
0x140: {  	s21 =	simm.s32 $0x15  }
0x141: {  	_ =	swait.ge [sflag:s21], $0x2780  }
0x142: {  	s4 =	rddreg [dreg:$0xf]  }
0x143: {  	s22 =	sadd.s32 $0x1, s4;
	s4 =	rddreg [dreg:$0xd]  }
0x144: {  	p0 =	sne.s32 s22, s4  }
.Ltmp3:
0x145: {  	_ = 	snop;
	(pc) =	sbr.rel @p0 .LBB2_1-.Ltmp3, $3  }
0x146: {  	_ =	sdelay $0x1  }
0x147: {  	[sflag:s21] =	ssyncset.done $0x0  }
0x148: {  	[sflag:s21] =	ssyncadd.s32 $0xFFFFD880;
	s21 =	simm.s32 $0xB780;
	[dreg:$0xf] =	wrdreg s22  }
0x149: {  	_ =	sfence.sel $0x180000  }
0x14a: {  	[bflag:$0x0] =	sbarrier.arrive $0xFFFF  }
0x14b: {  	_ =	strace $0x9000004A  }
0x14c: {  	s0 =	stileid.u32;
	[bflag:$0x2] =	sbarrier.arrive $0xFFFF  }
0x14d: {  	p0 =	sne.s32 s0, $0x0;
	s0 =	rddreg [dreg:$0x4]  }
0x14e: {  	s0 =	sadd.s32 @!p0 $0x100000, s0  }
0x14f: {  	[sflag:s0] =	ssyncadd.tile.s32 @!p0 $0x1;
	_ =	shalt  }
.Lfunc_end2:
_tile_overlayer_lowered:
.L_overlay_start_2:
0x150: {  	(tag) =	ssettag $0x2  }
0x151: {  	s0 =	rddreg [dreg:$0x0];
	s2 =	stileid.u32  }
0x152: {  	s1 =	rddreg [dreg:$0x1];
	p0 =	sne.s32 s2, $0x0  }
0x153: {  	s3 =	rddreg [dreg:$0x2];
	[bflag:$0x3] =	sbarrier.arrive $0xFFFF;
	s2 =	simm.s32 @!p0 $0x1C15  }
0x154: {  	[timem:s3], [sflag:s2] =	dma.local @!p0 [hbm:s0], s1  }
0x155: {  	s0 =	simm.s32 @!p0 $0x15  }
0x156: {  	_ =	swait.ge @!p0 [sflag:s0], s1  }
0x157: {  	s1 =	ssub.s32 @!p0 $0x0, s1;
	[sflag:s0] =	ssyncset.done @!p0 $0x0  }
0x158: {  	[sflag:s0] =	ssyncadd.s32 @!p0 s1  }
0x159: {  	[bflag:$0x3] =	sbarrier.arrive $0xFFFF  }
0x15a: {  	_ =	shalt  }

// kernel: kernel.15.cloned.1.call-start
scs
__scs_entry_jumppad:
0x0: {  	(pc) =	sbr.rel $0x88, $3  }
0x1: {  	(tag) =	ssettag $0x0;
	lr =	simm.s32 $0x1  }
0x2: {  	[smem:$0x3F9B] =	sst lr;
	_ =	strace $0xD0000000  }
0x3: {  	_ = 	snop  }
0x4: {  	_ = 	snop  }
0x5: {  	_ = 	snop  }
0x6: {  	_ = 	snop  }
0x7: {  	_ = 	snop  }
__scs_overlays_trampoline_lowered:
0x8: {  	[smem:$0x3FAA] =	sst s0  }
0x9: {  	[smem:$0x3FAB] =	sst s1  }
0xa: {  	[smem:$0x3FAC] =	sst s2  }
0xb: {  	[smem:$0x3FAD] =	sst s3  }
0xc: {  	[smem:$0x3FAE] =	sst s4  }
0xd: {  	[smem:$0x3FAF] =	sst s5  }
0xe: {  	[smem:$0x3FB0] =	sst s6  }
0xf: {  	[smem:$0x3FB1] =	sst s7  }
0x10: {  	[smem:$0x3FB2] =	sst s8  }
0x11: {  	[smem:$0x3FB3] =	sst s9;
	s0 =	simm.s32 @!p0 $0x0  }
0x12: {  	s1 =	sld [smem:$0x3F99];
	s0 =	simm.s32 @p0 $0x1  }
0x13: {  	[smem:$0x3FB4] =	sst s0;
	s0 =	simm.s32 @!p1 $0x0  }
0x14: {  	s2 =	sld [smem:$0x3F98];
	s0 =	simm.s32 @p1 $0x1  }
0x15: {  	[smem:$0x3FB5] =	sst s0;
	s0 =	simm.s32 @!p2 $0x0  }
0x16: {  	s3 =	sld [smem:$0x3FDB];
	s0 =	simm.s32 @p2 $0x1  }
0x17: {  	s4 =	simm.s32 $0x1BF5;
	[smem:$0x3FB7] =	sst s0  }
0x18: {  	s0 =	sld [smem:$0x3F9A];
	_ =	swait.ge [sflag:s4], $0x0  }
0x19: {  	s7 =	sld [smem:$0x3F9B]  }
0x1a: {  	s8 =	sadd.s32 $0xFFFFE003, lr  }
0x1b: {  	s9 =	sadd.s32 $0xFFFFFEF7, lr;
	s5 =	simm.s32 $0xFFFFFFFF;
	p2 =	slt.u32 s8, $0xFFFFF086  }
0x1c: {  	p1 =	slt.u32 s9, $0xF7A;
	s5 =	simm.s32 @!p2 $0x0  }
0x1d: {  	s5 =	simm.s32 @p1 $0x1;
	p0 =	seq.s32 s7, s2  }
0x1e: {  	s7 =	smul.u32 @!p0 $0xF7A, s2;
	p2 =	seq.s32 @!p0 s5, $0x0  }
0x1f: {  	s9 =	smul.u32 $0xF7A, s1;
	s8 =	simm.s32 @!p0 $0x1BF5;
	p2 =	por !p2, p0  }
0x20: {  	[sflag:s8] =	ssyncset.s32 @!p0 $0xFFFFF086;
	s6 =	sadd.s32 @!p0 s3, s7;
	s7 =	simm.s32 @!p0 $0x108  }
0x21: {  	s3 =	sadd.s32 s3, s9;
	s6 =	sadd.s32 @!p0 $0x88, s6;
	s7 =	simm.s32 @p2 $0x1082  }
0x22: {  	[simem:s7], [sflag:s8] =	dma.local @!p0 [hbm:s6], $0xF7A  }
0x23: {  	s9 =	sor.u32 $0xD0000000, s2;
	s6 =	simm.s32 $0x108;
	_ =	swait.ge @!p0 [sflag:s8], $0x0  }
0x24: {  	s3 =	sadd.s32 $0x88, s3;
	s6 =	simm.s32 @!p1 $0x1082;
	[sflag:s4] =	ssyncset.s32 $0xFFFFF086  }
0x25: {  	[simem:s6], [sflag:s4] =	dma.local [hbm:s3], $0xF7A  }
0x26: {  	[smem:$0x3F9B] =	sst s1;
	(tag) =	ssettag s2;
	_ =	strace s9  }
0x27: {  	s1 =	sld [smem:$0x3FAB]  }
0x28: {  	s2 =	sld [smem:$0x3FAC]  }
0x29: {  	s4 =	sld [smem:$0x3FAE]  }
0x2a: {  	p0 =	seq.s32 s5, $0x0;
	s5 =	sld [smem:$0x3FAF]  }
0x2b: {  	s6 =	sld [smem:$0x3FB0]  }
0x2c: {  	s7 =	sld [smem:$0x3FB1]  }
0x2d: {  	s3 =	simm.s32 $0x108;
	s8 =	sld [smem:$0x3FB2]  }
0x2e: {  	s3 =	simm.s32 @!p0 $0x1082;
	s9 =	sld [smem:$0x3FB3]  }
0x2f: {  	lr =	sadd.s32 s0, s3;
	s0 =	sld [smem:$0x3FAA]  }
0x30: {  	s3 =	sld [smem:$0x3FAD]  }
0x31: {  	[smem:$0x3FB6] =	sst s10  }
0x32: {  	s10 =	sld [smem:$0x3FB4];
	_ =	sdelay $0x3  }
0x33: {  	p0 =	seq.s32 s10, $0x1;
	s10 =	sld [smem:$0x3FB6];
	_ =	sdelay $0x3  }
0x34: {  	[smem:$0x3FB6] =	sst s10  }
0x35: {  	s10 =	sld [smem:$0x3FB5];
	_ =	sdelay $0x3  }
0x36: {  	p1 =	seq.s32 s10, $0x1;
	s10 =	sld [smem:$0x3FB6];
	_ =	sdelay $0x3  }
0x37: {  	[smem:$0x3FB6] =	sst s10  }
0x38: {  	s10 =	sld [smem:$0x3FB7]  }
0x39: {  	_ = 	snop;
	(pc) =	sbr.ind lr, $3  }
0x3a: {  	_ = 	snop  }
0x3b: {  	_ = 	snop  }
0x3c: {  	p2 =	seq.s32 s10, $0x1;
	s10 =	sld [smem:$0x3FB6]  }
0x3d: {  	_ =	shalt  }
0x3e: {  	_ =	shalt  }
0x3f: {  	_ =	shalt  }
0x40: {  	_ =	shalt  }
0x41: {  	_ =	shalt  }
0x42: {  	_ =	shalt  }
0x43: {  	_ =	shalt  }
0x44: {  	_ =	shalt  }
0x45: {  	_ =	shalt  }
0x46: {  	_ =	shalt  }
0x47: {  	_ =	shalt  }
0x48: {  	_ =	shalt  }
0x49: {  	_ =	shalt  }
0x4a: {  	_ =	shalt  }
0x4b: {  	_ =	shalt  }
0x4c: {  	_ =	shalt  }
0x4d: {  	_ =	shalt  }
0x4e: {  	_ =	shalt  }
0x4f: {  	_ =	shalt  }
0x50: {  	_ =	shalt  }
0x51: {  	_ =	shalt  }
0x52: {  	_ =	shalt  }
0x53: {  	_ =	shalt  }
0x54: {  	_ =	shalt  }
0x55: {  	_ =	shalt  }
0x56: {  	_ =	shalt  }
0x57: {  	_ =	shalt  }
0x58: {  	_ =	shalt  }
0x59: {  	_ =	shalt  }
0x5a: {  	_ =	shalt  }
0x5b: {  	_ =	shalt  }
0x5c: {  	_ =	shalt  }
0x5d: {  	_ =	shalt  }
0x5e: {  	_ =	shalt  }
0x5f: {  	_ =	shalt  }
0x60: {  	_ =	shalt  }
0x61: {  	_ =	shalt  }
0x62: {  	_ =	shalt  }
0x63: {  	_ =	shalt  }
0x64: {  	_ =	shalt  }
0x65: {  	_ =	shalt  }
0x66: {  	_ =	shalt  }
0x67: {  	_ =	shalt  }
0x68: {  	_ =	shalt  }
0x69: {  	_ =	shalt  }
0x6a: {  	_ =	shalt  }
0x6b: {  	_ =	shalt  }
0x6c: {  	_ =	shalt  }
0x6d: {  	_ =	shalt  }
0x6e: {  	_ =	shalt  }
0x6f: {  	_ =	shalt  }
0x70: {  	_ =	shalt  }
0x71: {  	_ =	shalt  }
0x72: {  	_ =	shalt  }
0x73: {  	_ =	shalt  }
0x74: {  	_ =	shalt  }
0x75: {  	_ =	shalt  }
0x76: {  	_ =	shalt  }
0x77: {  	_ =	shalt  }
0x78: {  	_ =	shalt  }
0x79: {  	_ =	shalt  }
0x7a: {  	_ =	shalt  }
0x7b: {  	_ =	shalt  }
0x7c: {  	_ =	shalt  }
0x7d: {  	_ =	shalt  }
0x7e: {  	_ =	shalt  }
0x7f: {  	_ =	shalt  }
0x80: {  	_ =	shalt  }
0x81: {  	_ =	shalt  }
0x82: {  	_ =	shalt  }
0x83: {  	_ =	shalt  }
0x84: {  	_ =	shalt  }
0x85: {  	_ =	shalt  }
0x86: {  	_ =	shalt  }
0x87: {  	_ =	shalt  }
.Lfunc_end0:
.L_simem_size_0:
called_computation.2_lowered:
.L_overlay_start_0:
0x88: {  	s2 =	sld [smem:$0x3FD9]  }
0x89: {  	s3 =	sld [smem:$0x3FFE];
	_ =	sdelay $0x1  }
0x8a: {  	s1 =	srdreg.scid  }
0x8b: {  	s0 =	sand.u32 $0x1, s1  }
0x8c: {  	s17 =	sshll.u32 s0, $0xA;
	s2 =	sadd.s32 s3, s2  }
0x8d: {  	s2 =	sadd.s32 s2, s17  }
0x8e: {  	[smem:$0x3FC2] =	sst s2  }
0x8f: {  	_ = 	snop  }
0x90: {  	s2 =	sld [smem:$0x3FD0];
	(tm) =	ssettm $0x1  }
0x91: {  	s18 =	sld [smem:$0x3FFB];
	_ =	sdelay $0x3  }
0x92: {  	_ =	strace s18  }
0x93: {  	s3 =	sld [smem:$0x3FFC];
	_ =	sdelay $0x3  }
0x94: {  	_ =	strace s3  }
0x95: {  	s3 =	sld [smem:$0x3FFD];
	_ =	sdelay $0x3  }
0x96: {  	_ =	strace s3  }
0x97: {  	_ =	strace $0x8FFFFFFF  }
0x98: {  	s19 =	sld [smem:$0x3FDB];
	_ =	sdelay $0x1  }
0x99: {  	s4 =	simm.s32 $_scs_section_size  }
0x9a: {  	s5 =	simm.s32 $_size__tile_overlayer_lowered;
	s6 =	simm.s32 $_tile_overlayer_lowered  }
0x9b: {  	s22 =	simm.s32 $0x1BFF;
	s21 =	sshll.u32 s6, $0x1;
	s3 =	sadd.s32 s4, s19  }
0x9c: {  	s7 =	simm.s32 $0x0;
	s20 =	sshll.u32 s5, $0x1;
	s5 =	sadd.s32 s21, s3  }
0x9d: {  	[timem:s7], [sflag:s22] =	dma.local [hbm:s5], s20  }
0x9e: {  	_ =	swait.ge [sflag:s22], s20  }
0x9f: {  	s4 =	ssub.s32 $0x0, s20;
	[sflag:s22] =	ssyncset.done $0x0  }
0xa0: {  	[sflag:s22] =	ssyncadd.s32 s4;
	_ =	sdelay $0x1  }
0xa1: {  	s23 =	simm.s32 $0x1B8B  }
0xa2: {  	_ =	swait.ge [sflag:s23], $0x1  }
0xa3: {  	[sflag:s23] =	ssyncset.done $0x0  }
0xa4: {  	s25 =	simm.s32 $0x1B8E;
	s24 =	sld [smem:$0x3FFE];
	[sflag:s23] =	ssyncadd.s32 $0xFFFFFFFF  }
0xa5: {  	s26 =	simm.s32 $execute0_lowered;
	[smem:$0x3FD2] =	sst s25  }
0xa6: {  	s5 =	sshll.u32 s26, $0x1;
	_ =	strace $0x8000004C;
	[dreg:$0x1] =	wrdreg $0xFFFFFFFF  }
0xa7: {  	s28 =	simm.s32 $_size_execute0_lowered;
	s3 =	sadd.s32 s3, s5;
	[dreg:$0x0] =	wrdreg $0x0  }
0xa8: {  	s5 =	sshll.u32 s28, $0x1;
	[dreg:$0x2] =	wrdreg s3  }
0xa9: {  	[dreg:$0x3] =	wrdreg s5  }
0xaa: {  	[dreg:$0x4] =	wrdreg $0xC0  }
0xab: {  	_ =	task [dreg:s7], $0x5FFFF  }
0xac: {  	[dreg:$0x1] =	wrdreg $0xFFFFFFFF  }
0xad: {  	[dreg:$0x0] =	wrdreg $0x60  }
0xae: {  	[dreg:$0x2] =	wrdreg s24  }
0xaf: {  	[dreg:$0x3] =	wrdreg s2  }
0xb0: {  	[dreg:$0x4] =	wrdreg $0x106800  }
0xb1: {  	[dreg:$0x5] =	wrdreg $0xDF000  }
0xb2: {  	[dreg:$0x6] =	wrdreg $0x9  }
0xb3: {  	_ =	task.clear_ibuf [dreg:s7], $0x7FFFF;
	_ =	strace $0x9000004C  }
0xb4: {  	s29 =	simm.s32 $0x9;
	_ =	strace $0x8000004E  }
0xb5: {  	_ =	swait.ge [sflag:s29], $0x1  }
0xb6: {  	[sflag:s29] =	ssyncadd.s32 $0xFFFFFFFF  }
0xb7: {  	_ =	strace $0x9000004E  }
0xb8: {  	_ =	sfence  }
0xb9: {  	s30 =	sld [smem:$0x0];
	_ =	sdelay $0x2  }
0xba: {  	s31 =	sshll.u32 s1, $0xD;
	s1 =	sshrl.u32 s1, $0x2  }
0xbb: {  	s3 =	sand.u32 $0x4000, s31;
	s1 =	sadd.s32 s1, s30  }
0xbc: {  	s0 =	sor.u32 s3, s0;
	s1 =	sshll.u32 s1, $0x11  }
0xbd: {  	s0 =	sor.u32 s1, s0  }
0xbe: {  	s0 =	sadd.s32 $0x8F2B, s0  }
0xbf: {  	[sflag:s0] =	ssyncadd.remote.s32 $0x1  }
0xc0: {  	_ =	sfence.sel $0xFFFF  }
0xc1: {  	[dreg:$0x0] =	wrdreg $0xFFFFFFFF;
	(pc) =	sbr.abs _section_cstart, $3  }
0xc2: {  	[dreg:$0x1] =	wrdreg $0xFFFFFFFF  }
0xc3: {  	_ =	task.clear_ibuf [dreg:s7], $0x2FFFF;
	_ =	strace $0x9FFFFFFF  }
0xc4: {  	(tm) =	ssettm $0x7FFFFFFF  }
0xc5: {  	_ =	shalt  }
tec
execute0_lowered:
.L_overlay_start_1:
0x0: {  	(tag) =	ssettag $0x1  }
0x1: {  	s0 =	rddreg [dreg:$0x0]  }
0x2: {  	s4 =	rddreg [dreg:$0x1]  }
0x3: {  	s1 =	srdreg.scid;
	s2 =	rddreg [dreg:$0x2]  }
0x4: {  	s9 =	stileid.u32;
	s3 =	rddreg [dreg:$0x3];
	s19 =	simm.s32 $0x0  }
0x5: {  	s21 =	simm.s32 $0xB780;
	s23 =	simm.s32 $0x80;
	s24 =	simm.s32 $0x5000  }
0x6: {  	s25 =	simm.s32 $0x5800;
	s28 =	simm.s32 $0x6000;
	s30 =	simm.s32 $0x6800  }
0x7: {  	s29 =	simm.s32 $0x8000;
	s26 =	simm.s32 $0x1;
	s31 =	simm.s32 $0x2  }
0x8: {  	s22 =	simm.s32 $0x0;
	s1 =	sand.u32 $0x1, s1;
	[smem:$0x7FF] =	sst s19  }
0x9: {  	s6 =	smul.u32 $0x2780, s9;
	s13 =	sshll.u32 s9, $0x6;
	s5 =	sshll.u32 s1, $0x4  }
0xa: {  	_ =	strace $0x8000004D;
	s8 =	ssub.s32 $0x2, s1;
	s1 =	smul.u32 $0x27800, s1  }
0xb: {  	[dreg:$0xf] =	wrdreg s22;
	s5 =	sor.u32 s9, s5;
	s7 =	sshrl.u32 s6, $0x3  }
0xc: {  	s10 =	sshrl.u32 s8, $0x1;
	s12 =	sadd.s32 s6, s2;
	s17 =	sadd.s32 s6, s3  }
0xd: {  	s9 =	simm.s32 $0x7;
	s5 =	smul.u32 $0x2800, s5;
	[dreg:$0xb] =	wrdreg s17  }
0xe: {  	s15 =	sadd.s32 s6, s1;
	[dreg:$0x6] =	wrdreg s12;
	s20 =	sshrl.u32 s12, $0x3  }
0xf: {  	s1 =	simm.s32 $0x7000;
	s12 =	simm.s32 $0xB;
	s6 =	simm.s32 $0xE  }
0x10: {  	s17 =	simm.s32 $0xF;
	[dreg:$0xe] =	wrdreg s20;
	s5 =	sshrl.u32 s5, $0x3  }
0x11: {  	s20 =	simm.s32 $0x10;
	s5 =	sadd.s32 s5, s0;
	s0 =	sadd.s32 s7, s0  }
0x12: {  	s7 =	ssub.s32 s8, s10;
	s8 =	simm.s32 $0x6;
	s11 =	sadd.s32 $0x2A00, s0  }
0x13: {  	s10 =	simm.s32 $0x8;
	s0 =	sadd.s32 $0x16400, s0;
	[dreg:$0x5] =	wrdreg s11  }
0x14: {  	s14 =	sadd.s32 $0x2F000, s5;
	s16 =	sadd.s32 $0x39000, s5;
	[dreg:$0x7] =	wrdreg s0  }
0x15: {  	s18 =	smax.u32 s7, $0x1;
	s5 =	simm.s32 $0x3;
	[dreg:$0x9] =	wrdreg s14  }
0x16: {  	s7 =	simm.s32 $0x4;
	s0 =	sor.u32 $0x1C12, s13;
	[dreg:$0xa] =	wrdreg s16  }
0x17: {  	[dreg:$0xd] =	wrdreg s18;
	s16 =	simm.s32 $0x7800;
	s14 =	simm.s32 $0x5  }
0x18: {  	s18 =	simm.s32 $0x9;
	[dreg:$0x8] =	wrdreg s0;
	s0 =	sshrl.u32 s15, $0x3  }
0x19: {  	s11 =	simm.s32 $0xA;
	s13 =	simm.s32 $0xC;
	s0 =	sadd.s32 s4, s0  }
0x1a: {  	s15 =	simm.s32 $0xD;
	[dreg:$0xc] =	wrdreg s0;
	s0 =	simm.s32 $0x8800  }
.LBB2_1:
0x1b: {  	s4 =	rddreg [dreg:$0x5]  }
0x1c: {  	s22 =	rddreg [dreg:$0x8]  }
0x1d: {  	[tilespmem:s21], [sflag:$0x11] =	stream.linear.gather [hbm4b:s4+s19], $0x2780, $0x38;
	[tilespmem:$0x12E00] =	vst v63  }
0x1e: {  	s4 =	rddreg [dreg:$0x7]  }
0x1f: {  	s21 =	rddreg [dreg:$0xe]  }
0x20: {  	[spmem:s21], [sflag:s22] =	dma.local [hbm:s4], $0x4F0  }
0x21: {  	s4 =	rddreg [dreg:$0x9]  }
0x22: {  	[tilespmem:s19], [sflag:$0x13] =	stream.linear.gather [hbm4b:s4+s19], $0x2800, $0x38;
	[tilespmem:$0x12E00] =	vst v63  }
0x23: {  	s22 =	simm.s32 $0x2800;
	s21 =	rddreg [dreg:$0xa]  }
0x24: {  	[tilespmem:s22], [sflag:$0x14] =	stream.linear.gather [hbm4b:s21+s19], $0x2800, $0x38;
	[tilespmem:$0x12E00] =	vst v63  }
0x25: {  	s22 =	simm.s32 $0x11  }
0x26: {  	_ =	swait.ge [sflag:s22], $0x2780  }
0x27: {  	[sflag:s22] =	ssyncset.done $0x0  }
0x28: {  	s4 =	simm.s32 $0x0;
	[sflag:s22] =	ssyncadd.s32 $0xFFFFD880  }
0x29: {  	v3 =	vld [tilespmem:s4+$0xB7F0]  }
0x2a: {  	v4 =	vld [tilespmem:s4+$0xB780]  }
0x2b: {  	v5 =	vld [tilespmem:s4+$0xB790]  }
0x2c: {  	v2 =	vld [tilespmem:s4+$0xB7A0]  }
0x2d: {  	v0 =	vld [tilespmem:s4+$0xB7B0]  }
0x2e: {  	v1 =	vld [tilespmem:s4+$0xB7C0];
	[tilespmem:s4+$0x9070] =	vst v3  }
0x2f: {  	[tilespmem:s4+$0x9000] =	vst v4;
	v3 =	vld [tilespmem:s4+$0xB7D0]  }
0x30: {  	s19 =	simm.s32 $0x400;
	s22 =	simm.s32 $0x80;
	[tilespmem:s4+$0x9010] =	vst v5;
	v4 =	vld [tilespmem:s4+$0xB7E0]  }
.LBB2_2:
0x31: {  	p0 =	sne.s32 s19, $0x9C00;
	v5 =	vld [tilespmem:s22+$0xB7F0];
	[tilespmem:s4+$0x9020] =	vst v2  }
0x32: {  	v6 =	vld [tilespmem:s22+$0xB780];
	[tilespmem:s4+$0x9030] =	vst v0  }
0x33: {  	v7 =	vld [tilespmem:s22+$0xB790];
	[tilespmem:s4+$0x9040] =	vst v1  }
.Ltmp0:
0x34: {  	v2 =	vld [tilespmem:s22+$0xB7A0];
	[tilespmem:s4+$0x9050] =	vst v3;
	(pc) =	sbr.rel @p0 .LBB2_2-.Ltmp0, $4  }
0x35: {  	v0 =	vld [tilespmem:s22+$0xB7B0];
	[tilespmem:s4+$0x9060] =	vst v4;
	s4 =	smov.u32 s22  }
0x36: {  	v1 =	vld [tilespmem:s4+$0xB7C0];
	[tilespmem:s4+$0x9070] =	vst v5  }
0x37: {  	[tilespmem:s4+$0x9000] =	vst v6;
	v3 =	vld [tilespmem:s4+$0xB7D0]  }
0x38: {  	s22 =	sshra.s32 s19, $0x2;
	s19 =	sadd.s32 $0x200, s19;
	[tilespmem:s4+$0x9010] =	vst v7;
	v4 =	vld [tilespmem:s4+$0xB7E0]  }
0x39: {  	v5 =	vld [tilespmem:s22+$0xB7F0];
	[tilespmem:s4+$0x9020] =	vst v2  }
0x3a: {  	v2 =	vld [tilespmem:s22+$0xB780];
	[tilespmem:s4+$0x9030] =	vst v0  }
0x3b: {  	v0 =	vld [tilespmem:s22+$0xB790];
	[tilespmem:s4+$0x9040] =	vst v1  }
0x3c: {  	v1 =	vld [tilespmem:s22+$0xB7A0];
	[tilespmem:s4+$0x9050] =	vst v3  }
0x3d: {  	v3 =	vld [tilespmem:s22+$0xB7B0];
	[tilespmem:s4+$0x9060] =	vst v4  }
0x3e: {  	v4 =	vld [tilespmem:s22+$0xB7C0];
	[tilespmem:s22+$0x9070] =	vst v5  }
0x3f: {  	v62 =	vld [tilespmem:s22+$0xB7D0];
	[tilespmem:s22+$0x9000] =	vst v2  }
0x40: {  	v63 =	vld [tilespmem:s22+$0xB7E0];
	[tilespmem:s22+$0x9010] =	vst v0  }
0x41: {  	[tilespmem:s22+$0x9020] =	vst v1  }
0x42: {  	[tilespmem:s22+$0x9030] =	vst v3  }
0x43: {  	[tilespmem:s22+$0x9040] =	vst v4  }
0x44: {  	[tilespmem:s22+$0x9050] =	vst v62  }
0x45: {  	s21 =	simm.s32 $0x9000;
	s19 =	simm.s32 $0x15;
	[tilespmem:s22+$0x9060] =	vst v63;
	s22 =	rddreg [dreg:$0xb]  }
0x46: {  	[spmem:s22] =	stream.linear.scatter [tilespmem:s21], [sflag:$0x15], $0x2780, $0x38;
	[tilespmem:$0x12E00] =	vst v63  }
0x47: {  	_ =	swait.ge [sflag:s19], $0x2780  }
0x48: {  	[sflag:s19] =	ssyncset.done $0x0  }
0x49: {  	s22 =	simm.s32 $0x12;
	[sflag:s19] =	ssyncadd.s32 $0xFFFFD880  }
0x4a: {  	_ =	swait.ge [sflag:s22], $0x4F0  }
0x4b: {  	[sflag:s22] =	ssyncset.done $0x0  }
0x4c: {  	s19 =	simm.s32 $0x13;
	[sflag:s22] =	ssyncadd.s32 $0xFFFFFB10  }
0x4d: {  	_ =	swait.ge [sflag:s19], $0x2800  }
0x4e: {  	[sflag:s19] =	ssyncset.done $0x0  }
0x4f: {  	s22 =	simm.s32 $0x14;
	[sflag:s19] =	ssyncadd.s32 $0xFFFFD800  }
0x50: {  	_ =	swait.ge [sflag:s22], $0x2800  }
0x51: {  	[sflag:s22] =	ssyncset.done $0x0  }
0x52: {  	[sflag:s22] =	ssyncadd.s32 $0xFFFFD800  }
0x53: {  	s19 =	simm.s32 $0x0;
	[bflag:$0x0] =	sbarrier.arrive $0xFFFF  }
0x54: {  	[tilespmem:s24], [sflag:$0x1] =	stream.indirect.gather [spmem:s3], $0x10, s19, s23, $0xb8;
	[tilespmem:$0x12E00] =	vst v63  }
0x55: {  	_ = 	snop  }
0x56: {  	[tilespmem:s25], [sflag:$0x2] =	stream.indirect.gather [spmem:s3], $0x10, s23, s23, $0xb8;
	[tilespmem:$0x12E00] =	vst v63  }
0x57: {  	s22 =	simm.s32 $0x100  }
0x58: {  	[tilespmem:s28], [sflag:$0x3] =	stream.indirect.gather [spmem:s3], $0x10, s22, s23, $0xb8;
	[tilespmem:$0x12E00] =	vst v63  }
0x59: {  	s19 =	simm.s32 $0x180  }
0x5a: {  	[tilespmem:s30], [sflag:$0x4] =	stream.indirect.gather [spmem:s3], $0x10, s19, s23, $0xb8;
	[tilespmem:$0x12E00] =	vst v63  }
0x5b: {  	s22 =	simm.s32 $0x200  }
0x5c: {  	[tilespmem:s1], [sflag:$0x5] =	stream.indirect.gather [spmem:s3], $0x10, s22, s23, $0xb8;
	[tilespmem:$0x12E00] =	vst v63  }
0x5d: {  	s19 =	simm.s32 $0x280  }
0x5e: {  	[tilespmem:s16], [sflag:$0x6] =	stream.indirect.gather [spmem:s3], $0x10, s19, s23, $0xb8;
	[tilespmem:$0x12E00] =	vst v63  }
0x5f: {  	s22 =	simm.s32 $0x300  }
0x60: {  	[tilespmem:s29], [sflag:$0x7] =	stream.indirect.gather [spmem:s3], $0x10, s22, s23, $0xb8;
	[tilespmem:$0x12E00] =	vst v63  }
0x61: {  	s19 =	simm.s32 $0x380  }
0x62: {  	[tilespmem:s0], [sflag:$0x8] =	stream.indirect.gather [spmem:s3], $0x10, s19, s23, $0xb8;
	[tilespmem:$0x12E00] =	vst v63  }
0x63: {  	_ =	swait.ge [sflag:s26], $0x800  }
0x64: {  	[sflag:s26] =	ssyncset.done $0x0  }
0x65: {  	s22 =	simm.s32 $0x2800;
	[sflag:s26] =	ssyncadd.s32 $0xFFFFF800  }
0x66: {  	[spmem:s2] =	stream.indirect.scatter.add.f32 [tilespmem:s24], [sflag:$0x9], $0x10, s22, s23, $0xb8;
	[tilespmem:$0x12E00] =	vst v63  }
0x67: {  	_ =	swait.ge [sflag:s31], $0x800  }
0x68: {  	[sflag:s31] =	ssyncset.done $0x0  }
0x69: {  	s19 =	simm.s32 $0x2880;
	[sflag:s31] =	ssyncadd.s32 $0xFFFFF800  }
0x6a: {  	[spmem:s2] =	stream.indirect.scatter.add.f32 [tilespmem:s25], [sflag:$0xA], $0x10, s19, s23, $0xb8;
	[tilespmem:$0x12E00] =	vst v63  }
0x6b: {  	_ =	swait.ge [sflag:s5], $0x800  }
0x6c: {  	[sflag:s5] =	ssyncset.done $0x0  }
0x6d: {  	s22 =	simm.s32 $0x2900;
	[sflag:s5] =	ssyncadd.s32 $0xFFFFF800  }
0x6e: {  	[spmem:s2] =	stream.indirect.scatter.add.f32 [tilespmem:s28], [sflag:$0xB], $0x10, s22, s23, $0xb8;
	[tilespmem:$0x12E00] =	vst v63  }
0x6f: {  	_ =	swait.ge [sflag:s7], $0x800  }
0x70: {  	[sflag:s7] =	ssyncset.done $0x0  }
0x71: {  	s19 =	simm.s32 $0x2980;
	[sflag:s7] =	ssyncadd.s32 $0xFFFFF800  }
0x72: {  	[spmem:s2] =	stream.indirect.scatter.add.f32 [tilespmem:s30], [sflag:$0xC], $0x10, s19, s23, $0xb8;
	[tilespmem:$0x12E00] =	vst v63  }
0x73: {  	_ =	swait.ge [sflag:s14], $0x800  }
0x74: {  	[sflag:s14] =	ssyncset.done $0x0  }
0x75: {  	s22 =	simm.s32 $0x2A00;
	[sflag:s14] =	ssyncadd.s32 $0xFFFFF800  }
0x76: {  	[spmem:s2] =	stream.indirect.scatter.add.f32 [tilespmem:s1], [sflag:$0xD], $0x10, s22, s23, $0xb8;
	[tilespmem:$0x12E00] =	vst v63  }
0x77: {  	_ =	swait.ge [sflag:s8], $0x800  }
0x78: {  	[sflag:s8] =	ssyncset.done $0x0  }
0x79: {  	s19 =	simm.s32 $0x2A80;
	[sflag:s8] =	ssyncadd.s32 $0xFFFFF800  }
0x7a: {  	[spmem:s2] =	stream.indirect.scatter.add.f32 [tilespmem:s16], [sflag:$0xE], $0x10, s19, s23, $0xb8;
	[tilespmem:$0x12E00] =	vst v63  }
0x7b: {  	_ =	swait.ge [sflag:s9], $0x800  }
0x7c: {  	[sflag:s9] =	ssyncset.done $0x0  }
0x7d: {  	s22 =	simm.s32 $0x2B00;
	[sflag:s9] =	ssyncadd.s32 $0xFFFFF800  }
0x7e: {  	[spmem:s2] =	stream.indirect.scatter.add.f32 [tilespmem:s29], [sflag:$0xF], $0x10, s22, s23, $0xb8;
	[tilespmem:$0x12E00] =	vst v63  }
0x7f: {  	_ =	swait.ge [sflag:s10], $0x800  }
0x80: {  	[sflag:s10] =	ssyncset.done $0x0  }
0x81: {  	s19 =	simm.s32 $0x2B80;
	[sflag:s10] =	ssyncadd.s32 $0xFFFFF800  }
0x82: {  	[spmem:s2] =	stream.indirect.scatter.add.f32 [tilespmem:s0], [sflag:$0x10], $0x10, s19, s23, $0xb8;
	[tilespmem:$0x12E00] =	vst v63  }
0x83: {  	_ =	swait.ge [sflag:s18], $0x800  }
0x84: {  	[sflag:s18] =	ssyncset.done $0x0  }
0x85: {  	s22 =	simm.s32 $0x400;
	[sflag:s18] =	ssyncadd.s32 $0xFFFFF800  }
0x86: {  	[tilespmem:s24], [sflag:$0x1] =	stream.indirect.gather [spmem:s3], $0x10, s22, s23, $0xb8;
	[tilespmem:$0x12E00] =	vst v63  }
0x87: {  	_ =	swait.ge [sflag:s11], $0x800  }
0x88: {  	[sflag:s11] =	ssyncset.done $0x0  }
0x89: {  	s19 =	simm.s32 $0x480;
	[sflag:s11] =	ssyncadd.s32 $0xFFFFF800  }
0x8a: {  	[tilespmem:s25], [sflag:$0x2] =	stream.indirect.gather [spmem:s3], $0x10, s19, s23, $0xb8;
	[tilespmem:$0x12E00] =	vst v63  }
0x8b: {  	_ =	swait.ge [sflag:s12], $0x800  }
0x8c: {  	[sflag:s12] =	ssyncset.done $0x0  }
0x8d: {  	s22 =	simm.s32 $0x500;
	[sflag:s12] =	ssyncadd.s32 $0xFFFFF800  }
0x8e: {  	[tilespmem:s28], [sflag:$0x3] =	stream.indirect.gather [spmem:s3], $0x10, s22, s23, $0xb8;
	[tilespmem:$0x12E00] =	vst v63  }
0x8f: {  	_ =	swait.ge [sflag:s13], $0x800  }
0x90: {  	[sflag:s13] =	ssyncset.done $0x0  }
0x91: {  	s19 =	simm.s32 $0x580;
	[sflag:s13] =	ssyncadd.s32 $0xFFFFF800  }
0x92: {  	[tilespmem:s30], [sflag:$0x4] =	stream.indirect.gather [spmem:s3], $0x10, s19, s23, $0xb8;
	[tilespmem:$0x12E00] =	vst v63  }
0x93: {  	_ =	swait.ge [sflag:s15], $0x800  }
0x94: {  	[sflag:s15] =	ssyncset.done $0x0  }
0x95: {  	s22 =	simm.s32 $0x600;
	[sflag:s15] =	ssyncadd.s32 $0xFFFFF800  }
0x96: {  	[tilespmem:s1], [sflag:$0x5] =	stream.indirect.gather [spmem:s3], $0x10, s22, s23, $0xb8;
	[tilespmem:$0x12E00] =	vst v63  }
0x97: {  	_ =	swait.ge [sflag:s6], $0x800  }
0x98: {  	[sflag:s6] =	ssyncset.done $0x0  }
0x99: {  	s19 =	simm.s32 $0x680;
	[sflag:s6] =	ssyncadd.s32 $0xFFFFF800  }
0x9a: {  	[tilespmem:s16], [sflag:$0x6] =	stream.indirect.gather [spmem:s3], $0x10, s19, s23, $0xb8;
	[tilespmem:$0x12E00] =	vst v63  }
0x9b: {  	_ =	swait.ge [sflag:s17], $0x800  }
0x9c: {  	[sflag:s17] =	ssyncset.done $0x0  }
0x9d: {  	s22 =	simm.s32 $0x700;
	[sflag:s17] =	ssyncadd.s32 $0xFFFFF800  }
0x9e: {  	[tilespmem:s29], [sflag:$0x7] =	stream.indirect.gather [spmem:s3], $0x10, s22, s23, $0xb8;
	[tilespmem:$0x12E00] =	vst v63  }
0x9f: {  	_ =	swait.ge [sflag:s20], $0x800  }
0xa0: {  	[sflag:s20] =	ssyncset.done $0x0  }
0xa1: {  	s4 =	simm.s32 $0x780;
	s22 =	simm.s32 $0x1000;
	[sflag:s20] =	ssyncadd.s32 $0xFFFFF800  }
.LBB2_4:
0xa2: {  	[tilespmem:s0], [sflag:$0x8] =	stream.indirect.gather [spmem:s3], $0x10, s4, s23, $0xb8;
	[tilespmem:$0x12E00] =	vst v63  }
0xa3: {  	s4 =	smov.u32 s22  }
0xa4: {  	p0 =	sne.s32 s22, $0x8000;
	s22 =	sadd.s32 $0x1000, s22;
	_ =	swait.ge [sflag:s26], $0x800  }
0xa5: {  	s4 =	sshra.s32 s4, $0x2;
	[sflag:s26] =	ssyncset.done $0x0  }
0xa6: {  	s19 =	sadd.s32 $0x2800, s4;
	[sflag:s26] =	ssyncadd.s32 $0xFFFFF800  }
0xa7: {  	[spmem:s2] =	stream.indirect.scatter.add.f32 [tilespmem:s24], [sflag:$0x9], $0x10, s19, s23, $0xb8;
	[tilespmem:$0x12E00] =	vst v63  }
0xa8: {  	_ =	swait.ge [sflag:s31], $0x800  }
0xa9: {  	[sflag:s31] =	ssyncset.done $0x0  }
0xaa: {  	s19 =	sadd.s32 $0x2880, s4;
	[sflag:s31] =	ssyncadd.s32 $0xFFFFF800  }
0xab: {  	[spmem:s2] =	stream.indirect.scatter.add.f32 [tilespmem:s25], [sflag:$0xA], $0x10, s19, s23, $0xb8;
	[tilespmem:$0x12E00] =	vst v63  }
0xac: {  	_ =	swait.ge [sflag:s5], $0x800  }
0xad: {  	[sflag:s5] =	ssyncset.done $0x0  }
0xae: {  	s19 =	sadd.s32 $0x2900, s4;
	[sflag:s5] =	ssyncadd.s32 $0xFFFFF800  }
0xaf: {  	[spmem:s2] =	stream.indirect.scatter.add.f32 [tilespmem:s28], [sflag:$0xB], $0x10, s19, s23, $0xb8;
	[tilespmem:$0x12E00] =	vst v63  }
0xb0: {  	_ =	swait.ge [sflag:s7], $0x800  }
0xb1: {  	[sflag:s7] =	ssyncset.done $0x0  }
0xb2: {  	s19 =	sadd.s32 $0x2980, s4;
	[sflag:s7] =	ssyncadd.s32 $0xFFFFF800  }
0xb3: {  	[spmem:s2] =	stream.indirect.scatter.add.f32 [tilespmem:s30], [sflag:$0xC], $0x10, s19, s23, $0xb8;
	[tilespmem:$0x12E00] =	vst v63  }
0xb4: {  	_ =	swait.ge [sflag:s14], $0x800  }
0xb5: {  	[sflag:s14] =	ssyncset.done $0x0  }
0xb6: {  	s19 =	sadd.s32 $0x2A00, s4;
	[sflag:s14] =	ssyncadd.s32 $0xFFFFF800  }
0xb7: {  	[spmem:s2] =	stream.indirect.scatter.add.f32 [tilespmem:s1], [sflag:$0xD], $0x10, s19, s23, $0xb8;
	[tilespmem:$0x12E00] =	vst v63  }
0xb8: {  	_ =	swait.ge [sflag:s8], $0x800  }
0xb9: {  	[sflag:s8] =	ssyncset.done $0x0  }
0xba: {  	s19 =	sadd.s32 $0x2A80, s4;
	[sflag:s8] =	ssyncadd.s32 $0xFFFFF800  }
0xbb: {  	[spmem:s2] =	stream.indirect.scatter.add.f32 [tilespmem:s16], [sflag:$0xE], $0x10, s19, s23, $0xb8;
	[tilespmem:$0x12E00] =	vst v63  }
0xbc: {  	_ =	swait.ge [sflag:s9], $0x800  }
0xbd: {  	[sflag:s9] =	ssyncset.done $0x0  }
0xbe: {  	s19 =	sadd.s32 $0x2B00, s4;
	[sflag:s9] =	ssyncadd.s32 $0xFFFFF800  }
0xbf: {  	[spmem:s2] =	stream.indirect.scatter.add.f32 [tilespmem:s29], [sflag:$0xF], $0x10, s19, s23, $0xb8;
	[tilespmem:$0x12E00] =	vst v63  }
0xc0: {  	_ =	swait.ge [sflag:s10], $0x800  }
0xc1: {  	[sflag:s10] =	ssyncset.done $0x0  }
0xc2: {  	s19 =	sadd.s32 $0x2B80, s4;
	[sflag:s10] =	ssyncadd.s32 $0xFFFFF800  }
0xc3: {  	[spmem:s2] =	stream.indirect.scatter.add.f32 [tilespmem:s0], [sflag:$0x10], $0x10, s19, s23, $0xb8;
	[tilespmem:$0x12E00] =	vst v63  }
0xc4: {  	_ =	swait.ge [sflag:s18], $0x800  }
0xc5: {  	[sflag:s18] =	ssyncset.done $0x0  }
0xc6: {  	s19 =	sadd.s32 $0x400, s4;
	[sflag:s18] =	ssyncadd.s32 $0xFFFFF800  }
0xc7: {  	[tilespmem:s24], [sflag:$0x1] =	stream.indirect.gather [spmem:s3], $0x10, s19, s23, $0xb8;
	[tilespmem:$0x12E00] =	vst v63  }
0xc8: {  	_ =	swait.ge [sflag:s11], $0x800  }
0xc9: {  	[sflag:s11] =	ssyncset.done $0x0  }
0xca: {  	s19 =	sadd.s32 $0x480, s4;
	[sflag:s11] =	ssyncadd.s32 $0xFFFFF800  }
0xcb: {  	[tilespmem:s25], [sflag:$0x2] =	stream.indirect.gather [spmem:s3], $0x10, s19, s23, $0xb8;
	[tilespmem:$0x12E00] =	vst v63  }
0xcc: {  	_ =	swait.ge [sflag:s12], $0x800  }
0xcd: {  	[sflag:s12] =	ssyncset.done $0x0  }
0xce: {  	s19 =	sadd.s32 $0x500, s4;
	[sflag:s12] =	ssyncadd.s32 $0xFFFFF800  }
0xcf: {  	[tilespmem:s28], [sflag:$0x3] =	stream.indirect.gather [spmem:s3], $0x10, s19, s23, $0xb8;
	[tilespmem:$0x12E00] =	vst v63  }
0xd0: {  	_ =	swait.ge [sflag:s13], $0x800  }
0xd1: {  	[sflag:s13] =	ssyncset.done $0x0  }
0xd2: {  	s19 =	sadd.s32 $0x580, s4;
	[sflag:s13] =	ssyncadd.s32 $0xFFFFF800  }
0xd3: {  	[tilespmem:s30], [sflag:$0x4] =	stream.indirect.gather [spmem:s3], $0x10, s19, s23, $0xb8;
	[tilespmem:$0x12E00] =	vst v63  }
0xd4: {  	_ =	swait.ge [sflag:s15], $0x800  }
0xd5: {  	[sflag:s15] =	ssyncset.done $0x0  }
0xd6: {  	s19 =	sadd.s32 $0x600, s4;
	[sflag:s15] =	ssyncadd.s32 $0xFFFFF800  }
0xd7: {  	[tilespmem:s1], [sflag:$0x5] =	stream.indirect.gather [spmem:s3], $0x10, s19, s23, $0xb8;
	[tilespmem:$0x12E00] =	vst v63  }
0xd8: {  	_ =	swait.ge [sflag:s6], $0x800  }
0xd9: {  	[sflag:s6] =	ssyncset.done $0x0  }
0xda: {  	s19 =	sadd.s32 $0x680, s4;
	[sflag:s6] =	ssyncadd.s32 $0xFFFFF800  }
0xdb: {  	[tilespmem:s16], [sflag:$0x6] =	stream.indirect.gather [spmem:s3], $0x10, s19, s23, $0xb8;
	[tilespmem:$0x12E00] =	vst v63  }
0xdc: {  	_ =	swait.ge [sflag:s17], $0x800  }
0xdd: {  	[sflag:s17] =	ssyncset.done $0x0  }
.Ltmp1:
0xde: {  	s19 =	sadd.s32 $0x700, s4;
	[sflag:s17] =	ssyncadd.s32 $0xFFFFF800;
	(pc) =	sbr.rel @p0 .LBB2_4-.Ltmp1, $4  }
0xdf: {  	[tilespmem:s29], [sflag:$0x7] =	stream.indirect.gather [spmem:s3], $0x10, s19, s23, $0xb8;
	[tilespmem:$0x12E00] =	vst v63  }
0xe0: {  	_ =	swait.ge [sflag:s20], $0x800  }
0xe1: {  	[sflag:s20] =	ssyncset.done $0x0  }
0xe2: {  	s4 =	sadd.s32 $0x780, s4;
	[sflag:s20] =	ssyncadd.s32 $0xFFFFF800  }
0xe3: {  	[tilespmem:s0], [sflag:$0x8] =	stream.indirect.gather [spmem:s3], $0x10, s4, s23, $0xb8;
	[tilespmem:$0x12E00] =	vst v63  }
0xe4: {  	_ =	swait.ge [sflag:s26], $0x800  }
0xe5: {  	[sflag:s26] =	ssyncset.done $0x0  }
0xe6: {  	s19 =	simm.s32 $0x4C00;
	[sflag:s26] =	ssyncadd.s32 $0xFFFFF800  }
0xe7: {  	[spmem:s2] =	stream.indirect.scatter.add.f32 [tilespmem:s24], [sflag:$0x9], $0x10, s19, s23, $0xb8;
	[tilespmem:$0x12E00] =	vst v63  }
0xe8: {  	_ =	swait.ge [sflag:s31], $0x800  }
0xe9: {  	[sflag:s31] =	ssyncset.done $0x0  }
0xea: {  	s22 =	simm.s32 $0x4C80;
	[sflag:s31] =	ssyncadd.s32 $0xFFFFF800  }
0xeb: {  	[spmem:s2] =	stream.indirect.scatter.add.f32 [tilespmem:s25], [sflag:$0xA], $0x10, s22, s23, $0xb8;
	[tilespmem:$0x12E00] =	vst v63  }
0xec: {  	_ =	swait.ge [sflag:s5], $0x800  }
0xed: {  	[sflag:s5] =	ssyncset.done $0x0  }
0xee: {  	s19 =	simm.s32 $0x4D00;
	[sflag:s5] =	ssyncadd.s32 $0xFFFFF800  }
0xef: {  	[spmem:s2] =	stream.indirect.scatter.add.f32 [tilespmem:s28], [sflag:$0xB], $0x10, s19, s23, $0xb8;
	[tilespmem:$0x12E00] =	vst v63  }
0xf0: {  	_ =	swait.ge [sflag:s7], $0x800  }
0xf1: {  	[sflag:s7] =	ssyncset.done $0x0  }
0xf2: {  	s22 =	simm.s32 $0x4D80;
	[sflag:s7] =	ssyncadd.s32 $0xFFFFF800  }
0xf3: {  	[spmem:s2] =	stream.indirect.scatter.add.f32 [tilespmem:s30], [sflag:$0xC], $0x10, s22, s23, $0xb8;
	[tilespmem:$0x12E00] =	vst v63  }
0xf4: {  	_ =	swait.ge [sflag:s14], $0x800  }
0xf5: {  	[sflag:s14] =	ssyncset.done $0x0  }
0xf6: {  	s19 =	simm.s32 $0x4E00;
	[sflag:s14] =	ssyncadd.s32 $0xFFFFF800  }
0xf7: {  	[spmem:s2] =	stream.indirect.scatter.add.f32 [tilespmem:s1], [sflag:$0xD], $0x10, s19, s23, $0xb8;
	[tilespmem:$0x12E00] =	vst v63  }
0xf8: {  	_ =	swait.ge [sflag:s8], $0x800  }
0xf9: {  	[sflag:s8] =	ssyncset.done $0x0  }
0xfa: {  	s22 =	simm.s32 $0x4E80;
	[sflag:s8] =	ssyncadd.s32 $0xFFFFF800  }
0xfb: {  	[spmem:s2] =	stream.indirect.scatter.add.f32 [tilespmem:s16], [sflag:$0xE], $0x10, s22, s23, $0xb8;
	[tilespmem:$0x12E00] =	vst v63  }
0xfc: {  	_ =	swait.ge [sflag:s9], $0x800  }
0xfd: {  	[sflag:s9] =	ssyncset.done $0x0  }
0xfe: {  	s19 =	simm.s32 $0x4F00;
	[sflag:s9] =	ssyncadd.s32 $0xFFFFF800  }
0xff: {  	[spmem:s2] =	stream.indirect.scatter.add.f32 [tilespmem:s29], [sflag:$0xF], $0x10, s19, s23, $0xb8;
	[tilespmem:$0x12E00] =	vst v63  }
0x100: {  	_ =	swait.ge [sflag:s10], $0x800  }
0x101: {  	[sflag:s10] =	ssyncset.done $0x0  }
0x102: {  	s22 =	simm.s32 $0x4F80;
	[sflag:s10] =	ssyncadd.s32 $0xFFFFF800  }
0x103: {  	[spmem:s2] =	stream.indirect.scatter.add.f32 [tilespmem:s0], [sflag:$0x10], $0x10, s22, s23, $0xb8;
	[tilespmem:$0x12E00] =	vst v63  }
0x104: {  	_ =	swait.ge [sflag:s18], $0x800  }
0x105: {  	[sflag:s18] =	ssyncset.done $0x0  }
0x106: {  	[sflag:s18] =	ssyncadd.s32 $0xFFFFF800  }
0x107: {  	_ =	swait.ge [sflag:s11], $0x800  }
0x108: {  	[sflag:s11] =	ssyncset.done $0x0  }
0x109: {  	[sflag:s11] =	ssyncadd.s32 $0xFFFFF800  }
0x10a: {  	_ =	swait.ge [sflag:s12], $0x800  }
0x10b: {  	[sflag:s12] =	ssyncset.done $0x0  }
0x10c: {  	[sflag:s12] =	ssyncadd.s32 $0xFFFFF800  }
0x10d: {  	_ =	swait.ge [sflag:s13], $0x800  }
0x10e: {  	[sflag:s13] =	ssyncset.done $0x0  }
0x10f: {  	[sflag:s13] =	ssyncadd.s32 $0xFFFFF800  }
0x110: {  	_ =	swait.ge [sflag:s15], $0x800  }
0x111: {  	[sflag:s15] =	ssyncset.done $0x0  }
0x112: {  	[sflag:s15] =	ssyncadd.s32 $0xFFFFF800  }
0x113: {  	_ =	swait.ge [sflag:s6], $0x800  }
0x114: {  	[sflag:s6] =	ssyncset.done $0x0  }
0x115: {  	[sflag:s6] =	ssyncadd.s32 $0xFFFFF800  }
0x116: {  	_ =	swait.ge [sflag:s17], $0x800  }
0x117: {  	[sflag:s17] =	ssyncset.done $0x0  }
0x118: {  	[sflag:s17] =	ssyncadd.s32 $0xFFFFF800  }
0x119: {  	_ =	swait.ge [sflag:s20], $0x800  }
0x11a: {  	[sflag:s20] =	ssyncset.done $0x0  }
0x11b: {  	[sflag:s20] =	ssyncadd.s32 $0xFFFFF800  }
0x11c: {  	[bflag:$0x0] =	sbarrier.arrive $0xFFFF  }
0x11d: {  	s22 =	simm.s32 $0x15;
	s19 =	rddreg [dreg:$0x6]  }
0x11e: {  	[tilespmem:s21], [sflag:$0x15] =	stream.linear.gather [spmem:s19], $0x2780, $0x38;
	[tilespmem:$0x12E00] =	vst v63  }
0x11f: {  	_ =	swait.ge [sflag:s22], $0x2780  }
0x120: {  	[sflag:s22] =	ssyncset.done $0x0  }
0x121: {  	s4 =	simm.s32 $0x0;
	[sflag:s22] =	ssyncadd.s32 $0xFFFFD880  }
0x122: {  	v3 =	vld [tilespmem:s4+$0x9070]  }
0x123: {  	v4 =	vld [tilespmem:s4+$0x9000]  }
0x124: {  	v5 =	vld [tilespmem:s4+$0x9010]  }
0x125: {  	v2 =	vld [tilespmem:s4+$0x9020]  }
0x126: {  	v0 =	vld [tilespmem:s4+$0x9030]  }
0x127: {  	v1 =	vld [tilespmem:s4+$0x9040];
	[tilespmem:s4+$0xB7F0] =	vst v3  }
0x128: {  	[tilespmem:s4+$0xB780] =	vst v4;
	v3 =	vld [tilespmem:s4+$0x9050]  }
0x129: {  	s19 =	simm.s32 $0x400;
	s22 =	simm.s32 $0x80;
	[tilespmem:s4+$0xB790] =	vst v5;
	v4 =	vld [tilespmem:s4+$0x9060]  }
.LBB2_6:
0x12a: {  	p0 =	sne.s32 s19, $0x9C00;
	v5 =	vld [tilespmem:s22+$0x9070];
	[tilespmem:s4+$0xB7A0] =	vst v2  }
0x12b: {  	v6 =	vld [tilespmem:s22+$0x9000];
	[tilespmem:s4+$0xB7B0] =	vst v0  }
0x12c: {  	v7 =	vld [tilespmem:s22+$0x9010];
	[tilespmem:s4+$0xB7C0] =	vst v1  }
.Ltmp2:
0x12d: {  	v2 =	vld [tilespmem:s22+$0x9020];
	[tilespmem:s4+$0xB7D0] =	vst v3;
	(pc) =	sbr.rel @p0 .LBB2_6-.Ltmp2, $4  }
0x12e: {  	v0 =	vld [tilespmem:s22+$0x9030];
	[tilespmem:s4+$0xB7E0] =	vst v4;
	s4 =	smov.u32 s22  }
0x12f: {  	v1 =	vld [tilespmem:s4+$0x9040];
	[tilespmem:s4+$0xB7F0] =	vst v5  }
0x130: {  	[tilespmem:s4+$0xB780] =	vst v6;
	v3 =	vld [tilespmem:s4+$0x9050]  }
0x131: {  	s22 =	sshra.s32 s19, $0x2;
	s19 =	sadd.s32 $0x200, s19;
	[tilespmem:s4+$0xB790] =	vst v7;
	v4 =	vld [tilespmem:s4+$0x9060]  }
0x132: {  	v5 =	vld [tilespmem:s22+$0x9070];
	[tilespmem:s4+$0xB7A0] =	vst v2  }
0x133: {  	v2 =	vld [tilespmem:s22+$0x9000];
	[tilespmem:s4+$0xB7B0] =	vst v0  }
0x134: {  	v0 =	vld [tilespmem:s22+$0x9010];
	[tilespmem:s4+$0xB7C0] =	vst v1  }
0x135: {  	v1 =	vld [tilespmem:s22+$0x9020];
	[tilespmem:s4+$0xB7D0] =	vst v3  }
0x136: {  	v3 =	vld [tilespmem:s22+$0x9030];
	[tilespmem:s4+$0xB7E0] =	vst v4  }
0x137: {  	v4 =	vld [tilespmem:s22+$0x9040];
	[tilespmem:s22+$0xB7F0] =	vst v5  }
0x138: {  	v62 =	vld [tilespmem:s22+$0x9050];
	[tilespmem:s22+$0xB780] =	vst v2  }
0x139: {  	v63 =	vld [tilespmem:s22+$0x9060];
	[tilespmem:s22+$0xB790] =	vst v0  }
0x13a: {  	[tilespmem:s22+$0xB7A0] =	vst v1  }
0x13b: {  	[tilespmem:s22+$0xB7B0] =	vst v3  }
0x13c: {  	[tilespmem:s22+$0xB7C0] =	vst v4  }
0x13d: {  	[tilespmem:s22+$0xB7D0] =	vst v62  }
0x13e: {  	s19 =	simm.s32 $0x0;
	s21 =	simm.s32 $0xB780;
	[tilespmem:s22+$0xB7E0] =	vst v63;
	s22 =	rddreg [dreg:$0xc]  }
0x13f: {  	[hbm4b:s22+s19] =	stream.linear.scatter [tilespmem:s21], [sflag:$0x15], $0x2780, $0x38;
	[tilespmem:$0x12E00] =	vst v63  }
0x140: {  	s21 =	simm.s32 $0x15  }
0x141: {  	_ =	swait.ge [sflag:s21], $0x2780  }
0x142: {  	s4 =	rddreg [dreg:$0xf]  }
0x143: {  	s22 =	sadd.s32 $0x1, s4;
	s4 =	rddreg [dreg:$0xd]  }
0x144: {  	p0 =	sne.s32 s22, s4  }
.Ltmp3:
0x145: {  	_ = 	snop;
	(pc) =	sbr.rel @p0 .LBB2_1-.Ltmp3, $3  }
0x146: {  	_ =	sdelay $0x1  }
0x147: {  	[sflag:s21] =	ssyncset.done $0x0  }
0x148: {  	[sflag:s21] =	ssyncadd.s32 $0xFFFFD880;
	s21 =	simm.s32 $0xB780;
	[dreg:$0xf] =	wrdreg s22  }
0x149: {  	_ =	sfence.sel $0x180000  }
0x14a: {  	[bflag:$0x0] =	sbarrier.arrive $0xFFFF  }
0x14b: {  	_ =	strace $0x9000004D  }
0x14c: {  	s0 =	stileid.u32;
	[bflag:$0x2] =	sbarrier.arrive $0xFFFF  }
0x14d: {  	p0 =	sne.s32 s0, $0x0;
	s0 =	rddreg [dreg:$0x4]  }
0x14e: {  	s0 =	sadd.s32 @!p0 $0x100000, s0  }
0x14f: {  	[sflag:s0] =	ssyncadd.tile.s32 @!p0 $0x1;
	_ =	shalt  }
.Lfunc_end2:
_tile_overlayer_lowered:
.L_overlay_start_2:
0x150: {  	(tag) =	ssettag $0x2  }
0x151: {  	s0 =	rddreg [dreg:$0x0];
	s2 =	stileid.u32  }
0x152: {  	s1 =	rddreg [dreg:$0x1];
	p0 =	sne.s32 s2, $0x0  }
0x153: {  	s3 =	rddreg [dreg:$0x2];
	[bflag:$0x3] =	sbarrier.arrive $0xFFFF;
	s2 =	simm.s32 @!p0 $0x1C15  }
0x154: {  	[timem:s3], [sflag:s2] =	dma.local @!p0 [hbm:s0], s1  }
0x155: {  	s0 =	simm.s32 @!p0 $0x15  }
0x156: {  	_ =	swait.ge @!p0 [sflag:s0], s1  }
0x157: {  	s1 =	ssub.s32 @!p0 $0x0, s1;
	[sflag:s0] =	ssyncset.done @!p0 $0x0  }
0x158: {  	[sflag:s0] =	ssyncadd.s32 @!p0 s1  }
0x159: {  	[bflag:$0x3] =	sbarrier.arrive $0xFFFF  }
0x15a: {  	_ =	shalt  }

// kernel: kernel.9.cloned.1.call-start
scs
__scs_entry_jumppad:
0x0: {  	(pc) =	sbr.rel $0x88, $3  }
0x1: {  	(tag) =	ssettag $0x0;
	lr =	simm.s32 $0x1  }
0x2: {  	[smem:$0x3F9B] =	sst lr;
	_ =	strace $0xD0000000  }
0x3: {  	_ = 	snop  }
0x4: {  	_ = 	snop  }
0x5: {  	_ = 	snop  }
0x6: {  	_ = 	snop  }
0x7: {  	_ = 	snop  }
__scs_overlays_trampoline_lowered:
0x8: {  	[smem:$0x3FAA] =	sst s0  }
0x9: {  	[smem:$0x3FAB] =	sst s1  }
0xa: {  	[smem:$0x3FAC] =	sst s2  }
0xb: {  	[smem:$0x3FAD] =	sst s3  }
0xc: {  	[smem:$0x3FAE] =	sst s4  }
0xd: {  	[smem:$0x3FAF] =	sst s5  }
0xe: {  	[smem:$0x3FB0] =	sst s6  }
0xf: {  	[smem:$0x3FB1] =	sst s7  }
0x10: {  	[smem:$0x3FB2] =	sst s8  }
0x11: {  	[smem:$0x3FB3] =	sst s9;
	s0 =	simm.s32 @!p0 $0x0  }
0x12: {  	s1 =	sld [smem:$0x3F99];
	s0 =	simm.s32 @p0 $0x1  }
0x13: {  	[smem:$0x3FB4] =	sst s0;
	s0 =	simm.s32 @!p1 $0x0  }
0x14: {  	s2 =	sld [smem:$0x3F98];
	s0 =	simm.s32 @p1 $0x1  }
0x15: {  	[smem:$0x3FB5] =	sst s0;
	s0 =	simm.s32 @!p2 $0x0  }
0x16: {  	s3 =	sld [smem:$0x3FDB];
	s0 =	simm.s32 @p2 $0x1  }
0x17: {  	s4 =	simm.s32 $0x1BF5;
	[smem:$0x3FB7] =	sst s0  }
0x18: {  	s0 =	sld [smem:$0x3F9A];
	_ =	swait.ge [sflag:s4], $0x0  }
0x19: {  	s7 =	sld [smem:$0x3F9B]  }
0x1a: {  	s8 =	sadd.s32 $0xFFFFE003, lr  }
0x1b: {  	s9 =	sadd.s32 $0xFFFFFEF7, lr;
	s5 =	simm.s32 $0xFFFFFFFF;
	p2 =	slt.u32 s8, $0xFFFFF086  }
0x1c: {  	p1 =	slt.u32 s9, $0xF7A;
	s5 =	simm.s32 @!p2 $0x0  }
0x1d: {  	s5 =	simm.s32 @p1 $0x1;
	p0 =	seq.s32 s7, s2  }
0x1e: {  	s7 =	smul.u32 @!p0 $0xF7A, s2;
	p2 =	seq.s32 @!p0 s5, $0x0  }
0x1f: {  	s9 =	smul.u32 $0xF7A, s1;
	s8 =	simm.s32 @!p0 $0x1BF5;
	p2 =	por !p2, p0  }
0x20: {  	[sflag:s8] =	ssyncset.s32 @!p0 $0xFFFFF086;
	s6 =	sadd.s32 @!p0 s3, s7;
	s7 =	simm.s32 @!p0 $0x108  }
0x21: {  	s3 =	sadd.s32 s3, s9;
	s6 =	sadd.s32 @!p0 $0x88, s6;
	s7 =	simm.s32 @p2 $0x1082  }
0x22: {  	[simem:s7], [sflag:s8] =	dma.local @!p0 [hbm:s6], $0xF7A  }
0x23: {  	s9 =	sor.u32 $0xD0000000, s2;
	s6 =	simm.s32 $0x108;
	_ =	swait.ge @!p0 [sflag:s8], $0x0  }
0x24: {  	s3 =	sadd.s32 $0x88, s3;
	s6 =	simm.s32 @!p1 $0x1082;
	[sflag:s4] =	ssyncset.s32 $0xFFFFF086  }
0x25: {  	[simem:s6], [sflag:s4] =	dma.local [hbm:s3], $0xF7A  }
0x26: {  	[smem:$0x3F9B] =	sst s1;
	(tag) =	ssettag s2;
	_ =	strace s9  }
0x27: {  	s1 =	sld [smem:$0x3FAB]  }
0x28: {  	s2 =	sld [smem:$0x3FAC]  }
0x29: {  	s4 =	sld [smem:$0x3FAE]  }
0x2a: {  	p0 =	seq.s32 s5, $0x0;
	s5 =	sld [smem:$0x3FAF]  }
0x2b: {  	s6 =	sld [smem:$0x3FB0]  }
0x2c: {  	s7 =	sld [smem:$0x3FB1]  }
0x2d: {  	s3 =	simm.s32 $0x108;
	s8 =	sld [smem:$0x3FB2]  }
0x2e: {  	s3 =	simm.s32 @!p0 $0x1082;
	s9 =	sld [smem:$0x3FB3]  }
0x2f: {  	lr =	sadd.s32 s0, s3;
	s0 =	sld [smem:$0x3FAA]  }
0x30: {  	s3 =	sld [smem:$0x3FAD]  }
0x31: {  	[smem:$0x3FB6] =	sst s10  }
0x32: {  	s10 =	sld [smem:$0x3FB4];
	_ =	sdelay $0x3  }
0x33: {  	p0 =	seq.s32 s10, $0x1;
	s10 =	sld [smem:$0x3FB6];
	_ =	sdelay $0x3  }
0x34: {  	[smem:$0x3FB6] =	sst s10  }
0x35: {  	s10 =	sld [smem:$0x3FB5];
	_ =	sdelay $0x3  }
0x36: {  	p1 =	seq.s32 s10, $0x1;
	s10 =	sld [smem:$0x3FB6];
	_ =	sdelay $0x3  }
0x37: {  	[smem:$0x3FB6] =	sst s10  }
0x38: {  	s10 =	sld [smem:$0x3FB7]  }
0x39: {  	_ = 	snop;
	(pc) =	sbr.ind lr, $3  }
0x3a: {  	_ = 	snop  }
0x3b: {  	_ = 	snop  }
0x3c: {  	p2 =	seq.s32 s10, $0x1;
	s10 =	sld [smem:$0x3FB6]  }
0x3d: {  	_ =	shalt  }
0x3e: {  	_ =	shalt  }
0x3f: {  	_ =	shalt  }
0x40: {  	_ =	shalt  }
0x41: {  	_ =	shalt  }
0x42: {  	_ =	shalt  }
0x43: {  	_ =	shalt  }
0x44: {  	_ =	shalt  }
0x45: {  	_ =	shalt  }
0x46: {  	_ =	shalt  }
0x47: {  	_ =	shalt  }
0x48: {  	_ =	shalt  }
0x49: {  	_ =	shalt  }
0x4a: {  	_ =	shalt  }
0x4b: {  	_ =	shalt  }
0x4c: {  	_ =	shalt  }
0x4d: {  	_ =	shalt  }
0x4e: {  	_ =	shalt  }
0x4f: {  	_ =	shalt  }
0x50: {  	_ =	shalt  }
0x51: {  	_ =	shalt  }
0x52: {  	_ =	shalt  }
0x53: {  	_ =	shalt  }
0x54: {  	_ =	shalt  }
0x55: {  	_ =	shalt  }
0x56: {  	_ =	shalt  }
0x57: {  	_ =	shalt  }
0x58: {  	_ =	shalt  }
0x59: {  	_ =	shalt  }
0x5a: {  	_ =	shalt  }
0x5b: {  	_ =	shalt  }
0x5c: {  	_ =	shalt  }
0x5d: {  	_ =	shalt  }
0x5e: {  	_ =	shalt  }
0x5f: {  	_ =	shalt  }
0x60: {  	_ =	shalt  }
0x61: {  	_ =	shalt  }
0x62: {  	_ =	shalt  }
0x63: {  	_ =	shalt  }
0x64: {  	_ =	shalt  }
0x65: {  	_ =	shalt  }
0x66: {  	_ =	shalt  }
0x67: {  	_ =	shalt  }
0x68: {  	_ =	shalt  }
0x69: {  	_ =	shalt  }
0x6a: {  	_ =	shalt  }
0x6b: {  	_ =	shalt  }
0x6c: {  	_ =	shalt  }
0x6d: {  	_ =	shalt  }
0x6e: {  	_ =	shalt  }
0x6f: {  	_ =	shalt  }
0x70: {  	_ =	shalt  }
0x71: {  	_ =	shalt  }
0x72: {  	_ =	shalt  }
0x73: {  	_ =	shalt  }
0x74: {  	_ =	shalt  }
0x75: {  	_ =	shalt  }
0x76: {  	_ =	shalt  }
0x77: {  	_ =	shalt  }
0x78: {  	_ =	shalt  }
0x79: {  	_ =	shalt  }
0x7a: {  	_ =	shalt  }
0x7b: {  	_ =	shalt  }
0x7c: {  	_ =	shalt  }
0x7d: {  	_ =	shalt  }
0x7e: {  	_ =	shalt  }
0x7f: {  	_ =	shalt  }
0x80: {  	_ =	shalt  }
0x81: {  	_ =	shalt  }
0x82: {  	_ =	shalt  }
0x83: {  	_ =	shalt  }
0x84: {  	_ =	shalt  }
0x85: {  	_ =	shalt  }
0x86: {  	_ =	shalt  }
0x87: {  	_ =	shalt  }
.Lfunc_end0:
.L_simem_size_0:
called_computation_lowered:
.L_overlay_start_0:
0x88: {  	s2 =	sld [smem:$0x3FD9]  }
0x89: {  	s3 =	sld [smem:$0x3FFE];
	_ =	sdelay $0x1  }
0x8a: {  	s1 =	srdreg.scid  }
0x8b: {  	s0 =	sand.u32 $0x1, s1  }
0x8c: {  	s17 =	sshll.u32 s0, $0xA;
	s2 =	sadd.s32 s3, s2  }
0x8d: {  	s2 =	sadd.s32 s2, s17  }
0x8e: {  	[smem:$0x3FC2] =	sst s2  }
0x8f: {  	_ = 	snop  }
0x90: {  	s2 =	sld [smem:$0x3FD0];
	(tm) =	ssettm $0x1  }
0x91: {  	s18 =	sld [smem:$0x3FFB];
	_ =	sdelay $0x3  }
0x92: {  	_ =	strace s18  }
0x93: {  	s3 =	sld [smem:$0x3FFC];
	_ =	sdelay $0x3  }
0x94: {  	_ =	strace s3  }
0x95: {  	s3 =	sld [smem:$0x3FFD];
	_ =	sdelay $0x3  }
0x96: {  	_ =	strace s3  }
0x97: {  	_ =	strace $0x8FFFFFFF  }
0x98: {  	s19 =	sld [smem:$0x3FDB];
	_ =	sdelay $0x1  }
0x99: {  	s4 =	simm.s32 $_scs_section_size  }
0x9a: {  	s5 =	simm.s32 $_size__tile_overlayer_lowered;
	s6 =	simm.s32 $_tile_overlayer_lowered  }
0x9b: {  	s22 =	simm.s32 $0x1BFF;
	s21 =	sshll.u32 s6, $0x1;
	s3 =	sadd.s32 s4, s19  }
0x9c: {  	s7 =	simm.s32 $0x0;
	s20 =	sshll.u32 s5, $0x1;
	s5 =	sadd.s32 s21, s3  }
0x9d: {  	[timem:s7], [sflag:s22] =	dma.local [hbm:s5], s20  }
0x9e: {  	_ =	swait.ge [sflag:s22], s20  }
0x9f: {  	s4 =	ssub.s32 $0x0, s20;
	[sflag:s22] =	ssyncset.done $0x0  }
0xa0: {  	[sflag:s22] =	ssyncadd.s32 s4;
	_ =	sdelay $0x1  }
0xa1: {  	s23 =	simm.s32 $0x1B8B  }
0xa2: {  	_ =	swait.ge [sflag:s23], $0x1  }
0xa3: {  	[sflag:s23] =	ssyncset.done $0x0  }
0xa4: {  	s25 =	simm.s32 $0x1B8E;
	s24 =	sld [smem:$0x3FFE];
	[sflag:s23] =	ssyncadd.s32 $0xFFFFFFFF  }
0xa5: {  	s26 =	simm.s32 $execute0_lowered;
	[smem:$0x3FD2] =	sst s25  }
0xa6: {  	s5 =	sshll.u32 s26, $0x1;
	_ =	strace $0x80000046;
	[dreg:$0x1] =	wrdreg $0xFFFFFFFF  }
0xa7: {  	s28 =	simm.s32 $_size_execute0_lowered;
	s3 =	sadd.s32 s3, s5;
	[dreg:$0x0] =	wrdreg $0x0  }
0xa8: {  	s5 =	sshll.u32 s28, $0x1;
	[dreg:$0x2] =	wrdreg s3  }
0xa9: {  	[dreg:$0x3] =	wrdreg s5  }
0xaa: {  	[dreg:$0x4] =	wrdreg $0xC0  }
0xab: {  	_ =	task [dreg:s7], $0x5FFFF  }
0xac: {  	[dreg:$0x1] =	wrdreg $0xFFFFFFFF  }
0xad: {  	[dreg:$0x0] =	wrdreg $0x60  }
0xae: {  	[dreg:$0x2] =	wrdreg s24  }
0xaf: {  	[dreg:$0x3] =	wrdreg s2  }
0xb0: {  	[dreg:$0x4] =	wrdreg $0xCE100  }
0xb1: {  	[dreg:$0x5] =	wrdreg $0xF5900  }
0xb2: {  	[dreg:$0x6] =	wrdreg $0x9  }
0xb3: {  	_ =	task.clear_ibuf [dreg:s7], $0x7FFFF;
	_ =	strace $0x90000046  }
0xb4: {  	s29 =	simm.s32 $0x9;
	_ =	strace $0x80000048  }
0xb5: {  	_ =	swait.ge [sflag:s29], $0x1  }
0xb6: {  	[sflag:s29] =	ssyncadd.s32 $0xFFFFFFFF  }
0xb7: {  	_ =	strace $0x90000048  }
0xb8: {  	_ =	sfence  }
0xb9: {  	s30 =	sld [smem:$0x0];
	_ =	sdelay $0x2  }
0xba: {  	s31 =	sshll.u32 s1, $0xD;
	s1 =	sshrl.u32 s1, $0x2  }
0xbb: {  	s3 =	sand.u32 $0x4000, s31;
	s1 =	sadd.s32 s1, s30  }
0xbc: {  	s0 =	sor.u32 s3, s0;
	s1 =	sshll.u32 s1, $0x11  }
0xbd: {  	s0 =	sor.u32 s1, s0  }
0xbe: {  	s0 =	sadd.s32 $0x8F2B, s0  }
0xbf: {  	[sflag:s0] =	ssyncadd.remote.s32 $0x1  }
0xc0: {  	_ =	sfence.sel $0xFFFF  }
0xc1: {  	[dreg:$0x0] =	wrdreg $0xFFFFFFFF;
	(pc) =	sbr.abs _section_cstart, $3  }
0xc2: {  	[dreg:$0x1] =	wrdreg $0xFFFFFFFF  }
0xc3: {  	_ =	task.clear_ibuf [dreg:s7], $0x2FFFF;
	_ =	strace $0x9FFFFFFF  }
0xc4: {  	(tm) =	ssettm $0x7FFFFFFF  }
0xc5: {  	_ =	shalt  }
tec
execute0_lowered:
.L_overlay_start_1:
0x0: {  	(tag) =	ssettag $0x1  }
0x1: {  	s1 =	rddreg [dreg:$0x0]  }
0x2: {  	s0 =	srdreg.scid;
	s3 =	rddreg [dreg:$0x2]  }
0x3: {  	s10 =	stileid.u32;
	s4 =	rddreg [dreg:$0x3]  }
0x4: {  	s5 =	simm.s32 $0x0;
	s20 =	simm.s32 $0x7710;
	s21 =	simm.s32 $0x5  }
0x5: {  	s28 =	simm.s32 $0x9;
	s30 =	simm.s32 $0x3;
	s31 =	simm.s32 $0x4  }
0x6: {  	s22 =	simm.s32 $0xA690;
	s29 =	simm.s32 $0x0;
	s0 =	sand.u32 $0x1, s0  }
0x7: {  	s9 =	smul.u32 $0x2780, s10;
	[smem:$0x7FF] =	sst s5;
	s25 =	sshll.u32 s10, $0x6  }
0x8: {  	s2 =	sshll.u32 s0, $0x4;
	s7 =	smul.u32 $0x4F000, s0;
	_ =	strace $0x80000047  }
0x9: {  	s0 =	ssub.s32 $0x2, s0;
	s18 =	sor.u32 $0x1C07, s25;
	s2 =	sor.u32 s10, s2  }
0xa: {  	s8 =	sshrl.u32 s9, $0x3;
	s23 =	sshrl.u32 s0, $0x1;
	s10 =	sor.u32 $0x1C06, s25  }
0xb: {  	s25 =	simm.s32 $0x8;
	s6 =	smul.u32 $0x2710, s2;
	s7 =	sadd.s32 s9, s7  }
0xc: {  	s2 =	smul.u32 $0x2800, s2;
	s8 =	sadd.s32 s8, s1;
	s0 =	ssub.s32 s0, s23  }
0xd: {  	[dreg:$0x6] =	wrdreg s10;
	s10 =	sadd.s32 s9, s4;
	s23 =	simm.s32 $0x6  }
0xe: {  	s7 =	sshrl.u32 s7, $0x3;
	s8 =	sadd.s32 $0x16400, s8;
	s16 =	smax.u32 s0, $0x1  }
0xf: {  	s19 =	sshrl.u32 s10, $0x3;
	s0 =	simm.s32 $0x2;
	s6 =	sshrl.u32 s6, $0x3  }
0x10: {  	s11 =	sadd.s32 s7, s1;
	s2 =	sshrl.u32 s2, $0x3;
	s7 =	sadd.s32 s9, s3  }
0x11: {  	s6 =	sadd.s32 s6, s1;
	s1 =	sadd.s32 s2, s1;
	s14 =	sadd.s32 $0x1B400, s11  }
0x12: {  	s15 =	sadd.s32 $0x20300, s11;
	s17 =	sshrl.u32 s7, $0x3;
	s2 =	simm.s32 $0x1  }
0x13: {  	s24 =	sadd.s32 $0x2A00, s6;
	s26 =	sadd.s32 $0x2F000, s1;
	s12 =	sadd.s32 $0xC640, s6  }
0x14: {  	s13 =	sadd.s32 $0x39000, s1;
	s1 =	simm.s32 $0x7F10;
	[dreg:$0x5] =	wrdreg s24  }
0x15: {  	v0 =	vimm.s32 $0x2710;
	[dreg:$0x7] =	wrdreg s26;
	s24 =	simm.s32 $0x7;
	s26 =	simm.s32 $0x80  }
.LBB2_1:
0x16: {  	s6 =	rddreg [dreg:$0x5]  }
0x17: {  	s9 =	rddreg [dreg:$0x6]  }
0x18: {  	[tilespmem:s5], [sflag:$0x5] =	stream.linear.gather [hbm4b:s6+s5], $0x2710, $0x38;
	[tilespmem:$0x11D10] =	vst v63  }
0x19: {  	[spmem:s17], [sflag:s9] =	dma.local [hbm:s8], $0x4F0  }
0x1a: {  	[spmem:s19], [sflag:s18] =	dma.local [hbm:s8], $0x4F0  }
0x1b: {  	s11 =	rddreg [dreg:$0x1]  }
0x1c: {  	[tilespmem:s20], [sflag:$0x8] =	stream.linear.gather [hbm4b:s11+s5], $0x800, $0x38;
	[tilespmem:$0x11D10] =	vst v63  }
0x1d: {  	_ =	swait.ge [sflag:s21], $0x2710  }
0x1e: {  	[sflag:s21] =	ssyncset.done $0x0  }
0x1f: {  	s6 =	simm.s32 $0x0;
	[sflag:s21] =	ssyncadd.s32 $0xFFFFD8F0  }
0x20: {  	v4 =	vld [tilespmem:s6+$0x70]  }
0x21: {  	v5 =	vld [tilespmem:s6+$0x0]  }
0x22: {  	v6 =	vld [tilespmem:s6+$0x10]  }
0x23: {  	v3 =	vld [tilespmem:s6+$0x20]  }
0x24: {  	v1 =	vld [tilespmem:s6+$0x30]  }
0x25: {  	v2 =	vld [tilespmem:s6+$0x40];
	[tilespmem:s6+$0x2780] =	vst v4  }
0x26: {  	[tilespmem:s6+$0x2710] =	vst v5;
	v4 =	vld [tilespmem:s6+$0x50]  }
0x27: {  	s9 =	simm.s32 $0x80;
	s11 =	simm.s32 $0x400;
	[tilespmem:s6+$0x2720] =	vst v6;
	v5 =	vld [tilespmem:s6+$0x60]  }
.LBB2_2:
0x28: {  	p0 =	sne.s32 s11, $0x9A00;
	v6 =	vld [tilespmem:s9+$0x70];
	[tilespmem:s6+$0x2730] =	vst v3  }
0x29: {  	v7 =	vld [tilespmem:s9+$0x0];
	[tilespmem:s6+$0x2740] =	vst v1  }
0x2a: {  	v8 =	vld [tilespmem:s9+$0x10];
	[tilespmem:s6+$0x2750] =	vst v2  }
.Ltmp0:
0x2b: {  	v3 =	vld [tilespmem:s9+$0x20];
	[tilespmem:s6+$0x2760] =	vst v4;
	(pc) =	sbr.rel @p0 .LBB2_2-.Ltmp0, $4  }
0x2c: {  	v1 =	vld [tilespmem:s9+$0x30];
	[tilespmem:s6+$0x2770] =	vst v5;
	s6 =	smov.u32 s9  }
0x2d: {  	v2 =	vld [tilespmem:s6+$0x40];
	[tilespmem:s6+$0x2780] =	vst v6  }
0x2e: {  	[tilespmem:s6+$0x2710] =	vst v7;
	v4 =	vld [tilespmem:s6+$0x50]  }
0x2f: {  	s9 =	sshra.s32 s11, $0x2;
	s11 =	sadd.s32 $0x200, s11;
	[tilespmem:s6+$0x2720] =	vst v8;
	v5 =	vld [tilespmem:s6+$0x60]  }
0x30: {  	v6 =	vld [tilespmem:s9+$0x70];
	[tilespmem:s6+$0x2730] =	vst v3  }
0x31: {  	v3 =	vld [tilespmem:s9+$0x0];
	[tilespmem:s6+$0x2740] =	vst v1  }
0x32: {  	v1 =	vld [tilespmem:s9+$0x10];
	[tilespmem:s6+$0x2750] =	vst v2  }
0x33: {  	v2 =	vld [tilespmem:s9+$0x20];
	[tilespmem:s6+$0x2760] =	vst v4  }
0x34: {  	v4 =	vld [tilespmem:s9+$0x30];
	[tilespmem:s6+$0x2770] =	vst v5  }
0x35: {  	v5 =	vld [tilespmem:s9+$0x40];
	[tilespmem:s9+$0x2780] =	vst v6  }
0x36: {  	[tilespmem:s9+$0x2710] =	vst v3;
	v3 =	vld [tilespmem:s9+$0x50]  }
0x37: {  	[tilespmem:s9+$0x2720] =	vst v1;
	v1 =	vld [tilespmem:s9+$0x60]  }
0x38: {  	[tilespmem:s9+$0x2730] =	vst v2  }
0x39: {  	[tilespmem:s9+$0x2740] =	vst v4  }
0x3a: {  	[tilespmem:s9+$0x2750] =	vst v5  }
0x3b: {  	[tilespmem:s9+$0x2760] =	vst v3  }
0x3c: {  	[tilespmem:s9+$0x2770] =	vst v1  }
0x3d: {  	[tilespmem:$0x4E20] =	vst v0  }
0x3e: {  	[tilespmem:$0x4E30] =	vst v0  }
0x3f: {  	[tilespmem:$0x4E40] =	vst v0  }
0x40: {  	[tilespmem:$0x4E50] =	vst v0  }
0x41: {  	[tilespmem:$0x4E60] =	vst v0  }
0x42: {  	[tilespmem:$0x4E70] =	vst v0  }
0x43: {  	[tilespmem:$0x4E80] =	vst v0  }
0x44: {  	[tilespmem:$0x4E90] =	vst v0  }
0x45: {  	[tilespmem:$0x4EA0] =	vst v0  }
0x46: {  	[tilespmem:$0x4EB0] =	vst v0  }
0x47: {  	v1 =	vld [tilespmem:$0x2700];
	[tilespmem:$0x4EC0] =	vst v0  }
0x48: {  	[tilespmem:$0x4ED0] =	vst v0  }
0x49: {  	[tilespmem:$0x4EE0] =	vst v0  }
0x4a: {  	[tilespmem:$0x4EF0] =	vst v0  }
0x4b: {  	[tilespmem:$0x4F00] =	vst v0  }
0x4c: {  	s11 =	simm.s32 $0x2710;
	s6 =	simm.s32 $0x0;
	s9 =	rddreg [dreg:$0x7];
	[tilespmem:$0x4E10] =	vst v1  }
0x4d: {  	[hbm4b:s9+s6] =	stream.linear.scatter [tilespmem:s11], [sflag:$0x3], $0x2800, $0x38;
	[tilespmem:$0x11D10] =	vst v63  }
0x4e: {  	_ =	swait.ge [sflag:s23], $0x4F0  }
0x4f: {  	[sflag:s23] =	ssyncset.done $0x0  }
0x50: {  	[sflag:s23] =	ssyncadd.s32 $0xFFFFFB10  }
0x51: {  	_ =	swait.ge [sflag:s24], $0x4F0  }
0x52: {  	[sflag:s24] =	ssyncset.done $0x0  }
0x53: {  	[sflag:s24] =	ssyncadd.s32 $0xFFFFFB10  }
0x54: {  	_ =	swait.ge [sflag:s25], $0x800  }
0x55: {  	[sflag:s25] =	ssyncset.done $0x0  }
0x56: {  	[sflag:s25] =	ssyncadd.s32 $0xFFFFF800  }
0x57: {  	s6 =	simm.s32 $0x200;
	s9 =	simm.s32 $0x2710;
	[bflag:$0x0] =	sbarrier.arrive $0xFFFF  }
.LBB2_4:
0x58: {  	[spmem:s3] =	stream.indirect.scatter.add.f32 [tilespmem:s20], [sflag:$0x1], $0x10, s9, s26, $0xb8;
	[tilespmem:$0x11D10] =	vst v63  }
0x59: {  	s9 =	smov.u32 s6;
	p0 =	sne.s32 s6, $0x9E00  }
.Ltmp1:
0x5a: {  	s6 =	sadd.s32 $0x200, s6;
	(pc) =	sbr.rel @p0 .LBB2_4-.Ltmp1, $3  }
0x5b: {  	_ =	sdelay $0x1  }
0x5c: {  	s9 =	sshra.s32 s9, $0x2  }
0x5d: {  	s9 =	sadd.s32 $0x2710, s9  }
0x5e: {  	[spmem:s3] =	stream.indirect.scatter.add.f32 [tilespmem:s20], [sflag:$0x1], $0x10, s9, s26, $0xb8;
	[tilespmem:$0x11D10] =	vst v63  }
0x5f: {  	s6 =	simm.s32 $0x0  }
0x60: {  	[tilespmem:s6], [sflag:$0x9] =	stream.linear.gather [hbm4b:s12+s6], $0x2710, $0x38;
	[tilespmem:$0x11D10] =	vst v63  }
0x61: {  	_ =	swait.ge [sflag:s28], $0x2710  }
0x62: {  	[sflag:s28] =	ssyncset.done $0x0  }
0x63: {  	s6 =	simm.s32 $0x0;
	[sflag:s28] =	ssyncadd.s32 $0xFFFFD8F0  }
0x64: {  	v4 =	vld [tilespmem:s6+$0x70]  }
0x65: {  	v5 =	vld [tilespmem:s6+$0x0]  }
0x66: {  	v6 =	vld [tilespmem:s6+$0x10]  }
0x67: {  	v3 =	vld [tilespmem:s6+$0x20]  }
0x68: {  	v1 =	vld [tilespmem:s6+$0x30]  }
0x69: {  	v2 =	vld [tilespmem:s6+$0x40];
	[tilespmem:s6+$0x4F80] =	vst v4  }
0x6a: {  	[tilespmem:s6+$0x4F10] =	vst v5;
	v4 =	vld [tilespmem:s6+$0x50]  }
0x6b: {  	s9 =	simm.s32 $0x80;
	s11 =	simm.s32 $0x400;
	[tilespmem:s6+$0x4F20] =	vst v6;
	v5 =	vld [tilespmem:s6+$0x60]  }
.LBB2_6:
0x6c: {  	p0 =	sne.s32 s11, $0x9A00;
	v6 =	vld [tilespmem:s9+$0x70];
	[tilespmem:s6+$0x4F30] =	vst v3  }
0x6d: {  	v7 =	vld [tilespmem:s9+$0x0];
	[tilespmem:s6+$0x4F40] =	vst v1  }
0x6e: {  	v8 =	vld [tilespmem:s9+$0x10];
	[tilespmem:s6+$0x4F50] =	vst v2  }
.Ltmp2:
0x6f: {  	v3 =	vld [tilespmem:s9+$0x20];
	[tilespmem:s6+$0x4F60] =	vst v4;
	(pc) =	sbr.rel @p0 .LBB2_6-.Ltmp2, $4  }
0x70: {  	v1 =	vld [tilespmem:s9+$0x30];
	[tilespmem:s6+$0x4F70] =	vst v5;
	s6 =	smov.u32 s9  }
0x71: {  	v2 =	vld [tilespmem:s6+$0x40];
	[tilespmem:s6+$0x4F80] =	vst v6  }
0x72: {  	[tilespmem:s6+$0x4F10] =	vst v7;
	v4 =	vld [tilespmem:s6+$0x50]  }
0x73: {  	s9 =	sshra.s32 s11, $0x2;
	s11 =	sadd.s32 $0x200, s11;
	[tilespmem:s6+$0x4F20] =	vst v8;
	v5 =	vld [tilespmem:s6+$0x60]  }
0x74: {  	v6 =	vld [tilespmem:s9+$0x70];
	[tilespmem:s6+$0x4F30] =	vst v3  }
0x75: {  	v3 =	vld [tilespmem:s9+$0x0];
	[tilespmem:s6+$0x4F40] =	vst v1  }
0x76: {  	v1 =	vld [tilespmem:s9+$0x10];
	[tilespmem:s6+$0x4F50] =	vst v2  }
0x77: {  	v2 =	vld [tilespmem:s9+$0x20];
	[tilespmem:s6+$0x4F60] =	vst v4  }
0x78: {  	v4 =	vld [tilespmem:s9+$0x30];
	[tilespmem:s6+$0x4F70] =	vst v5  }
0x79: {  	v5 =	vld [tilespmem:s9+$0x40];
	[tilespmem:s9+$0x4F80] =	vst v6  }
0x7a: {  	[tilespmem:s9+$0x4F10] =	vst v3;
	v3 =	vld [tilespmem:s9+$0x50]  }
0x7b: {  	[tilespmem:s9+$0x4F20] =	vst v1;
	v1 =	vld [tilespmem:s9+$0x60]  }
0x7c: {  	[tilespmem:s9+$0x4F30] =	vst v2  }
0x7d: {  	[tilespmem:s9+$0x4F40] =	vst v4  }
0x7e: {  	[tilespmem:s9+$0x4F50] =	vst v5  }
0x7f: {  	[tilespmem:s9+$0x4F60] =	vst v3  }
0x80: {  	[tilespmem:s9+$0x4F70] =	vst v1  }
0x81: {  	[tilespmem:$0x7620] =	vst v0  }
0x82: {  	[tilespmem:$0x7630] =	vst v0  }
0x83: {  	[tilespmem:$0x7640] =	vst v0  }
0x84: {  	[tilespmem:$0x7650] =	vst v0  }
0x85: {  	[tilespmem:$0x7660] =	vst v0  }
0x86: {  	[tilespmem:$0x7670] =	vst v0  }
0x87: {  	[tilespmem:$0x7680] =	vst v0  }
0x88: {  	[tilespmem:$0x7690] =	vst v0  }
0x89: {  	[tilespmem:$0x76A0] =	vst v0  }
0x8a: {  	[tilespmem:$0x76B0] =	vst v0  }
0x8b: {  	v1 =	vld [tilespmem:$0x2700];
	[tilespmem:$0x76C0] =	vst v0  }
0x8c: {  	[tilespmem:$0x76D0] =	vst v0  }
0x8d: {  	[tilespmem:$0x76E0] =	vst v0  }
0x8e: {  	[tilespmem:$0x76F0] =	vst v0  }
0x8f: {  	[tilespmem:$0x7700] =	vst v0  }
0x90: {  	s11 =	simm.s32 $0x4F10;
	s9 =	simm.s32 $0x0;
	[tilespmem:$0x7610] =	vst v1  }
0x91: {  	[hbm4b:s13+s9] =	stream.linear.scatter [tilespmem:s11], [sflag:$0x4], $0x2800, $0x38;
	[tilespmem:$0x11D10] =	vst v63  }
0x92: {  	s6 =	simm.s32 $0x200;
	s9 =	simm.s32 $0x4F10  }
.LBB2_8:
0x93: {  	[spmem:s4] =	stream.indirect.scatter.add.f32 [tilespmem:s20], [sflag:$0x2], $0x10, s9, s26, $0xb8;
	[tilespmem:$0x11D10] =	vst v63  }
0x94: {  	s9 =	smov.u32 s6;
	p0 =	sne.s32 s6, $0x9E00  }
.Ltmp3:
0x95: {  	s6 =	sadd.s32 $0x200, s6;
	(pc) =	sbr.rel @p0 .LBB2_8-.Ltmp3, $3  }
0x96: {  	_ =	sdelay $0x1  }
0x97: {  	s9 =	sshra.s32 s9, $0x2  }
0x98: {  	s9 =	sadd.s32 $0x4F10, s9  }
0x99: {  	[spmem:s4] =	stream.indirect.scatter.add.f32 [tilespmem:s20], [sflag:$0x2], $0x10, s9, s26, $0xb8;
	[tilespmem:$0x11D10] =	vst v63  }
0x9a: {  	_ =	swait.ge [sflag:s30], $0x2800  }
0x9b: {  	[sflag:s30] =	ssyncset.done $0x0  }
0x9c: {  	[sflag:s30] =	ssyncadd.s32 $0xFFFFD800  }
0x9d: {  	_ =	swait.ge [sflag:s31], $0x2800  }
0x9e: {  	[sflag:s31] =	ssyncset.done $0x0  }
0x9f: {  	[sflag:s31] =	ssyncadd.s32 $0xFFFFD800  }
0xa0: {  	_ =	swait.ge [sflag:s2], $0x800  }
0xa1: {  	[sflag:s2] =	ssyncset.done $0x0  }
0xa2: {  	[sflag:s2] =	ssyncadd.s32 $0xFFFFF800  }
0xa3: {  	_ =	swait.ge [sflag:s0], $0x800  }
0xa4: {  	s6 =	simm.s32 $0x4F;
	[sflag:s0] =	ssyncset.done $0x0  }
.LBB2_10:
0xa5: {  	p0 =	sne.s32 s6, $0x1;
	s6 =	sadd.s32 $0xFFFFFFFF, s6;
	[sflag:s0] =	ssyncadd.s32 $0xFFFFF800  }
.Ltmp4:
0xa6: {  	_ =	swait.ge [sflag:s2], $0x800;
	(pc) =	sbr.rel @p0 .LBB2_10-.Ltmp4, $4  }
0xa7: {  	[sflag:s2] =	ssyncset.done $0x0  }
0xa8: {  	[sflag:s2] =	ssyncadd.s32 $0xFFFFF800  }
0xa9: {  	_ =	swait.ge [sflag:s0], $0x800  }
0xaa: {  	[sflag:s0] =	ssyncset.done $0x0  }
0xab: {  	[sflag:s0] =	ssyncadd.s32 $0xFFFFF800  }
0xac: {  	[bflag:$0x0] =	sbarrier.arrive $0xFFFF  }
0xad: {  	[tilespmem:s1], [sflag:$0x9] =	stream.linear.gather [spmem:s7], $0x2780, $0x38;
	[tilespmem:$0x11D10] =	vst v63  }
0xae: {  	_ =	swait.ge [sflag:s28], $0x2780  }
0xaf: {  	[sflag:s28] =	ssyncset.done $0x0  }
0xb0: {  	s6 =	simm.s32 $0x0;
	[sflag:s28] =	ssyncadd.s32 $0xFFFFD880  }
0xb1: {  	v4 =	vld [tilespmem:s6+$0x7F80]  }
0xb2: {  	v5 =	vld [tilespmem:s6+$0x7F10]  }
0xb3: {  	v6 =	vld [tilespmem:s6+$0x7F20]  }
0xb4: {  	v3 =	vld [tilespmem:s6+$0x7F30]  }
0xb5: {  	v1 =	vld [tilespmem:s6+$0x7F40]  }
0xb6: {  	v2 =	vld [tilespmem:s6+$0x7F50];
	[tilespmem:s6+$0xA700] =	vst v4  }
0xb7: {  	[tilespmem:s6+$0xA690] =	vst v5;
	v4 =	vld [tilespmem:s6+$0x7F60]  }
0xb8: {  	s9 =	simm.s32 $0x80;
	s11 =	simm.s32 $0x400;
	[tilespmem:s6+$0xA6A0] =	vst v6;
	v5 =	vld [tilespmem:s6+$0x7F70]  }
.LBB2_12:
0xb9: {  	p0 =	sne.s32 s11, $0x9C00;
	v6 =	vld [tilespmem:s9+$0x7F80];
	[tilespmem:s6+$0xA6B0] =	vst v3  }
0xba: {  	v7 =	vld [tilespmem:s9+$0x7F10];
	[tilespmem:s6+$0xA6C0] =	vst v1  }
0xbb: {  	v8 =	vld [tilespmem:s9+$0x7F20];
	[tilespmem:s6+$0xA6D0] =	vst v2  }
.Ltmp5:
0xbc: {  	v3 =	vld [tilespmem:s9+$0x7F30];
	[tilespmem:s6+$0xA6E0] =	vst v4;
	(pc) =	sbr.rel @p0 .LBB2_12-.Ltmp5, $4  }
0xbd: {  	v1 =	vld [tilespmem:s9+$0x7F40];
	[tilespmem:s6+$0xA6F0] =	vst v5;
	s6 =	smov.u32 s9  }
0xbe: {  	v2 =	vld [tilespmem:s6+$0x7F50];
	[tilespmem:s6+$0xA700] =	vst v6  }
0xbf: {  	[tilespmem:s6+$0xA690] =	vst v7;
	v4 =	vld [tilespmem:s6+$0x7F60]  }
0xc0: {  	s9 =	sshra.s32 s11, $0x2;
	s11 =	sadd.s32 $0x200, s11;
	[tilespmem:s6+$0xA6A0] =	vst v8;
	v5 =	vld [tilespmem:s6+$0x7F70]  }
0xc1: {  	v6 =	vld [tilespmem:s9+$0x7F80];
	[tilespmem:s6+$0xA6B0] =	vst v3  }
0xc2: {  	v3 =	vld [tilespmem:s9+$0x7F10];
	[tilespmem:s6+$0xA6C0] =	vst v1  }
0xc3: {  	v1 =	vld [tilespmem:s9+$0x7F20];
	[tilespmem:s6+$0xA6D0] =	vst v2  }
0xc4: {  	v2 =	vld [tilespmem:s9+$0x7F30];
	[tilespmem:s6+$0xA6E0] =	vst v4  }
0xc5: {  	v4 =	vld [tilespmem:s9+$0x7F40];
	[tilespmem:s6+$0xA6F0] =	vst v5  }
0xc6: {  	v5 =	vld [tilespmem:s9+$0x7F50];
	[tilespmem:s9+$0xA700] =	vst v6  }
0xc7: {  	[tilespmem:s9+$0xA690] =	vst v3;
	v3 =	vld [tilespmem:s9+$0x7F60]  }
0xc8: {  	[tilespmem:s9+$0xA6A0] =	vst v1;
	v1 =	vld [tilespmem:s9+$0x7F70]  }
0xc9: {  	[tilespmem:s9+$0xA6B0] =	vst v2  }
0xca: {  	[tilespmem:s9+$0xA6C0] =	vst v4  }
0xcb: {  	[tilespmem:s9+$0xA6D0] =	vst v5  }
0xcc: {  	[tilespmem:s9+$0xA6E0] =	vst v3  }
0xcd: {  	s11 =	simm.s32 $0x0;
	[tilespmem:s9+$0xA6F0] =	vst v1  }
0xce: {  	[hbm4b:s14+s11] =	stream.linear.scatter [tilespmem:s22], [sflag:$0x9], $0x2780, $0x38;
	[tilespmem:$0x11D10] =	vst v63  }
0xcf: {  	_ =	swait.ge [sflag:s28], $0x2780  }
0xd0: {  	[sflag:s28] =	ssyncset.done $0x0  }
0xd1: {  	[sflag:s28] =	ssyncadd.s32 $0xFFFFD880  }
0xd2: {  	[tilespmem:s1], [sflag:$0x9] =	stream.linear.gather [spmem:s10], $0x2780, $0x38;
	[tilespmem:$0x11D10] =	vst v63  }
0xd3: {  	_ =	swait.ge [sflag:s28], $0x2780  }
0xd4: {  	[sflag:s28] =	ssyncset.done $0x0  }
0xd5: {  	s6 =	simm.s32 $0x0;
	[sflag:s28] =	ssyncadd.s32 $0xFFFFD880  }
0xd6: {  	v4 =	vld [tilespmem:s6+$0x7F80]  }
0xd7: {  	v5 =	vld [tilespmem:s6+$0x7F10]  }
0xd8: {  	v6 =	vld [tilespmem:s6+$0x7F20]  }
0xd9: {  	v3 =	vld [tilespmem:s6+$0x7F30]  }
0xda: {  	v1 =	vld [tilespmem:s6+$0x7F40]  }
0xdb: {  	v2 =	vld [tilespmem:s6+$0x7F50];
	[tilespmem:s6+$0xA700] =	vst v4  }
0xdc: {  	[tilespmem:s6+$0xA690] =	vst v5;
	v4 =	vld [tilespmem:s6+$0x7F60]  }
0xdd: {  	s9 =	simm.s32 $0x80;
	s11 =	simm.s32 $0x400;
	[tilespmem:s6+$0xA6A0] =	vst v6;
	v5 =	vld [tilespmem:s6+$0x7F70]  }
.LBB2_14:
0xde: {  	p0 =	sne.s32 s11, $0x9C00;
	v6 =	vld [tilespmem:s9+$0x7F80];
	[tilespmem:s6+$0xA6B0] =	vst v3  }
0xdf: {  	v7 =	vld [tilespmem:s9+$0x7F10];
	[tilespmem:s6+$0xA6C0] =	vst v1  }
0xe0: {  	v8 =	vld [tilespmem:s9+$0x7F20];
	[tilespmem:s6+$0xA6D0] =	vst v2  }
.Ltmp6:
0xe1: {  	v3 =	vld [tilespmem:s9+$0x7F30];
	[tilespmem:s6+$0xA6E0] =	vst v4;
	(pc) =	sbr.rel @p0 .LBB2_14-.Ltmp6, $4  }
0xe2: {  	v1 =	vld [tilespmem:s9+$0x7F40];
	[tilespmem:s6+$0xA6F0] =	vst v5;
	s6 =	smov.u32 s9  }
0xe3: {  	v2 =	vld [tilespmem:s6+$0x7F50];
	[tilespmem:s6+$0xA700] =	vst v6  }
0xe4: {  	[tilespmem:s6+$0xA690] =	vst v7;
	v4 =	vld [tilespmem:s6+$0x7F60]  }
0xe5: {  	s9 =	sshra.s32 s11, $0x2;
	s11 =	sadd.s32 $0x200, s11;
	[tilespmem:s6+$0xA6A0] =	vst v8;
	v5 =	vld [tilespmem:s6+$0x7F70]  }
0xe6: {  	v6 =	vld [tilespmem:s9+$0x7F80];
	[tilespmem:s6+$0xA6B0] =	vst v3  }
0xe7: {  	v3 =	vld [tilespmem:s9+$0x7F10];
	[tilespmem:s6+$0xA6C0] =	vst v1  }
0xe8: {  	v1 =	vld [tilespmem:s9+$0x7F20];
	[tilespmem:s6+$0xA6D0] =	vst v2  }
0xe9: {  	v2 =	vld [tilespmem:s9+$0x7F30];
	[tilespmem:s6+$0xA6E0] =	vst v4  }
0xea: {  	v4 =	vld [tilespmem:s9+$0x7F40];
	[tilespmem:s6+$0xA6F0] =	vst v5  }
0xeb: {  	v5 =	vld [tilespmem:s9+$0x7F50];
	[tilespmem:s9+$0xA700] =	vst v6  }
0xec: {  	[tilespmem:s9+$0xA690] =	vst v3;
	v3 =	vld [tilespmem:s9+$0x7F60]  }
0xed: {  	[tilespmem:s9+$0xA6A0] =	vst v1;
	v1 =	vld [tilespmem:s9+$0x7F70]  }
0xee: {  	[tilespmem:s9+$0xA6B0] =	vst v2  }
0xef: {  	[tilespmem:s9+$0xA6C0] =	vst v4  }
0xf0: {  	s29 =	sadd.s32 $0x1, s29;
	[tilespmem:s9+$0xA6D0] =	vst v5  }
0xf1: {  	p0 =	sne.s32 s29, s16;
	[tilespmem:s9+$0xA6E0] =	vst v3  }
.Ltmp7:
0xf2: {  	[tilespmem:s9+$0xA6F0] =	vst v1;
	(pc) =	sbr.rel @p0 .LBB2_1-.Ltmp7, $4  }
0xf3: {  	[hbm4b:s15+s5] =	stream.linear.scatter [tilespmem:s22], [sflag:$0x9], $0x2780, $0x38;
	[tilespmem:$0x11D10] =	vst v63  }
0xf4: {  	_ =	swait.ge [sflag:s28], $0x2780  }
0xf5: {  	[sflag:s28] =	ssyncset.done $0x0  }
0xf6: {  	[sflag:s28] =	ssyncadd.s32 $0xFFFFD880  }
0xf7: {  	_ =	sfence.sel $0x180000  }
0xf8: {  	[bflag:$0x0] =	sbarrier.arrive $0xFFFF  }
0xf9: {  	_ =	strace $0x90000047  }
0xfa: {  	s0 =	stileid.u32;
	[bflag:$0x2] =	sbarrier.arrive $0xFFFF  }
0xfb: {  	p0 =	sne.s32 s0, $0x0;
	s0 =	rddreg [dreg:$0x4]  }
0xfc: {  	s0 =	sadd.s32 @!p0 $0x100000, s0  }
0xfd: {  	[sflag:s0] =	ssyncadd.tile.s32 @!p0 $0x1;
	_ =	shalt  }
.Lfunc_end2:
_tile_overlayer_lowered:
.L_overlay_start_2:
0xfe: {  	(tag) =	ssettag $0x2  }
0xff: {  	s0 =	rddreg [dreg:$0x0];
	s2 =	stileid.u32  }
0x100: {  	s1 =	rddreg [dreg:$0x1];
	p0 =	sne.s32 s2, $0x0  }
0x101: {  	s3 =	rddreg [dreg:$0x2];
	[bflag:$0x3] =	sbarrier.arrive $0xFFFF;
	s2 =	simm.s32 @!p0 $0x1C09  }
0x102: {  	[timem:s3], [sflag:s2] =	dma.local @!p0 [hbm:s0], s1  }
0x103: {  	s0 =	simm.s32 @!p0 $0x9  }
0x104: {  	_ =	swait.ge @!p0 [sflag:s0], s1  }
0x105: {  	s1 =	ssub.s32 @!p0 $0x0, s1;
	[sflag:s0] =	ssyncset.done @!p0 $0x0  }
0x106: {  	[sflag:s0] =	ssyncadd.s32 @!p0 s1  }
0x107: {  	[bflag:$0x3] =	sbarrier.arrive $0xFFFF  }
0x108: {  	_ =	shalt  }

</sc_bundles>
